<compile_context>
chip_gen: v7x
topology: tpu7x:2x2x1
jax: 0.10.2.dev20260603
libtpu: 0.0.44.dev20260713+nightly
codegen_flags: <defaults>
</compile_context>

<pallas_src>
import functools

import jax
import jax.numpy as jnp
from jax import lax
from jax.experimental import pallas as pl
from jax.experimental.pallas import tpu as pltpu
from jax.experimental.pallas import tpu_sc as plsc

N_SAMPLES = 2048
N_CB = 10
K_CODES = 4096
CODE_D = 45
BLK = 128
BNS = 256
NC, NS = 2, 16
NW = NC * NS
B_TOTAL = N_SAMPLES * N_CB
B_PER_W = B_TOTAL // NW
IDX_CH = 128
N_CHUNK = B_PER_W // IDX_CH


def _tc_body(x_ref, w_ref, tb_ref, h_ref, out_ref):
    y = lax.dot_general(
        x_ref[...], w_ref[...], (((1,), (0,)), ((), ())),
        precision=lax.Precision.DEFAULT, preferred_element_type=jnp.float32)
    s = jnp.sign(y - tb_ref[...] - 0.0001).astype(jnp.bfloat16)
    h = h_ref[...]
    for c in range(N_CB):
        sc = s[:, c * BLK:(c + 1) * BLK]
        scores = lax.dot_general(
            sc, h, (((1,), (0,)), ((), ())),
            preferred_element_type=jnp.float32)
        run_m = jnp.full((BNS, 128), -jnp.inf, jnp.float32)
        run_c = jnp.zeros((BNS, 128), jnp.int32)
        for j in range(K_CODES // 128):
            blk = scores[:, j * 128:(j + 1) * 128]
            gt = blk > run_m
            run_m = jnp.where(gt, blk, run_m)
            run_c = jnp.where(gt, j, run_c)
        m = jnp.max(run_m, axis=1, keepdims=True)
        lane = lax.broadcasted_iota(jnp.int32, (BNS, 128), 1)
        gidx = run_c * 128 + lane
        first = jnp.min(jnp.where(run_m == m, gidx, K_CODES), axis=1,
                        keepdims=True)
        out_ref[:, c:c + 1] = first + c * K_CODES


def _tc_indices(x2, w, tb, hp, interpret=False):
    return pl.pallas_call(
        _tc_body,
        grid=(N_SAMPLES // BNS,),
        in_specs=[
            pl.BlockSpec((BNS, 60), lambda i: (i, 0)),
            pl.BlockSpec((60, N_CB * BLK), lambda i: (0, 0)),
            pl.BlockSpec((1, N_CB * BLK), lambda i: (0, 0)),
            pl.BlockSpec((BLK, K_CODES), lambda i: (0, 0)),
        ],
        out_specs=pl.BlockSpec((BNS, N_CB), lambda i: (i, 0)),
        out_shape=jax.ShapeDtypeStruct((N_SAMPLES, N_CB), jnp.int32),
        interpret=interpret,
    )(x2, w, tb, hp)


def _sc_gather(g1, lut2):
    mesh = plsc.VectorSubcoreMesh(core_axis_name="c", subcore_axis_name="s")

    @functools.partial(
        pl.kernel, mesh=mesh,
        out_type=jax.ShapeDtypeStruct((2 * B_TOTAL,), jnp.float32),
        compiler_params=pltpu.CompilerParams(
            needs_layout_passes=False, use_tc_tiling_on_sc=False),
        scratch_types=[
            pltpu.VMEM((2 * N_CB * K_CODES,), jnp.float32),
            pltpu.VMEM((B_PER_W,), jnp.int32),
            pltpu.VMEM((B_PER_W,), jnp.float32),
            pltpu.VMEM((B_PER_W,), jnp.float32),
        ],
    )
    def k(g_hbm, lut_hbm, out_hbm, lut_v, idx_v, o0_v, o1_v):
        wid = lax.axis_index("s") * NC + lax.axis_index("c")
        pltpu.sync_copy(lut_hbm, lut_v)
        pltpu.sync_copy(g_hbm.at[pl.ds(wid * B_PER_W, B_PER_W)], idx_v)
        for i in range(B_PER_W // 16):
            vec = idx_v[pl.ds(i * 16, 16)]
            a0 = vec * 2
            o0_v[pl.ds(i * 16, 16)] = plsc.load_gather(lut_v, [a0])
            o1_v[pl.ds(i * 16, 16)] = plsc.load_gather(lut_v, [a0 + 1])
        pltpu.sync_copy(o0_v, out_hbm.at[pl.ds(wid * B_PER_W, B_PER_W)])
        pltpu.sync_copy(
            o1_v, out_hbm.at[pl.ds(B_TOTAL + wid * B_PER_W, B_PER_W)])

    return k(g1, lut2)


def _prep_weights(S, T, H):
    eye = jnp.eye(30, dtype=S.dtype).reshape(30, N_CB, 3)
    w = jnp.einsum('cdk,cxa->cdxak', S, eye).reshape(60, N_CB, CODE_D)
    w = jnp.pad(w, ((0, 0), (0, 0), (0, BLK - CODE_D))).reshape(60, N_CB * BLK)
    tb = jnp.pad(T.reshape(N_CB, CODE_D),
                 ((0, 0), (0, BLK - CODE_D))).reshape(1, N_CB * BLK)
    hp = jnp.pad(H, ((0, BLK - CODE_D), (0, 0))).astype(jnp.bfloat16)
    return w, tb, hp


def kernel(x, S, H, T, LUT):
    x2 = x.reshape(N_SAMPLES, 60)
    w, tb, hp = _prep_weights(S, T, H)
    g = _tc_indices(x2, w, tb, hp)
    planes = _sc_gather(g.reshape(-1), LUT.reshape(-1))
    return planes.reshape(2, B_TOTAL).T.reshape(256, 8, N_CB, 2)

# --- scband reference (transcript-rebuilt; emitter-appended) ---
"""Pipeline reference for scband-new-mm-77180562309379 (READ-ONLY COPY).

The authoritative reference and input builder live on the scoring server;
editing this copy changes nothing except your own understanding.
"""

import jax, jax.numpy as jnp
import numpy as np


def setup_inputs(seed: int = 0) -> dict:
    key = jax.random.key(seed)
    ks = jax.random.split(key, 5)
    x = jax.random.normal(ks[0], (256, 480), dtype=jnp.float32)
    S = jax.random.normal(ks[1], (30, 2, 15), dtype=jnp.float32)
    H = jax.random.normal(ks[2], (45, 4096), dtype=jnp.float32)
    T = jax.random.normal(ks[3], (30, 15), dtype=jnp.float32)
    LUT = jax.random.normal(ks[4], (10, 4096, 2), dtype=jnp.float32)
    return {"x": x, "S": S, "H": H, "T": T, "LUT": LUT}


def reference(x, S, H, T, LUT):
    x = x.reshape(-1, 8, 30, 2)
    x = jnp.einsum('abcd,cdk->abck', x, S)
    x = x - T - 0.0001
    tanh = jnp.tanh(x)
    sign = jnp.sign(x)
    x = jax.lax.stop_gradient(sign - tanh) + tanh
    x = x.reshape(-1, 8, 10, 3, 15)
    x = x.reshape(-1, 8, 10, 45)
    x = jnp.einsum('bpcd,dk->bpck', x, H)
    idx = jnp.argmax(x, axis=-1)
    one_hot = jax.nn.one_hot(idx, 4096, dtype=jnp.float32)
    x_one_hot = jnp.einsum('bpck,ckd->bpcd', one_hot, LUT)
    return x_one_hot

if __name__ == "__main__":
    import jax
    _d = setup_inputs()
    print(jax.jit(kernel)(*tuple(_d.values())))

</pallas_src>

<mosaic_0001>
#map = affine_map<(d0, d1) -> (0)>
module attributes {stable_mosaic.version = 14 : i64} {
  func.func @k(%arg0: i32, %arg1: i32, %arg2: memref<20480xi32, #tpu.memory_space<hbm>>, %arg3: memref<81920xf32, #tpu.memory_space<hbm>>, %arg4: memref<40960xf32, #tpu.memory_space<hbm>>, %arg5: memref<81920xf32, #tpu.memory_space<vmem>>, %arg6: memref<640xi32, #tpu.memory_space<vmem>>, %arg7: memref<640xf32, #tpu.memory_space<vmem>>, %arg8: memref<640xf32, #tpu.memory_space<vmem>>) attributes {dimension_semantics = [#tpu.dimension_semantics<core_parallel>, #tpu.dimension_semantics<subcore_parallel>], iteration_bounds = array<i64: 2, 16>, scalar_prefetch = 0 : i64, scratch_operands = 4 : i64, tpu.core_type = #tpu.core_type<sc_vector_subcore>, window_params = [{transform_indices = #map}, {transform_indices = #map}, {transform_indices = #map}]} {
    %mul3A = arith.constant 2 : i32
    %mul3A_0 = arith.muli %arg1, %mul3A : i32
    %add3A = arith.addi %mul3A_0, %arg0 : i32
    "tpu.region"() ({
      %run_scoped3A = tpu.sem_alloc : memref<!tpu.dma_semaphore, #tpu.memory_space<semaphore_mem>>
      tpu.enqueue_dma source(%arg3 : memref<81920xf32, #tpu.memory_space<hbm>>) target(%arg5 : memref<81920xf32, #tpu.memory_space<vmem>>) target_semaphore(%run_scoped3A : memref<!tpu.dma_semaphore, #tpu.memory_space<semaphore_mem>>)
      tpu.wait_dma2 semaphore(%run_scoped3A : memref<!tpu.dma_semaphore, #tpu.memory_space<semaphore_mem>>) src(%arg3 : memref<81920xf32, #tpu.memory_space<hbm>>) dst(%arg5 : memref<81920xf32, #tpu.memory_space<vmem>>)
      tpu.yield
    }) : () -> ()
    %mul3A_1 = arith.constant 640 : i32
    %mul3A_2 = arith.muli %add3A, %mul3A_1 : i32
    "tpu.region"() ({
      %run_scoped3A = tpu.sem_alloc : memref<!tpu.dma_semaphore, #tpu.memory_space<semaphore_mem>>
      %dma_start3A = tpu.memref_slice %arg2[%mul3A_2] : memref<20480xi32, #tpu.memory_space<hbm>> -> memref<640xi32, #tpu.memory_space<hbm>>
      %dma_start3A_566 = tpu.memref_slice %arg2[%mul3A_2] : memref<20480xi32, #tpu.memory_space<hbm>> -> memref<640xi32, #tpu.memory_space<hbm>>
      tpu.enqueue_dma source(%dma_start3A_566 : memref<640xi32, #tpu.memory_space<hbm>>) target(%arg6 : memref<640xi32, #tpu.memory_space<vmem>>) target_semaphore(%run_scoped3A : memref<!tpu.dma_semaphore, #tpu.memory_space<semaphore_mem>>)
      %dma_wait3A = tpu.memref_slice %arg2[%mul3A_2] : memref<20480xi32, #tpu.memory_space<hbm>> -> memref<640xi32, #tpu.memory_space<hbm>>
      %dma_wait3A_567 = tpu.memref_slice %arg2[%mul3A_2] : memref<20480xi32, #tpu.memory_space<hbm>> -> memref<640xi32, #tpu.memory_space<hbm>>
      tpu.wait_dma2 semaphore(%run_scoped3A : memref<!tpu.dma_semaphore, #tpu.memory_space<semaphore_mem>>) src(%dma_wait3A_567 : memref<640xi32, #tpu.memory_space<hbm>>) dst(%arg6 : memref<640xi32, #tpu.memory_space<vmem>>)
      tpu.yield
    }) : () -> ()
    %get3A = arith.constant 0 : index
    %get3A_3 = tpu.vector_load %arg6[%get3A] {strides = array<i32>} : memref<640xi32, #tpu.memory_space<vmem>>, vector<16xi32>,
    %mul3A_4 = arith.constant 2 : i32
    %mul3A_5 = vector.broadcast %mul3A_4 : i32 to vector<16xi32>
    %mul3A_6 = arith.muli %get3A_3, %mul3A_5 : vector<16xi32>
    %gather3A = tpu.vector_load_idx %arg5[%mul3A_6] : memref<81920xf32, #tpu.memory_space<vmem>>[vector<16xi32>], vector<16xf32>,
    %swap3A = arith.constant 0 : index
    %swap3A_7 = tpu.vector_load %arg7[%swap3A] {strides = array<i32>} : memref<640xf32, #tpu.memory_space<vmem>>, vector<16xf32>,
    tpu.vector_store %arg7[%swap3A], %gather3A {strides = array<i32>} : memref<640xf32, #tpu.memory_space<vmem>>, vector<16xf32>,
    %add3A_8 = arith.constant 1 : i32
    %add3A_9 = vector.broadcast %add3A_8 : i32 to vector<16xi32>
    %add3A_10 = arith.addi %mul3A_6, %add3A_9 : vector<16xi32>
    %gather3A_11 = tpu.vector_load_idx %arg5[%add3A_10] : memref<81920xf32, #tpu.memory_space<vmem>>[vector<16xi32>], vector<16xf32>,
    %swap3A_12 = arith.constant 0 : index
    %swap3A_13 = tpu.vector_load %arg8[%swap3A_12] {strides = array<i32>} : memref<640xf32, #tpu.memory_space<vmem>>, vector<16xf32>,
    tpu.vector_store %arg8[%swap3A_12], %gather3A_11 {strides = array<i32>} : memref<640xf32, #tpu.memory_space<vmem>>, vector<16xf32>,
    %get3A_14 = arith.constant 16 : index
    %get3A_15 = tpu.vector_load %arg6[%get3A_14] {strides = array<i32>} : memref<640xi32, #tpu.memory_space<vmem>>, vector<16xi32>,
    %mul3A_16 = arith.constant 2 : i32
    %mul3A_17 = vector.broadcast %mul3A_16 : i32 to vector<16xi32>
    %mul3A_18 = arith.muli %get3A_15, %mul3A_17 : vector<16xi32>
    %gather3A_19 = tpu.vector_load_idx %arg5[%mul3A_18] : memref<81920xf32, #tpu.memory_space<vmem>>[vector<16xi32>], vector<16xf32>,
    %swap3A_20 = arith.constant 16 : index
    %swap3A_21 = tpu.vector_load %arg7[%swap3A_20] {strides = array<i32>} : memref<640xf32, #tpu.memory_space<vmem>>, vector<16xf32>,
    tpu.vector_store %arg7[%swap3A_20], %gather3A_19 {strides = array<i32>} : memref<640xf32, #tpu.memory_space<vmem>>, vector<16xf32>,
    %add3A_22 = arith.constant 1 : i32
    %add3A_23 = vector.broadcast %add3A_22 : i32 to vector<16xi32>
    %add3A_24 = arith.addi %mul3A_18, %add3A_23 : vector<16xi32>
    %gather3A_25 = tpu.vector_load_idx %arg5[%add3A_24] : memref<81920xf32, #tpu.memory_space<vmem>>[vector<16xi32>], vector<16xf32>,
    %swap3A_26 = arith.constant 16 : index
    %swap3A_27 = tpu.vector_load %arg8[%swap3A_26] {strides = array<i32>} : memref<640xf32, #tpu.memory_space<vmem>>, vector<16xf32>,
    tpu.vector_store %arg8[%swap3A_26], %gather3A_25 {strides = array<i32>} : memref<640xf32, #tpu.memory_space<vmem>>, vector<16xf32>,
    %get3A_28 = arith.constant 32 : index
    %get3A_29 = tpu.vector_load %arg6[%get3A_28] {strides = array<i32>} : memref<640xi32, #tpu.memory_space<vmem>>, vector<16xi32>,
    %mul3A_30 = arith.constant 2 : i32
    %mul3A_31 = vector.broadcast %mul3A_30 : i32 to vector<16xi32>
    %mul3A_32 = arith.muli %get3A_29, %mul3A_31 : vector<16xi32>
    %gather3A_33 = tpu.vector_load_idx %arg5[%mul3A_32] : memref<81920xf32, #tpu.memory_space<vmem>>[vector<16xi32>], vector<16xf32>,
    %swap3A_34 = arith.constant 32 : index
    %swap3A_35 = tpu.vector_load %arg7[%swap3A_34] {strides = array<i32>} : memref<640xf32, #tpu.memory_space<vmem>>, vector<16xf32>,
    tpu.vector_store %arg7[%swap3A_34], %gather3A_33 {strides = array<i32>} : memref<640xf32, #tpu.memory_space<vmem>>, vector<16xf32>,
    %add3A_36 = arith.constant 1 : i32
    %add3A_37 = vector.broadcast %add3A_36 : i32 to vector<16xi32>
    %add3A_38 = arith.addi %mul3A_32, %add3A_37 : vector<16xi32>
    %gather3A_39 = tpu.vector_load_idx %arg5[%add3A_38] : memref<81920xf32, #tpu.memory_space<vmem>>[vector<16xi32>], vector<16xf32>,
    %swap3A_40 = arith.constant 32 : index
    %swap3A_41 = tpu.vector_load %arg8[%swap3A_40] {strides = array<i32>} : memref<640xf32, #tpu.memory_space<vmem>>, vector<16xf32>,
    tpu.vector_store %arg8[%swap3A_40], %gather3A_39 {strides = array<i32>} : memref<640xf32, #tpu.memory_space<vmem>>, vector<16xf32>,
    %get3A_42 = arith.constant 48 : index
    %get3A_43 = tpu.vector_load %arg6[%get3A_42] {strides = array<i32>} : memref<640xi32, #tpu.memory_space<vmem>>, vector<16xi32>,
    %mul3A_44 = arith.constant 2 : i32
    %mul3A_45 = vector.broadcast %mul3A_44 : i32 to vector<16xi32>
    %mul3A_46 = arith.muli %get3A_43, %mul3A_45 : vector<16xi32>
    %gather3A_47 = tpu.vector_load_idx %arg5[%mul3A_46] : memref<81920xf32, #tpu.memory_space<vmem>>[vector<16xi32>], vector<16xf32>,
    %swap3A_48 = arith.constant 48 : index
    %swap3A_49 = tpu.vector_load %arg7[%swap3A_48] {strides = array<i32>} : memref<640xf32, #tpu.memory_space<vmem>>, vector<16xf32>,
    tpu.vector_store %arg7[%swap3A_48], %gather3A_47 {strides = array<i32>} : memref<640xf32, #tpu.memory_space<vmem>>, vector<16xf32>,
    %add3A_50 = arith.constant 1 : i32
    %add3A_51 = vector.broadcast %add3A_50 : i32 to vector<16xi32>
    %add3A_52 = arith.addi %mul3A_46, %add3A_51 : vector<16xi32>
    %gather3A_53 = tpu.vector_load_idx %arg5[%add3A_52] : memref<81920xf32, #tpu.memory_space<vmem>>[vector<16xi32>], vector<16xf32>,
    %swap3A_54 = arith.constant 48 : index
    %swap3A_55 = tpu.vector_load %arg8[%swap3A_54] {strides = array<i32>} : memref<640xf32, #tpu.memory_space<vmem>>, vector<16xf32>,
    tpu.vector_store %arg8[%swap3A_54], %gather3A_53 {strides = array<i32>} : memref<640xf32, #tpu.memory_space<vmem>>, vector<16xf32>,
    %get3A_56 = arith.constant 64 : index
    %get3A_57 = tpu.vector_load %arg6[%get3A_56] {strides = array<i32>} : memref<640xi32, #tpu.memory_space<vmem>>, vector<16xi32>,
    %mul3A_58 = arith.constant 2 : i32
    %mul3A_59 = vector.broadcast %mul3A_58 : i32 to vector<16xi32>
    %mul3A_60 = arith.muli %get3A_57, %mul3A_59 : vector<16xi32>
    %gather3A_61 = tpu.vector_load_idx %arg5[%mul3A_60] : memref<81920xf32, #tpu.memory_space<vmem>>[vector<16xi32>], vector<16xf32>,
    %swap3A_62 = arith.constant 64 : index
    %swap3A_63 = tpu.vector_load %arg7[%swap3A_62] {strides = array<i32>} : memref<640xf32, #tpu.memory_space<vmem>>, vector<16xf32>,
    tpu.vector_store %arg7[%swap3A_62], %gather3A_61 {strides = array<i32>} : memref<640xf32, #tpu.memory_space<vmem>>, vector<16xf32>,
    %add3A_64 = arith.constant 1 : i32
    %add3A_65 = vector.broadcast %add3A_64 : i32 to vector<16xi32>
    %add3A_66 = arith.addi %mul3A_60, %add3A_65 : vector<16xi32>
    %gather3A_67 = tpu.vector_load_idx %arg5[%add3A_66] : memref<81920xf32, #tpu.memory_space<vmem>>[vector<16xi32>], vector<16xf32>,
    %swap3A_68 = arith.constant 64 : index
    %swap3A_69 = tpu.vector_load %arg8[%swap3A_68] {strides = array<i32>} : memref<640xf32, #tpu.memory_space<vmem>>, vector<16xf32>,
    tpu.vector_store %arg8[%swap3A_68], %gather3A_67 {strides = array<i32>} : memref<640xf32, #tpu.memory_space<vmem>>, vector<16xf32>,
    %get3A_70 = arith.constant 80 : index
    %get3A_71 = tpu.vector_load %arg6[%get3A_70] {strides = array<i32>} : memref<640xi32, #tpu.memory_space<vmem>>, vector<16xi32>,
    %mul3A_72 = arith.constant 2 : i32
    %mul3A_73 = vector.broadcast %mul3A_72 : i32 to vector<16xi32>
    %mul3A_74 = arith.muli %get3A_71, %mul3A_73 : vector<16xi32>
    %gather3A_75 = tpu.vector_load_idx %arg5[%mul3A_74] : memref<81920xf32, #tpu.memory_space<vmem>>[vector<16xi32>], vector<16xf32>,
    %swap3A_76 = arith.constant 80 : index
    %swap3A_77 = tpu.vector_load %arg7[%swap3A_76] {strides = array<i32>} : memref<640xf32, #tpu.memory_space<vmem>>, vector<16xf32>,
    tpu.vector_store %arg7[%swap3A_76], %gather3A_75 {strides = array<i32>} : memref<640xf32, #tpu.memory_space<vmem>>, vector<16xf32>,
    %add3A_78 = arith.constant 1 : i32
    %add3A_79 = vector.broadcast %add3A_78 : i32 to vector<16xi32>
    %add3A_80 = arith.addi %mul3A_74, %add3A_79 : vector<16xi32>
    %gather3A_81 = tpu.vector_load_idx %arg5[%add3A_80] : memref<81920xf32, #tpu.memory_space<vmem>>[vector<16xi32>], vector<16xf32>,
    %swap3A_82 = arith.constant 80 : index
    %swap3A_83 = tpu.vector_load %arg8[%swap3A_82] {strides = array<i32>} : memref<640xf32, #tpu.memory_space<vmem>>, vector<16xf32>,
    tpu.vector_store %arg8[%swap3A_82], %gather3A_81 {strides = array<i32>} : memref<640xf32, #tpu.memory_space<vmem>>, vector<16xf32>,
    %get3A_84 = arith.constant 96 : index
    %get3A_85 = tpu.vector_load %arg6[%get3A_84] {strides = array<i32>} : memref<640xi32, #tpu.memory_space<vmem>>, vector<16xi32>,
    %mul3A_86 = arith.constant 2 : i32
    %mul3A_87 = vector.broadcast %mul3A_86 : i32 to vector<16xi32>
    %mul3A_88 = arith.muli %get3A_85, %mul3A_87 : vector<16xi32>
    %gather3A_89 = tpu.vector_load_idx %arg5[%mul3A_88] : memref<81920xf32, #tpu.memory_space<vmem>>[vector<16xi32>], vector<16xf32>,
    %swap3A_90 = arith.constant 96 : index
    %swap3A_91 = tpu.vector_load %arg7[%swap3A_90] {strides = array<i32>} : memref<640xf32, #tpu.memory_space<vmem>>, vector<16xf32>,
    tpu.vector_store %arg7[%swap3A_90], %gather3A_89 {strides = array<i32>} : memref<640xf32, #tpu.memory_space<vmem>>, vector<16xf32>,
    %add3A_92 = arith.constant 1 : i32
    %add3A_93 = vector.broadcast %add3A_92 : i32 to vector<16xi32>
    %add3A_94 = arith.addi %mul3A_88, %add3A_93 : vector<16xi32>
    %gather3A_95 = tpu.vector_load_idx %arg5[%add3A_94] : memref<81920xf32, #tpu.memory_space<vmem>>[vector<16xi32>], vector<16xf32>,
    %swap3A_96 = arith.constant 96 : index
    %swap3A_97 = tpu.vector_load %arg8[%swap3A_96] {strides = array<i32>} : memref<640xf32, #tpu.memory_space<vmem>>, vector<16xf32>,
    tpu.vector_store %arg8[%swap3A_96], %gather3A_95 {strides = array<i32>} : memref<640xf32, #tpu.memory_space<vmem>>, vector<16xf32>,
    %get3A_98 = arith.constant 112 : index
    %get3A_99 = tpu.vector_load %arg6[%get3A_98] {strides = array<i32>} : memref<640xi32, #tpu.memory_space<vmem>>, vector<16xi32>,
    %mul3A_100 = arith.constant 2 : i32
    %mul3A_101 = vector.broadcast %mul3A_100 : i32 to vector<16xi32>
    %mul3A_102 = arith.muli %get3A_99, %mul3A_101 : vector<16xi32>
    %gather3A_103 = tpu.vector_load_idx %arg5[%mul3A_102] : memref<81920xf32, #tpu.memory_space<vmem>>[vector<16xi32>], vector<16xf32>,
    %swap3A_104 = arith.constant 112 : index
    %swap3A_105 = tpu.vector_load %arg7[%swap3A_104] {strides = array<i32>} : memref<640xf32, #tpu.memory_space<vmem>>, vector<16xf32>,
    tpu.vector_store %arg7[%swap3A_104], %gather3A_103 {strides = array<i32>} : memref<640xf32, #tpu.memory_space<vmem>>, vector<16xf32>,
    %add3A_106 = arith.constant 1 : i32
    %add3A_107 = vector.broadcast %add3A_106 : i32 to vector<16xi32>
    %add3A_108 = arith.addi %mul3A_102, %add3A_107 : vector<16xi32>
    %gather3A_109 = tpu.vector_load_idx %arg5[%add3A_108] : memref<81920xf32, #tpu.memory_space<vmem>>[vector<16xi32>], vector<16xf32>,
    %swap3A_110 = arith.constant 112 : index
    %swap3A_111 = tpu.vector_load %arg8[%swap3A_110] {strides = array<i32>} : memref<640xf32, #tpu.memory_space<vmem>>, vector<16xf32>,
    tpu.vector_store %arg8[%swap3A_110], %gather3A_109 {strides = array<i32>} : memref<640xf32, #tpu.memory_space<vmem>>, vector<16xf32>,
    %get3A_112 = arith.constant 128 : index
    %get3A_113 = tpu.vector_load %arg6[%get3A_112] {strides = array<i32>} : memref<640xi32, #tpu.memory_space<vmem>>, vector<16xi32>,
    %mul3A_114 = arith.constant 2 : i32
    %mul3A_115 = vector.broadcast %mul3A_114 : i32 to vector<16xi32>
    %mul3A_116 = arith.muli %get3A_113, %mul3A_115 : vector<16xi32>
    %gather3A_117 = tpu.vector_load_idx %arg5[%mul3A_116] : memref<81920xf32, #tpu.memory_space<vmem>>[vector<16xi32>], vector<16xf32>,
    %swap3A_118 = arith.constant 128 : index
    %swap3A_119 = tpu.vector_load %arg7[%swap3A_118] {strides = array<i32>} : memref<640xf32, #tpu.memory_space<vmem>>, vector<16xf32>,
    tpu.vector_store %arg7[%swap3A_118], %gather3A_117 {strides = array<i32>} : memref<640xf32, #tpu.memory_space<vmem>>, vector<16xf32>,
    %add3A_120 = arith.constant 1 : i32
    %add3A_121 = vector.broadcast %add3A_120 : i32 to vector<16xi32>
    %add3A_122 = arith.addi %mul3A_116, %add3A_121 : vector<16xi32>
    %gather3A_123 = tpu.vector_load_idx %arg5[%add3A_122] : memref<81920xf32, #tpu.memory_space<vmem>>[vector<16xi32>], vector<16xf32>,
    %swap3A_124 = arith.constant 128 : index
    %swap3A_125 = tpu.vector_load %arg8[%swap3A_124] {strides = array<i32>} : memref<640xf32, #tpu.memory_space<vmem>>, vector<16xf32>,
    tpu.vector_store %arg8[%swap3A_124], %gather3A_123 {strides = array<i32>} : memref<640xf32, #tpu.memory_space<vmem>>, vector<16xf32>,
    %get3A_126 = arith.constant 144 : index
    %get3A_127 = tpu.vector_load %arg6[%get3A_126] {strides = array<i32>} : memref<640xi32, #tpu.memory_space<vmem>>, vector<16xi32>,
    %mul3A_128 = arith.constant 2 : i32
    %mul3A_129 = vector.broadcast %mul3A_128 : i32 to vector<16xi32>
    %mul3A_130 = arith.muli %get3A_127, %mul3A_129 : vector<16xi32>
    %gather3A_131 = tpu.vector_load_idx %arg5[%mul3A_130] : memref<81920xf32, #tpu.memory_space<vmem>>[vector<16xi32>], vector<16xf32>,
    %swap3A_132 = arith.constant 144 : index
    %swap3A_133 = tpu.vector_load %arg7[%swap3A_132] {strides = array<i32>} : memref<640xf32, #tpu.memory_space<vmem>>, vector<16xf32>,
    tpu.vector_store %arg7[%swap3A_132], %gather3A_131 {strides = array<i32>} : memref<640xf32, #tpu.memory_space<vmem>>, vector<16xf32>,
    %add3A_134 = arith.constant 1 : i32
    %add3A_135 = vector.broadcast %add3A_134 : i32 to vector<16xi32>
    %add3A_136 = arith.addi %mul3A_130, %add3A_135 : vector<16xi32>
    %gather3A_137 = tpu.vector_load_idx %arg5[%add3A_136] : memref<81920xf32, #tpu.memory_space<vmem>>[vector<16xi32>], vector<16xf32>,
    %swap3A_138 = arith.constant 144 : index
    %swap3A_139 = tpu.vector_load %arg8[%swap3A_138] {strides = array<i32>} : memref<640xf32, #tpu.memory_space<vmem>>, vector<16xf32>,
    tpu.vector_store %arg8[%swap3A_138], %gather3A_137 {strides = array<i32>} : memref<640xf32, #tpu.memory_space<vmem>>, vector<16xf32>,
    %get3A_140 = arith.constant 160 : index
    %get3A_141 = tpu.vector_load %arg6[%get3A_140] {strides = array<i32>} : memref<640xi32, #tpu.memory_space<vmem>>, vector<16xi32>,
    %mul3A_142 = arith.constant 2 : i32
    %mul3A_143 = vector.broadcast %mul3A_142 : i32 to vector<16xi32>
    %mul3A_144 = arith.muli %get3A_141, %mul3A_143 : vector<16xi32>
    %gather3A_145 = tpu.vector_load_idx %arg5[%mul3A_144] : memref<81920xf32, #tpu.memory_space<vmem>>[vector<16xi32>], vector<16xf32>,
    %swap3A_146 = arith.constant 160 : index
    %swap3A_147 = tpu.vector_load %arg7[%swap3A_146] {strides = array<i32>} : memref<640xf32, #tpu.memory_space<vmem>>, vector<16xf32>,
    tpu.vector_store %arg7[%swap3A_146], %gather3A_145 {strides = array<i32>} : memref<640xf32, #tpu.memory_space<vmem>>, vector<16xf32>,
    %add3A_148 = arith.constant 1 : i32
    %add3A_149 = vector.broadcast %add3A_148 : i32 to vector<16xi32>
    %add3A_150 = arith.addi %mul3A_144, %add3A_149 : vector<16xi32>
    %gather3A_151 = tpu.vector_load_idx %arg5[%add3A_150] : memref<81920xf32, #tpu.memory_space<vmem>>[vector<16xi32>], vector<16xf32>,
    %swap3A_152 = arith.constant 160 : index
    %swap3A_153 = tpu.vector_load %arg8[%swap3A_152] {strides = array<i32>} : memref<640xf32, #tpu.memory_space<vmem>>, vector<16xf32>,
    tpu.vector_store %arg8[%swap3A_152], %gather3A_151 {strides = array<i32>} : memref<640xf32, #tpu.memory_space<vmem>>, vector<16xf32>,
    %get3A_154 = arith.constant 176 : index
    %get3A_155 = tpu.vector_load %arg6[%get3A_154] {strides = array<i32>} : memref<640xi32, #tpu.memory_space<vmem>>, vector<16xi32>,
    %mul3A_156 = arith.constant 2 : i32
    %mul3A_157 = vector.broadcast %mul3A_156 : i32 to vector<16xi32>
    %mul3A_158 = arith.muli %get3A_155, %mul3A_157 : vector<16xi32>
    %gather3A_159 = tpu.vector_load_idx %arg5[%mul3A_158] : memref<81920xf32, #tpu.memory_space<vmem>>[vector<16xi32>], vector<16xf32>,
    %swap3A_160 = arith.constant 176 : index
    %swap3A_161 = tpu.vector_load %arg7[%swap3A_160] {strides = array<i32>} : memref<640xf32, #tpu.memory_space<vmem>>, vector<16xf32>,
    tpu.vector_store %arg7[%swap3A_160], %gather3A_159 {strides = array<i32>} : memref<640xf32, #tpu.memory_space<vmem>>, vector<16xf32>,
    %add3A_162 = arith.constant 1 : i32
    %add3A_163 = vector.broadcast %add3A_162 : i32 to vector<16xi32>
    %add3A_164 = arith.addi %mul3A_158, %add3A_163 : vector<16xi32>
    %gather3A_165 = tpu.vector_load_idx %arg5[%add3A_164] : memref<81920xf32, #tpu.memory_space<vmem>>[vector<16xi32>], vector<16xf32>,
    %swap3A_166 = arith.constant 176 : index
    %swap3A_167 = tpu.vector_load %arg8[%swap3A_166] {strides = array<i32>} : memref<640xf32, #tpu.memory_space<vmem>>, vector<16xf32>,
    tpu.vector_store %arg8[%swap3A_166], %gather3A_165 {strides = array<i32>} : memref<640xf32, #tpu.memory_space<vmem>>, vector<16xf32>,
    %get3A_168 = arith.constant 192 : index
    %get3A_169 = tpu.vector_load %arg6[%get3A_168] {strides = array<i32>} : memref<640xi32, #tpu.memory_space<vmem>>, vector<16xi32>,
    %mul3A_170 = arith.constant 2 : i32
    %mul3A_171 = vector.broadcast %mul3A_170 : i32 to vector<16xi32>
    %mul3A_172 = arith.muli %get3A_169, %mul3A_171 : vector<16xi32>
    %gather3A_173 = tpu.vector_load_idx %arg5[%mul3A_172] : memref<81920xf32, #tpu.memory_space<vmem>>[vector<16xi32>], vector<16xf32>,
    %swap3A_174 = arith.constant 192 : index
    %swap3A_175 = tpu.vector_load %arg7[%swap3A_174] {strides = array<i32>} : memref<640xf32, #tpu.memory_space<vmem>>, vector<16xf32>,
    tpu.vector_store %arg7[%swap3A_174], %gather3A_173 {strides = array<i32>} : memref<640xf32, #tpu.memory_space<vmem>>, vector<16xf32>,
    %add3A_176 = arith.constant 1 : i32
    %add3A_177 = vector.broadcast %add3A_176 : i32 to vector<16xi32>
    %add3A_178 = arith.addi %mul3A_172, %add3A_177 : vector<16xi32>
    %gather3A_179 = tpu.vector_load_idx %arg5[%add3A_178] : memref<81920xf32, #tpu.memory_space<vmem>>[vector<16xi32>], vector<16xf32>,
    %swap3A_180 = arith.constant 192 : index
    %swap3A_181 = tpu.vector_load %arg8[%swap3A_180] {strides = array<i32>} : memref<640xf32, #tpu.memory_space<vmem>>, vector<16xf32>,
    tpu.vector_store %arg8[%swap3A_180], %gather3A_179 {strides = array<i32>} : memref<640xf32, #tpu.memory_space<vmem>>, vector<16xf32>,
    %get3A_182 = arith.constant 208 : index
    %get3A_183 = tpu.vector_load %arg6[%get3A_182] {strides = array<i32>} : memref<640xi32, #tpu.memory_space<vmem>>, vector<16xi32>,
    %mul3A_184 = arith.constant 2 : i32
    %mul3A_185 = vector.broadcast %mul3A_184 : i32 to vector<16xi32>
    %mul3A_186 = arith.muli %get3A_183, %mul3A_185 : vector<16xi32>
    %gather3A_187 = tpu.vector_load_idx %arg5[%mul3A_186] : memref<81920xf32, #tpu.memory_space<vmem>>[vector<16xi32>], vector<16xf32>,
    %swap3A_188 = arith.constant 208 : index
    %swap3A_189 = tpu.vector_load %arg7[%swap3A_188] {strides = array<i32>} : memref<640xf32, #tpu.memory_space<vmem>>, vector<16xf32>,
    tpu.vector_store %arg7[%swap3A_188], %gather3A_187 {strides = array<i32>} : memref<640xf32, #tpu.memory_space<vmem>>, vector<16xf32>,
    %add3A_190 = arith.constant 1 : i32
    %add3A_191 = vector.broadcast %add3A_190 : i32 to vector<16xi32>
    %add3A_192 = arith.addi %mul3A_186, %add3A_191 : vector<16xi32>
    %gather3A_193 = tpu.vector_load_idx %arg5[%add3A_192] : memref<81920xf32, #tpu.memory_space<vmem>>[vector<16xi32>], vector<16xf32>,
    %swap3A_194 = arith.constant 208 : index
    %swap3A_195 = tpu.vector_load %arg8[%swap3A_194] {strides = array<i32>} : memref<640xf32, #tpu.memory_space<vmem>>, vector<16xf32>,
    tpu.vector_store %arg8[%swap3A_194], %gather3A_193 {strides = array<i32>} : memref<640xf32, #tpu.memory_space<vmem>>, vector<16xf32>,
    %get3A_196 = arith.constant 224 : index
    %get3A_197 = tpu.vector_load %arg6[%get3A_196] {strides = array<i32>} : memref<640xi32, #tpu.memory_space<vmem>>, vector<16xi32>,
    %mul3A_198 = arith.constant 2 : i32
    %mul3A_199 = vector.broadcast %mul3A_198 : i32 to vector<16xi32>
    %mul3A_200 = arith.muli %get3A_197, %mul3A_199 : vector<16xi32>
    %gather3A_201 = tpu.vector_load_idx %arg5[%mul3A_200] : memref<81920xf32, #tpu.memory_space<vmem>>[vector<16xi32>], vector<16xf32>,
    %swap3A_202 = arith.constant 224 : index
    %swap3A_203 = tpu.vector_load %arg7[%swap3A_202] {strides = array<i32>} : memref<640xf32, #tpu.memory_space<vmem>>, vector<16xf32>,
    tpu.vector_store %arg7[%swap3A_202], %gather3A_201 {strides = array<i32>} : memref<640xf32, #tpu.memory_space<vmem>>, vector<16xf32>,
    %add3A_204 = arith.constant 1 : i32
    %add3A_205 = vector.broadcast %add3A_204 : i32 to vector<16xi32>
    %add3A_206 = arith.addi %mul3A_200, %add3A_205 : vector<16xi32>
    %gather3A_207 = tpu.vector_load_idx %arg5[%add3A_206] : memref<81920xf32, #tpu.memory_space<vmem>>[vector<16xi32>], vector<16xf32>,
    %swap3A_208 = arith.constant 224 : index
    %swap3A_209 = tpu.vector_load %arg8[%swap3A_208] {strides = array<i32>} : memref<640xf32, #tpu.memory_space<vmem>>, vector<16xf32>,
    tpu.vector_store %arg8[%swap3A_208], %gather3A_207 {strides = array<i32>} : memref<640xf32, #tpu.memory_space<vmem>>, vector<16xf32>,
    %get3A_210 = arith.constant 240 : index
    %get3A_211 = tpu.vector_load %arg6[%get3A_210] {strides = array<i32>} : memref<640xi32, #tpu.memory_space<vmem>>, vector<16xi32>,
    %mul3A_212 = arith.constant 2 : i32
    %mul3A_213 = vector.broadcast %mul3A_212 : i32 to vector<16xi32>
    %mul3A_214 = arith.muli %get3A_211, %mul3A_213 : vector<16xi32>
    %gather3A_215 = tpu.vector_load_idx %arg5[%mul3A_214] : memref<81920xf32, #tpu.memory_space<vmem>>[vector<16xi32>], vector<16xf32>,
    %swap3A_216 = arith.constant 240 : index
    %swap3A_217 = tpu.vector_load %arg7[%swap3A_216] {strides = array<i32>} : memref<640xf32, #tpu.memory_space<vmem>>, vector<16xf32>,
    tpu.vector_store %arg7[%swap3A_216], %gather3A_215 {strides = array<i32>} : memref<640xf32, #tpu.memory_space<vmem>>, vector<16xf32>,
    %add3A_218 = arith.constant 1 : i32
    %add3A_219 = vector.broadcast %add3A_218 : i32 to vector<16xi32>
    %add3A_220 = arith.addi %mul3A_214, %add3A_219 : vector<16xi32>
    %gather3A_221 = tpu.vector_load_idx %arg5[%add3A_220] : memref<81920xf32, #tpu.memory_space<vmem>>[vector<16xi32>], vector<16xf32>,
    %swap3A_222 = arith.constant 240 : index
    %swap3A_223 = tpu.vector_load %arg8[%swap3A_222] {strides = array<i32>} : memref<640xf32, #tpu.memory_space<vmem>>, vector<16xf32>,
    tpu.vector_store %arg8[%swap3A_222], %gather3A_221 {strides = array<i32>} : memref<640xf32, #tpu.memory_space<vmem>>, vector<16xf32>,
    %get3A_224 = arith.constant 256 : index
    %get3A_225 = tpu.vector_load %arg6[%get3A_224] {strides = array<i32>} : memref<640xi32, #tpu.memory_space<vmem>>, vector<16xi32>,
    %mul3A_226 = arith.constant 2 : i32
    %mul3A_227 = vector.broadcast %mul3A_226 : i32 to vector<16xi32>
    %mul3A_228 = arith.muli %get3A_225, %mul3A_227 : vector<16xi32>
    %gather3A_229 = tpu.vector_load_idx %arg5[%mul3A_228] : memref<81920xf32, #tpu.memory_space<vmem>>[vector<16xi32>], vector<16xf32>,
    %swap3A_230 = arith.constant 256 : index
    %swap3A_231 = tpu.vector_load %arg7[%swap3A_230] {strides = array<i32>} : memref<640xf32, #tpu.memory_space<vmem>>, vector<16xf32>,
    tpu.vector_store %arg7[%swap3A_230], %gather3A_229 {strides = array<i32>} : memref<640xf32, #tpu.memory_space<vmem>>, vector<16xf32>,
    %add3A_232 = arith.constant 1 : i32
    %add3A_233 = vector.broadcast %add3A_232 : i32 to vector<16xi32>
    %add3A_234 = arith.addi %mul3A_228, %add3A_233 : vector<16xi32>
    %gather3A_235 = tpu.vector_load_idx %arg5[%add3A_234] : memref<81920xf32, #tpu.memory_space<vmem>>[vector<16xi32>], vector<16xf32>,
    %swap3A_236 = arith.constant 256 : index
    %swap3A_237 = tpu.vector_load %arg8[%swap3A_236] {strides = array<i32>} : memref<640xf32, #tpu.memory_space<vmem>>, vector<16xf32>,
    tpu.vector_store %arg8[%swap3A_236], %gather3A_235 {strides = array<i32>} : memref<640xf32, #tpu.memory_space<vmem>>, vector<16xf32>,
    %get3A_238 = arith.constant 272 : index
    %get3A_239 = tpu.vector_load %arg6[%get3A_238] {strides = array<i32>} : memref<640xi32, #tpu.memory_space<vmem>>, vector<16xi32>,
    %mul3A_240 = arith.constant 2 : i32
    %mul3A_241 = vector.broadcast %mul3A_240 : i32 to vector<16xi32>
    %mul3A_242 = arith.muli %get3A_239, %mul3A_241 : vector<16xi32>
    %gather3A_243 = tpu.vector_load_idx %arg5[%mul3A_242] : memref<81920xf32, #tpu.memory_space<vmem>>[vector<16xi32>], vector<16xf32>,
    %swap3A_244 = arith.constant 272 : index
    %swap3A_245 = tpu.vector_load %arg7[%swap3A_244] {strides = array<i32>} : memref<640xf32, #tpu.memory_space<vmem>>, vector<16xf32>,
    tpu.vector_store %arg7[%swap3A_244], %gather3A_243 {strides = array<i32>} : memref<640xf32, #tpu.memory_space<vmem>>, vector<16xf32>,
    %add3A_246 = arith.constant 1 : i32
    %add3A_247 = vector.broadcast %add3A_246 : i32 to vector<16xi32>
    %add3A_248 = arith.addi %mul3A_242, %add3A_247 : vector<16xi32>
    %gather3A_249 = tpu.vector_load_idx %arg5[%add3A_248] : memref<81920xf32, #tpu.memory_space<vmem>>[vector<16xi32>], vector<16xf32>,
    %swap3A_250 = arith.constant 272 : index
    %swap3A_251 = tpu.vector_load %arg8[%swap3A_250] {strides = array<i32>} : memref<640xf32, #tpu.memory_space<vmem>>, vector<16xf32>,
    tpu.vector_store %arg8[%swap3A_250], %gather3A_249 {strides = array<i32>} : memref<640xf32, #tpu.memory_space<vmem>>, vector<16xf32>,
    %get3A_252 = arith.constant 288 : index
    %get3A_253 = tpu.vector_load %arg6[%get3A_252] {strides = array<i32>} : memref<640xi32, #tpu.memory_space<vmem>>, vector<16xi32>,
    %mul3A_254 = arith.constant 2 : i32
    %mul3A_255 = vector.broadcast %mul3A_254 : i32 to vector<16xi32>
    %mul3A_256 = arith.muli %get3A_253, %mul3A_255 : vector<16xi32>
    %gather3A_257 = tpu.vector_load_idx %arg5[%mul3A_256] : memref<81920xf32, #tpu.memory_space<vmem>>[vector<16xi32>], vector<16xf32>,
    %swap3A_258 = arith.constant 288 : index
    %swap3A_259 = tpu.vector_load %arg7[%swap3A_258] {strides = array<i32>} : memref<640xf32, #tpu.memory_space<vmem>>, vector<16xf32>,
    tpu.vector_store %arg7[%swap3A_258], %gather3A_257 {strides = array<i32>} : memref<640xf32, #tpu.memory_space<vmem>>, vector<16xf32>,
    %add3A_260 = arith.constant 1 : i32
    %add3A_261 = vector.broadcast %add3A_260 : i32 to vector<16xi32>
    %add3A_262 = arith.addi %mul3A_256, %add3A_261 : vector<16xi32>
    %gather3A_263 = tpu.vector_load_idx %arg5[%add3A_262] : memref<81920xf32, #tpu.memory_space<vmem>>[vector<16xi32>], vector<16xf32>,
    %swap3A_264 = arith.constant 288 : index
    %swap3A_265 = tpu.vector_load %arg8[%swap3A_264] {strides = array<i32>} : memref<640xf32, #tpu.memory_space<vmem>>, vector<16xf32>,
    tpu.vector_store %arg8[%swap3A_264], %gather3A_263 {strides = array<i32>} : memref<640xf32, #tpu.memory_space<vmem>>, vector<16xf32>,
    %get3A_266 = arith.constant 304 : index
    %get3A_267 = tpu.vector_load %arg6[%get3A_266] {strides = array<i32>} : memref<640xi32, #tpu.memory_space<vmem>>, vector<16xi32>,
    %mul3A_268 = arith.constant 2 : i32
    %mul3A_269 = vector.broadcast %mul3A_268 : i32 to vector<16xi32>
    %mul3A_270 = arith.muli %get3A_267, %mul3A_269 : vector<16xi32>
    %gather3A_271 = tpu.vector_load_idx %arg5[%mul3A_270] : memref<81920xf32, #tpu.memory_space<vmem>>[vector<16xi32>], vector<16xf32>,
    %swap3A_272 = arith.constant 304 : index
    %swap3A_273 = tpu.vector_load %arg7[%swap3A_272] {strides = array<i32>} : memref<640xf32, #tpu.memory_space<vmem>>, vector<16xf32>,
    tpu.vector_store %arg7[%swap3A_272], %gather3A_271 {strides = array<i32>} : memref<640xf32, #tpu.memory_space<vmem>>, vector<16xf32>,
    %add3A_274 = arith.constant 1 : i32
    %add3A_275 = vector.broadcast %add3A_274 : i32 to vector<16xi32>
    %add3A_276 = arith.addi %mul3A_270, %add3A_275 : vector<16xi32>
    %gather3A_277 = tpu.vector_load_idx %arg5[%add3A_276] : memref<81920xf32, #tpu.memory_space<vmem>>[vector<16xi32>], vector<16xf32>,
    %swap3A_278 = arith.constant 304 : index
    %swap3A_279 = tpu.vector_load %arg8[%swap3A_278] {strides = array<i32>} : memref<640xf32, #tpu.memory_space<vmem>>, vector<16xf32>,
    tpu.vector_store %arg8[%swap3A_278], %gather3A_277 {strides = array<i32>} : memref<640xf32, #tpu.memory_space<vmem>>, vector<16xf32>,
    %get3A_280 = arith.constant 320 : index
    %get3A_281 = tpu.vector_load %arg6[%get3A_280] {strides = array<i32>} : memref<640xi32, #tpu.memory_space<vmem>>, vector<16xi32>,
    %mul3A_282 = arith.constant 2 : i32
    %mul3A_283 = vector.broadcast %mul3A_282 : i32 to vector<16xi32>
    %mul3A_284 = arith.muli %get3A_281, %mul3A_283 : vector<16xi32>
    %gather3A_285 = tpu.vector_load_idx %arg5[%mul3A_284] : memref<81920xf32, #tpu.memory_space<vmem>>[vector<16xi32>], vector<16xf32>,
    %swap3A_286 = arith.constant 320 : index
    %swap3A_287 = tpu.vector_load %arg7[%swap3A_286] {strides = array<i32>} : memref<640xf32, #tpu.memory_space<vmem>>, vector<16xf32>,
    tpu.vector_store %arg7[%swap3A_286], %gather3A_285 {strides = array<i32>} : memref<640xf32, #tpu.memory_space<vmem>>, vector<16xf32>,
    %add3A_288 = arith.constant 1 : i32
    %add3A_289 = vector.broadcast %add3A_288 : i32 to vector<16xi32>
    %add3A_290 = arith.addi %mul3A_284, %add3A_289 : vector<16xi32>
    %gather3A_291 = tpu.vector_load_idx %arg5[%add3A_290] : memref<81920xf32, #tpu.memory_space<vmem>>[vector<16xi32>], vector<16xf32>,
    %swap3A_292 = arith.constant 320 : index
    %swap3A_293 = tpu.vector_load %arg8[%swap3A_292] {strides = array<i32>} : memref<640xf32, #tpu.memory_space<vmem>>, vector<16xf32>,
    tpu.vector_store %arg8[%swap3A_292], %gather3A_291 {strides = array<i32>} : memref<640xf32, #tpu.memory_space<vmem>>, vector<16xf32>,
    %get3A_294 = arith.constant 336 : index
    %get3A_295 = tpu.vector_load %arg6[%get3A_294] {strides = array<i32>} : memref<640xi32, #tpu.memory_space<vmem>>, vector<16xi32>,
    %mul3A_296 = arith.constant 2 : i32
    %mul3A_297 = vector.broadcast %mul3A_296 : i32 to vector<16xi32>
    %mul3A_298 = arith.muli %get3A_295, %mul3A_297 : vector<16xi32>
    %gather3A_299 = tpu.vector_load_idx %arg5[%mul3A_298] : memref<81920xf32, #tpu.memory_space<vmem>>[vector<16xi32>], vector<16xf32>,
    %swap3A_300 = arith.constant 336 : index
    %swap3A_301 = tpu.vector_load %arg7[%swap3A_300] {strides = array<i32>} : memref<640xf32, #tpu.memory_space<vmem>>, vector<16xf32>,
    tpu.vector_store %arg7[%swap3A_300], %gather3A_299 {strides = array<i32>} : memref<640xf32, #tpu.memory_space<vmem>>, vector<16xf32>,
    %add3A_302 = arith.constant 1 : i32
    %add3A_303 = vector.broadcast %add3A_302 : i32 to vector<16xi32>
    %add3A_304 = arith.addi %mul3A_298, %add3A_303 : vector<16xi32>
    %gather3A_305 = tpu.vector_load_idx %arg5[%add3A_304] : memref<81920xf32, #tpu.memory_space<vmem>>[vector<16xi32>], vector<16xf32>,
    %swap3A_306 = arith.constant 336 : index
    %swap3A_307 = tpu.vector_load %arg8[%swap3A_306] {strides = array<i32>} : memref<640xf32, #tpu.memory_space<vmem>>, vector<16xf32>,
    tpu.vector_store %arg8[%swap3A_306], %gather3A_305 {strides = array<i32>} : memref<640xf32, #tpu.memory_space<vmem>>, vector<16xf32>,
    %get3A_308 = arith.constant 352 : index
    %get3A_309 = tpu.vector_load %arg6[%get3A_308] {strides = array<i32>} : memref<640xi32, #tpu.memory_space<vmem>>, vector<16xi32>,
    %mul3A_310 = arith.constant 2 : i32
    %mul3A_311 = vector.broadcast %mul3A_310 : i32 to vector<16xi32>
    %mul3A_312 = arith.muli %get3A_309, %mul3A_311 : vector<16xi32>
    %gather3A_313 = tpu.vector_load_idx %arg5[%mul3A_312] : memref<81920xf32, #tpu.memory_space<vmem>>[vector<16xi32>], vector<16xf32>,
    %swap3A_314 = arith.constant 352 : index
    %swap3A_315 = tpu.vector_load %arg7[%swap3A_314] {strides = array<i32>} : memref<640xf32, #tpu.memory_space<vmem>>, vector<16xf32>,
    tpu.vector_store %arg7[%swap3A_314], %gather3A_313 {strides = array<i32>} : memref<640xf32, #tpu.memory_space<vmem>>, vector<16xf32>,
    %add3A_316 = arith.constant 1 : i32
    %add3A_317 = vector.broadcast %add3A_316 : i32 to vector<16xi32>
    %add3A_318 = arith.addi %mul3A_312, %add3A_317 : vector<16xi32>
    %gather3A_319 = tpu.vector_load_idx %arg5[%add3A_318] : memref<81920xf32, #tpu.memory_space<vmem>>[vector<16xi32>], vector<16xf32>,
    %swap3A_320 = arith.constant 352 : index
    %swap3A_321 = tpu.vector_load %arg8[%swap3A_320] {strides = array<i32>} : memref<640xf32, #tpu.memory_space<vmem>>, vector<16xf32>,
    tpu.vector_store %arg8[%swap3A_320], %gather3A_319 {strides = array<i32>} : memref<640xf32, #tpu.memory_space<vmem>>, vector<16xf32>,
    %get3A_322 = arith.constant 368 : index
    %get3A_323 = tpu.vector_load %arg6[%get3A_322] {strides = array<i32>} : memref<640xi32, #tpu.memory_space<vmem>>, vector<16xi32>,
    %mul3A_324 = arith.constant 2 : i32
    %mul3A_325 = vector.broadcast %mul3A_324 : i32 to vector<16xi32>
    %mul3A_326 = arith.muli %get3A_323, %mul3A_325 : vector<16xi32>
    %gather3A_327 = tpu.vector_load_idx %arg5[%mul3A_326] : memref<81920xf32, #tpu.memory_space<vmem>>[vector<16xi32>], vector<16xf32>,
    %swap3A_328 = arith.constant 368 : index
    %swap3A_329 = tpu.vector_load %arg7[%swap3A_328] {strides = array<i32>} : memref<640xf32, #tpu.memory_space<vmem>>, vector<16xf32>,
    tpu.vector_store %arg7[%swap3A_328], %gather3A_327 {strides = array<i32>} : memref<640xf32, #tpu.memory_space<vmem>>, vector<16xf32>,
    %add3A_330 = arith.constant 1 : i32
    %add3A_331 = vector.broadcast %add3A_330 : i32 to vector<16xi32>
    %add3A_332 = arith.addi %mul3A_326, %add3A_331 : vector<16xi32>
    %gather3A_333 = tpu.vector_load_idx %arg5[%add3A_332] : memref<81920xf32, #tpu.memory_space<vmem>>[vector<16xi32>], vector<16xf32>,
    %swap3A_334 = arith.constant 368 : index
    %swap3A_335 = tpu.vector_load %arg8[%swap3A_334] {strides = array<i32>} : memref<640xf32, #tpu.memory_space<vmem>>, vector<16xf32>,
    tpu.vector_store %arg8[%swap3A_334], %gather3A_333 {strides = array<i32>} : memref<640xf32, #tpu.memory_space<vmem>>, vector<16xf32>,
    %get3A_336 = arith.constant 384 : index
    %get3A_337 = tpu.vector_load %arg6[%get3A_336] {strides = array<i32>} : memref<640xi32, #tpu.memory_space<vmem>>, vector<16xi32>,
    %mul3A_338 = arith.constant 2 : i32
    %mul3A_339 = vector.broadcast %mul3A_338 : i32 to vector<16xi32>
    %mul3A_340 = arith.muli %get3A_337, %mul3A_339 : vector<16xi32>
    %gather3A_341 = tpu.vector_load_idx %arg5[%mul3A_340] : memref<81920xf32, #tpu.memory_space<vmem>>[vector<16xi32>], vector<16xf32>,
    %swap3A_342 = arith.constant 384 : index
    %swap3A_343 = tpu.vector_load %arg7[%swap3A_342] {strides = array<i32>} : memref<640xf32, #tpu.memory_space<vmem>>, vector<16xf32>,
    tpu.vector_store %arg7[%swap3A_342], %gather3A_341 {strides = array<i32>} : memref<640xf32, #tpu.memory_space<vmem>>, vector<16xf32>,
    %add3A_344 = arith.constant 1 : i32
    %add3A_345 = vector.broadcast %add3A_344 : i32 to vector<16xi32>
    %add3A_346 = arith.addi %mul3A_340, %add3A_345 : vector<16xi32>
    %gather3A_347 = tpu.vector_load_idx %arg5[%add3A_346] : memref<81920xf32, #tpu.memory_space<vmem>>[vector<16xi32>], vector<16xf32>,
    %swap3A_348 = arith.constant 384 : index
    %swap3A_349 = tpu.vector_load %arg8[%swap3A_348] {strides = array<i32>} : memref<640xf32, #tpu.memory_space<vmem>>, vector<16xf32>,
    tpu.vector_store %arg8[%swap3A_348], %gather3A_347 {strides = array<i32>} : memref<640xf32, #tpu.memory_space<vmem>>, vector<16xf32>,
    %get3A_350 = arith.constant 400 : index
    %get3A_351 = tpu.vector_load %arg6[%get3A_350] {strides = array<i32>} : memref<640xi32, #tpu.memory_space<vmem>>, vector<16xi32>,
    %mul3A_352 = arith.constant 2 : i32
    %mul3A_353 = vector.broadcast %mul3A_352 : i32 to vector<16xi32>
    %mul3A_354 = arith.muli %get3A_351, %mul3A_353 : vector<16xi32>
    %gather3A_355 = tpu.vector_load_idx %arg5[%mul3A_354] : memref<81920xf32, #tpu.memory_space<vmem>>[vector<16xi32>], vector<16xf32>,
    %swap3A_356 = arith.constant 400 : index
    %swap3A_357 = tpu.vector_load %arg7[%swap3A_356] {strides = array<i32>} : memref<640xf32, #tpu.memory_space<vmem>>, vector<16xf32>,
    tpu.vector_store %arg7[%swap3A_356], %gather3A_355 {strides = array<i32>} : memref<640xf32, #tpu.memory_space<vmem>>, vector<16xf32>,
    %add3A_358 = arith.constant 1 : i32
    %add3A_359 = vector.broadcast %add3A_358 : i32 to vector<16xi32>
    %add3A_360 = arith.addi %mul3A_354, %add3A_359 : vector<16xi32>
    %gather3A_361 = tpu.vector_load_idx %arg5[%add3A_360] : memref<81920xf32, #tpu.memory_space<vmem>>[vector<16xi32>], vector<16xf32>,
    %swap3A_362 = arith.constant 400 : index
    %swap3A_363 = tpu.vector_load %arg8[%swap3A_362] {strides = array<i32>} : memref<640xf32, #tpu.memory_space<vmem>>, vector<16xf32>,
    tpu.vector_store %arg8[%swap3A_362], %gather3A_361 {strides = array<i32>} : memref<640xf32, #tpu.memory_space<vmem>>, vector<16xf32>,
    %get3A_364 = arith.constant 416 : index
    %get3A_365 = tpu.vector_load %arg6[%get3A_364] {strides = array<i32>} : memref<640xi32, #tpu.memory_space<vmem>>, vector<16xi32>,
    %mul3A_366 = arith.constant 2 : i32
    %mul3A_367 = vector.broadcast %mul3A_366 : i32 to vector<16xi32>
    %mul3A_368 = arith.muli %get3A_365, %mul3A_367 : vector<16xi32>
    %gather3A_369 = tpu.vector_load_idx %arg5[%mul3A_368] : memref<81920xf32, #tpu.memory_space<vmem>>[vector<16xi32>], vector<16xf32>,
    %swap3A_370 = arith.constant 416 : index
    %swap3A_371 = tpu.vector_load %arg7[%swap3A_370] {strides = array<i32>} : memref<640xf32, #tpu.memory_space<vmem>>, vector<16xf32>,
    tpu.vector_store %arg7[%swap3A_370], %gather3A_369 {strides = array<i32>} : memref<640xf32, #tpu.memory_space<vmem>>, vector<16xf32>,
    %add3A_372 = arith.constant 1 : i32
    %add3A_373 = vector.broadcast %add3A_372 : i32 to vector<16xi32>
    %add3A_374 = arith.addi %mul3A_368, %add3A_373 : vector<16xi32>
    %gather3A_375 = tpu.vector_load_idx %arg5[%add3A_374] : memref<81920xf32, #tpu.memory_space<vmem>>[vector<16xi32>], vector<16xf32>,
    %swap3A_376 = arith.constant 416 : index
    %swap3A_377 = tpu.vector_load %arg8[%swap3A_376] {strides = array<i32>} : memref<640xf32, #tpu.memory_space<vmem>>, vector<16xf32>,
    tpu.vector_store %arg8[%swap3A_376], %gather3A_375 {strides = array<i32>} : memref<640xf32, #tpu.memory_space<vmem>>, vector<16xf32>,
    %get3A_378 = arith.constant 432 : index
    %get3A_379 = tpu.vector_load %arg6[%get3A_378] {strides = array<i32>} : memref<640xi32, #tpu.memory_space<vmem>>, vector<16xi32>,
    %mul3A_380 = arith.constant 2 : i32
    %mul3A_381 = vector.broadcast %mul3A_380 : i32 to vector<16xi32>
    %mul3A_382 = arith.muli %get3A_379, %mul3A_381 : vector<16xi32>
    %gather3A_383 = tpu.vector_load_idx %arg5[%mul3A_382] : memref<81920xf32, #tpu.memory_space<vmem>>[vector<16xi32>], vector<16xf32>,
    %swap3A_384 = arith.constant 432 : index
    %swap3A_385 = tpu.vector_load %arg7[%swap3A_384] {strides = array<i32>} : memref<640xf32, #tpu.memory_space<vmem>>, vector<16xf32>,
    tpu.vector_store %arg7[%swap3A_384], %gather3A_383 {strides = array<i32>} : memref<640xf32, #tpu.memory_space<vmem>>, vector<16xf32>,
    %add3A_386 = arith.constant 1 : i32
    %add3A_387 = vector.broadcast %add3A_386 : i32 to vector<16xi32>
    %add3A_388 = arith.addi %mul3A_382, %add3A_387 : vector<16xi32>
    %gather3A_389 = tpu.vector_load_idx %arg5[%add3A_388] : memref<81920xf32, #tpu.memory_space<vmem>>[vector<16xi32>], vector<16xf32>,
    %swap3A_390 = arith.constant 432 : index
    %swap3A_391 = tpu.vector_load %arg8[%swap3A_390] {strides = array<i32>} : memref<640xf32, #tpu.memory_space<vmem>>, vector<16xf32>,
    tpu.vector_store %arg8[%swap3A_390], %gather3A_389 {strides = array<i32>} : memref<640xf32, #tpu.memory_space<vmem>>, vector<16xf32>,
    %get3A_392 = arith.constant 448 : index
    %get3A_393 = tpu.vector_load %arg6[%get3A_392] {strides = array<i32>} : memref<640xi32, #tpu.memory_space<vmem>>, vector<16xi32>,
    %mul3A_394 = arith.constant 2 : i32
    %mul3A_395 = vector.broadcast %mul3A_394 : i32 to vector<16xi32>
    %mul3A_396 = arith.muli %get3A_393, %mul3A_395 : vector<16xi32>
    %gather3A_397 = tpu.vector_load_idx %arg5[%mul3A_396] : memref<81920xf32, #tpu.memory_space<vmem>>[vector<16xi32>], vector<16xf32>,
    %swap3A_398 = arith.constant 448 : index
    %swap3A_399 = tpu.vector_load %arg7[%swap3A_398] {strides = array<i32>} : memref<640xf32, #tpu.memory_space<vmem>>, vector<16xf32>,
    tpu.vector_store %arg7[%swap3A_398], %gather3A_397 {strides = array<i32>} : memref<640xf32, #tpu.memory_space<vmem>>, vector<16xf32>,
    %add3A_400 = arith.constant 1 : i32
    %add3A_401 = vector.broadcast %add3A_400 : i32 to vector<16xi32>
    %add3A_402 = arith.addi %mul3A_396, %add3A_401 : vector<16xi32>
    %gather3A_403 = tpu.vector_load_idx %arg5[%add3A_402] : memref<81920xf32, #tpu.memory_space<vmem>>[vector<16xi32>], vector<16xf32>,
    %swap3A_404 = arith.constant 448 : index
    %swap3A_405 = tpu.vector_load %arg8[%swap3A_404] {strides = array<i32>} : memref<640xf32, #tpu.memory_space<vmem>>, vector<16xf32>,
    tpu.vector_store %arg8[%swap3A_404], %gather3A_403 {strides = array<i32>} : memref<640xf32, #tpu.memory_space<vmem>>, vector<16xf32>,
    %get3A_406 = arith.constant 464 : index
    %get3A_407 = tpu.vector_load %arg6[%get3A_406] {strides = array<i32>} : memref<640xi32, #tpu.memory_space<vmem>>, vector<16xi32>,
    %mul3A_408 = arith.constant 2 : i32
    %mul3A_409 = vector.broadcast %mul3A_408 : i32 to vector<16xi32>
    %mul3A_410 = arith.muli %get3A_407, %mul3A_409 : vector<16xi32>
    %gather3A_411 = tpu.vector_load_idx %arg5[%mul3A_410] : memref<81920xf32, #tpu.memory_space<vmem>>[vector<16xi32>], vector<16xf32>,
    %swap3A_412 = arith.constant 464 : index
    %swap3A_413 = tpu.vector_load %arg7[%swap3A_412] {strides = array<i32>} : memref<640xf32, #tpu.memory_space<vmem>>, vector<16xf32>,
    tpu.vector_store %arg7[%swap3A_412], %gather3A_411 {strides = array<i32>} : memref<640xf32, #tpu.memory_space<vmem>>, vector<16xf32>,
    %add3A_414 = arith.constant 1 : i32
    %add3A_415 = vector.broadcast %add3A_414 : i32 to vector<16xi32>
    %add3A_416 = arith.addi %mul3A_410, %add3A_415 : vector<16xi32>
    %gather3A_417 = tpu.vector_load_idx %arg5[%add3A_416] : memref<81920xf32, #tpu.memory_space<vmem>>[vector<16xi32>], vector<16xf32>,
    %swap3A_418 = arith.constant 464 : index
    %swap3A_419 = tpu.vector_load %arg8[%swap3A_418] {strides = array<i32>} : memref<640xf32, #tpu.memory_space<vmem>>, vector<16xf32>,
    tpu.vector_store %arg8[%swap3A_418], %gather3A_417 {strides = array<i32>} : memref<640xf32, #tpu.memory_space<vmem>>, vector<16xf32>,
    %get3A_420 = arith.constant 480 : index
    %get3A_421 = tpu.vector_load %arg6[%get3A_420] {strides = array<i32>} : memref<640xi32, #tpu.memory_space<vmem>>, vector<16xi32>,
    %mul3A_422 = arith.constant 2 : i32
    %mul3A_423 = vector.broadcast %mul3A_422 : i32 to vector<16xi32>
    %mul3A_424 = arith.muli %get3A_421, %mul3A_423 : vector<16xi32>
    %gather3A_425 = tpu.vector_load_idx %arg5[%mul3A_424] : memref<81920xf32, #tpu.memory_space<vmem>>[vector<16xi32>], vector<16xf32>,
    %swap3A_426 = arith.constant 480 : index
    %swap3A_427 = tpu.vector_load %arg7[%swap3A_426] {strides = array<i32>} : memref<640xf32, #tpu.memory_space<vmem>>, vector<16xf32>,
    tpu.vector_store %arg7[%swap3A_426], %gather3A_425 {strides = array<i32>} : memref<640xf32, #tpu.memory_space<vmem>>, vector<16xf32>,
    %add3A_428 = arith.constant 1 : i32
    %add3A_429 = vector.broadcast %add3A_428 : i32 to vector<16xi32>
    %add3A_430 = arith.addi %mul3A_424, %add3A_429 : vector<16xi32>
    %gather3A_431 = tpu.vector_load_idx %arg5[%add3A_430] : memref<81920xf32, #tpu.memory_space<vmem>>[vector<16xi32>], vector<16xf32>,
    %swap3A_432 = arith.constant 480 : index
    %swap3A_433 = tpu.vector_load %arg8[%swap3A_432] {strides = array<i32>} : memref<640xf32, #tpu.memory_space<vmem>>, vector<16xf32>,
    tpu.vector_store %arg8[%swap3A_432], %gather3A_431 {strides = array<i32>} : memref<640xf32, #tpu.memory_space<vmem>>, vector<16xf32>,
    %get3A_434 = arith.constant 496 : index
    %get3A_435 = tpu.vector_load %arg6[%get3A_434] {strides = array<i32>} : memref<640xi32, #tpu.memory_space<vmem>>, vector<16xi32>,
    %mul3A_436 = arith.constant 2 : i32
    %mul3A_437 = vector.broadcast %mul3A_436 : i32 to vector<16xi32>
    %mul3A_438 = arith.muli %get3A_435, %mul3A_437 : vector<16xi32>
    %gather3A_439 = tpu.vector_load_idx %arg5[%mul3A_438] : memref<81920xf32, #tpu.memory_space<vmem>>[vector<16xi32>], vector<16xf32>,
    %swap3A_440 = arith.constant 496 : index
    %swap3A_441 = tpu.vector_load %arg7[%swap3A_440] {strides = array<i32>} : memref<640xf32, #tpu.memory_space<vmem>>, vector<16xf32>,
    tpu.vector_store %arg7[%swap3A_440], %gather3A_439 {strides = array<i32>} : memref<640xf32, #tpu.memory_space<vmem>>, vector<16xf32>,
    %add3A_442 = arith.constant 1 : i32
    %add3A_443 = vector.broadcast %add3A_442 : i32 to vector<16xi32>
    %add3A_444 = arith.addi %mul3A_438, %add3A_443 : vector<16xi32>
    %gather3A_445 = tpu.vector_load_idx %arg5[%add3A_444] : memref<81920xf32, #tpu.memory_space<vmem>>[vector<16xi32>], vector<16xf32>,
    %swap3A_446 = arith.constant 496 : index
    %swap3A_447 = tpu.vector_load %arg8[%swap3A_446] {strides = array<i32>} : memref<640xf32, #tpu.memory_space<vmem>>, vector<16xf32>,
    tpu.vector_store %arg8[%swap3A_446], %gather3A_445 {strides = array<i32>} : memref<640xf32, #tpu.memory_space<vmem>>, vector<16xf32>,
    %get3A_448 = arith.constant 512 : index
    %get3A_449 = tpu.vector_load %arg6[%get3A_448] {strides = array<i32>} : memref<640xi32, #tpu.memory_space<vmem>>, vector<16xi32>,
    %mul3A_450 = arith.constant 2 : i32
    %mul3A_451 = vector.broadcast %mul3A_450 : i32 to vector<16xi32>
    %mul3A_452 = arith.muli %get3A_449, %mul3A_451 : vector<16xi32>
    %gather3A_453 = tpu.vector_load_idx %arg5[%mul3A_452] : memref<81920xf32, #tpu.memory_space<vmem>>[vector<16xi32>], vector<16xf32>,
    %swap3A_454 = arith.constant 512 : index
    %swap3A_455 = tpu.vector_load %arg7[%swap3A_454] {strides = array<i32>} : memref<640xf32, #tpu.memory_space<vmem>>, vector<16xf32>,
    tpu.vector_store %arg7[%swap3A_454], %gather3A_453 {strides = array<i32>} : memref<640xf32, #tpu.memory_space<vmem>>, vector<16xf32>,
    %add3A_456 = arith.constant 1 : i32
    %add3A_457 = vector.broadcast %add3A_456 : i32 to vector<16xi32>
    %add3A_458 = arith.addi %mul3A_452, %add3A_457 : vector<16xi32>
    %gather3A_459 = tpu.vector_load_idx %arg5[%add3A_458] : memref<81920xf32, #tpu.memory_space<vmem>>[vector<16xi32>], vector<16xf32>,
    %swap3A_460 = arith.constant 512 : index
    %swap3A_461 = tpu.vector_load %arg8[%swap3A_460] {strides = array<i32>} : memref<640xf32, #tpu.memory_space<vmem>>, vector<16xf32>,
    tpu.vector_store %arg8[%swap3A_460], %gather3A_459 {strides = array<i32>} : memref<640xf32, #tpu.memory_space<vmem>>, vector<16xf32>,
    %get3A_462 = arith.constant 528 : index
    %get3A_463 = tpu.vector_load %arg6[%get3A_462] {strides = array<i32>} : memref<640xi32, #tpu.memory_space<vmem>>, vector<16xi32>,
    %mul3A_464 = arith.constant 2 : i32
    %mul3A_465 = vector.broadcast %mul3A_464 : i32 to vector<16xi32>
    %mul3A_466 = arith.muli %get3A_463, %mul3A_465 : vector<16xi32>
    %gather3A_467 = tpu.vector_load_idx %arg5[%mul3A_466] : memref<81920xf32, #tpu.memory_space<vmem>>[vector<16xi32>], vector<16xf32>,
    %swap3A_468 = arith.constant 528 : index
    %swap3A_469 = tpu.vector_load %arg7[%swap3A_468] {strides = array<i32>} : memref<640xf32, #tpu.memory_space<vmem>>, vector<16xf32>,
    tpu.vector_store %arg7[%swap3A_468], %gather3A_467 {strides = array<i32>} : memref<640xf32, #tpu.memory_space<vmem>>, vector<16xf32>,
    %add3A_470 = arith.constant 1 : i32
    %add3A_471 = vector.broadcast %add3A_470 : i32 to vector<16xi32>
    %add3A_472 = arith.addi %mul3A_466, %add3A_471 : vector<16xi32>
    %gather3A_473 = tpu.vector_load_idx %arg5[%add3A_472] : memref<81920xf32, #tpu.memory_space<vmem>>[vector<16xi32>], vector<16xf32>,
    %swap3A_474 = arith.constant 528 : index
    %swap3A_475 = tpu.vector_load %arg8[%swap3A_474] {strides = array<i32>} : memref<640xf32, #tpu.memory_space<vmem>>, vector<16xf32>,
    tpu.vector_store %arg8[%swap3A_474], %gather3A_473 {strides = array<i32>} : memref<640xf32, #tpu.memory_space<vmem>>, vector<16xf32>,
    %get3A_476 = arith.constant 544 : index
    %get3A_477 = tpu.vector_load %arg6[%get3A_476] {strides = array<i32>} : memref<640xi32, #tpu.memory_space<vmem>>, vector<16xi32>,
    %mul3A_478 = arith.constant 2 : i32
    %mul3A_479 = vector.broadcast %mul3A_478 : i32 to vector<16xi32>
    %mul3A_480 = arith.muli %get3A_477, %mul3A_479 : vector<16xi32>
    %gather3A_481 = tpu.vector_load_idx %arg5[%mul3A_480] : memref<81920xf32, #tpu.memory_space<vmem>>[vector<16xi32>], vector<16xf32>,
    %swap3A_482 = arith.constant 544 : index
    %swap3A_483 = tpu.vector_load %arg7[%swap3A_482] {strides = array<i32>} : memref<640xf32, #tpu.memory_space<vmem>>, vector<16xf32>,
    tpu.vector_store %arg7[%swap3A_482], %gather3A_481 {strides = array<i32>} : memref<640xf32, #tpu.memory_space<vmem>>, vector<16xf32>,
    %add3A_484 = arith.constant 1 : i32
    %add3A_485 = vector.broadcast %add3A_484 : i32 to vector<16xi32>
    %add3A_486 = arith.addi %mul3A_480, %add3A_485 : vector<16xi32>
    %gather3A_487 = tpu.vector_load_idx %arg5[%add3A_486] : memref<81920xf32, #tpu.memory_space<vmem>>[vector<16xi32>], vector<16xf32>,
    %swap3A_488 = arith.constant 544 : index
    %swap3A_489 = tpu.vector_load %arg8[%swap3A_488] {strides = array<i32>} : memref<640xf32, #tpu.memory_space<vmem>>, vector<16xf32>,
    tpu.vector_store %arg8[%swap3A_488], %gather3A_487 {strides = array<i32>} : memref<640xf32, #tpu.memory_space<vmem>>, vector<16xf32>,
    %get3A_490 = arith.constant 560 : index
    %get3A_491 = tpu.vector_load %arg6[%get3A_490] {strides = array<i32>} : memref<640xi32, #tpu.memory_space<vmem>>, vector<16xi32>,
    %mul3A_492 = arith.constant 2 : i32
    %mul3A_493 = vector.broadcast %mul3A_492 : i32 to vector<16xi32>
    %mul3A_494 = arith.muli %get3A_491, %mul3A_493 : vector<16xi32>
    %gather3A_495 = tpu.vector_load_idx %arg5[%mul3A_494] : memref<81920xf32, #tpu.memory_space<vmem>>[vector<16xi32>], vector<16xf32>,
    %swap3A_496 = arith.constant 560 : index
    %swap3A_497 = tpu.vector_load %arg7[%swap3A_496] {strides = array<i32>} : memref<640xf32, #tpu.memory_space<vmem>>, vector<16xf32>,
    tpu.vector_store %arg7[%swap3A_496], %gather3A_495 {strides = array<i32>} : memref<640xf32, #tpu.memory_space<vmem>>, vector<16xf32>,
    %add3A_498 = arith.constant 1 : i32
    %add3A_499 = vector.broadcast %add3A_498 : i32 to vector<16xi32>
    %add3A_500 = arith.addi %mul3A_494, %add3A_499 : vector<16xi32>
    %gather3A_501 = tpu.vector_load_idx %arg5[%add3A_500] : memref<81920xf32, #tpu.memory_space<vmem>>[vector<16xi32>], vector<16xf32>,
    %swap3A_502 = arith.constant 560 : index
    %swap3A_503 = tpu.vector_load %arg8[%swap3A_502] {strides = array<i32>} : memref<640xf32, #tpu.memory_space<vmem>>, vector<16xf32>,
    tpu.vector_store %arg8[%swap3A_502], %gather3A_501 {strides = array<i32>} : memref<640xf32, #tpu.memory_space<vmem>>, vector<16xf32>,
    %get3A_504 = arith.constant 576 : index
    %get3A_505 = tpu.vector_load %arg6[%get3A_504] {strides = array<i32>} : memref<640xi32, #tpu.memory_space<vmem>>, vector<16xi32>,
    %mul3A_506 = arith.constant 2 : i32
    %mul3A_507 = vector.broadcast %mul3A_506 : i32 to vector<16xi32>
    %mul3A_508 = arith.muli %get3A_505, %mul3A_507 : vector<16xi32>
    %gather3A_509 = tpu.vector_load_idx %arg5[%mul3A_508] : memref<81920xf32, #tpu.memory_space<vmem>>[vector<16xi32>], vector<16xf32>,
    %swap3A_510 = arith.constant 576 : index
    %swap3A_511 = tpu.vector_load %arg7[%swap3A_510] {strides = array<i32>} : memref<640xf32, #tpu.memory_space<vmem>>, vector<16xf32>,
    tpu.vector_store %arg7[%swap3A_510], %gather3A_509 {strides = array<i32>} : memref<640xf32, #tpu.memory_space<vmem>>, vector<16xf32>,
    %add3A_512 = arith.constant 1 : i32
    %add3A_513 = vector.broadcast %add3A_512 : i32 to vector<16xi32>
    %add3A_514 = arith.addi %mul3A_508, %add3A_513 : vector<16xi32>
    %gather3A_515 = tpu.vector_load_idx %arg5[%add3A_514] : memref<81920xf32, #tpu.memory_space<vmem>>[vector<16xi32>], vector<16xf32>,
    %swap3A_516 = arith.constant 576 : index
    %swap3A_517 = tpu.vector_load %arg8[%swap3A_516] {strides = array<i32>} : memref<640xf32, #tpu.memory_space<vmem>>, vector<16xf32>,
    tpu.vector_store %arg8[%swap3A_516], %gather3A_515 {strides = array<i32>} : memref<640xf32, #tpu.memory_space<vmem>>, vector<16xf32>,
    %get3A_518 = arith.constant 592 : index
    %get3A_519 = tpu.vector_load %arg6[%get3A_518] {strides = array<i32>} : memref<640xi32, #tpu.memory_space<vmem>>, vector<16xi32>,
    %mul3A_520 = arith.constant 2 : i32
    %mul3A_521 = vector.broadcast %mul3A_520 : i32 to vector<16xi32>
    %mul3A_522 = arith.muli %get3A_519, %mul3A_521 : vector<16xi32>
    %gather3A_523 = tpu.vector_load_idx %arg5[%mul3A_522] : memref<81920xf32, #tpu.memory_space<vmem>>[vector<16xi32>], vector<16xf32>,
    %swap3A_524 = arith.constant 592 : index
    %swap3A_525 = tpu.vector_load %arg7[%swap3A_524] {strides = array<i32>} : memref<640xf32, #tpu.memory_space<vmem>>, vector<16xf32>,
    tpu.vector_store %arg7[%swap3A_524], %gather3A_523 {strides = array<i32>} : memref<640xf32, #tpu.memory_space<vmem>>, vector<16xf32>,
    %add3A_526 = arith.constant 1 : i32
    %add3A_527 = vector.broadcast %add3A_526 : i32 to vector<16xi32>
    %add3A_528 = arith.addi %mul3A_522, %add3A_527 : vector<16xi32>
    %gather3A_529 = tpu.vector_load_idx %arg5[%add3A_528] : memref<81920xf32, #tpu.memory_space<vmem>>[vector<16xi32>], vector<16xf32>,
    %swap3A_530 = arith.constant 592 : index
    %swap3A_531 = tpu.vector_load %arg8[%swap3A_530] {strides = array<i32>} : memref<640xf32, #tpu.memory_space<vmem>>, vector<16xf32>,
    tpu.vector_store %arg8[%swap3A_530], %gather3A_529 {strides = array<i32>} : memref<640xf32, #tpu.memory_space<vmem>>, vector<16xf32>,
    %get3A_532 = arith.constant 608 : index
    %get3A_533 = tpu.vector_load %arg6[%get3A_532] {strides = array<i32>} : memref<640xi32, #tpu.memory_space<vmem>>, vector<16xi32>,
    %mul3A_534 = arith.constant 2 : i32
    %mul3A_535 = vector.broadcast %mul3A_534 : i32 to vector<16xi32>
    %mul3A_536 = arith.muli %get3A_533, %mul3A_535 : vector<16xi32>
    %gather3A_537 = tpu.vector_load_idx %arg5[%mul3A_536] : memref<81920xf32, #tpu.memory_space<vmem>>[vector<16xi32>], vector<16xf32>,
    %swap3A_538 = arith.constant 608 : index
    %swap3A_539 = tpu.vector_load %arg7[%swap3A_538] {strides = array<i32>} : memref<640xf32, #tpu.memory_space<vmem>>, vector<16xf32>,
    tpu.vector_store %arg7[%swap3A_538], %gather3A_537 {strides = array<i32>} : memref<640xf32, #tpu.memory_space<vmem>>, vector<16xf32>,
    %add3A_540 = arith.constant 1 : i32
    %add3A_541 = vector.broadcast %add3A_540 : i32 to vector<16xi32>
    %add3A_542 = arith.addi %mul3A_536, %add3A_541 : vector<16xi32>
    %gather3A_543 = tpu.vector_load_idx %arg5[%add3A_542] : memref<81920xf32, #tpu.memory_space<vmem>>[vector<16xi32>], vector<16xf32>,
    %swap3A_544 = arith.constant 608 : index
    %swap3A_545 = tpu.vector_load %arg8[%swap3A_544] {strides = array<i32>} : memref<640xf32, #tpu.memory_space<vmem>>, vector<16xf32>,
    tpu.vector_store %arg8[%swap3A_544], %gather3A_543 {strides = array<i32>} : memref<640xf32, #tpu.memory_space<vmem>>, vector<16xf32>,
    %get3A_546 = arith.constant 624 : index
    %get3A_547 = tpu.vector_load %arg6[%get3A_546] {strides = array<i32>} : memref<640xi32, #tpu.memory_space<vmem>>, vector<16xi32>,
    %mul3A_548 = arith.constant 2 : i32
    %mul3A_549 = vector.broadcast %mul3A_548 : i32 to vector<16xi32>
    %mul3A_550 = arith.muli %get3A_547, %mul3A_549 : vector<16xi32>
    %gather3A_551 = tpu.vector_load_idx %arg5[%mul3A_550] : memref<81920xf32, #tpu.memory_space<vmem>>[vector<16xi32>], vector<16xf32>,
    %swap3A_552 = arith.constant 624 : index
    %swap3A_553 = tpu.vector_load %arg7[%swap3A_552] {strides = array<i32>} : memref<640xf32, #tpu.memory_space<vmem>>, vector<16xf32>,
    tpu.vector_store %arg7[%swap3A_552], %gather3A_551 {strides = array<i32>} : memref<640xf32, #tpu.memory_space<vmem>>, vector<16xf32>,
    %add3A_554 = arith.constant 1 : i32
    %add3A_555 = vector.broadcast %add3A_554 : i32 to vector<16xi32>
    %add3A_556 = arith.addi %mul3A_550, %add3A_555 : vector<16xi32>
    %gather3A_557 = tpu.vector_load_idx %arg5[%add3A_556] : memref<81920xf32, #tpu.memory_space<vmem>>[vector<16xi32>], vector<16xf32>,
    %swap3A_558 = arith.constant 624 : index
    %swap3A_559 = tpu.vector_load %arg8[%swap3A_558] {strides = array<i32>} : memref<640xf32, #tpu.memory_space<vmem>>, vector<16xf32>,
    tpu.vector_store %arg8[%swap3A_558], %gather3A_557 {strides = array<i32>} : memref<640xf32, #tpu.memory_space<vmem>>, vector<16xf32>,
    %mul3A_560 = arith.constant 640 : i32
    %mul3A_561 = arith.muli %add3A, %mul3A_560 : i32
    "tpu.region"() ({
      %run_scoped3A = tpu.sem_alloc : memref<!tpu.dma_semaphore, #tpu.memory_space<semaphore_mem>>
      %dma_start3A = tpu.memref_slice %arg4[%mul3A_561] : memref<40960xf32, #tpu.memory_space<hbm>> -> memref<640xf32, #tpu.memory_space<hbm>>
      %dma_start3A_566 = tpu.memref_slice %arg4[%mul3A_561] : memref<40960xf32, #tpu.memory_space<hbm>> -> memref<640xf32, #tpu.memory_space<hbm>>
      tpu.enqueue_dma source(%arg7 : memref<640xf32, #tpu.memory_space<vmem>>) target(%dma_start3A_566 : memref<640xf32, #tpu.memory_space<hbm>>) target_semaphore(%run_scoped3A : memref<!tpu.dma_semaphore, #tpu.memory_space<semaphore_mem>>)
      %dma_wait3A = tpu.memref_slice %arg4[%mul3A_561] : memref<40960xf32, #tpu.memory_space<hbm>> -> memref<640xf32, #tpu.memory_space<hbm>>
      %dma_wait3A_567 = tpu.memref_slice %arg4[%mul3A_561] : memref<40960xf32, #tpu.memory_space<hbm>> -> memref<640xf32, #tpu.memory_space<hbm>>
      tpu.wait_dma2 semaphore(%run_scoped3A : memref<!tpu.dma_semaphore, #tpu.memory_space<semaphore_mem>>) src(%arg7 : memref<640xf32, #tpu.memory_space<vmem>>) dst(%dma_wait3A_567 : memref<640xf32, #tpu.memory_space<hbm>>)
      tpu.yield
    }) : () -> ()
    %mul3A_562 = arith.constant 640 : i32
    %mul3A_563 = arith.muli %add3A, %mul3A_562 : i32
    %add3A_564 = arith.constant 20480 : i32
    %add3A_565 = arith.addi %add3A_564, %mul3A_563 : i32
    "tpu.region"() ({
      %run_scoped3A = tpu.sem_alloc : memref<!tpu.dma_semaphore, #tpu.memory_space<semaphore_mem>>
      %dma_start3A = tpu.memref_slice %arg4[%add3A_565] : memref<40960xf32, #tpu.memory_space<hbm>> -> memref<640xf32, #tpu.memory_space<hbm>>
      %dma_start3A_566 = tpu.memref_slice %arg4[%add3A_565] : memref<40960xf32, #tpu.memory_space<hbm>> -> memref<640xf32, #tpu.memory_space<hbm>>
      tpu.enqueue_dma source(%arg8 : memref<640xf32, #tpu.memory_space<vmem>>) target(%dma_start3A_566 : memref<640xf32, #tpu.memory_space<hbm>>) target_semaphore(%run_scoped3A : memref<!tpu.dma_semaphore, #tpu.memory_space<semaphore_mem>>)
      %dma_wait3A = tpu.memref_slice %arg4[%add3A_565] : memref<40960xf32, #tpu.memory_space<hbm>> -> memref<640xf32, #tpu.memory_space<hbm>>
      %dma_wait3A_567 = tpu.memref_slice %arg4[%add3A_565] : memref<40960xf32, #tpu.memory_space<hbm>> -> memref<640xf32, #tpu.memory_space<hbm>>
      tpu.wait_dma2 semaphore(%run_scoped3A : memref<!tpu.dma_semaphore, #tpu.memory_space<semaphore_mem>>) src(%arg8 : memref<640xf32, #tpu.memory_space<vmem>>) dst(%dma_wait3A_567 : memref<640xf32, #tpu.memory_space<hbm>>)
      tpu.yield
    }) : () -> ()
    return
  }
}

module attributes {stable_mosaic.version = 14 : i64} {
  func.func @_tc_body(%arg0: i32, %arg1: memref<256x60xf32, #tpu.memory_space<vmem>>, %arg2: memref<60x1280xf32, #tpu.memory_space<vmem>>, %arg3: memref<1x1280xf32, #tpu.memory_space<vmem>>, %arg4: memref<128x4096xbf16, #tpu.memory_space<vmem>>, %arg5: memref<256x10xi32, #tpu.memory_space<vmem>>) attributes {dimension_semantics = [#tpu.dimension_semantics<arbitrary>], iteration_bounds = array<i64: 8>, scalar_prefetch = 0 : i64, scratch_operands = 0 : i64, tpu.core_type = #tpu.core_type<tc>, window_params = [{transform_indices = @transform_0, window_bounds = array<i64: 256, 60>}, {pipeline_mode = #tpu.pipeline_mode<synchronous>, transform_indices = @transform_1, window_bounds = array<i64: 60, 1280>}, {pipeline_mode = #tpu.pipeline_mode<synchronous>, transform_indices = @transform_2, window_bounds = array<i64: 1, 1280>}, {pipeline_mode = #tpu.pipeline_mode<synchronous>, transform_indices = @transform_3, window_bounds = array<i64: 128, 4096>}, {transform_indices = @transform_4, window_bounds = array<i64: 256, 10>}]} {
    %get3A = arith.constant 0 : index
    %get3A_0 = arith.constant 0 : index
    %get3A_1 = vector.load %arg1[%get3A, %get3A_0] : memref<256x60xf32, #tpu.memory_space<vmem>>, vector<256x60xf32>
    %get3A_2 = arith.constant 0 : index
    %get3A_3 = arith.constant 0 : index
    %get3A_4 = vector.load %arg2[%get3A_2, %get3A_3] : memref<60x1280xf32, #tpu.memory_space<vmem>>, vector<60x1280xf32>
    %dot_general3A = arith.constant dense<0.000000e+00> : vector<256x1280xf32>
    %dot_general3A_5 = tpu.matmul %get3A_1, %get3A_4, %dot_general3A {dimension_numbers = #tpu.dot_dimension_numbers<[1], [0], [0], [1], [0, 0, 1, 1], [], []>, transpose_lhs_hint = false} : vector<256x60xf32>, vector<60x1280xf32>, vector<256x1280xf32> -> vector<256x1280xf32>
    %get3A_6 = arith.constant 0 : index
    %get3A_7 = arith.constant 0 : index
    %get3A_8 = vector.load %arg3[%get3A_6, %get3A_7] : memref<1x1280xf32, #tpu.memory_space<vmem>>, vector<1x1280xf32>
    %sub3A = vector.broadcast %get3A_8 : vector<1x1280xf32> to vector<256x1280xf32>
    %sub3A_9 = arith.subf %dot_general3A_5, %sub3A : vector<256x1280xf32>
    %sub3A_10 = arith.constant 9.99999974E-5 : f32
    %sub3A_11 = vector.broadcast %sub3A_10 : f32 to vector<256x1280xf32>
    %sub3A_12 = arith.subf %sub3A_9, %sub3A_11 : vector<256x1280xf32>
    %sign3A = tpu.bitcast %sub3A_12 : vector<256x1280xf32> -> vector<256x1280xi32>
    %sign3A_13 = arith.constant -2147483648 : i32
    %sign3A_14 = vector.broadcast %sign3A_13 : i32 to vector<256x1280xi32>
    %sign3A_15 = arith.andi %sign3A, %sign3A_14 : vector<256x1280xi32>
    %sign3A_16 = arith.constant 1065353216 : i32
    %sign3A_17 = vector.broadcast %sign3A_16 : i32 to vector<256x1280xi32>
    %sign3A_18 = arith.ori %sign3A_17, %sign3A_15 : vector<256x1280xi32>
    %sign3A_19 = tpu.bitcast %sign3A_18 : vector<256x1280xi32> -> vector<256x1280xf32>
    %sign3A_20 = math.absf %sub3A_12 : vector<256x1280xf32>
    %sign3A_21 = arith.constant 0.000000e+00 : f32
    %sign3A_22 = vector.broadcast %sign3A_21 : f32 to vector<256x1280xf32>
    %sign3A_23 = arith.cmpf ogt, %sign3A_20, %sign3A_22 : vector<256x1280xf32>
    %sign3A_24 = arith.select %sign3A_23, %sign3A_19, %sub3A_12 : vector<256x1280xi1>, vector<256x1280xf32>
    %convert_element_type3A = arith.truncf %sign3A_24 : vector<256x1280xf32> to vector<256x1280xbf16>
    %get3A_25 = arith.constant 0 : index
    %get3A_26 = arith.constant 0 : index
    %get3A_27 = vector.load %arg4[%get3A_25, %get3A_26] : memref<128x4096xbf16, #tpu.memory_space<vmem>>, vector<128x4096xbf16>
    %slice3A = vector.extract_strided_slice %convert_element_type3A {offsets = [0, 0], sizes = [256, 128], strides = [1, 1]} : vector<256x1280xbf16> to vector<256x128xbf16>
    %dot_general3A_28 = arith.constant dense<0.000000e+00> : vector<256x4096xf32>
    %dot_general3A_29 = tpu.matmul %slice3A, %get3A_27, %dot_general3A_28 {dimension_numbers = #tpu.dot_dimension_numbers<[1], [0], [0], [1], [0, 0, 1, 1], [], []>, transpose_lhs_hint = false} : vector<256x128xbf16>, vector<128x4096xbf16>, vector<256x4096xf32> -> vector<256x4096xf32>
    %broadcast_in_dim3A = arith.constant 0xFF800000 : f32
    %broadcast_in_dim3A_30 = vector.broadcast %broadcast_in_dim3A : f32 to vector<256x128xf32>
    %broadcast_in_dim3A_31 = arith.constant 0 : i32
    %broadcast_in_dim3A_32 = vector.broadcast %broadcast_in_dim3A_31 : i32 to vector<256x128xi32>
    %slice3A_33 = vector.extract_strided_slice %dot_general3A_29 {offsets = [0, 0], sizes = [256, 128], strides = [1, 1]} : vector<256x4096xf32> to vector<256x128xf32>
    %gt3A = arith.cmpf ogt, %slice3A_33, %broadcast_in_dim3A_30 : vector<256x128xf32>
    %select_n3A = arith.select %gt3A, %slice3A_33, %broadcast_in_dim3A_30 : vector<256x128xi1>, vector<256x128xf32>
    %jit3A = arith.constant 0 : i32
    %broadcast_in_dim3A_34 = vector.broadcast %jit3A : i32 to vector<256x128xi32>
    %select_n3A_35 = arith.select %gt3A, %broadcast_in_dim3A_34, %broadcast_in_dim3A_32 : vector<256x128xi1>, vector<256x128xi32>
    %slice3A_36 = vector.extract_strided_slice %dot_general3A_29 {offsets = [0, 128], sizes = [256, 128], strides = [1, 1]} : vector<256x4096xf32> to vector<256x128xf32>
    %gt3A_37 = arith.cmpf ogt, %slice3A_36, %select_n3A : vector<256x128xf32>
    %select_n3A_38 = arith.select %gt3A_37, %slice3A_36, %select_n3A : vector<256x128xi1>, vector<256x128xf32>
    %jit3A_39 = arith.constant 1 : i32
    %broadcast_in_dim3A_40 = vector.broadcast %jit3A_39 : i32 to vector<256x128xi32>
    %select_n3A_41 = arith.select %gt3A_37, %broadcast_in_dim3A_40, %select_n3A_35 : vector<256x128xi1>, vector<256x128xi32>
    %slice3A_42 = vector.extract_strided_slice %dot_general3A_29 {offsets = [0, 256], sizes = [256, 128], strides = [1, 1]} : vector<256x4096xf32> to vector<256x128xf32>
    %gt3A_43 = arith.cmpf ogt, %slice3A_42, %select_n3A_38 : vector<256x128xf32>
    %select_n3A_44 = arith.select %gt3A_43, %slice3A_42, %select_n3A_38 : vector<256x128xi1>, vector<256x128xf32>
    %jit3A_45 = arith.constant 2 : i32
    %broadcast_in_dim3A_46 = vector.broadcast %jit3A_45 : i32 to vector<256x128xi32>
    %select_n3A_47 = arith.select %gt3A_43, %broadcast_in_dim3A_46, %select_n3A_41 : vector<256x128xi1>, vector<256x128xi32>
    %slice3A_48 = vector.extract_strided_slice %dot_general3A_29 {offsets = [0, 384], sizes = [256, 128], strides = [1, 1]} : vector<256x4096xf32> to vector<256x128xf32>
    %gt3A_49 = arith.cmpf ogt, %slice3A_48, %select_n3A_44 : vector<256x128xf32>
    %select_n3A_50 = arith.select %gt3A_49, %slice3A_48, %select_n3A_44 : vector<256x128xi1>, vector<256x128xf32>
    %jit3A_51 = arith.constant 3 : i32
    %broadcast_in_dim3A_52 = vector.broadcast %jit3A_51 : i32 to vector<256x128xi32>
    %select_n3A_53 = arith.select %gt3A_49, %broadcast_in_dim3A_52, %select_n3A_47 : vector<256x128xi1>, vector<256x128xi32>
    %slice3A_54 = vector.extract_strided_slice %dot_general3A_29 {offsets = [0, 512], sizes = [256, 128], strides = [1, 1]} : vector<256x4096xf32> to vector<256x128xf32>
    %gt3A_55 = arith.cmpf ogt, %slice3A_54, %select_n3A_50 : vector<256x128xf32>
    %select_n3A_56 = arith.select %gt3A_55, %slice3A_54, %select_n3A_50 : vector<256x128xi1>, vector<256x128xf32>
    %jit3A_57 = arith.constant 4 : i32
    %broadcast_in_dim3A_58 = vector.broadcast %jit3A_57 : i32 to vector<256x128xi32>
    %select_n3A_59 = arith.select %gt3A_55, %broadcast_in_dim3A_58, %select_n3A_53 : vector<256x128xi1>, vector<256x128xi32>
    %slice3A_60 = vector.extract_strided_slice %dot_general3A_29 {offsets = [0, 640], sizes = [256, 128], strides = [1, 1]} : vector<256x4096xf32> to vector<256x128xf32>
    %gt3A_61 = arith.cmpf ogt, %slice3A_60, %select_n3A_56 : vector<256x128xf32>
    %select_n3A_62 = arith.select %gt3A_61, %slice3A_60, %select_n3A_56 : vector<256x128xi1>, vector<256x128xf32>
    %jit3A_63 = arith.constant 5 : i32
    %broadcast_in_dim3A_64 = vector.broadcast %jit3A_63 : i32 to vector<256x128xi32>
    %select_n3A_65 = arith.select %gt3A_61, %broadcast_in_dim3A_64, %select_n3A_59 : vector<256x128xi1>, vector<256x128xi32>
    %slice3A_66 = vector.extract_strided_slice %dot_general3A_29 {offsets = [0, 768], sizes = [256, 128], strides = [1, 1]} : vector<256x4096xf32> to vector<256x128xf32>
    %gt3A_67 = arith.cmpf ogt, %slice3A_66, %select_n3A_62 : vector<256x128xf32>
    %select_n3A_68 = arith.select %gt3A_67, %slice3A_66, %select_n3A_62 : vector<256x128xi1>, vector<256x128xf32>
    %jit3A_69 = arith.constant 6 : i32
    %broadcast_in_dim3A_70 = vector.broadcast %jit3A_69 : i32 to vector<256x128xi32>
    %select_n3A_71 = arith.select %gt3A_67, %broadcast_in_dim3A_70, %select_n3A_65 : vector<256x128xi1>, vector<256x128xi32>
    %slice3A_72 = vector.extract_strided_slice %dot_general3A_29 {offsets = [0, 896], sizes = [256, 128], strides = [1, 1]} : vector<256x4096xf32> to vector<256x128xf32>
    %gt3A_73 = arith.cmpf ogt, %slice3A_72, %select_n3A_68 : vector<256x128xf32>
    %select_n3A_74 = arith.select %gt3A_73, %slice3A_72, %select_n3A_68 : vector<256x128xi1>, vector<256x128xf32>
    %jit3A_75 = arith.constant 7 : i32
    %broadcast_in_dim3A_76 = vector.broadcast %jit3A_75 : i32 to vector<256x128xi32>
    %select_n3A_77 = arith.select %gt3A_73, %broadcast_in_dim3A_76, %select_n3A_71 : vector<256x128xi1>, vector<256x128xi32>
    %slice3A_78 = vector.extract_strided_slice %dot_general3A_29 {offsets = [0, 1024], sizes = [256, 128], strides = [1, 1]} : vector<256x4096xf32> to vector<256x128xf32>
    %gt3A_79 = arith.cmpf ogt, %slice3A_78, %select_n3A_74 : vector<256x128xf32>
    %select_n3A_80 = arith.select %gt3A_79, %slice3A_78, %select_n3A_74 : vector<256x128xi1>, vector<256x128xf32>
    %jit3A_81 = arith.constant 8 : i32
    %broadcast_in_dim3A_82 = vector.broadcast %jit3A_81 : i32 to vector<256x128xi32>
    %select_n3A_83 = arith.select %gt3A_79, %broadcast_in_dim3A_82, %select_n3A_77 : vector<256x128xi1>, vector<256x128xi32>
    %slice3A_84 = vector.extract_strided_slice %dot_general3A_29 {offsets = [0, 1152], sizes = [256, 128], strides = [1, 1]} : vector<256x4096xf32> to vector<256x128xf32>
    %gt3A_85 = arith.cmpf ogt, %slice3A_84, %select_n3A_80 : vector<256x128xf32>
    %select_n3A_86 = arith.select %gt3A_85, %slice3A_84, %select_n3A_80 : vector<256x128xi1>, vector<256x128xf32>
    %jit3A_87 = arith.constant 9 : i32
    %broadcast_in_dim3A_88 = vector.broadcast %jit3A_87 : i32 to vector<256x128xi32>
    %select_n3A_89 = arith.select %gt3A_85, %broadcast_in_dim3A_88, %select_n3A_83 : vector<256x128xi1>, vector<256x128xi32>
    %slice3A_90 = vector.extract_strided_slice %dot_general3A_29 {offsets = [0, 1280], sizes = [256, 128], strides = [1, 1]} : vector<256x4096xf32> to vector<256x128xf32>
    %gt3A_91 = arith.cmpf ogt, %slice3A_90, %select_n3A_86 : vector<256x128xf32>
    %select_n3A_92 = arith.select %gt3A_91, %slice3A_90, %select_n3A_86 : vector<256x128xi1>, vector<256x128xf32>
    %jit3A_93 = arith.constant 10 : i32
    %broadcast_in_dim3A_94 = vector.broadcast %jit3A_93 : i32 to vector<256x128xi32>
    %select_n3A_95 = arith.select %gt3A_91, %broadcast_in_dim3A_94, %select_n3A_89 : vector<256x128xi1>, vector<256x128xi32>
    %slice3A_96 = vector.extract_strided_slice %dot_general3A_29 {offsets = [0, 1408], sizes = [256, 128], strides = [1, 1]} : vector<256x4096xf32> to vector<256x128xf32>
    %gt3A_97 = arith.cmpf ogt, %slice3A_96, %select_n3A_92 : vector<256x128xf32>
    %select_n3A_98 = arith.select %gt3A_97, %slice3A_96, %select_n3A_92 : vector<256x128xi1>, vector<256x128xf32>
    %jit3A_99 = arith.constant 11 : i32
    %broadcast_in_dim3A_100 = vector.broadcast %jit3A_99 : i32 to vector<256x128xi32>
    %select_n3A_101 = arith.select %gt3A_97, %broadcast_in_dim3A_100, %select_n3A_95 : vector<256x128xi1>, vector<256x128xi32>
    %slice3A_102 = vector.extract_strided_slice %dot_general3A_29 {offsets = [0, 1536], sizes = [256, 128], strides = [1, 1]} : vector<256x4096xf32> to vector<256x128xf32>
    %gt3A_103 = arith.cmpf ogt, %slice3A_102, %select_n3A_98 : vector<256x128xf32>
    %select_n3A_104 = arith.select %gt3A_103, %slice3A_102, %select_n3A_98 : vector<256x128xi1>, vector<256x128xf32>
    %jit3A_105 = arith.constant 12 : i32
    %broadcast_in_dim3A_106 = vector.broadcast %jit3A_105 : i32 to vector<256x128xi32>
    %select_n3A_107 = arith.select %gt3A_103, %broadcast_in_dim3A_106, %select_n3A_101 : vector<256x128xi1>, vector<256x128xi32>
    %slice3A_108 = vector.extract_strided_slice %dot_general3A_29 {offsets = [0, 1664], sizes = [256, 128], strides = [1, 1]} : vector<256x4096xf32> to vector<256x128xf32>
    %gt3A_109 = arith.cmpf ogt, %slice3A_108, %select_n3A_104 : vector<256x128xf32>
    %select_n3A_110 = arith.select %gt3A_109, %slice3A_108, %select_n3A_104 : vector<256x128xi1>, vector<256x128xf32>
    %jit3A_111 = arith.constant 13 : i32
    %broadcast_in_dim3A_112 = vector.broadcast %jit3A_111 : i32 to vector<256x128xi32>
    %select_n3A_113 = arith.select %gt3A_109, %broadcast_in_dim3A_112, %select_n3A_107 : vector<256x128xi1>, vector<256x128xi32>
    %slice3A_114 = vector.extract_strided_slice %dot_general3A_29 {offsets = [0, 1792], sizes = [256, 128], strides = [1, 1]} : vector<256x4096xf32> to vector<256x128xf32>
    %gt3A_115 = arith.cmpf ogt, %slice3A_114, %select_n3A_110 : vector<256x128xf32>
    %select_n3A_116 = arith.select %gt3A_115, %slice3A_114, %select_n3A_110 : vector<256x128xi1>, vector<256x128xf32>
    %jit3A_117 = arith.constant 14 : i32
    %broadcast_in_dim3A_118 = vector.broadcast %jit3A_117 : i32 to vector<256x128xi32>
    %select_n3A_119 = arith.select %gt3A_115, %broadcast_in_dim3A_118, %select_n3A_113 : vector<256x128xi1>, vector<256x128xi32>
    %slice3A_120 = vector.extract_strided_slice %dot_general3A_29 {offsets = [0, 1920], sizes = [256, 128], strides = [1, 1]} : vector<256x4096xf32> to vector<256x128xf32>
    %gt3A_121 = arith.cmpf ogt, %slice3A_120, %select_n3A_116 : vector<256x128xf32>
    %select_n3A_122 = arith.select %gt3A_121, %slice3A_120, %select_n3A_116 : vector<256x128xi1>, vector<256x128xf32>
    %jit3A_123 = arith.constant 15 : i32
    %broadcast_in_dim3A_124 = vector.broadcast %jit3A_123 : i32 to vector<256x128xi32>
    %select_n3A_125 = arith.select %gt3A_121, %broadcast_in_dim3A_124, %select_n3A_119 : vector<256x128xi1>, vector<256x128xi32>
    %slice3A_126 = vector.extract_strided_slice %dot_general3A_29 {offsets = [0, 2048], sizes = [256, 128], strides = [1, 1]} : vector<256x4096xf32> to vector<256x128xf32>
    %gt3A_127 = arith.cmpf ogt, %slice3A_126, %select_n3A_122 : vector<256x128xf32>
    %select_n3A_128 = arith.select %gt3A_127, %slice3A_126, %select_n3A_122 : vector<256x128xi1>, vector<256x128xf32>
    %jit3A_129 = arith.constant 16 : i32
    %broadcast_in_dim3A_130 = vector.broadcast %jit3A_129 : i32 to vector<256x128xi32>
    %select_n3A_131 = arith.select %gt3A_127, %broadcast_in_dim3A_130, %select_n3A_125 : vector<256x128xi1>, vector<256x128xi32>
    %slice3A_132 = vector.extract_strided_slice %dot_general3A_29 {offsets = [0, 2176], sizes = [256, 128], strides = [1, 1]} : vector<256x4096xf32> to vector<256x128xf32>
    %gt3A_133 = arith.cmpf ogt, %slice3A_132, %select_n3A_128 : vector<256x128xf32>
    %select_n3A_134 = arith.select %gt3A_133, %slice3A_132, %select_n3A_128 : vector<256x128xi1>, vector<256x128xf32>
    %jit3A_135 = arith.constant 17 : i32
    %broadcast_in_dim3A_136 = vector.broadcast %jit3A_135 : i32 to vector<256x128xi32>
    %select_n3A_137 = arith.select %gt3A_133, %broadcast_in_dim3A_136, %select_n3A_131 : vector<256x128xi1>, vector<256x128xi32>
    %slice3A_138 = vector.extract_strided_slice %dot_general3A_29 {offsets = [0, 2304], sizes = [256, 128], strides = [1, 1]} : vector<256x4096xf32> to vector<256x128xf32>
    %gt3A_139 = arith.cmpf ogt, %slice3A_138, %select_n3A_134 : vector<256x128xf32>
    %select_n3A_140 = arith.select %gt3A_139, %slice3A_138, %select_n3A_134 : vector<256x128xi1>, vector<256x128xf32>
    %jit3A_141 = arith.constant 18 : i32
    %broadcast_in_dim3A_142 = vector.broadcast %jit3A_141 : i32 to vector<256x128xi32>
    %select_n3A_143 = arith.select %gt3A_139, %broadcast_in_dim3A_142, %select_n3A_137 : vector<256x128xi1>, vector<256x128xi32>
    %slice3A_144 = vector.extract_strided_slice %dot_general3A_29 {offsets = [0, 2432], sizes = [256, 128], strides = [1, 1]} : vector<256x4096xf32> to vector<256x128xf32>
    %gt3A_145 = arith.cmpf ogt, %slice3A_144, %select_n3A_140 : vector<256x128xf32>
    %select_n3A_146 = arith.select %gt3A_145, %slice3A_144, %select_n3A_140 : vector<256x128xi1>, vector<256x128xf32>
    %jit3A_147 = arith.constant 19 : i32
    %broadcast_in_dim3A_148 = vector.broadcast %jit3A_147 : i32 to vector<256x128xi32>
    %select_n3A_149 = arith.select %gt3A_145, %broadcast_in_dim3A_148, %select_n3A_143 : vector<256x128xi1>, vector<256x128xi32>
    %slice3A_150 = vector.extract_strided_slice %dot_general3A_29 {offsets = [0, 2560], sizes = [256, 128], strides = [1, 1]} : vector<256x4096xf32> to vector<256x128xf32>
    %gt3A_151 = arith.cmpf ogt, %slice3A_150, %select_n3A_146 : vector<256x128xf32>
    %select_n3A_152 = arith.select %gt3A_151, %slice3A_150, %select_n3A_146 : vector<256x128xi1>, vector<256x128xf32>
    %jit3A_153 = arith.constant 20 : i32
    %broadcast_in_dim3A_154 = vector.broadcast %jit3A_153 : i32 to vector<256x128xi32>
    %select_n3A_155 = arith.select %gt3A_151, %broadcast_in_dim3A_154, %select_n3A_149 : vector<256x128xi1>, vector<256x128xi32>
    %slice3A_156 = vector.extract_strided_slice %dot_general3A_29 {offsets = [0, 2688], sizes = [256, 128], strides = [1, 1]} : vector<256x4096xf32> to vector<256x128xf32>
    %gt3A_157 = arith.cmpf ogt, %slice3A_156, %select_n3A_152 : vector<256x128xf32>
    %select_n3A_158 = arith.select %gt3A_157, %slice3A_156, %select_n3A_152 : vector<256x128xi1>, vector<256x128xf32>
    %jit3A_159 = arith.constant 21 : i32
    %broadcast_in_dim3A_160 = vector.broadcast %jit3A_159 : i32 to vector<256x128xi32>
    %select_n3A_161 = arith.select %gt3A_157, %broadcast_in_dim3A_160, %select_n3A_155 : vector<256x128xi1>, vector<256x128xi32>
    %slice3A_162 = vector.extract_strided_slice %dot_general3A_29 {offsets = [0, 2816], sizes = [256, 128], strides = [1, 1]} : vector<256x4096xf32> to vector<256x128xf32>
    %gt3A_163 = arith.cmpf ogt, %slice3A_162, %select_n3A_158 : vector<256x128xf32>
    %select_n3A_164 = arith.select %gt3A_163, %slice3A_162, %select_n3A_158 : vector<256x128xi1>, vector<256x128xf32>
    %jit3A_165 = arith.constant 22 : i32
    %broadcast_in_dim3A_166 = vector.broadcast %jit3A_165 : i32 to vector<256x128xi32>
    %select_n3A_167 = arith.select %gt3A_163, %broadcast_in_dim3A_166, %select_n3A_161 : vector<256x128xi1>, vector<256x128xi32>
    %slice3A_168 = vector.extract_strided_slice %dot_general3A_29 {offsets = [0, 2944], sizes = [256, 128], strides = [1, 1]} : vector<256x4096xf32> to vector<256x128xf32>
    %gt3A_169 = arith.cmpf ogt, %slice3A_168, %select_n3A_164 : vector<256x128xf32>
    %select_n3A_170 = arith.select %gt3A_169, %slice3A_168, %select_n3A_164 : vector<256x128xi1>, vector<256x128xf32>
    %jit3A_171 = arith.constant 23 : i32
    %broadcast_in_dim3A_172 = vector.broadcast %jit3A_171 : i32 to vector<256x128xi32>
    %select_n3A_173 = arith.select %gt3A_169, %broadcast_in_dim3A_172, %select_n3A_167 : vector<256x128xi1>, vector<256x128xi32>
    %slice3A_174 = vector.extract_strided_slice %dot_general3A_29 {offsets = [0, 3072], sizes = [256, 128], strides = [1, 1]} : vector<256x4096xf32> to vector<256x128xf32>
    %gt3A_175 = arith.cmpf ogt, %slice3A_174, %select_n3A_170 : vector<256x128xf32>
    %select_n3A_176 = arith.select %gt3A_175, %slice3A_174, %select_n3A_170 : vector<256x128xi1>, vector<256x128xf32>
    %jit3A_177 = arith.constant 24 : i32
    %broadcast_in_dim3A_178 = vector.broadcast %jit3A_177 : i32 to vector<256x128xi32>
    %select_n3A_179 = arith.select %gt3A_175, %broadcast_in_dim3A_178, %select_n3A_173 : vector<256x128xi1>, vector<256x128xi32>
    %slice3A_180 = vector.extract_strided_slice %dot_general3A_29 {offsets = [0, 3200], sizes = [256, 128], strides = [1, 1]} : vector<256x4096xf32> to vector<256x128xf32>
    %gt3A_181 = arith.cmpf ogt, %slice3A_180, %select_n3A_176 : vector<256x128xf32>
    %select_n3A_182 = arith.select %gt3A_181, %slice3A_180, %select_n3A_176 : vector<256x128xi1>, vector<256x128xf32>
    %jit3A_183 = arith.constant 25 : i32
    %broadcast_in_dim3A_184 = vector.broadcast %jit3A_183 : i32 to vector<256x128xi32>
    %select_n3A_185 = arith.select %gt3A_181, %broadcast_in_dim3A_184, %select_n3A_179 : vector<256x128xi1>, vector<256x128xi32>
    %slice3A_186 = vector.extract_strided_slice %dot_general3A_29 {offsets = [0, 3328], sizes = [256, 128], strides = [1, 1]} : vector<256x4096xf32> to vector<256x128xf32>
    %gt3A_187 = arith.cmpf ogt, %slice3A_186, %select_n3A_182 : vector<256x128xf32>
    %select_n3A_188 = arith.select %gt3A_187, %slice3A_186, %select_n3A_182 : vector<256x128xi1>, vector<256x128xf32>
    %jit3A_189 = arith.constant 26 : i32
    %broadcast_in_dim3A_190 = vector.broadcast %jit3A_189 : i32 to vector<256x128xi32>
    %select_n3A_191 = arith.select %gt3A_187, %broadcast_in_dim3A_190, %select_n3A_185 : vector<256x128xi1>, vector<256x128xi32>
    %slice3A_192 = vector.extract_strided_slice %dot_general3A_29 {offsets = [0, 3456], sizes = [256, 128], strides = [1, 1]} : vector<256x4096xf32> to vector<256x128xf32>
    %gt3A_193 = arith.cmpf ogt, %slice3A_192, %select_n3A_188 : vector<256x128xf32>
    %select_n3A_194 = arith.select %gt3A_193, %slice3A_192, %select_n3A_188 : vector<256x128xi1>, vector<256x128xf32>
    %jit3A_195 = arith.constant 27 : i32
    %broadcast_in_dim3A_196 = vector.broadcast %jit3A_195 : i32 to vector<256x128xi32>
    %select_n3A_197 = arith.select %gt3A_193, %broadcast_in_dim3A_196, %select_n3A_191 : vector<256x128xi1>, vector<256x128xi32>
    %slice3A_198 = vector.extract_strided_slice %dot_general3A_29 {offsets = [0, 3584], sizes = [256, 128], strides = [1, 1]} : vector<256x4096xf32> to vector<256x128xf32>
    %gt3A_199 = arith.cmpf ogt, %slice3A_198, %select_n3A_194 : vector<256x128xf32>
    %select_n3A_200 = arith.select %gt3A_199, %slice3A_198, %select_n3A_194 : vector<256x128xi1>, vector<256x128xf32>
    %jit3A_201 = arith.constant 28 : i32
    %broadcast_in_dim3A_202 = vector.broadcast %jit3A_201 : i32 to vector<256x128xi32>
    %select_n3A_203 = arith.select %gt3A_199, %broadcast_in_dim3A_202, %select_n3A_197 : vector<256x128xi1>, vector<256x128xi32>
    %slice3A_204 = vector.extract_strided_slice %dot_general3A_29 {offsets = [0, 3712], sizes = [256, 128], strides = [1, 1]} : vector<256x4096xf32> to vector<256x128xf32>
    %gt3A_205 = arith.cmpf ogt, %slice3A_204, %select_n3A_200 : vector<256x128xf32>
    %select_n3A_206 = arith.select %gt3A_205, %slice3A_204, %select_n3A_200 : vector<256x128xi1>, vector<256x128xf32>
    %jit3A_207 = arith.constant 29 : i32
    %broadcast_in_dim3A_208 = vector.broadcast %jit3A_207 : i32 to vector<256x128xi32>
    %select_n3A_209 = arith.select %gt3A_205, %broadcast_in_dim3A_208, %select_n3A_203 : vector<256x128xi1>, vector<256x128xi32>
    %slice3A_210 = vector.extract_strided_slice %dot_general3A_29 {offsets = [0, 3840], sizes = [256, 128], strides = [1, 1]} : vector<256x4096xf32> to vector<256x128xf32>
    %gt3A_211 = arith.cmpf ogt, %slice3A_210, %select_n3A_206 : vector<256x128xf32>
    %select_n3A_212 = arith.select %gt3A_211, %slice3A_210, %select_n3A_206 : vector<256x128xi1>, vector<256x128xf32>
    %jit3A_213 = arith.constant 30 : i32
    %broadcast_in_dim3A_214 = vector.broadcast %jit3A_213 : i32 to vector<256x128xi32>
    %select_n3A_215 = arith.select %gt3A_211, %broadcast_in_dim3A_214, %select_n3A_209 : vector<256x128xi1>, vector<256x128xi32>
    %slice3A_216 = vector.extract_strided_slice %dot_general3A_29 {offsets = [0, 3968], sizes = [256, 128], strides = [1, 1]} : vector<256x4096xf32> to vector<256x128xf32>
    %gt3A_217 = arith.cmpf ogt, %slice3A_216, %select_n3A_212 : vector<256x128xf32>
    %select_n3A_218 = arith.select %gt3A_217, %slice3A_216, %select_n3A_212 : vector<256x128xi1>, vector<256x128xf32>
    %jit3A_219 = arith.constant 31 : i32
    %broadcast_in_dim3A_220 = vector.broadcast %jit3A_219 : i32 to vector<256x128xi32>
    %select_n3A_221 = arith.select %gt3A_217, %broadcast_in_dim3A_220, %select_n3A_215 : vector<256x128xi1>, vector<256x128xi32>
    %reduce_max3A = arith.constant dense<0xFF800000> : vector<256xf32>
    %reduce_max3A_222 = vector.multi_reduction <maximumf>, %select_n3A_218, %reduce_max3A [1] : vector<256x128xf32> to vector<256xf32>
    %broadcast_in_dim3A_223 = vector.shape_cast %reduce_max3A_222 : vector<256xf32> to vector<256x1xf32>
    %iota3A = tpu.iota {dimensions = array<i32: 1>} : vector<256x128xi32>
    %mul3A = arith.constant 128 : i32
    %mul3A_224 = vector.broadcast %mul3A : i32 to vector<256x128xi32>
    %mul3A_225 = arith.muli %select_n3A_221, %mul3A_224 : vector<256x128xi32>
    %add3A = arith.addi %mul3A_225, %iota3A : vector<256x128xi32>
    %eq3A = vector.broadcast %broadcast_in_dim3A_223 : vector<256x1xf32> to vector<256x128xf32>
    %eq3A_226 = arith.cmpf oeq, %select_n3A_218, %eq3A : vector<256x128xf32>
    %jit3A_227 = arith.constant 4096 : i32
    %broadcast_in_dim3A_228 = vector.broadcast %jit3A_227 : i32 to vector<256x128xi32>
    %select_n3A_229 = arith.select %eq3A_226, %add3A, %broadcast_in_dim3A_228 : vector<256x128xi1>, vector<256x128xi32>
    %reduce_min3A = arith.constant dense<2147483647> : vector<256xi32>
    %reduce_min3A_230 = vector.multi_reduction <minsi>, %select_n3A_229, %reduce_min3A [1] : vector<256x128xi32> to vector<256xi32>
    %broadcast_in_dim3A_231 = vector.shape_cast %reduce_min3A_230 : vector<256xi32> to vector<256x1xi32>
    %add3A_232 = arith.constant 0 : i32
    %add3A_233 = vector.broadcast %add3A_232 : i32 to vector<256x1xi32>
    %add3A_234 = arith.addi %broadcast_in_dim3A_231, %add3A_233 : vector<256x1xi32>
    %swap3A = arith.constant 0 : index
    %swap3A_235 = arith.constant 0 : index
    %swap3A_236 = vector.load %arg5[%swap3A, %swap3A_235] : memref<256x10xi32, #tpu.memory_space<vmem>>, vector<256x1xi32>
    tpu.vector_store %arg5[%swap3A, %swap3A_235], %add3A_234 {strides = array<i32>} : memref<256x10xi32, #tpu.memory_space<vmem>>, vector<256x1xi32>,
    %slice3A_237 = vector.extract_strided_slice %convert_element_type3A {offsets = [0, 128], sizes = [256, 128], strides = [1, 1]} : vector<256x1280xbf16> to vector<256x128xbf16>
    %dot_general3A_238 = arith.constant dense<0.000000e+00> : vector<256x4096xf32>
    %dot_general3A_239 = tpu.matmul %slice3A_237, %get3A_27, %dot_general3A_238 {dimension_numbers = #tpu.dot_dimension_numbers<[1], [0], [0], [1], [0, 0, 1, 1], [], []>, transpose_lhs_hint = false} : vector<256x128xbf16>, vector<128x4096xbf16>, vector<256x4096xf32> -> vector<256x4096xf32>
    %broadcast_in_dim3A_240 = arith.constant 0xFF800000 : f32
    %broadcast_in_dim3A_241 = vector.broadcast %broadcast_in_dim3A_240 : f32 to vector<256x128xf32>
    %broadcast_in_dim3A_242 = arith.constant 0 : i32
    %broadcast_in_dim3A_243 = vector.broadcast %broadcast_in_dim3A_242 : i32 to vector<256x128xi32>
    %slice3A_244 = vector.extract_strided_slice %dot_general3A_239 {offsets = [0, 0], sizes = [256, 128], strides = [1, 1]} : vector<256x4096xf32> to vector<256x128xf32>
    %gt3A_245 = arith.cmpf ogt, %slice3A_244, %broadcast_in_dim3A_241 : vector<256x128xf32>
    %select_n3A_246 = arith.select %gt3A_245, %slice3A_244, %broadcast_in_dim3A_241 : vector<256x128xi1>, vector<256x128xf32>
    %jit3A_247 = arith.constant 0 : i32
    %broadcast_in_dim3A_248 = vector.broadcast %jit3A_247 : i32 to vector<256x128xi32>
    %select_n3A_249 = arith.select %gt3A_245, %broadcast_in_dim3A_248, %broadcast_in_dim3A_243 : vector<256x128xi1>, vector<256x128xi32>
    %slice3A_250 = vector.extract_strided_slice %dot_general3A_239 {offsets = [0, 128], sizes = [256, 128], strides = [1, 1]} : vector<256x4096xf32> to vector<256x128xf32>
    %gt3A_251 = arith.cmpf ogt, %slice3A_250, %select_n3A_246 : vector<256x128xf32>
    %select_n3A_252 = arith.select %gt3A_251, %slice3A_250, %select_n3A_246 : vector<256x128xi1>, vector<256x128xf32>
    %jit3A_253 = arith.constant 1 : i32
    %broadcast_in_dim3A_254 = vector.broadcast %jit3A_253 : i32 to vector<256x128xi32>
    %select_n3A_255 = arith.select %gt3A_251, %broadcast_in_dim3A_254, %select_n3A_249 : vector<256x128xi1>, vector<256x128xi32>
    %slice3A_256 = vector.extract_strided_slice %dot_general3A_239 {offsets = [0, 256], sizes = [256, 128], strides = [1, 1]} : vector<256x4096xf32> to vector<256x128xf32>
    %gt3A_257 = arith.cmpf ogt, %slice3A_256, %select_n3A_252 : vector<256x128xf32>
    %select_n3A_258 = arith.select %gt3A_257, %slice3A_256, %select_n3A_252 : vector<256x128xi1>, vector<256x128xf32>
    %jit3A_259 = arith.constant 2 : i32
    %broadcast_in_dim3A_260 = vector.broadcast %jit3A_259 : i32 to vector<256x128xi32>
    %select_n3A_261 = arith.select %gt3A_257, %broadcast_in_dim3A_260, %select_n3A_255 : vector<256x128xi1>, vector<256x128xi32>
    %slice3A_262 = vector.extract_strided_slice %dot_general3A_239 {offsets = [0, 384], sizes = [256, 128], strides = [1, 1]} : vector<256x4096xf32> to vector<256x128xf32>
    %gt3A_263 = arith.cmpf ogt, %slice3A_262, %select_n3A_258 : vector<256x128xf32>
    %select_n3A_264 = arith.select %gt3A_263, %slice3A_262, %select_n3A_258 : vector<256x128xi1>, vector<256x128xf32>
    %jit3A_265 = arith.constant 3 : i32
    %broadcast_in_dim3A_266 = vector.broadcast %jit3A_265 : i32 to vector<256x128xi32>
    %select_n3A_267 = arith.select %gt3A_263, %broadcast_in_dim3A_266, %select_n3A_261 : vector<256x128xi1>, vector<256x128xi32>
    %slice3A_268 = vector.extract_strided_slice %dot_general3A_239 {offsets = [0, 512], sizes = [256, 128], strides = [1, 1]} : vector<256x4096xf32> to vector<256x128xf32>
    %gt3A_269 = arith.cmpf ogt, %slice3A_268, %select_n3A_264 : vector<256x128xf32>
    %select_n3A_270 = arith.select %gt3A_269, %slice3A_268, %select_n3A_264 : vector<256x128xi1>, vector<256x128xf32>
    %jit3A_271 = arith.constant 4 : i32
    %broadcast_in_dim3A_272 = vector.broadcast %jit3A_271 : i32 to vector<256x128xi32>
    %select_n3A_273 = arith.select %gt3A_269, %broadcast_in_dim3A_272, %select_n3A_267 : vector<256x128xi1>, vector<256x128xi32>
    %slice3A_274 = vector.extract_strided_slice %dot_general3A_239 {offsets = [0, 640], sizes = [256, 128], strides = [1, 1]} : vector<256x4096xf32> to vector<256x128xf32>
    %gt3A_275 = arith.cmpf ogt, %slice3A_274, %select_n3A_270 : vector<256x128xf32>
    %select_n3A_276 = arith.select %gt3A_275, %slice3A_274, %select_n3A_270 : vector<256x128xi1>, vector<256x128xf32>
    %jit3A_277 = arith.constant 5 : i32
    %broadcast_in_dim3A_278 = vector.broadcast %jit3A_277 : i32 to vector<256x128xi32>
    %select_n3A_279 = arith.select %gt3A_275, %broadcast_in_dim3A_278, %select_n3A_273 : vector<256x128xi1>, vector<256x128xi32>
    %slice3A_280 = vector.extract_strided_slice %dot_general3A_239 {offsets = [0, 768], sizes = [256, 128], strides = [1, 1]} : vector<256x4096xf32> to vector<256x128xf32>
    %gt3A_281 = arith.cmpf ogt, %slice3A_280, %select_n3A_276 : vector<256x128xf32>
    %select_n3A_282 = arith.select %gt3A_281, %slice3A_280, %select_n3A_276 : vector<256x128xi1>, vector<256x128xf32>
    %jit3A_283 = arith.constant 6 : i32
    %broadcast_in_dim3A_284 = vector.broadcast %jit3A_283 : i32 to vector<256x128xi32>
    %select_n3A_285 = arith.select %gt3A_281, %broadcast_in_dim3A_284, %select_n3A_279 : vector<256x128xi1>, vector<256x128xi32>
    %slice3A_286 = vector.extract_strided_slice %dot_general3A_239 {offsets = [0, 896], sizes = [256, 128], strides = [1, 1]} : vector<256x4096xf32> to vector<256x128xf32>
    %gt3A_287 = arith.cmpf ogt, %slice3A_286, %select_n3A_282 : vector<256x128xf32>
    %select_n3A_288 = arith.select %gt3A_287, %slice3A_286, %select_n3A_282 : vector<256x128xi1>, vector<256x128xf32>
    %jit3A_289 = arith.constant 7 : i32
    %broadcast_in_dim3A_290 = vector.broadcast %jit3A_289 : i32 to vector<256x128xi32>
    %select_n3A_291 = arith.select %gt3A_287, %broadcast_in_dim3A_290, %select_n3A_285 : vector<256x128xi1>, vector<256x128xi32>
    %slice3A_292 = vector.extract_strided_slice %dot_general3A_239 {offsets = [0, 1024], sizes = [256, 128], strides = [1, 1]} : vector<256x4096xf32> to vector<256x128xf32>
    %gt3A_293 = arith.cmpf ogt, %slice3A_292, %select_n3A_288 : vector<256x128xf32>
    %select_n3A_294 = arith.select %gt3A_293, %slice3A_292, %select_n3A_288 : vector<256x128xi1>, vector<256x128xf32>
    %jit3A_295 = arith.constant 8 : i32
    %broadcast_in_dim3A_296 = vector.broadcast %jit3A_295 : i32 to vector<256x128xi32>
    %select_n3A_297 = arith.select %gt3A_293, %broadcast_in_dim3A_296, %select_n3A_291 : vector<256x128xi1>, vector<256x128xi32>
    %slice3A_298 = vector.extract_strided_slice %dot_general3A_239 {offsets = [0, 1152], sizes = [256, 128], strides = [1, 1]} : vector<256x4096xf32> to vector<256x128xf32>
    %gt3A_299 = arith.cmpf ogt, %slice3A_298, %select_n3A_294 : vector<256x128xf32>
    %select_n3A_300 = arith.select %gt3A_299, %slice3A_298, %select_n3A_294 : vector<256x128xi1>, vector<256x128xf32>
    %jit3A_301 = arith.constant 9 : i32
    %broadcast_in_dim3A_302 = vector.broadcast %jit3A_301 : i32 to vector<256x128xi32>
    %select_n3A_303 = arith.select %gt3A_299, %broadcast_in_dim3A_302, %select_n3A_297 : vector<256x128xi1>, vector<256x128xi32>
    %slice3A_304 = vector.extract_strided_slice %dot_general3A_239 {offsets = [0, 1280], sizes = [256, 128], strides = [1, 1]} : vector<256x4096xf32> to vector<256x128xf32>
    %gt3A_305 = arith.cmpf ogt, %slice3A_304, %select_n3A_300 : vector<256x128xf32>
    %select_n3A_306 = arith.select %gt3A_305, %slice3A_304, %select_n3A_300 : vector<256x128xi1>, vector<256x128xf32>
    %jit3A_307 = arith.constant 10 : i32
    %broadcast_in_dim3A_308 = vector.broadcast %jit3A_307 : i32 to vector<256x128xi32>
    %select_n3A_309 = arith.select %gt3A_305, %broadcast_in_dim3A_308, %select_n3A_303 : vector<256x128xi1>, vector<256x128xi32>
    %slice3A_310 = vector.extract_strided_slice %dot_general3A_239 {offsets = [0, 1408], sizes = [256, 128], strides = [1, 1]} : vector<256x4096xf32> to vector<256x128xf32>
    %gt3A_311 = arith.cmpf ogt, %slice3A_310, %select_n3A_306 : vector<256x128xf32>
    %select_n3A_312 = arith.select %gt3A_311, %slice3A_310, %select_n3A_306 : vector<256x128xi1>, vector<256x128xf32>
    %jit3A_313 = arith.constant 11 : i32
    %broadcast_in_dim3A_314 = vector.broadcast %jit3A_313 : i32 to vector<256x128xi32>
    %select_n3A_315 = arith.select %gt3A_311, %broadcast_in_dim3A_314, %select_n3A_309 : vector<256x128xi1>, vector<256x128xi32>
    %slice3A_316 = vector.extract_strided_slice %dot_general3A_239 {offsets = [0, 1536], sizes = [256, 128], strides = [1, 1]} : vector<256x4096xf32> to vector<256x128xf32>
    %gt3A_317 = arith.cmpf ogt, %slice3A_316, %select_n3A_312 : vector<256x128xf32>
    %select_n3A_318 = arith.select %gt3A_317, %slice3A_316, %select_n3A_312 : vector<256x128xi1>, vector<256x128xf32>
    %jit3A_319 = arith.constant 12 : i32
    %broadcast_in_dim3A_320 = vector.broadcast %jit3A_319 : i32 to vector<256x128xi32>
    %select_n3A_321 = arith.select %gt3A_317, %broadcast_in_dim3A_320, %select_n3A_315 : vector<256x128xi1>, vector<256x128xi32>
    %slice3A_322 = vector.extract_strided_slice %dot_general3A_239 {offsets = [0, 1664], sizes = [256, 128], strides = [1, 1]} : vector<256x4096xf32> to vector<256x128xf32>
    %gt3A_323 = arith.cmpf ogt, %slice3A_322, %select_n3A_318 : vector<256x128xf32>
    %select_n3A_324 = arith.select %gt3A_323, %slice3A_322, %select_n3A_318 : vector<256x128xi1>, vector<256x128xf32>
    %jit3A_325 = arith.constant 13 : i32
    %broadcast_in_dim3A_326 = vector.broadcast %jit3A_325 : i32 to vector<256x128xi32>
    %select_n3A_327 = arith.select %gt3A_323, %broadcast_in_dim3A_326, %select_n3A_321 : vector<256x128xi1>, vector<256x128xi32>
    %slice3A_328 = vector.extract_strided_slice %dot_general3A_239 {offsets = [0, 1792], sizes = [256, 128], strides = [1, 1]} : vector<256x4096xf32> to vector<256x128xf32>
    %gt3A_329 = arith.cmpf ogt, %slice3A_328, %select_n3A_324 : vector<256x128xf32>
    %select_n3A_330 = arith.select %gt3A_329, %slice3A_328, %select_n3A_324 : vector<256x128xi1>, vector<256x128xf32>
    %jit3A_331 = arith.constant 14 : i32
    %broadcast_in_dim3A_332 = vector.broadcast %jit3A_331 : i32 to vector<256x128xi32>
    %select_n3A_333 = arith.select %gt3A_329, %broadcast_in_dim3A_332, %select_n3A_327 : vector<256x128xi1>, vector<256x128xi32>
    %slice3A_334 = vector.extract_strided_slice %dot_general3A_239 {offsets = [0, 1920], sizes = [256, 128], strides = [1, 1]} : vector<256x4096xf32> to vector<256x128xf32>
    %gt3A_335 = arith.cmpf ogt, %slice3A_334, %select_n3A_330 : vector<256x128xf32>
    %select_n3A_336 = arith.select %gt3A_335, %slice3A_334, %select_n3A_330 : vector<256x128xi1>, vector<256x128xf32>
    %jit3A_337 = arith.constant 15 : i32
    %broadcast_in_dim3A_338 = vector.broadcast %jit3A_337 : i32 to vector<256x128xi32>
    %select_n3A_339 = arith.select %gt3A_335, %broadcast_in_dim3A_338, %select_n3A_333 : vector<256x128xi1>, vector<256x128xi32>
    %slice3A_340 = vector.extract_strided_slice %dot_general3A_239 {offsets = [0, 2048], sizes = [256, 128], strides = [1, 1]} : vector<256x4096xf32> to vector<256x128xf32>
    %gt3A_341 = arith.cmpf ogt, %slice3A_340, %select_n3A_336 : vector<256x128xf32>
    %select_n3A_342 = arith.select %gt3A_341, %slice3A_340, %select_n3A_336 : vector<256x128xi1>, vector<256x128xf32>
    %jit3A_343 = arith.constant 16 : i32
    %broadcast_in_dim3A_344 = vector.broadcast %jit3A_343 : i32 to vector<256x128xi32>
    %select_n3A_345 = arith.select %gt3A_341, %broadcast_in_dim3A_344, %select_n3A_339 : vector<256x128xi1>, vector<256x128xi32>
    %slice3A_346 = vector.extract_strided_slice %dot_general3A_239 {offsets = [0, 2176], sizes = [256, 128], strides = [1, 1]} : vector<256x4096xf32> to vector<256x128xf32>
    %gt3A_347 = arith.cmpf ogt, %slice3A_346, %select_n3A_342 : vector<256x128xf32>
    %select_n3A_348 = arith.select %gt3A_347, %slice3A_346, %select_n3A_342 : vector<256x128xi1>, vector<256x128xf32>
    %jit3A_349 = arith.constant 17 : i32
    %broadcast_in_dim3A_350 = vector.broadcast %jit3A_349 : i32 to vector<256x128xi32>
    %select_n3A_351 = arith.select %gt3A_347, %broadcast_in_dim3A_350, %select_n3A_345 : vector<256x128xi1>, vector<256x128xi32>
    %slice3A_352 = vector.extract_strided_slice %dot_general3A_239 {offsets = [0, 2304], sizes = [256, 128], strides = [1, 1]} : vector<256x4096xf32> to vector<256x128xf32>
    %gt3A_353 = arith.cmpf ogt, %slice3A_352, %select_n3A_348 : vector<256x128xf32>
    %select_n3A_354 = arith.select %gt3A_353, %slice3A_352, %select_n3A_348 : vector<256x128xi1>, vector<256x128xf32>
    %jit3A_355 = arith.constant 18 : i32
    %broadcast_in_dim3A_356 = vector.broadcast %jit3A_355 : i32 to vector<256x128xi32>
    %select_n3A_357 = arith.select %gt3A_353, %broadcast_in_dim3A_356, %select_n3A_351 : vector<256x128xi1>, vector<256x128xi32>
    %slice3A_358 = vector.extract_strided_slice %dot_general3A_239 {offsets = [0, 2432], sizes = [256, 128], strides = [1, 1]} : vector<256x4096xf32> to vector<256x128xf32>
    %gt3A_359 = arith.cmpf ogt, %slice3A_358, %select_n3A_354 : vector<256x128xf32>
    %select_n3A_360 = arith.select %gt3A_359, %slice3A_358, %select_n3A_354 : vector<256x128xi1>, vector<256x128xf32>
    %jit3A_361 = arith.constant 19 : i32
    %broadcast_in_dim3A_362 = vector.broadcast %jit3A_361 : i32 to vector<256x128xi32>
    %select_n3A_363 = arith.select %gt3A_359, %broadcast_in_dim3A_362, %select_n3A_357 : vector<256x128xi1>, vector<256x128xi32>
    %slice3A_364 = vector.extract_strided_slice %dot_general3A_239 {offsets = [0, 2560], sizes = [256, 128], strides = [1, 1]} : vector<256x4096xf32> to vector<256x128xf32>
    %gt3A_365 = arith.cmpf ogt, %slice3A_364, %select_n3A_360 : vector<256x128xf32>
    %select_n3A_366 = arith.select %gt3A_365, %slice3A_364, %select_n3A_360 : vector<256x128xi1>, vector<256x128xf32>
    %jit3A_367 = arith.constant 20 : i32
    %broadcast_in_dim3A_368 = vector.broadcast %jit3A_367 : i32 to vector<256x128xi32>
    %select_n3A_369 = arith.select %gt3A_365, %broadcast_in_dim3A_368, %select_n3A_363 : vector<256x128xi1>, vector<256x128xi32>
    %slice3A_370 = vector.extract_strided_slice %dot_general3A_239 {offsets = [0, 2688], sizes = [256, 128], strides = [1, 1]} : vector<256x4096xf32> to vector<256x128xf32>
    %gt3A_371 = arith.cmpf ogt, %slice3A_370, %select_n3A_366 : vector<256x128xf32>
    %select_n3A_372 = arith.select %gt3A_371, %slice3A_370, %select_n3A_366 : vector<256x128xi1>, vector<256x128xf32>
    %jit3A_373 = arith.constant 21 : i32
    %broadcast_in_dim3A_374 = vector.broadcast %jit3A_373 : i32 to vector<256x128xi32>
    %select_n3A_375 = arith.select %gt3A_371, %broadcast_in_dim3A_374, %select_n3A_369 : vector<256x128xi1>, vector<256x128xi32>
    %slice3A_376 = vector.extract_strided_slice %dot_general3A_239 {offsets = [0, 2816], sizes = [256, 128], strides = [1, 1]} : vector<256x4096xf32> to vector<256x128xf32>
    %gt3A_377 = arith.cmpf ogt, %slice3A_376, %select_n3A_372 : vector<256x128xf32>
    %select_n3A_378 = arith.select %gt3A_377, %slice3A_376, %select_n3A_372 : vector<256x128xi1>, vector<256x128xf32>
    %jit3A_379 = arith.constant 22 : i32
    %broadcast_in_dim3A_380 = vector.broadcast %jit3A_379 : i32 to vector<256x128xi32>
    %select_n3A_381 = arith.select %gt3A_377, %broadcast_in_dim3A_380, %select_n3A_375 : vector<256x128xi1>, vector<256x128xi32>
    %slice3A_382 = vector.extract_strided_slice %dot_general3A_239 {offsets = [0, 2944], sizes = [256, 128], strides = [1, 1]} : vector<256x4096xf32> to vector<256x128xf32>
    %gt3A_383 = arith.cmpf ogt, %slice3A_382, %select_n3A_378 : vector<256x128xf32>
    %select_n3A_384 = arith.select %gt3A_383, %slice3A_382, %select_n3A_378 : vector<256x128xi1>, vector<256x128xf32>
    %jit3A_385 = arith.constant 23 : i32
    %broadcast_in_dim3A_386 = vector.broadcast %jit3A_385 : i32 to vector<256x128xi32>
    %select_n3A_387 = arith.select %gt3A_383, %broadcast_in_dim3A_386, %select_n3A_381 : vector<256x128xi1>, vector<256x128xi32>
    %slice3A_388 = vector.extract_strided_slice %dot_general3A_239 {offsets = [0, 3072], sizes = [256, 128], strides = [1, 1]} : vector<256x4096xf32> to vector<256x128xf32>
    %gt3A_389 = arith.cmpf ogt, %slice3A_388, %select_n3A_384 : vector<256x128xf32>
    %select_n3A_390 = arith.select %gt3A_389, %slice3A_388, %select_n3A_384 : vector<256x128xi1>, vector<256x128xf32>
    %jit3A_391 = arith.constant 24 : i32
    %broadcast_in_dim3A_392 = vector.broadcast %jit3A_391 : i32 to vector<256x128xi32>
    %select_n3A_393 = arith.select %gt3A_389, %broadcast_in_dim3A_392, %select_n3A_387 : vector<256x128xi1>, vector<256x128xi32>
    %slice3A_394 = vector.extract_strided_slice %dot_general3A_239 {offsets = [0, 3200], sizes = [256, 128], strides = [1, 1]} : vector<256x4096xf32> to vector<256x128xf32>
    %gt3A_395 = arith.cmpf ogt, %slice3A_394, %select_n3A_390 : vector<256x128xf32>
    %select_n3A_396 = arith.select %gt3A_395, %slice3A_394, %select_n3A_390 : vector<256x128xi1>, vector<256x128xf32>
    %jit3A_397 = arith.constant 25 : i32
    %broadcast_in_dim3A_398 = vector.broadcast %jit3A_397 : i32 to vector<256x128xi32>
    %select_n3A_399 = arith.select %gt3A_395, %broadcast_in_dim3A_398, %select_n3A_393 : vector<256x128xi1>, vector<256x128xi32>
    %slice3A_400 = vector.extract_strided_slice %dot_general3A_239 {offsets = [0, 3328], sizes = [256, 128], strides = [1, 1]} : vector<256x4096xf32> to vector<256x128xf32>
    %gt3A_401 = arith.cmpf ogt, %slice3A_400, %select_n3A_396 : vector<256x128xf32>
    %select_n3A_402 = arith.select %gt3A_401, %slice3A_400, %select_n3A_396 : vector<256x128xi1>, vector<256x128xf32>
    %jit3A_403 = arith.constant 26 : i32
    %broadcast_in_dim3A_404 = vector.broadcast %jit3A_403 : i32 to vector<256x128xi32>
    %select_n3A_405 = arith.select %gt3A_401, %broadcast_in_dim3A_404, %select_n3A_399 : vector<256x128xi1>, vector<256x128xi32>
    %slice3A_406 = vector.extract_strided_slice %dot_general3A_239 {offsets = [0, 3456], sizes = [256, 128], strides = [1, 1]} : vector<256x4096xf32> to vector<256x128xf32>
    %gt3A_407 = arith.cmpf ogt, %slice3A_406, %select_n3A_402 : vector<256x128xf32>
    %select_n3A_408 = arith.select %gt3A_407, %slice3A_406, %select_n3A_402 : vector<256x128xi1>, vector<256x128xf32>
    %jit3A_409 = arith.constant 27 : i32
    %broadcast_in_dim3A_410 = vector.broadcast %jit3A_409 : i32 to vector<256x128xi32>
    %select_n3A_411 = arith.select %gt3A_407, %broadcast_in_dim3A_410, %select_n3A_405 : vector<256x128xi1>, vector<256x128xi32>
    %slice3A_412 = vector.extract_strided_slice %dot_general3A_239 {offsets = [0, 3584], sizes = [256, 128], strides = [1, 1]} : vector<256x4096xf32> to vector<256x128xf32>
    %gt3A_413 = arith.cmpf ogt, %slice3A_412, %select_n3A_408 : vector<256x128xf32>
    %select_n3A_414 = arith.select %gt3A_413, %slice3A_412, %select_n3A_408 : vector<256x128xi1>, vector<256x128xf32>
    %jit3A_415 = arith.constant 28 : i32
    %broadcast_in_dim3A_416 = vector.broadcast %jit3A_415 : i32 to vector<256x128xi32>
    %select_n3A_417 = arith.select %gt3A_413, %broadcast_in_dim3A_416, %select_n3A_411 : vector<256x128xi1>, vector<256x128xi32>
    %slice3A_418 = vector.extract_strided_slice %dot_general3A_239 {offsets = [0, 3712], sizes = [256, 128], strides = [1, 1]} : vector<256x4096xf32> to vector<256x128xf32>
    %gt3A_419 = arith.cmpf ogt, %slice3A_418, %select_n3A_414 : vector<256x128xf32>
    %select_n3A_420 = arith.select %gt3A_419, %slice3A_418, %select_n3A_414 : vector<256x128xi1>, vector<256x128xf32>
    %jit3A_421 = arith.constant 29 : i32
    %broadcast_in_dim3A_422 = vector.broadcast %jit3A_421 : i32 to vector<256x128xi32>
    %select_n3A_423 = arith.select %gt3A_419, %broadcast_in_dim3A_422, %select_n3A_417 : vector<256x128xi1>, vector<256x128xi32>
    %slice3A_424 = vector.extract_strided_slice %dot_general3A_239 {offsets = [0, 3840], sizes = [256, 128], strides = [1, 1]} : vector<256x4096xf32> to vector<256x128xf32>
    %gt3A_425 = arith.cmpf ogt, %slice3A_424, %select_n3A_420 : vector<256x128xf32>
    %select_n3A_426 = arith.select %gt3A_425, %slice3A_424, %select_n3A_420 : vector<256x128xi1>, vector<256x128xf32>
    %jit3A_427 = arith.constant 30 : i32
    %broadcast_in_dim3A_428 = vector.broadcast %jit3A_427 : i32 to vector<256x128xi32>
    %select_n3A_429 = arith.select %gt3A_425, %broadcast_in_dim3A_428, %select_n3A_423 : vector<256x128xi1>, vector<256x128xi32>
    %slice3A_430 = vector.extract_strided_slice %dot_general3A_239 {offsets = [0, 3968], sizes = [256, 128], strides = [1, 1]} : vector<256x4096xf32> to vector<256x128xf32>
    %gt3A_431 = arith.cmpf ogt, %slice3A_430, %select_n3A_426 : vector<256x128xf32>
    %select_n3A_432 = arith.select %gt3A_431, %slice3A_430, %select_n3A_426 : vector<256x128xi1>, vector<256x128xf32>
    %jit3A_433 = arith.constant 31 : i32
    %broadcast_in_dim3A_434 = vector.broadcast %jit3A_433 : i32 to vector<256x128xi32>
    %select_n3A_435 = arith.select %gt3A_431, %broadcast_in_dim3A_434, %select_n3A_429 : vector<256x128xi1>, vector<256x128xi32>
    %reduce_max3A_436 = arith.constant dense<0xFF800000> : vector<256xf32>
    %reduce_max3A_437 = vector.multi_reduction <maximumf>, %select_n3A_432, %reduce_max3A_436 [1] : vector<256x128xf32> to vector<256xf32>
    %broadcast_in_dim3A_438 = vector.shape_cast %reduce_max3A_437 : vector<256xf32> to vector<256x1xf32>
    %iota3A_439 = tpu.iota {dimensions = array<i32: 1>} : vector<256x128xi32>
    %mul3A_440 = arith.constant 128 : i32
    %mul3A_441 = vector.broadcast %mul3A_440 : i32 to vector<256x128xi32>
    %mul3A_442 = arith.muli %select_n3A_435, %mul3A_441 : vector<256x128xi32>
    %add3A_443 = arith.addi %mul3A_442, %iota3A_439 : vector<256x128xi32>
    %eq3A_444 = vector.broadcast %broadcast_in_dim3A_438 : vector<256x1xf32> to vector<256x128xf32>
    %eq3A_445 = arith.cmpf oeq, %select_n3A_432, %eq3A_444 : vector<256x128xf32>
    %jit3A_446 = arith.constant 4096 : i32
    %broadcast_in_dim3A_447 = vector.broadcast %jit3A_446 : i32 to vector<256x128xi32>
    %select_n3A_448 = arith.select %eq3A_445, %add3A_443, %broadcast_in_dim3A_447 : vector<256x128xi1>, vector<256x128xi32>
    %reduce_min3A_449 = arith.constant dense<2147483647> : vector<256xi32>
    %reduce_min3A_450 = vector.multi_reduction <minsi>, %select_n3A_448, %reduce_min3A_449 [1] : vector<256x128xi32> to vector<256xi32>
    %broadcast_in_dim3A_451 = vector.shape_cast %reduce_min3A_450 : vector<256xi32> to vector<256x1xi32>
    %add3A_452 = arith.constant 4096 : i32
    %add3A_453 = vector.broadcast %add3A_452 : i32 to vector<256x1xi32>
    %add3A_454 = arith.addi %broadcast_in_dim3A_451, %add3A_453 : vector<256x1xi32>
    %swap3A_455 = arith.constant 0 : index
    %swap3A_456 = arith.constant 1 : index
    %swap3A_457 = vector.load %arg5[%swap3A_455, %swap3A_456] : memref<256x10xi32, #tpu.memory_space<vmem>>, vector<256x1xi32>
    tpu.vector_store %arg5[%swap3A_455, %swap3A_456], %add3A_454 {strides = array<i32>} : memref<256x10xi32, #tpu.memory_space<vmem>>, vector<256x1xi32>,
    %slice3A_458 = vector.extract_strided_slice %convert_element_type3A {offsets = [0, 256], sizes = [256, 128], strides = [1, 1]} : vector<256x1280xbf16> to vector<256x128xbf16>
    %dot_general3A_459 = arith.constant dense<0.000000e+00> : vector<256x4096xf32>
    %dot_general3A_460 = tpu.matmul %slice3A_458, %get3A_27, %dot_general3A_459 {dimension_numbers = #tpu.dot_dimension_numbers<[1], [0], [0], [1], [0, 0, 1, 1], [], []>, transpose_lhs_hint = false} : vector<256x128xbf16>, vector<128x4096xbf16>, vector<256x4096xf32> -> vector<256x4096xf32>
    %broadcast_in_dim3A_461 = arith.constant 0xFF800000 : f32
    %broadcast_in_dim3A_462 = vector.broadcast %broadcast_in_dim3A_461 : f32 to vector<256x128xf32>
    %broadcast_in_dim3A_463 = arith.constant 0 : i32
    %broadcast_in_dim3A_464 = vector.broadcast %broadcast_in_dim3A_463 : i32 to vector<256x128xi32>
    %slice3A_465 = vector.extract_strided_slice %dot_general3A_460 {offsets = [0, 0], sizes = [256, 128], strides = [1, 1]} : vector<256x4096xf32> to vector<256x128xf32>
    %gt3A_466 = arith.cmpf ogt, %slice3A_465, %broadcast_in_dim3A_462 : vector<256x128xf32>
    %select_n3A_467 = arith.select %gt3A_466, %slice3A_465, %broadcast_in_dim3A_462 : vector<256x128xi1>, vector<256x128xf32>
    %jit3A_468 = arith.constant 0 : i32
    %broadcast_in_dim3A_469 = vector.broadcast %jit3A_468 : i32 to vector<256x128xi32>
    %select_n3A_470 = arith.select %gt3A_466, %broadcast_in_dim3A_469, %broadcast_in_dim3A_464 : vector<256x128xi1>, vector<256x128xi32>
    %slice3A_471 = vector.extract_strided_slice %dot_general3A_460 {offsets = [0, 128], sizes = [256, 128], strides = [1, 1]} : vector<256x4096xf32> to vector<256x128xf32>
    %gt3A_472 = arith.cmpf ogt, %slice3A_471, %select_n3A_467 : vector<256x128xf32>
    %select_n3A_473 = arith.select %gt3A_472, %slice3A_471, %select_n3A_467 : vector<256x128xi1>, vector<256x128xf32>
    %jit3A_474 = arith.constant 1 : i32
    %broadcast_in_dim3A_475 = vector.broadcast %jit3A_474 : i32 to vector<256x128xi32>
    %select_n3A_476 = arith.select %gt3A_472, %broadcast_in_dim3A_475, %select_n3A_470 : vector<256x128xi1>, vector<256x128xi32>
    %slice3A_477 = vector.extract_strided_slice %dot_general3A_460 {offsets = [0, 256], sizes = [256, 128], strides = [1, 1]} : vector<256x4096xf32> to vector<256x128xf32>
    %gt3A_478 = arith.cmpf ogt, %slice3A_477, %select_n3A_473 : vector<256x128xf32>
    %select_n3A_479 = arith.select %gt3A_478, %slice3A_477, %select_n3A_473 : vector<256x128xi1>, vector<256x128xf32>
    %jit3A_480 = arith.constant 2 : i32
    %broadcast_in_dim3A_481 = vector.broadcast %jit3A_480 : i32 to vector<256x128xi32>
    %select_n3A_482 = arith.select %gt3A_478, %broadcast_in_dim3A_481, %select_n3A_476 : vector<256x128xi1>, vector<256x128xi32>
    %slice3A_483 = vector.extract_strided_slice %dot_general3A_460 {offsets = [0, 384], sizes = [256, 128], strides = [1, 1]} : vector<256x4096xf32> to vector<256x128xf32>
    %gt3A_484 = arith.cmpf ogt, %slice3A_483, %select_n3A_479 : vector<256x128xf32>
    %select_n3A_485 = arith.select %gt3A_484, %slice3A_483, %select_n3A_479 : vector<256x128xi1>, vector<256x128xf32>
    %jit3A_486 = arith.constant 3 : i32
    %broadcast_in_dim3A_487 = vector.broadcast %jit3A_486 : i32 to vector<256x128xi32>
    %select_n3A_488 = arith.select %gt3A_484, %broadcast_in_dim3A_487, %select_n3A_482 : vector<256x128xi1>, vector<256x128xi32>
    %slice3A_489 = vector.extract_strided_slice %dot_general3A_460 {offsets = [0, 512], sizes = [256, 128], strides = [1, 1]} : vector<256x4096xf32> to vector<256x128xf32>
    %gt3A_490 = arith.cmpf ogt, %slice3A_489, %select_n3A_485 : vector<256x128xf32>
    %select_n3A_491 = arith.select %gt3A_490, %slice3A_489, %select_n3A_485 : vector<256x128xi1>, vector<256x128xf32>
    %jit3A_492 = arith.constant 4 : i32
    %broadcast_in_dim3A_493 = vector.broadcast %jit3A_492 : i32 to vector<256x128xi32>
    %select_n3A_494 = arith.select %gt3A_490, %broadcast_in_dim3A_493, %select_n3A_488 : vector<256x128xi1>, vector<256x128xi32>
    %slice3A_495 = vector.extract_strided_slice %dot_general3A_460 {offsets = [0, 640], sizes = [256, 128], strides = [1, 1]} : vector<256x4096xf32> to vector<256x128xf32>
    %gt3A_496 = arith.cmpf ogt, %slice3A_495, %select_n3A_491 : vector<256x128xf32>
    %select_n3A_497 = arith.select %gt3A_496, %slice3A_495, %select_n3A_491 : vector<256x128xi1>, vector<256x128xf32>
    %jit3A_498 = arith.constant 5 : i32
    %broadcast_in_dim3A_499 = vector.broadcast %jit3A_498 : i32 to vector<256x128xi32>
    %select_n3A_500 = arith.select %gt3A_496, %broadcast_in_dim3A_499, %select_n3A_494 : vector<256x128xi1>, vector<256x128xi32>
    %slice3A_501 = vector.extract_strided_slice %dot_general3A_460 {offsets = [0, 768], sizes = [256, 128], strides = [1, 1]} : vector<256x4096xf32> to vector<256x128xf32>
    %gt3A_502 = arith.cmpf ogt, %slice3A_501, %select_n3A_497 : vector<256x128xf32>
    %select_n3A_503 = arith.select %gt3A_502, %slice3A_501, %select_n3A_497 : vector<256x128xi1>, vector<256x128xf32>
    %jit3A_504 = arith.constant 6 : i32
    %broadcast_in_dim3A_505 = vector.broadcast %jit3A_504 : i32 to vector<256x128xi32>
    %select_n3A_506 = arith.select %gt3A_502, %broadcast_in_dim3A_505, %select_n3A_500 : vector<256x128xi1>, vector<256x128xi32>
    %slice3A_507 = vector.extract_strided_slice %dot_general3A_460 {offsets = [0, 896], sizes = [256, 128], strides = [1, 1]} : vector<256x4096xf32> to vector<256x128xf32>
    %gt3A_508 = arith.cmpf ogt, %slice3A_507, %select_n3A_503 : vector<256x128xf32>
    %select_n3A_509 = arith.select %gt3A_508, %slice3A_507, %select_n3A_503 : vector<256x128xi1>, vector<256x128xf32>
    %jit3A_510 = arith.constant 7 : i32
    %broadcast_in_dim3A_511 = vector.broadcast %jit3A_510 : i32 to vector<256x128xi32>
    %select_n3A_512 = arith.select %gt3A_508, %broadcast_in_dim3A_511, %select_n3A_506 : vector<256x128xi1>, vector<256x128xi32>
    %slice3A_513 = vector.extract_strided_slice %dot_general3A_460 {offsets = [0, 1024], sizes = [256, 128], strides = [1, 1]} : vector<256x4096xf32> to vector<256x128xf32>
    %gt3A_514 = arith.cmpf ogt, %slice3A_513, %select_n3A_509 : vector<256x128xf32>
    %select_n3A_515 = arith.select %gt3A_514, %slice3A_513, %select_n3A_509 : vector<256x128xi1>, vector<256x128xf32>
    %jit3A_516 = arith.constant 8 : i32
    %broadcast_in_dim3A_517 = vector.broadcast %jit3A_516 : i32 to vector<256x128xi32>
    %select_n3A_518 = arith.select %gt3A_514, %broadcast_in_dim3A_517, %select_n3A_512 : vector<256x128xi1>, vector<256x128xi32>
    %slice3A_519 = vector.extract_strided_slice %dot_general3A_460 {offsets = [0, 1152], sizes = [256, 128], strides = [1, 1]} : vector<256x4096xf32> to vector<256x128xf32>
    %gt3A_520 = arith.cmpf ogt, %slice3A_519, %select_n3A_515 : vector<256x128xf32>
    %select_n3A_521 = arith.select %gt3A_520, %slice3A_519, %select_n3A_515 : vector<256x128xi1>, vector<256x128xf32>
    %jit3A_522 = arith.constant 9 : i32
    %broadcast_in_dim3A_523 = vector.broadcast %jit3A_522 : i32 to vector<256x128xi32>
    %select_n3A_524 = arith.select %gt3A_520, %broadcast_in_dim3A_523, %select_n3A_518 : vector<256x128xi1>, vector<256x128xi32>
    %slice3A_525 = vector.extract_strided_slice %dot_general3A_460 {offsets = [0, 1280], sizes = [256, 128], strides = [1, 1]} : vector<256x4096xf32> to vector<256x128xf32>
    %gt3A_526 = arith.cmpf ogt, %slice3A_525, %select_n3A_521 : vector<256x128xf32>
    %select_n3A_527 = arith.select %gt3A_526, %slice3A_525, %select_n3A_521 : vector<256x128xi1>, vector<256x128xf32>
    %jit3A_528 = arith.constant 10 : i32
    %broadcast_in_dim3A_529 = vector.broadcast %jit3A_528 : i32 to vector<256x128xi32>
    %select_n3A_530 = arith.select %gt3A_526, %broadcast_in_dim3A_529, %select_n3A_524 : vector<256x128xi1>, vector<256x128xi32>
    %slice3A_531 = vector.extract_strided_slice %dot_general3A_460 {offsets = [0, 1408], sizes = [256, 128], strides = [1, 1]} : vector<256x4096xf32> to vector<256x128xf32>
    %gt3A_532 = arith.cmpf ogt, %slice3A_531, %select_n3A_527 : vector<256x128xf32>
    %select_n3A_533 = arith.select %gt3A_532, %slice3A_531, %select_n3A_527 : vector<256x128xi1>, vector<256x128xf32>
    %jit3A_534 = arith.constant 11 : i32
    %broadcast_in_dim3A_535 = vector.broadcast %jit3A_534 : i32 to vector<256x128xi32>
    %select_n3A_536 = arith.select %gt3A_532, %broadcast_in_dim3A_535, %select_n3A_530 : vector<256x128xi1>, vector<256x128xi32>
    %slice3A_537 = vector.extract_strided_slice %dot_general3A_460 {offsets = [0, 1536], sizes = [256, 128], strides = [1, 1]} : vector<256x4096xf32> to vector<256x128xf32>
    %gt3A_538 = arith.cmpf ogt, %slice3A_537, %select_n3A_533 : vector<256x128xf32>
    %select_n3A_539 = arith.select %gt3A_538, %slice3A_537, %select_n3A_533 : vector<256x128xi1>, vector<256x128xf32>
    %jit3A_540 = arith.constant 12 : i32
    %broadcast_in_dim3A_541 = vector.broadcast %jit3A_540 : i32 to vector<256x128xi32>
    %select_n3A_542 = arith.select %gt3A_538, %broadcast_in_dim3A_541, %select_n3A_536 : vector<256x128xi1>, vector<256x128xi32>
    %slice3A_543 = vector.extract_strided_slice %dot_general3A_460 {offsets = [0, 1664], sizes = [256, 128], strides = [1, 1]} : vector<256x4096xf32> to vector<256x128xf32>
    %gt3A_544 = arith.cmpf ogt, %slice3A_543, %select_n3A_539 : vector<256x128xf32>
    %select_n3A_545 = arith.select %gt3A_544, %slice3A_543, %select_n3A_539 : vector<256x128xi1>, vector<256x128xf32>
    %jit3A_546 = arith.constant 13 : i32
    %broadcast_in_dim3A_547 = vector.broadcast %jit3A_546 : i32 to vector<256x128xi32>
    %select_n3A_548 = arith.select %gt3A_544, %broadcast_in_dim3A_547, %select_n3A_542 : vector<256x128xi1>, vector<256x128xi32>
    %slice3A_549 = vector.extract_strided_slice %dot_general3A_460 {offsets = [0, 1792], sizes = [256, 128], strides = [1, 1]} : vector<256x4096xf32> to vector<256x128xf32>
    %gt3A_550 = arith.cmpf ogt, %slice3A_549, %select_n3A_545 : vector<256x128xf32>
    %select_n3A_551 = arith.select %gt3A_550, %slice3A_549, %select_n3A_545 : vector<256x128xi1>, vector<256x128xf32>
    %jit3A_552 = arith.constant 14 : i32
    %broadcast_in_dim3A_553 = vector.broadcast %jit3A_552 : i32 to vector<256x128xi32>
    %select_n3A_554 = arith.select %gt3A_550, %broadcast_in_dim3A_553, %select_n3A_548 : vector<256x128xi1>, vector<256x128xi32>
    %slice3A_555 = vector.extract_strided_slice %dot_general3A_460 {offsets = [0, 1920], sizes = [256, 128], strides = [1, 1]} : vector<256x4096xf32> to vector<256x128xf32>
    %gt3A_556 = arith.cmpf ogt, %slice3A_555, %select_n3A_551 : vector<256x128xf32>
    %select_n3A_557 = arith.select %gt3A_556, %slice3A_555, %select_n3A_551 : vector<256x128xi1>, vector<256x128xf32>
    %jit3A_558 = arith.constant 15 : i32
    %broadcast_in_dim3A_559 = vector.broadcast %jit3A_558 : i32 to vector<256x128xi32>
    %select_n3A_560 = arith.select %gt3A_556, %broadcast_in_dim3A_559, %select_n3A_554 : vector<256x128xi1>, vector<256x128xi32>
    %slice3A_561 = vector.extract_strided_slice %dot_general3A_460 {offsets = [0, 2048], sizes = [256, 128], strides = [1, 1]} : vector<256x4096xf32> to vector<256x128xf32>
    %gt3A_562 = arith.cmpf ogt, %slice3A_561, %select_n3A_557 : vector<256x128xf32>
    %select_n3A_563 = arith.select %gt3A_562, %slice3A_561, %select_n3A_557 : vector<256x128xi1>, vector<256x128xf32>
    %jit3A_564 = arith.constant 16 : i32
    %broadcast_in_dim3A_565 = vector.broadcast %jit3A_564 : i32 to vector<256x128xi32>
    %select_n3A_566 = arith.select %gt3A_562, %broadcast_in_dim3A_565, %select_n3A_560 : vector<256x128xi1>, vector<256x128xi32>
    %slice3A_567 = vector.extract_strided_slice %dot_general3A_460 {offsets = [0, 2176], sizes = [256, 128], strides = [1, 1]} : vector<256x4096xf32> to vector<256x128xf32>
    %gt3A_568 = arith.cmpf ogt, %slice3A_567, %select_n3A_563 : vector<256x128xf32>
    %select_n3A_569 = arith.select %gt3A_568, %slice3A_567, %select_n3A_563 : vector<256x128xi1>, vector<256x128xf32>
    %jit3A_570 = arith.constant 17 : i32
    %broadcast_in_dim3A_571 = vector.broadcast %jit3A_570 : i32 to vector<256x128xi32>
    %select_n3A_572 = arith.select %gt3A_568, %broadcast_in_dim3A_571, %select_n3A_566 : vector<256x128xi1>, vector<256x128xi32>
    %slice3A_573 = vector.extract_strided_slice %dot_general3A_460 {offsets = [0, 2304], sizes = [256, 128], strides = [1, 1]} : vector<256x4096xf32> to vector<256x128xf32>
    %gt3A_574 = arith.cmpf ogt, %slice3A_573, %select_n3A_569 : vector<256x128xf32>
    %select_n3A_575 = arith.select %gt3A_574, %slice3A_573, %select_n3A_569 : vector<256x128xi1>, vector<256x128xf32>
    %jit3A_576 = arith.constant 18 : i32
    %broadcast_in_dim3A_577 = vector.broadcast %jit3A_576 : i32 to vector<256x128xi32>
    %select_n3A_578 = arith.select %gt3A_574, %broadcast_in_dim3A_577, %select_n3A_572 : vector<256x128xi1>, vector<256x128xi32>
    %slice3A_579 = vector.extract_strided_slice %dot_general3A_460 {offsets = [0, 2432], sizes = [256, 128], strides = [1, 1]} : vector<256x4096xf32> to vector<256x128xf32>
    %gt3A_580 = arith.cmpf ogt, %slice3A_579, %select_n3A_575 : vector<256x128xf32>
    %select_n3A_581 = arith.select %gt3A_580, %slice3A_579, %select_n3A_575 : vector<256x128xi1>, vector<256x128xf32>
    %jit3A_582 = arith.constant 19 : i32
    %broadcast_in_dim3A_583 = vector.broadcast %jit3A_582 : i32 to vector<256x128xi32>
    %select_n3A_584 = arith.select %gt3A_580, %broadcast_in_dim3A_583, %select_n3A_578 : vector<256x128xi1>, vector<256x128xi32>
    %slice3A_585 = vector.extract_strided_slice %dot_general3A_460 {offsets = [0, 2560], sizes = [256, 128], strides = [1, 1]} : vector<256x4096xf32> to vector<256x128xf32>
    %gt3A_586 = arith.cmpf ogt, %slice3A_585, %select_n3A_581 : vector<256x128xf32>
    %select_n3A_587 = arith.select %gt3A_586, %slice3A_585, %select_n3A_581 : vector<256x128xi1>, vector<256x128xf32>
    %jit3A_588 = arith.constant 20 : i32
    %broadcast_in_dim3A_589 = vector.broadcast %jit3A_588 : i32 to vector<256x128xi32>
    %select_n3A_590 = arith.select %gt3A_586, %broadcast_in_dim3A_589, %select_n3A_584 : vector<256x128xi1>, vector<256x128xi32>
    %slice3A_591 = vector.extract_strided_slice %dot_general3A_460 {offsets = [0, 2688], sizes = [256, 128], strides = [1, 1]} : vector<256x4096xf32> to vector<256x128xf32>
    %gt3A_592 = arith.cmpf ogt, %slice3A_591, %select_n3A_587 : vector<256x128xf32>
    %select_n3A_593 = arith.select %gt3A_592, %slice3A_591, %select_n3A_587 : vector<256x128xi1>, vector<256x128xf32>
    %jit3A_594 = arith.constant 21 : i32
    %broadcast_in_dim3A_595 = vector.broadcast %jit3A_594 : i32 to vector<256x128xi32>
    %select_n3A_596 = arith.select %gt3A_592, %broadcast_in_dim3A_595, %select_n3A_590 : vector<256x128xi1>, vector<256x128xi32>
    %slice3A_597 = vector.extract_strided_slice %dot_general3A_460 {offsets = [0, 2816], sizes = [256, 128], strides = [1, 1]} : vector<256x4096xf32> to vector<256x128xf32>
    %gt3A_598 = arith.cmpf ogt, %slice3A_597, %select_n3A_593 : vector<256x128xf32>
    %select_n3A_599 = arith.select %gt3A_598, %slice3A_597, %select_n3A_593 : vector<256x128xi1>, vector<256x128xf32>
    %jit3A_600 = arith.constant 22 : i32
    %broadcast_in_dim3A_601 = vector.broadcast %jit3A_600 : i32 to vector<256x128xi32>
    %select_n3A_602 = arith.select %gt3A_598, %broadcast_in_dim3A_601, %select_n3A_596 : vector<256x128xi1>, vector<256x128xi32>
    %slice3A_603 = vector.extract_strided_slice %dot_general3A_460 {offsets = [0, 2944], sizes = [256, 128], strides = [1, 1]} : vector<256x4096xf32> to vector<256x128xf32>
    %gt3A_604 = arith.cmpf ogt, %slice3A_603, %select_n3A_599 : vector<256x128xf32>
    %select_n3A_605 = arith.select %gt3A_604, %slice3A_603, %select_n3A_599 : vector<256x128xi1>, vector<256x128xf32>
    %jit3A_606 = arith.constant 23 : i32
    %broadcast_in_dim3A_607 = vector.broadcast %jit3A_606 : i32 to vector<256x128xi32>
    %select_n3A_608 = arith.select %gt3A_604, %broadcast_in_dim3A_607, %select_n3A_602 : vector<256x128xi1>, vector<256x128xi32>
    %slice3A_609 = vector.extract_strided_slice %dot_general3A_460 {offsets = [0, 3072], sizes = [256, 128], strides = [1, 1]} : vector<256x4096xf32> to vector<256x128xf32>
    %gt3A_610 = arith.cmpf ogt, %slice3A_609, %select_n3A_605 : vector<256x128xf32>
    %select_n3A_611 = arith.select %gt3A_610, %slice3A_609, %select_n3A_605 : vector<256x128xi1>, vector<256x128xf32>
    %jit3A_612 = arith.constant 24 : i32
    %broadcast_in_dim3A_613 = vector.broadcast %jit3A_612 : i32 to vector<256x128xi32>
    %select_n3A_614 = arith.select %gt3A_610, %broadcast_in_dim3A_613, %select_n3A_608 : vector<256x128xi1>, vector<256x128xi32>
    %slice3A_615 = vector.extract_strided_slice %dot_general3A_460 {offsets = [0, 3200], sizes = [256, 128], strides = [1, 1]} : vector<256x4096xf32> to vector<256x128xf32>
    %gt3A_616 = arith.cmpf ogt, %slice3A_615, %select_n3A_611 : vector<256x128xf32>
    %select_n3A_617 = arith.select %gt3A_616, %slice3A_615, %select_n3A_611 : vector<256x128xi1>, vector<256x128xf32>
    %jit3A_618 = arith.constant 25 : i32
    %broadcast_in_dim3A_619 = vector.broadcast %jit3A_618 : i32 to vector<256x128xi32>
    %select_n3A_620 = arith.select %gt3A_616, %broadcast_in_dim3A_619, %select_n3A_614 : vector<256x128xi1>, vector<256x128xi32>
    %slice3A_621 = vector.extract_strided_slice %dot_general3A_460 {offsets = [0, 3328], sizes = [256, 128], strides = [1, 1]} : vector<256x4096xf32> to vector<256x128xf32>
    %gt3A_622 = arith.cmpf ogt, %slice3A_621, %select_n3A_617 : vector<256x128xf32>
    %select_n3A_623 = arith.select %gt3A_622, %slice3A_621, %select_n3A_617 : vector<256x128xi1>, vector<256x128xf32>
    %jit3A_624 = arith.constant 26 : i32
    %broadcast_in_dim3A_625 = vector.broadcast %jit3A_624 : i32 to vector<256x128xi32>
    %select_n3A_626 = arith.select %gt3A_622, %broadcast_in_dim3A_625, %select_n3A_620 : vector<256x128xi1>, vector<256x128xi32>
    %slice3A_627 = vector.extract_strided_slice %dot_general3A_460 {offsets = [0, 3456], sizes = [256, 128], strides = [1, 1]} : vector<256x4096xf32> to vector<256x128xf32>
    %gt3A_628 = arith.cmpf ogt, %slice3A_627, %select_n3A_623 : vector<256x128xf32>
    %select_n3A_629 = arith.select %gt3A_628, %slice3A_627, %select_n3A_623 : vector<256x128xi1>, vector<256x128xf32>
    %jit3A_630 = arith.constant 27 : i32
    %broadcast_in_dim3A_631 = vector.broadcast %jit3A_630 : i32 to vector<256x128xi32>
    %select_n3A_632 = arith.select %gt3A_628, %broadcast_in_dim3A_631, %select_n3A_626 : vector<256x128xi1>, vector<256x128xi32>
    %slice3A_633 = vector.extract_strided_slice %dot_general3A_460 {offsets = [0, 3584], sizes = [256, 128], strides = [1, 1]} : vector<256x4096xf32> to vector<256x128xf32>
    %gt3A_634 = arith.cmpf ogt, %slice3A_633, %select_n3A_629 : vector<256x128xf32>
    %select_n3A_635 = arith.select %gt3A_634, %slice3A_633, %select_n3A_629 : vector<256x128xi1>, vector<256x128xf32>
    %jit3A_636 = arith.constant 28 : i32
    %broadcast_in_dim3A_637 = vector.broadcast %jit3A_636 : i32 to vector<256x128xi32>
    %select_n3A_638 = arith.select %gt3A_634, %broadcast_in_dim3A_637, %select_n3A_632 : vector<256x128xi1>, vector<256x128xi32>
    %slice3A_639 = vector.extract_strided_slice %dot_general3A_460 {offsets = [0, 3712], sizes = [256, 128], strides = [1, 1]} : vector<256x4096xf32> to vector<256x128xf32>
    %gt3A_640 = arith.cmpf ogt, %slice3A_639, %select_n3A_635 : vector<256x128xf32>
    %select_n3A_641 = arith.select %gt3A_640, %slice3A_639, %select_n3A_635 : vector<256x128xi1>, vector<256x128xf32>
    %jit3A_642 = arith.constant 29 : i32
    %broadcast_in_dim3A_643 = vector.broadcast %jit3A_642 : i32 to vector<256x128xi32>
    %select_n3A_644 = arith.select %gt3A_640, %broadcast_in_dim3A_643, %select_n3A_638 : vector<256x128xi1>, vector<256x128xi32>
    %slice3A_645 = vector.extract_strided_slice %dot_general3A_460 {offsets = [0, 3840], sizes = [256, 128], strides = [1, 1]} : vector<256x4096xf32> to vector<256x128xf32>
    %gt3A_646 = arith.cmpf ogt, %slice3A_645, %select_n3A_641 : vector<256x128xf32>
    %select_n3A_647 = arith.select %gt3A_646, %slice3A_645, %select_n3A_641 : vector<256x128xi1>, vector<256x128xf32>
    %jit3A_648 = arith.constant 30 : i32
    %broadcast_in_dim3A_649 = vector.broadcast %jit3A_648 : i32 to vector<256x128xi32>
    %select_n3A_650 = arith.select %gt3A_646, %broadcast_in_dim3A_649, %select_n3A_644 : vector<256x128xi1>, vector<256x128xi32>
    %slice3A_651 = vector.extract_strided_slice %dot_general3A_460 {offsets = [0, 3968], sizes = [256, 128], strides = [1, 1]} : vector<256x4096xf32> to vector<256x128xf32>
    %gt3A_652 = arith.cmpf ogt, %slice3A_651, %select_n3A_647 : vector<256x128xf32>
    %select_n3A_653 = arith.select %gt3A_652, %slice3A_651, %select_n3A_647 : vector<256x128xi1>, vector<256x128xf32>
    %jit3A_654 = arith.constant 31 : i32
    %broadcast_in_dim3A_655 = vector.broadcast %jit3A_654 : i32 to vector<256x128xi32>
    %select_n3A_656 = arith.select %gt3A_652, %broadcast_in_dim3A_655, %select_n3A_650 : vector<256x128xi1>, vector<256x128xi32>
    %reduce_max3A_657 = arith.constant dense<0xFF800000> : vector<256xf32>
    %reduce_max3A_658 = vector.multi_reduction <maximumf>, %select_n3A_653, %reduce_max3A_657 [1] : vector<256x128xf32> to vector<256xf32>
    %broadcast_in_dim3A_659 = vector.shape_cast %reduce_max3A_658 : vector<256xf32> to vector<256x1xf32>
    %iota3A_660 = tpu.iota {dimensions = array<i32: 1>} : vector<256x128xi32>
    %mul3A_661 = arith.constant 128 : i32
    %mul3A_662 = vector.broadcast %mul3A_661 : i32 to vector<256x128xi32>
    %mul3A_663 = arith.muli %select_n3A_656, %mul3A_662 : vector<256x128xi32>
    %add3A_664 = arith.addi %mul3A_663, %iota3A_660 : vector<256x128xi32>
    %eq3A_665 = vector.broadcast %broadcast_in_dim3A_659 : vector<256x1xf32> to vector<256x128xf32>
    %eq3A_666 = arith.cmpf oeq, %select_n3A_653, %eq3A_665 : vector<256x128xf32>
    %jit3A_667 = arith.constant 4096 : i32
    %broadcast_in_dim3A_668 = vector.broadcast %jit3A_667 : i32 to vector<256x128xi32>
    %select_n3A_669 = arith.select %eq3A_666, %add3A_664, %broadcast_in_dim3A_668 : vector<256x128xi1>, vector<256x128xi32>
    %reduce_min3A_670 = arith.constant dense<2147483647> : vector<256xi32>
    %reduce_min3A_671 = vector.multi_reduction <minsi>, %select_n3A_669, %reduce_min3A_670 [1] : vector<256x128xi32> to vector<256xi32>
    %broadcast_in_dim3A_672 = vector.shape_cast %reduce_min3A_671 : vector<256xi32> to vector<256x1xi32>
    %add3A_673 = arith.constant 8192 : i32
    %add3A_674 = vector.broadcast %add3A_673 : i32 to vector<256x1xi32>
    %add3A_675 = arith.addi %broadcast_in_dim3A_672, %add3A_674 : vector<256x1xi32>
    %swap3A_676 = arith.constant 0 : index
    %swap3A_677 = arith.constant 2 : index
    %swap3A_678 = vector.load %arg5[%swap3A_676, %swap3A_677] : memref<256x10xi32, #tpu.memory_space<vmem>>, vector<256x1xi32>
    tpu.vector_store %arg5[%swap3A_676, %swap3A_677], %add3A_675 {strides = array<i32>} : memref<256x10xi32, #tpu.memory_space<vmem>>, vector<256x1xi32>,
    %slice3A_679 = vector.extract_strided_slice %convert_element_type3A {offsets = [0, 384], sizes = [256, 128], strides = [1, 1]} : vector<256x1280xbf16> to vector<256x128xbf16>
    %dot_general3A_680 = arith.constant dense<0.000000e+00> : vector<256x4096xf32>
    %dot_general3A_681 = tpu.matmul %slice3A_679, %get3A_27, %dot_general3A_680 {dimension_numbers = #tpu.dot_dimension_numbers<[1], [0], [0], [1], [0, 0, 1, 1], [], []>, transpose_lhs_hint = false} : vector<256x128xbf16>, vector<128x4096xbf16>, vector<256x4096xf32> -> vector<256x4096xf32>
    %broadcast_in_dim3A_682 = arith.constant 0xFF800000 : f32
    %broadcast_in_dim3A_683 = vector.broadcast %broadcast_in_dim3A_682 : f32 to vector<256x128xf32>
    %broadcast_in_dim3A_684 = arith.constant 0 : i32
    %broadcast_in_dim3A_685 = vector.broadcast %broadcast_in_dim3A_684 : i32 to vector<256x128xi32>
    %slice3A_686 = vector.extract_strided_slice %dot_general3A_681 {offsets = [0, 0], sizes = [256, 128], strides = [1, 1]} : vector<256x4096xf32> to vector<256x128xf32>
    %gt3A_687 = arith.cmpf ogt, %slice3A_686, %broadcast_in_dim3A_683 : vector<256x128xf32>
    %select_n3A_688 = arith.select %gt3A_687, %slice3A_686, %broadcast_in_dim3A_683 : vector<256x128xi1>, vector<256x128xf32>
    %jit3A_689 = arith.constant 0 : i32
    %broadcast_in_dim3A_690 = vector.broadcast %jit3A_689 : i32 to vector<256x128xi32>
    %select_n3A_691 = arith.select %gt3A_687, %broadcast_in_dim3A_690, %broadcast_in_dim3A_685 : vector<256x128xi1>, vector<256x128xi32>
    %slice3A_692 = vector.extract_strided_slice %dot_general3A_681 {offsets = [0, 128], sizes = [256, 128], strides = [1, 1]} : vector<256x4096xf32> to vector<256x128xf32>
    %gt3A_693 = arith.cmpf ogt, %slice3A_692, %select_n3A_688 : vector<256x128xf32>
    %select_n3A_694 = arith.select %gt3A_693, %slice3A_692, %select_n3A_688 : vector<256x128xi1>, vector<256x128xf32>
    %jit3A_695 = arith.constant 1 : i32
    %broadcast_in_dim3A_696 = vector.broadcast %jit3A_695 : i32 to vector<256x128xi32>
    %select_n3A_697 = arith.select %gt3A_693, %broadcast_in_dim3A_696, %select_n3A_691 : vector<256x128xi1>, vector<256x128xi32>
    %slice3A_698 = vector.extract_strided_slice %dot_general3A_681 {offsets = [0, 256], sizes = [256, 128], strides = [1, 1]} : vector<256x4096xf32> to vector<256x128xf32>
    %gt3A_699 = arith.cmpf ogt, %slice3A_698, %select_n3A_694 : vector<256x128xf32>
    %select_n3A_700 = arith.select %gt3A_699, %slice3A_698, %select_n3A_694 : vector<256x128xi1>, vector<256x128xf32>
    %jit3A_701 = arith.constant 2 : i32
    %broadcast_in_dim3A_702 = vector.broadcast %jit3A_701 : i32 to vector<256x128xi32>
    %select_n3A_703 = arith.select %gt3A_699, %broadcast_in_dim3A_702, %select_n3A_697 : vector<256x128xi1>, vector<256x128xi32>
    %slice3A_704 = vector.extract_strided_slice %dot_general3A_681 {offsets = [0, 384], sizes = [256, 128], strides = [1, 1]} : vector<256x4096xf32> to vector<256x128xf32>
    %gt3A_705 = arith.cmpf ogt, %slice3A_704, %select_n3A_700 : vector<256x128xf32>
    %select_n3A_706 = arith.select %gt3A_705, %slice3A_704, %select_n3A_700 : vector<256x128xi1>, vector<256x128xf32>
    %jit3A_707 = arith.constant 3 : i32
    %broadcast_in_dim3A_708 = vector.broadcast %jit3A_707 : i32 to vector<256x128xi32>
    %select_n3A_709 = arith.select %gt3A_705, %broadcast_in_dim3A_708, %select_n3A_703 : vector<256x128xi1>, vector<256x128xi32>
    %slice3A_710 = vector.extract_strided_slice %dot_general3A_681 {offsets = [0, 512], sizes = [256, 128], strides = [1, 1]} : vector<256x4096xf32> to vector<256x128xf32>
    %gt3A_711 = arith.cmpf ogt, %slice3A_710, %select_n3A_706 : vector<256x128xf32>
    %select_n3A_712 = arith.select %gt3A_711, %slice3A_710, %select_n3A_706 : vector<256x128xi1>, vector<256x128xf32>
    %jit3A_713 = arith.constant 4 : i32
    %broadcast_in_dim3A_714 = vector.broadcast %jit3A_713 : i32 to vector<256x128xi32>
    %select_n3A_715 = arith.select %gt3A_711, %broadcast_in_dim3A_714, %select_n3A_709 : vector<256x128xi1>, vector<256x128xi32>
    %slice3A_716 = vector.extract_strided_slice %dot_general3A_681 {offsets = [0, 640], sizes = [256, 128], strides = [1, 1]} : vector<256x4096xf32> to vector<256x128xf32>
    %gt3A_717 = arith.cmpf ogt, %slice3A_716, %select_n3A_712 : vector<256x128xf32>
    %select_n3A_718 = arith.select %gt3A_717, %slice3A_716, %select_n3A_712 : vector<256x128xi1>, vector<256x128xf32>
    %jit3A_719 = arith.constant 5 : i32
    %broadcast_in_dim3A_720 = vector.broadcast %jit3A_719 : i32 to vector<256x128xi32>
    %select_n3A_721 = arith.select %gt3A_717, %broadcast_in_dim3A_720, %select_n3A_715 : vector<256x128xi1>, vector<256x128xi32>
    %slice3A_722 = vector.extract_strided_slice %dot_general3A_681 {offsets = [0, 768], sizes = [256, 128], strides = [1, 1]} : vector<256x4096xf32> to vector<256x128xf32>
    %gt3A_723 = arith.cmpf ogt, %slice3A_722, %select_n3A_718 : vector<256x128xf32>
    %select_n3A_724 = arith.select %gt3A_723, %slice3A_722, %select_n3A_718 : vector<256x128xi1>, vector<256x128xf32>
    %jit3A_725 = arith.constant 6 : i32
    %broadcast_in_dim3A_726 = vector.broadcast %jit3A_725 : i32 to vector<256x128xi32>
    %select_n3A_727 = arith.select %gt3A_723, %broadcast_in_dim3A_726, %select_n3A_721 : vector<256x128xi1>, vector<256x128xi32>
    %slice3A_728 = vector.extract_strided_slice %dot_general3A_681 {offsets = [0, 896], sizes = [256, 128], strides = [1, 1]} : vector<256x4096xf32> to vector<256x128xf32>
    %gt3A_729 = arith.cmpf ogt, %slice3A_728, %select_n3A_724 : vector<256x128xf32>
    %select_n3A_730 = arith.select %gt3A_729, %slice3A_728, %select_n3A_724 : vector<256x128xi1>, vector<256x128xf32>
    %jit3A_731 = arith.constant 7 : i32
    %broadcast_in_dim3A_732 = vector.broadcast %jit3A_731 : i32 to vector<256x128xi32>
    %select_n3A_733 = arith.select %gt3A_729, %broadcast_in_dim3A_732, %select_n3A_727 : vector<256x128xi1>, vector<256x128xi32>
    %slice3A_734 = vector.extract_strided_slice %dot_general3A_681 {offsets = [0, 1024], sizes = [256, 128], strides = [1, 1]} : vector<256x4096xf32> to vector<256x128xf32>
    %gt3A_735 = arith.cmpf ogt, %slice3A_734, %select_n3A_730 : vector<256x128xf32>
    %select_n3A_736 = arith.select %gt3A_735, %slice3A_734, %select_n3A_730 : vector<256x128xi1>, vector<256x128xf32>
    %jit3A_737 = arith.constant 8 : i32
    %broadcast_in_dim3A_738 = vector.broadcast %jit3A_737 : i32 to vector<256x128xi32>
    %select_n3A_739 = arith.select %gt3A_735, %broadcast_in_dim3A_738, %select_n3A_733 : vector<256x128xi1>, vector<256x128xi32>
    %slice3A_740 = vector.extract_strided_slice %dot_general3A_681 {offsets = [0, 1152], sizes = [256, 128], strides = [1, 1]} : vector<256x4096xf32> to vector<256x128xf32>
    %gt3A_741 = arith.cmpf ogt, %slice3A_740, %select_n3A_736 : vector<256x128xf32>
    %select_n3A_742 = arith.select %gt3A_741, %slice3A_740, %select_n3A_736 : vector<256x128xi1>, vector<256x128xf32>
    %jit3A_743 = arith.constant 9 : i32
    %broadcast_in_dim3A_744 = vector.broadcast %jit3A_743 : i32 to vector<256x128xi32>
    %select_n3A_745 = arith.select %gt3A_741, %broadcast_in_dim3A_744, %select_n3A_739 : vector<256x128xi1>, vector<256x128xi32>
    %slice3A_746 = vector.extract_strided_slice %dot_general3A_681 {offsets = [0, 1280], sizes = [256, 128], strides = [1, 1]} : vector<256x4096xf32> to vector<256x128xf32>
    %gt3A_747 = arith.cmpf ogt, %slice3A_746, %select_n3A_742 : vector<256x128xf32>
    %select_n3A_748 = arith.select %gt3A_747, %slice3A_746, %select_n3A_742 : vector<256x128xi1>, vector<256x128xf32>
    %jit3A_749 = arith.constant 10 : i32
    %broadcast_in_dim3A_750 = vector.broadcast %jit3A_749 : i32 to vector<256x128xi32>
    %select_n3A_751 = arith.select %gt3A_747, %broadcast_in_dim3A_750, %select_n3A_745 : vector<256x128xi1>, vector<256x128xi32>
    %slice3A_752 = vector.extract_strided_slice %dot_general3A_681 {offsets = [0, 1408], sizes = [256, 128], strides = [1, 1]} : vector<256x4096xf32> to vector<256x128xf32>
    %gt3A_753 = arith.cmpf ogt, %slice3A_752, %select_n3A_748 : vector<256x128xf32>
    %select_n3A_754 = arith.select %gt3A_753, %slice3A_752, %select_n3A_748 : vector<256x128xi1>, vector<256x128xf32>
    %jit3A_755 = arith.constant 11 : i32
    %broadcast_in_dim3A_756 = vector.broadcast %jit3A_755 : i32 to vector<256x128xi32>
    %select_n3A_757 = arith.select %gt3A_753, %broadcast_in_dim3A_756, %select_n3A_751 : vector<256x128xi1>, vector<256x128xi32>
    %slice3A_758 = vector.extract_strided_slice %dot_general3A_681 {offsets = [0, 1536], sizes = [256, 128], strides = [1, 1]} : vector<256x4096xf32> to vector<256x128xf32>
    %gt3A_759 = arith.cmpf ogt, %slice3A_758, %select_n3A_754 : vector<256x128xf32>
    %select_n3A_760 = arith.select %gt3A_759, %slice3A_758, %select_n3A_754 : vector<256x128xi1>, vector<256x128xf32>
    %jit3A_761 = arith.constant 12 : i32
    %broadcast_in_dim3A_762 = vector.broadcast %jit3A_761 : i32 to vector<256x128xi32>
    %select_n3A_763 = arith.select %gt3A_759, %broadcast_in_dim3A_762, %select_n3A_757 : vector<256x128xi1>, vector<256x128xi32>
    %slice3A_764 = vector.extract_strided_slice %dot_general3A_681 {offsets = [0, 1664], sizes = [256, 128], strides = [1, 1]} : vector<256x4096xf32> to vector<256x128xf32>
    %gt3A_765 = arith.cmpf ogt, %slice3A_764, %select_n3A_760 : vector<256x128xf32>
    %select_n3A_766 = arith.select %gt3A_765, %slice3A_764, %select_n3A_760 : vector<256x128xi1>, vector<256x128xf32>
    %jit3A_767 = arith.constant 13 : i32
    %broadcast_in_dim3A_768 = vector.broadcast %jit3A_767 : i32 to vector<256x128xi32>
    %select_n3A_769 = arith.select %gt3A_765, %broadcast_in_dim3A_768, %select_n3A_763 : vector<256x128xi1>, vector<256x128xi32>
    %slice3A_770 = vector.extract_strided_slice %dot_general3A_681 {offsets = [0, 1792], sizes = [256, 128], strides = [1, 1]} : vector<256x4096xf32> to vector<256x128xf32>
    %gt3A_771 = arith.cmpf ogt, %slice3A_770, %select_n3A_766 : vector<256x128xf32>
    %select_n3A_772 = arith.select %gt3A_771, %slice3A_770, %select_n3A_766 : vector<256x128xi1>, vector<256x128xf32>
    %jit3A_773 = arith.constant 14 : i32
    %broadcast_in_dim3A_774 = vector.broadcast %jit3A_773 : i32 to vector<256x128xi32>
    %select_n3A_775 = arith.select %gt3A_771, %broadcast_in_dim3A_774, %select_n3A_769 : vector<256x128xi1>, vector<256x128xi32>
    %slice3A_776 = vector.extract_strided_slice %dot_general3A_681 {offsets = [0, 1920], sizes = [256, 128], strides = [1, 1]} : vector<256x4096xf32> to vector<256x128xf32>
    %gt3A_777 = arith.cmpf ogt, %slice3A_776, %select_n3A_772 : vector<256x128xf32>
    %select_n3A_778 = arith.select %gt3A_777, %slice3A_776, %select_n3A_772 : vector<256x128xi1>, vector<256x128xf32>
    %jit3A_779 = arith.constant 15 : i32
    %broadcast_in_dim3A_780 = vector.broadcast %jit3A_779 : i32 to vector<256x128xi32>
    %select_n3A_781 = arith.select %gt3A_777, %broadcast_in_dim3A_780, %select_n3A_775 : vector<256x128xi1>, vector<256x128xi32>
    %slice3A_782 = vector.extract_strided_slice %dot_general3A_681 {offsets = [0, 2048], sizes = [256, 128], strides = [1, 1]} : vector<256x4096xf32> to vector<256x128xf32>
    %gt3A_783 = arith.cmpf ogt, %slice3A_782, %select_n3A_778 : vector<256x128xf32>
    %select_n3A_784 = arith.select %gt3A_783, %slice3A_782, %select_n3A_778 : vector<256x128xi1>, vector<256x128xf32>
    %jit3A_785 = arith.constant 16 : i32
    %broadcast_in_dim3A_786 = vector.broadcast %jit3A_785 : i32 to vector<256x128xi32>
    %select_n3A_787 = arith.select %gt3A_783, %broadcast_in_dim3A_786, %select_n3A_781 : vector<256x128xi1>, vector<256x128xi32>
    %slice3A_788 = vector.extract_strided_slice %dot_general3A_681 {offsets = [0, 2176], sizes = [256, 128], strides = [1, 1]} : vector<256x4096xf32> to vector<256x128xf32>
    %gt3A_789 = arith.cmpf ogt, %slice3A_788, %select_n3A_784 : vector<256x128xf32>
    %select_n3A_790 = arith.select %gt3A_789, %slice3A_788, %select_n3A_784 : vector<256x128xi1>, vector<256x128xf32>
    %jit3A_791 = arith.constant 17 : i32
    %broadcast_in_dim3A_792 = vector.broadcast %jit3A_791 : i32 to vector<256x128xi32>
    %select_n3A_793 = arith.select %gt3A_789, %broadcast_in_dim3A_792, %select_n3A_787 : vector<256x128xi1>, vector<256x128xi32>
    %slice3A_794 = vector.extract_strided_slice %dot_general3A_681 {offsets = [0, 2304], sizes = [256, 128], strides = [1, 1]} : vector<256x4096xf32> to vector<256x128xf32>
    %gt3A_795 = arith.cmpf ogt, %slice3A_794, %select_n3A_790 : vector<256x128xf32>
    %select_n3A_796 = arith.select %gt3A_795, %slice3A_794, %select_n3A_790 : vector<256x128xi1>, vector<256x128xf32>
    %jit3A_797 = arith.constant 18 : i32
    %broadcast_in_dim3A_798 = vector.broadcast %jit3A_797 : i32 to vector<256x128xi32>
    %select_n3A_799 = arith.select %gt3A_795, %broadcast_in_dim3A_798, %select_n3A_793 : vector<256x128xi1>, vector<256x128xi32>
    %slice3A_800 = vector.extract_strided_slice %dot_general3A_681 {offsets = [0, 2432], sizes = [256, 128], strides = [1, 1]} : vector<256x4096xf32> to vector<256x128xf32>
    %gt3A_801 = arith.cmpf ogt, %slice3A_800, %select_n3A_796 : vector<256x128xf32>
    %select_n3A_802 = arith.select %gt3A_801, %slice3A_800, %select_n3A_796 : vector<256x128xi1>, vector<256x128xf32>
    %jit3A_803 = arith.constant 19 : i32
    %broadcast_in_dim3A_804 = vector.broadcast %jit3A_803 : i32 to vector<256x128xi32>
    %select_n3A_805 = arith.select %gt3A_801, %broadcast_in_dim3A_804, %select_n3A_799 : vector<256x128xi1>, vector<256x128xi32>
    %slice3A_806 = vector.extract_strided_slice %dot_general3A_681 {offsets = [0, 2560], sizes = [256, 128], strides = [1, 1]} : vector<256x4096xf32> to vector<256x128xf32>
    %gt3A_807 = arith.cmpf ogt, %slice3A_806, %select_n3A_802 : vector<256x128xf32>
    %select_n3A_808 = arith.select %gt3A_807, %slice3A_806, %select_n3A_802 : vector<256x128xi1>, vector<256x128xf32>
    %jit3A_809 = arith.constant 20 : i32
    %broadcast_in_dim3A_810 = vector.broadcast %jit3A_809 : i32 to vector<256x128xi32>
    %select_n3A_811 = arith.select %gt3A_807, %broadcast_in_dim3A_810, %select_n3A_805 : vector<256x128xi1>, vector<256x128xi32>
    %slice3A_812 = vector.extract_strided_slice %dot_general3A_681 {offsets = [0, 2688], sizes = [256, 128], strides = [1, 1]} : vector<256x4096xf32> to vector<256x128xf32>
    %gt3A_813 = arith.cmpf ogt, %slice3A_812, %select_n3A_808 : vector<256x128xf32>
    %select_n3A_814 = arith.select %gt3A_813, %slice3A_812, %select_n3A_808 : vector<256x128xi1>, vector<256x128xf32>
    %jit3A_815 = arith.constant 21 : i32
    %broadcast_in_dim3A_816 = vector.broadcast %jit3A_815 : i32 to vector<256x128xi32>
    %select_n3A_817 = arith.select %gt3A_813, %broadcast_in_dim3A_816, %select_n3A_811 : vector<256x128xi1>, vector<256x128xi32>
    %slice3A_818 = vector.extract_strided_slice %dot_general3A_681 {offsets = [0, 2816], sizes = [256, 128], strides = [1, 1]} : vector<256x4096xf32> to vector<256x128xf32>
    %gt3A_819 = arith.cmpf ogt, %slice3A_818, %select_n3A_814 : vector<256x128xf32>
    %select_n3A_820 = arith.select %gt3A_819, %slice3A_818, %select_n3A_814 : vector<256x128xi1>, vector<256x128xf32>
    %jit3A_821 = arith.constant 22 : i32
    %broadcast_in_dim3A_822 = vector.broadcast %jit3A_821 : i32 to vector<256x128xi32>
    %select_n3A_823 = arith.select %gt3A_819, %broadcast_in_dim3A_822, %select_n3A_817 : vector<256x128xi1>, vector<256x128xi32>
    %slice3A_824 = vector.extract_strided_slice %dot_general3A_681 {offsets = [0, 2944], sizes = [256, 128], strides = [1, 1]} : vector<256x4096xf32> to vector<256x128xf32>
    %gt3A_825 = arith.cmpf ogt, %slice3A_824, %select_n3A_820 : vector<256x128xf32>
    %select_n3A_826 = arith.select %gt3A_825, %slice3A_824, %select_n3A_820 : vector<256x128xi1>, vector<256x128xf32>
    %jit3A_827 = arith.constant 23 : i32
    %broadcast_in_dim3A_828 = vector.broadcast %jit3A_827 : i32 to vector<256x128xi32>
    %select_n3A_829 = arith.select %gt3A_825, %broadcast_in_dim3A_828, %select_n3A_823 : vector<256x128xi1>, vector<256x128xi32>
    %slice3A_830 = vector.extract_strided_slice %dot_general3A_681 {offsets = [0, 3072], sizes = [256, 128], strides = [1, 1]} : vector<256x4096xf32> to vector<256x128xf32>
    %gt3A_831 = arith.cmpf ogt, %slice3A_830, %select_n3A_826 : vector<256x128xf32>
    %select_n3A_832 = arith.select %gt3A_831, %slice3A_830, %select_n3A_826 : vector<256x128xi1>, vector<256x128xf32>
    %jit3A_833 = arith.constant 24 : i32
    %broadcast_in_dim3A_834 = vector.broadcast %jit3A_833 : i32 to vector<256x128xi32>
    %select_n3A_835 = arith.select %gt3A_831, %broadcast_in_dim3A_834, %select_n3A_829 : vector<256x128xi1>, vector<256x128xi32>
    %slice3A_836 = vector.extract_strided_slice %dot_general3A_681 {offsets = [0, 3200], sizes = [256, 128], strides = [1, 1]} : vector<256x4096xf32> to vector<256x128xf32>
    %gt3A_837 = arith.cmpf ogt, %slice3A_836, %select_n3A_832 : vector<256x128xf32>
    %select_n3A_838 = arith.select %gt3A_837, %slice3A_836, %select_n3A_832 : vector<256x128xi1>, vector<256x128xf32>
    %jit3A_839 = arith.constant 25 : i32
    %broadcast_in_dim3A_840 = vector.broadcast %jit3A_839 : i32 to vector<256x128xi32>
    %select_n3A_841 = arith.select %gt3A_837, %broadcast_in_dim3A_840, %select_n3A_835 : vector<256x128xi1>, vector<256x128xi32>
    %slice3A_842 = vector.extract_strided_slice %dot_general3A_681 {offsets = [0, 3328], sizes = [256, 128], strides = [1, 1]} : vector<256x4096xf32> to vector<256x128xf32>
    %gt3A_843 = arith.cmpf ogt, %slice3A_842, %select_n3A_838 : vector<256x128xf32>
    %select_n3A_844 = arith.select %gt3A_843, %slice3A_842, %select_n3A_838 : vector<256x128xi1>, vector<256x128xf32>
    %jit3A_845 = arith.constant 26 : i32
    %broadcast_in_dim3A_846 = vector.broadcast %jit3A_845 : i32 to vector<256x128xi32>
    %select_n3A_847 = arith.select %gt3A_843, %broadcast_in_dim3A_846, %select_n3A_841 : vector<256x128xi1>, vector<256x128xi32>
    %slice3A_848 = vector.extract_strided_slice %dot_general3A_681 {offsets = [0, 3456], sizes = [256, 128], strides = [1, 1]} : vector<256x4096xf32> to vector<256x128xf32>
    %gt3A_849 = arith.cmpf ogt, %slice3A_848, %select_n3A_844 : vector<256x128xf32>
    %select_n3A_850 = arith.select %gt3A_849, %slice3A_848, %select_n3A_844 : vector<256x128xi1>, vector<256x128xf32>
    %jit3A_851 = arith.constant 27 : i32
    %broadcast_in_dim3A_852 = vector.broadcast %jit3A_851 : i32 to vector<256x128xi32>
    %select_n3A_853 = arith.select %gt3A_849, %broadcast_in_dim3A_852, %select_n3A_847 : vector<256x128xi1>, vector<256x128xi32>
    %slice3A_854 = vector.extract_strided_slice %dot_general3A_681 {offsets = [0, 3584], sizes = [256, 128], strides = [1, 1]} : vector<256x4096xf32> to vector<256x128xf32>
    %gt3A_855 = arith.cmpf ogt, %slice3A_854, %select_n3A_850 : vector<256x128xf32>
    %select_n3A_856 = arith.select %gt3A_855, %slice3A_854, %select_n3A_850 : vector<256x128xi1>, vector<256x128xf32>
    %jit3A_857 = arith.constant 28 : i32
    %broadcast_in_dim3A_858 = vector.broadcast %jit3A_857 : i32 to vector<256x128xi32>
    %select_n3A_859 = arith.select %gt3A_855, %broadcast_in_dim3A_858, %select_n3A_853 : vector<256x128xi1>, vector<256x128xi32>
    %slice3A_860 = vector.extract_strided_slice %dot_general3A_681 {offsets = [0, 3712], sizes = [256, 128], strides = [1, 1]} : vector<256x4096xf32> to vector<256x128xf32>
    %gt3A_861 = arith.cmpf ogt, %slice3A_860, %select_n3A_856 : vector<256x128xf32>
    %select_n3A_862 = arith.select %gt3A_861, %slice3A_860, %select_n3A_856 : vector<256x128xi1>, vector<256x128xf32>
    %jit3A_863 = arith.constant 29 : i32
    %broadcast_in_dim3A_864 = vector.broadcast %jit3A_863 : i32 to vector<256x128xi32>
    %select_n3A_865 = arith.select %gt3A_861, %broadcast_in_dim3A_864, %select_n3A_859 : vector<256x128xi1>, vector<256x128xi32>
    %slice3A_866 = vector.extract_strided_slice %dot_general3A_681 {offsets = [0, 3840], sizes = [256, 128], strides = [1, 1]} : vector<256x4096xf32> to vector<256x128xf32>
    %gt3A_867 = arith.cmpf ogt, %slice3A_866, %select_n3A_862 : vector<256x128xf32>
    %select_n3A_868 = arith.select %gt3A_867, %slice3A_866, %select_n3A_862 : vector<256x128xi1>, vector<256x128xf32>
    %jit3A_869 = arith.constant 30 : i32
    %broadcast_in_dim3A_870 = vector.broadcast %jit3A_869 : i32 to vector<256x128xi32>
    %select_n3A_871 = arith.select %gt3A_867, %broadcast_in_dim3A_870, %select_n3A_865 : vector<256x128xi1>, vector<256x128xi32>
    %slice3A_872 = vector.extract_strided_slice %dot_general3A_681 {offsets = [0, 3968], sizes = [256, 128], strides = [1, 1]} : vector<256x4096xf32> to vector<256x128xf32>
    %gt3A_873 = arith.cmpf ogt, %slice3A_872, %select_n3A_868 : vector<256x128xf32>
    %select_n3A_874 = arith.select %gt3A_873, %slice3A_872, %select_n3A_868 : vector<256x128xi1>, vector<256x128xf32>
    %jit3A_875 = arith.constant 31 : i32
    %broadcast_in_dim3A_876 = vector.broadcast %jit3A_875 : i32 to vector<256x128xi32>
    %select_n3A_877 = arith.select %gt3A_873, %broadcast_in_dim3A_876, %select_n3A_871 : vector<256x128xi1>, vector<256x128xi32>
    %reduce_max3A_878 = arith.constant dense<0xFF800000> : vector<256xf32>
    %reduce_max3A_879 = vector.multi_reduction <maximumf>, %select_n3A_874, %reduce_max3A_878 [1] : vector<256x128xf32> to vector<256xf32>
    %broadcast_in_dim3A_880 = vector.shape_cast %reduce_max3A_879 : vector<256xf32> to vector<256x1xf32>
    %iota3A_881 = tpu.iota {dimensions = array<i32: 1>} : vector<256x128xi32>
    %mul3A_882 = arith.constant 128 : i32
    %mul3A_883 = vector.broadcast %mul3A_882 : i32 to vector<256x128xi32>
    %mul3A_884 = arith.muli %select_n3A_877, %mul3A_883 : vector<256x128xi32>
    %add3A_885 = arith.addi %mul3A_884, %iota3A_881 : vector<256x128xi32>
    %eq3A_886 = vector.broadcast %broadcast_in_dim3A_880 : vector<256x1xf32> to vector<256x128xf32>
    %eq3A_887 = arith.cmpf oeq, %select_n3A_874, %eq3A_886 : vector<256x128xf32>
    %jit3A_888 = arith.constant 4096 : i32
    %broadcast_in_dim3A_889 = vector.broadcast %jit3A_888 : i32 to vector<256x128xi32>
    %select_n3A_890 = arith.select %eq3A_887, %add3A_885, %broadcast_in_dim3A_889 : vector<256x128xi1>, vector<256x128xi32>
    %reduce_min3A_891 = arith.constant dense<2147483647> : vector<256xi32>
    %reduce_min3A_892 = vector.multi_reduction <minsi>, %select_n3A_890, %reduce_min3A_891 [1] : vector<256x128xi32> to vector<256xi32>
    %broadcast_in_dim3A_893 = vector.shape_cast %reduce_min3A_892 : vector<256xi32> to vector<256x1xi32>
    %add3A_894 = arith.constant 12288 : i32
    %add3A_895 = vector.broadcast %add3A_894 : i32 to vector<256x1xi32>
    %add3A_896 = arith.addi %broadcast_in_dim3A_893, %add3A_895 : vector<256x1xi32>
    %swap3A_897 = arith.constant 0 : index
    %swap3A_898 = arith.constant 3 : index
    %swap3A_899 = vector.load %arg5[%swap3A_897, %swap3A_898] : memref<256x10xi32, #tpu.memory_space<vmem>>, vector<256x1xi32>
    tpu.vector_store %arg5[%swap3A_897, %swap3A_898], %add3A_896 {strides = array<i32>} : memref<256x10xi32, #tpu.memory_space<vmem>>, vector<256x1xi32>,
    %slice3A_900 = vector.extract_strided_slice %convert_element_type3A {offsets = [0, 512], sizes = [256, 128], strides = [1, 1]} : vector<256x1280xbf16> to vector<256x128xbf16>
    %dot_general3A_901 = arith.constant dense<0.000000e+00> : vector<256x4096xf32>
    %dot_general3A_902 = tpu.matmul %slice3A_900, %get3A_27, %dot_general3A_901 {dimension_numbers = #tpu.dot_dimension_numbers<[1], [0], [0], [1], [0, 0, 1, 1], [], []>, transpose_lhs_hint = false} : vector<256x128xbf16>, vector<128x4096xbf16>, vector<256x4096xf32> -> vector<256x4096xf32>
    %broadcast_in_dim3A_903 = arith.constant 0xFF800000 : f32
    %broadcast_in_dim3A_904 = vector.broadcast %broadcast_in_dim3A_903 : f32 to vector<256x128xf32>
    %broadcast_in_dim3A_905 = arith.constant 0 : i32
    %broadcast_in_dim3A_906 = vector.broadcast %broadcast_in_dim3A_905 : i32 to vector<256x128xi32>
    %slice3A_907 = vector.extract_strided_slice %dot_general3A_902 {offsets = [0, 0], sizes = [256, 128], strides = [1, 1]} : vector<256x4096xf32> to vector<256x128xf32>
    %gt3A_908 = arith.cmpf ogt, %slice3A_907, %broadcast_in_dim3A_904 : vector<256x128xf32>
    %select_n3A_909 = arith.select %gt3A_908, %slice3A_907, %broadcast_in_dim3A_904 : vector<256x128xi1>, vector<256x128xf32>
    %jit3A_910 = arith.constant 0 : i32
    %broadcast_in_dim3A_911 = vector.broadcast %jit3A_910 : i32 to vector<256x128xi32>
    %select_n3A_912 = arith.select %gt3A_908, %broadcast_in_dim3A_911, %broadcast_in_dim3A_906 : vector<256x128xi1>, vector<256x128xi32>
    %slice3A_913 = vector.extract_strided_slice %dot_general3A_902 {offsets = [0, 128], sizes = [256, 128], strides = [1, 1]} : vector<256x4096xf32> to vector<256x128xf32>
    %gt3A_914 = arith.cmpf ogt, %slice3A_913, %select_n3A_909 : vector<256x128xf32>
    %select_n3A_915 = arith.select %gt3A_914, %slice3A_913, %select_n3A_909 : vector<256x128xi1>, vector<256x128xf32>
    %jit3A_916 = arith.constant 1 : i32
    %broadcast_in_dim3A_917 = vector.broadcast %jit3A_916 : i32 to vector<256x128xi32>
    %select_n3A_918 = arith.select %gt3A_914, %broadcast_in_dim3A_917, %select_n3A_912 : vector<256x128xi1>, vector<256x128xi32>
    %slice3A_919 = vector.extract_strided_slice %dot_general3A_902 {offsets = [0, 256], sizes = [256, 128], strides = [1, 1]} : vector<256x4096xf32> to vector<256x128xf32>
    %gt3A_920 = arith.cmpf ogt, %slice3A_919, %select_n3A_915 : vector<256x128xf32>
    %select_n3A_921 = arith.select %gt3A_920, %slice3A_919, %select_n3A_915 : vector<256x128xi1>, vector<256x128xf32>
    %jit3A_922 = arith.constant 2 : i32
    %broadcast_in_dim3A_923 = vector.broadcast %jit3A_922 : i32 to vector<256x128xi32>
    %select_n3A_924 = arith.select %gt3A_920, %broadcast_in_dim3A_923, %select_n3A_918 : vector<256x128xi1>, vector<256x128xi32>
    %slice3A_925 = vector.extract_strided_slice %dot_general3A_902 {offsets = [0, 384], sizes = [256, 128], strides = [1, 1]} : vector<256x4096xf32> to vector<256x128xf32>
    %gt3A_926 = arith.cmpf ogt, %slice3A_925, %select_n3A_921 : vector<256x128xf32>
    %select_n3A_927 = arith.select %gt3A_926, %slice3A_925, %select_n3A_921 : vector<256x128xi1>, vector<256x128xf32>
    %jit3A_928 = arith.constant 3 : i32
    %broadcast_in_dim3A_929 = vector.broadcast %jit3A_928 : i32 to vector<256x128xi32>
    %select_n3A_930 = arith.select %gt3A_926, %broadcast_in_dim3A_929, %select_n3A_924 : vector<256x128xi1>, vector<256x128xi32>
    %slice3A_931 = vector.extract_strided_slice %dot_general3A_902 {offsets = [0, 512], sizes = [256, 128], strides = [1, 1]} : vector<256x4096xf32> to vector<256x128xf32>
    %gt3A_932 = arith.cmpf ogt, %slice3A_931, %select_n3A_927 : vector<256x128xf32>
    %select_n3A_933 = arith.select %gt3A_932, %slice3A_931, %select_n3A_927 : vector<256x128xi1>, vector<256x128xf32>
    %jit3A_934 = arith.constant 4 : i32
    %broadcast_in_dim3A_935 = vector.broadcast %jit3A_934 : i32 to vector<256x128xi32>
    %select_n3A_936 = arith.select %gt3A_932, %broadcast_in_dim3A_935, %select_n3A_930 : vector<256x128xi1>, vector<256x128xi32>
    %slice3A_937 = vector.extract_strided_slice %dot_general3A_902 {offsets = [0, 640], sizes = [256, 128], strides = [1, 1]} : vector<256x4096xf32> to vector<256x128xf32>
    %gt3A_938 = arith.cmpf ogt, %slice3A_937, %select_n3A_933 : vector<256x128xf32>
    %select_n3A_939 = arith.select %gt3A_938, %slice3A_937, %select_n3A_933 : vector<256x128xi1>, vector<256x128xf32>
    %jit3A_940 = arith.constant 5 : i32
    %broadcast_in_dim3A_941 = vector.broadcast %jit3A_940 : i32 to vector<256x128xi32>
    %select_n3A_942 = arith.select %gt3A_938, %broadcast_in_dim3A_941, %select_n3A_936 : vector<256x128xi1>, vector<256x128xi32>
    %slice3A_943 = vector.extract_strided_slice %dot_general3A_902 {offsets = [0, 768], sizes = [256, 128], strides = [1, 1]} : vector<256x4096xf32> to vector<256x128xf32>
    %gt3A_944 = arith.cmpf ogt, %slice3A_943, %select_n3A_939 : vector<256x128xf32>
    %select_n3A_945 = arith.select %gt3A_944, %slice3A_943, %select_n3A_939 : vector<256x128xi1>, vector<256x128xf32>
    %jit3A_946 = arith.constant 6 : i32
    %broadcast_in_dim3A_947 = vector.broadcast %jit3A_946 : i32 to vector<256x128xi32>
    %select_n3A_948 = arith.select %gt3A_944, %broadcast_in_dim3A_947, %select_n3A_942 : vector<256x128xi1>, vector<256x128xi32>
    %slice3A_949 = vector.extract_strided_slice %dot_general3A_902 {offsets = [0, 896], sizes = [256, 128], strides = [1, 1]} : vector<256x4096xf32> to vector<256x128xf32>
    %gt3A_950 = arith.cmpf ogt, %slice3A_949, %select_n3A_945 : vector<256x128xf32>
    %select_n3A_951 = arith.select %gt3A_950, %slice3A_949, %select_n3A_945 : vector<256x128xi1>, vector<256x128xf32>
    %jit3A_952 = arith.constant 7 : i32
    %broadcast_in_dim3A_953 = vector.broadcast %jit3A_952 : i32 to vector<256x128xi32>
    %select_n3A_954 = arith.select %gt3A_950, %broadcast_in_dim3A_953, %select_n3A_948 : vector<256x128xi1>, vector<256x128xi32>
    %slice3A_955 = vector.extract_strided_slice %dot_general3A_902 {offsets = [0, 1024], sizes = [256, 128], strides = [1, 1]} : vector<256x4096xf32> to vector<256x128xf32>
    %gt3A_956 = arith.cmpf ogt, %slice3A_955, %select_n3A_951 : vector<256x128xf32>
    %select_n3A_957 = arith.select %gt3A_956, %slice3A_955, %select_n3A_951 : vector<256x128xi1>, vector<256x128xf32>
    %jit3A_958 = arith.constant 8 : i32
    %broadcast_in_dim3A_959 = vector.broadcast %jit3A_958 : i32 to vector<256x128xi32>
    %select_n3A_960 = arith.select %gt3A_956, %broadcast_in_dim3A_959, %select_n3A_954 : vector<256x128xi1>, vector<256x128xi32>
    %slice3A_961 = vector.extract_strided_slice %dot_general3A_902 {offsets = [0, 1152], sizes = [256, 128], strides = [1, 1]} : vector<256x4096xf32> to vector<256x128xf32>
    %gt3A_962 = arith.cmpf ogt, %slice3A_961, %select_n3A_957 : vector<256x128xf32>
    %select_n3A_963 = arith.select %gt3A_962, %slice3A_961, %select_n3A_957 : vector<256x128xi1>, vector<256x128xf32>
    %jit3A_964 = arith.constant 9 : i32
    %broadcast_in_dim3A_965 = vector.broadcast %jit3A_964 : i32 to vector<256x128xi32>
    %select_n3A_966 = arith.select %gt3A_962, %broadcast_in_dim3A_965, %select_n3A_960 : vector<256x128xi1>, vector<256x128xi32>
    %slice3A_967 = vector.extract_strided_slice %dot_general3A_902 {offsets = [0, 1280], sizes = [256, 128], strides = [1, 1]} : vector<256x4096xf32> to vector<256x128xf32>
    %gt3A_968 = arith.cmpf ogt, %slice3A_967, %select_n3A_963 : vector<256x128xf32>
    %select_n3A_969 = arith.select %gt3A_968, %slice3A_967, %select_n3A_963 : vector<256x128xi1>, vector<256x128xf32>
    %jit3A_970 = arith.constant 10 : i32
    %broadcast_in_dim3A_971 = vector.broadcast %jit3A_970 : i32 to vector<256x128xi32>
    %select_n3A_972 = arith.select %gt3A_968, %broadcast_in_dim3A_971, %select_n3A_966 : vector<256x128xi1>, vector<256x128xi32>
    %slice3A_973 = vector.extract_strided_slice %dot_general3A_902 {offsets = [0, 1408], sizes = [256, 128], strides = [1, 1]} : vector<256x4096xf32> to vector<256x128xf32>
    %gt3A_974 = arith.cmpf ogt, %slice3A_973, %select_n3A_969 : vector<256x128xf32>
    %select_n3A_975 = arith.select %gt3A_974, %slice3A_973, %select_n3A_969 : vector<256x128xi1>, vector<256x128xf32>
    %jit3A_976 = arith.constant 11 : i32
    %broadcast_in_dim3A_977 = vector.broadcast %jit3A_976 : i32 to vector<256x128xi32>
    %select_n3A_978 = arith.select %gt3A_974, %broadcast_in_dim3A_977, %select_n3A_972 : vector<256x128xi1>, vector<256x128xi32>
    %slice3A_979 = vector.extract_strided_slice %dot_general3A_902 {offsets = [0, 1536], sizes = [256, 128], strides = [1, 1]} : vector<256x4096xf32> to vector<256x128xf32>
    %gt3A_980 = arith.cmpf ogt, %slice3A_979, %select_n3A_975 : vector<256x128xf32>
    %select_n3A_981 = arith.select %gt3A_980, %slice3A_979, %select_n3A_975 : vector<256x128xi1>, vector<256x128xf32>
    %jit3A_982 = arith.constant 12 : i32
    %broadcast_in_dim3A_983 = vector.broadcast %jit3A_982 : i32 to vector<256x128xi32>
    %select_n3A_984 = arith.select %gt3A_980, %broadcast_in_dim3A_983, %select_n3A_978 : vector<256x128xi1>, vector<256x128xi32>
    %slice3A_985 = vector.extract_strided_slice %dot_general3A_902 {offsets = [0, 1664], sizes = [256, 128], strides = [1, 1]} : vector<256x4096xf32> to vector<256x128xf32>
    %gt3A_986 = arith.cmpf ogt, %slice3A_985, %select_n3A_981 : vector<256x128xf32>
    %select_n3A_987 = arith.select %gt3A_986, %slice3A_985, %select_n3A_981 : vector<256x128xi1>, vector<256x128xf32>
    %jit3A_988 = arith.constant 13 : i32
    %broadcast_in_dim3A_989 = vector.broadcast %jit3A_988 : i32 to vector<256x128xi32>
    %select_n3A_990 = arith.select %gt3A_986, %broadcast_in_dim3A_989, %select_n3A_984 : vector<256x128xi1>, vector<256x128xi32>
    %slice3A_991 = vector.extract_strided_slice %dot_general3A_902 {offsets = [0, 1792], sizes = [256, 128], strides = [1, 1]} : vector<256x4096xf32> to vector<256x128xf32>
    %gt3A_992 = arith.cmpf ogt, %slice3A_991, %select_n3A_987 : vector<256x128xf32>
    %select_n3A_993 = arith.select %gt3A_992, %slice3A_991, %select_n3A_987 : vector<256x128xi1>, vector<256x128xf32>
    %jit3A_994 = arith.constant 14 : i32
    %broadcast_in_dim3A_995 = vector.broadcast %jit3A_994 : i32 to vector<256x128xi32>
    %select_n3A_996 = arith.select %gt3A_992, %broadcast_in_dim3A_995, %select_n3A_990 : vector<256x128xi1>, vector<256x128xi32>
    %slice3A_997 = vector.extract_strided_slice %dot_general3A_902 {offsets = [0, 1920], sizes = [256, 128], strides = [1, 1]} : vector<256x4096xf32> to vector<256x128xf32>
    %gt3A_998 = arith.cmpf ogt, %slice3A_997, %select_n3A_993 : vector<256x128xf32>
    %select_n3A_999 = arith.select %gt3A_998, %slice3A_997, %select_n3A_993 : vector<256x128xi1>, vector<256x128xf32>
    %jit3A_1000 = arith.constant 15 : i32
    %broadcast_in_dim3A_1001 = vector.broadcast %jit3A_1000 : i32 to vector<256x128xi32>
    %select_n3A_1002 = arith.select %gt3A_998, %broadcast_in_dim3A_1001, %select_n3A_996 : vector<256x128xi1>, vector<256x128xi32>
    %slice3A_1003 = vector.extract_strided_slice %dot_general3A_902 {offsets = [0, 2048], sizes = [256, 128], strides = [1, 1]} : vector<256x4096xf32> to vector<256x128xf32>
    %gt3A_1004 = arith.cmpf ogt, %slice3A_1003, %select_n3A_999 : vector<256x128xf32>
    %select_n3A_1005 = arith.select %gt3A_1004, %slice3A_1003, %select_n3A_999 : vector<256x128xi1>, vector<256x128xf32>
    %jit3A_1006 = arith.constant 16 : i32
    %broadcast_in_dim3A_1007 = vector.broadcast %jit3A_1006 : i32 to vector<256x128xi32>
    %select_n3A_1008 = arith.select %gt3A_1004, %broadcast_in_dim3A_1007, %select_n3A_1002 : vector<256x128xi1>, vector<256x128xi32>
    %slice3A_1009 = vector.extract_strided_slice %dot_general3A_902 {offsets = [0, 2176], sizes = [256, 128], strides = [1, 1]} : vector<256x4096xf32> to vector<256x128xf32>
    %gt3A_1010 = arith.cmpf ogt, %slice3A_1009, %select_n3A_1005 : vector<256x128xf32>
    %select_n3A_1011 = arith.select %gt3A_1010, %slice3A_1009, %select_n3A_1005 : vector<256x128xi1>, vector<256x128xf32>
    %jit3A_1012 = arith.constant 17 : i32
    %broadcast_in_dim3A_1013 = vector.broadcast %jit3A_1012 : i32 to vector<256x128xi32>
    %select_n3A_1014 = arith.select %gt3A_1010, %broadcast_in_dim3A_1013, %select_n3A_1008 : vector<256x128xi1>, vector<256x128xi32>
    %slice3A_1015 = vector.extract_strided_slice %dot_general3A_902 {offsets = [0, 2304], sizes = [256, 128], strides = [1, 1]} : vector<256x4096xf32> to vector<256x128xf32>
    %gt3A_1016 = arith.cmpf ogt, %slice3A_1015, %select_n3A_1011 : vector<256x128xf32>
    %select_n3A_1017 = arith.select %gt3A_1016, %slice3A_1015, %select_n3A_1011 : vector<256x128xi1>, vector<256x128xf32>
    %jit3A_1018 = arith.constant 18 : i32
    %broadcast_in_dim3A_1019 = vector.broadcast %jit3A_1018 : i32 to vector<256x128xi32>
    %select_n3A_1020 = arith.select %gt3A_1016, %broadcast_in_dim3A_1019, %select_n3A_1014 : vector<256x128xi1>, vector<256x128xi32>
    %slice3A_1021 = vector.extract_strided_slice %dot_general3A_902 {offsets = [0, 2432], sizes = [256, 128], strides = [1, 1]} : vector<256x4096xf32> to vector<256x128xf32>
    %gt3A_1022 = arith.cmpf ogt, %slice3A_1021, %select_n3A_1017 : vector<256x128xf32>
    %select_n3A_1023 = arith.select %gt3A_1022, %slice3A_1021, %select_n3A_1017 : vector<256x128xi1>, vector<256x128xf32>
    %jit3A_1024 = arith.constant 19 : i32
    %broadcast_in_dim3A_1025 = vector.broadcast %jit3A_1024 : i32 to vector<256x128xi32>
    %select_n3A_1026 = arith.select %gt3A_1022, %broadcast_in_dim3A_1025, %select_n3A_1020 : vector<256x128xi1>, vector<256x128xi32>
    %slice3A_1027 = vector.extract_strided_slice %dot_general3A_902 {offsets = [0, 2560], sizes = [256, 128], strides = [1, 1]} : vector<256x4096xf32> to vector<256x128xf32>
    %gt3A_1028 = arith.cmpf ogt, %slice3A_1027, %select_n3A_1023 : vector<256x128xf32>
    %select_n3A_1029 = arith.select %gt3A_1028, %slice3A_1027, %select_n3A_1023 : vector<256x128xi1>, vector<256x128xf32>
    %jit3A_1030 = arith.constant 20 : i32
    %broadcast_in_dim3A_1031 = vector.broadcast %jit3A_1030 : i32 to vector<256x128xi32>
    %select_n3A_1032 = arith.select %gt3A_1028, %broadcast_in_dim3A_1031, %select_n3A_1026 : vector<256x128xi1>, vector<256x128xi32>
    %slice3A_1033 = vector.extract_strided_slice %dot_general3A_902 {offsets = [0, 2688], sizes = [256, 128], strides = [1, 1]} : vector<256x4096xf32> to vector<256x128xf32>
    %gt3A_1034 = arith.cmpf ogt, %slice3A_1033, %select_n3A_1029 : vector<256x128xf32>
    %select_n3A_1035 = arith.select %gt3A_1034, %slice3A_1033, %select_n3A_1029 : vector<256x128xi1>, vector<256x128xf32>
    %jit3A_1036 = arith.constant 21 : i32
    %broadcast_in_dim3A_1037 = vector.broadcast %jit3A_1036 : i32 to vector<256x128xi32>
    %select_n3A_1038 = arith.select %gt3A_1034, %broadcast_in_dim3A_1037, %select_n3A_1032 : vector<256x128xi1>, vector<256x128xi32>
    %slice3A_1039 = vector.extract_strided_slice %dot_general3A_902 {offsets = [0, 2816], sizes = [256, 128], strides = [1, 1]} : vector<256x4096xf32> to vector<256x128xf32>
    %gt3A_1040 = arith.cmpf ogt, %slice3A_1039, %select_n3A_1035 : vector<256x128xf32>
    %select_n3A_1041 = arith.select %gt3A_1040, %slice3A_1039, %select_n3A_1035 : vector<256x128xi1>, vector<256x128xf32>
    %jit3A_1042 = arith.constant 22 : i32
    %broadcast_in_dim3A_1043 = vector.broadcast %jit3A_1042 : i32 to vector<256x128xi32>
    %select_n3A_1044 = arith.select %gt3A_1040, %broadcast_in_dim3A_1043, %select_n3A_1038 : vector<256x128xi1>, vector<256x128xi32>
    %slice3A_1045 = vector.extract_strided_slice %dot_general3A_902 {offsets = [0, 2944], sizes = [256, 128], strides = [1, 1]} : vector<256x4096xf32> to vector<256x128xf32>
    %gt3A_1046 = arith.cmpf ogt, %slice3A_1045, %select_n3A_1041 : vector<256x128xf32>
    %select_n3A_1047 = arith.select %gt3A_1046, %slice3A_1045, %select_n3A_1041 : vector<256x128xi1>, vector<256x128xf32>
    %jit3A_1048 = arith.constant 23 : i32
    %broadcast_in_dim3A_1049 = vector.broadcast %jit3A_1048 : i32 to vector<256x128xi32>
    %select_n3A_1050 = arith.select %gt3A_1046, %broadcast_in_dim3A_1049, %select_n3A_1044 : vector<256x128xi1>, vector<256x128xi32>
    %slice3A_1051 = vector.extract_strided_slice %dot_general3A_902 {offsets = [0, 3072], sizes = [256, 128], strides = [1, 1]} : vector<256x4096xf32> to vector<256x128xf32>
    %gt3A_1052 = arith.cmpf ogt, %slice3A_1051, %select_n3A_1047 : vector<256x128xf32>
    %select_n3A_1053 = arith.select %gt3A_1052, %slice3A_1051, %select_n3A_1047 : vector<256x128xi1>, vector<256x128xf32>
    %jit3A_1054 = arith.constant 24 : i32
    %broadcast_in_dim3A_1055 = vector.broadcast %jit3A_1054 : i32 to vector<256x128xi32>
    %select_n3A_1056 = arith.select %gt3A_1052, %broadcast_in_dim3A_1055, %select_n3A_1050 : vector<256x128xi1>, vector<256x128xi32>
    %slice3A_1057 = vector.extract_strided_slice %dot_general3A_902 {offsets = [0, 3200], sizes = [256, 128], strides = [1, 1]} : vector<256x4096xf32> to vector<256x128xf32>
    %gt3A_1058 = arith.cmpf ogt, %slice3A_1057, %select_n3A_1053 : vector<256x128xf32>
    %select_n3A_1059 = arith.select %gt3A_1058, %slice3A_1057, %select_n3A_1053 : vector<256x128xi1>, vector<256x128xf32>
    %jit3A_1060 = arith.constant 25 : i32
    %broadcast_in_dim3A_1061 = vector.broadcast %jit3A_1060 : i32 to vector<256x128xi32>
    %select_n3A_1062 = arith.select %gt3A_1058, %broadcast_in_dim3A_1061, %select_n3A_1056 : vector<256x128xi1>, vector<256x128xi32>
    %slice3A_1063 = vector.extract_strided_slice %dot_general3A_902 {offsets = [0, 3328], sizes = [256, 128], strides = [1, 1]} : vector<256x4096xf32> to vector<256x128xf32>
    %gt3A_1064 = arith.cmpf ogt, %slice3A_1063, %select_n3A_1059 : vector<256x128xf32>
    %select_n3A_1065 = arith.select %gt3A_1064, %slice3A_1063, %select_n3A_1059 : vector<256x128xi1>, vector<256x128xf32>
    %jit3A_1066 = arith.constant 26 : i32
    %broadcast_in_dim3A_1067 = vector.broadcast %jit3A_1066 : i32 to vector<256x128xi32>
    %select_n3A_1068 = arith.select %gt3A_1064, %broadcast_in_dim3A_1067, %select_n3A_1062 : vector<256x128xi1>, vector<256x128xi32>
    %slice3A_1069 = vector.extract_strided_slice %dot_general3A_902 {offsets = [0, 3456], sizes = [256, 128], strides = [1, 1]} : vector<256x4096xf32> to vector<256x128xf32>
    %gt3A_1070 = arith.cmpf ogt, %slice3A_1069, %select_n3A_1065 : vector<256x128xf32>
    %select_n3A_1071 = arith.select %gt3A_1070, %slice3A_1069, %select_n3A_1065 : vector<256x128xi1>, vector<256x128xf32>
    %jit3A_1072 = arith.constant 27 : i32
    %broadcast_in_dim3A_1073 = vector.broadcast %jit3A_1072 : i32 to vector<256x128xi32>
    %select_n3A_1074 = arith.select %gt3A_1070, %broadcast_in_dim3A_1073, %select_n3A_1068 : vector<256x128xi1>, vector<256x128xi32>
    %slice3A_1075 = vector.extract_strided_slice %dot_general3A_902 {offsets = [0, 3584], sizes = [256, 128], strides = [1, 1]} : vector<256x4096xf32> to vector<256x128xf32>
    %gt3A_1076 = arith.cmpf ogt, %slice3A_1075, %select_n3A_1071 : vector<256x128xf32>
    %select_n3A_1077 = arith.select %gt3A_1076, %slice3A_1075, %select_n3A_1071 : vector<256x128xi1>, vector<256x128xf32>
    %jit3A_1078 = arith.constant 28 : i32
    %broadcast_in_dim3A_1079 = vector.broadcast %jit3A_1078 : i32 to vector<256x128xi32>
    %select_n3A_1080 = arith.select %gt3A_1076, %broadcast_in_dim3A_1079, %select_n3A_1074 : vector<256x128xi1>, vector<256x128xi32>
    %slice3A_1081 = vector.extract_strided_slice %dot_general3A_902 {offsets = [0, 3712], sizes = [256, 128], strides = [1, 1]} : vector<256x4096xf32> to vector<256x128xf32>
    %gt3A_1082 = arith.cmpf ogt, %slice3A_1081, %select_n3A_1077 : vector<256x128xf32>
    %select_n3A_1083 = arith.select %gt3A_1082, %slice3A_1081, %select_n3A_1077 : vector<256x128xi1>, vector<256x128xf32>
    %jit3A_1084 = arith.constant 29 : i32
    %broadcast_in_dim3A_1085 = vector.broadcast %jit3A_1084 : i32 to vector<256x128xi32>
    %select_n3A_1086 = arith.select %gt3A_1082, %broadcast_in_dim3A_1085, %select_n3A_1080 : vector<256x128xi1>, vector<256x128xi32>
    %slice3A_1087 = vector.extract_strided_slice %dot_general3A_902 {offsets = [0, 3840], sizes = [256, 128], strides = [1, 1]} : vector<256x4096xf32> to vector<256x128xf32>
    %gt3A_1088 = arith.cmpf ogt, %slice3A_1087, %select_n3A_1083 : vector<256x128xf32>
    %select_n3A_1089 = arith.select %gt3A_1088, %slice3A_1087, %select_n3A_1083 : vector<256x128xi1>, vector<256x128xf32>
    %jit3A_1090 = arith.constant 30 : i32
    %broadcast_in_dim3A_1091 = vector.broadcast %jit3A_1090 : i32 to vector<256x128xi32>
    %select_n3A_1092 = arith.select %gt3A_1088, %broadcast_in_dim3A_1091, %select_n3A_1086 : vector<256x128xi1>, vector<256x128xi32>
    %slice3A_1093 = vector.extract_strided_slice %dot_general3A_902 {offsets = [0, 3968], sizes = [256, 128], strides = [1, 1]} : vector<256x4096xf32> to vector<256x128xf32>
    %gt3A_1094 = arith.cmpf ogt, %slice3A_1093, %select_n3A_1089 : vector<256x128xf32>
    %select_n3A_1095 = arith.select %gt3A_1094, %slice3A_1093, %select_n3A_1089 : vector<256x128xi1>, vector<256x128xf32>
    %jit3A_1096 = arith.constant 31 : i32
    %broadcast_in_dim3A_1097 = vector.broadcast %jit3A_1096 : i32 to vector<256x128xi32>
    %select_n3A_1098 = arith.select %gt3A_1094, %broadcast_in_dim3A_1097, %select_n3A_1092 : vector<256x128xi1>, vector<256x128xi32>
    %reduce_max3A_1099 = arith.constant dense<0xFF800000> : vector<256xf32>
    %reduce_max3A_1100 = vector.multi_reduction <maximumf>, %select_n3A_1095, %reduce_max3A_1099 [1] : vector<256x128xf32> to vector<256xf32>
    %broadcast_in_dim3A_1101 = vector.shape_cast %reduce_max3A_1100 : vector<256xf32> to vector<256x1xf32>
    %iota3A_1102 = tpu.iota {dimensions = array<i32: 1>} : vector<256x128xi32>
    %mul3A_1103 = arith.constant 128 : i32
    %mul3A_1104 = vector.broadcast %mul3A_1103 : i32 to vector<256x128xi32>
    %mul3A_1105 = arith.muli %select_n3A_1098, %mul3A_1104 : vector<256x128xi32>
    %add3A_1106 = arith.addi %mul3A_1105, %iota3A_1102 : vector<256x128xi32>
    %eq3A_1107 = vector.broadcast %broadcast_in_dim3A_1101 : vector<256x1xf32> to vector<256x128xf32>
    %eq3A_1108 = arith.cmpf oeq, %select_n3A_1095, %eq3A_1107 : vector<256x128xf32>
    %jit3A_1109 = arith.constant 4096 : i32
    %broadcast_in_dim3A_1110 = vector.broadcast %jit3A_1109 : i32 to vector<256x128xi32>
    %select_n3A_1111 = arith.select %eq3A_1108, %add3A_1106, %broadcast_in_dim3A_1110 : vector<256x128xi1>, vector<256x128xi32>
    %reduce_min3A_1112 = arith.constant dense<2147483647> : vector<256xi32>
    %reduce_min3A_1113 = vector.multi_reduction <minsi>, %select_n3A_1111, %reduce_min3A_1112 [1] : vector<256x128xi32> to vector<256xi32>
    %broadcast_in_dim3A_1114 = vector.shape_cast %reduce_min3A_1113 : vector<256xi32> to vector<256x1xi32>
    %add3A_1115 = arith.constant 16384 : i32
    %add3A_1116 = vector.broadcast %add3A_1115 : i32 to vector<256x1xi32>
    %add3A_1117 = arith.addi %broadcast_in_dim3A_1114, %add3A_1116 : vector<256x1xi32>
    %swap3A_1118 = arith.constant 0 : index
    %swap3A_1119 = arith.constant 4 : index
    %swap3A_1120 = vector.load %arg5[%swap3A_1118, %swap3A_1119] : memref<256x10xi32, #tpu.memory_space<vmem>>, vector<256x1xi32>
    tpu.vector_store %arg5[%swap3A_1118, %swap3A_1119], %add3A_1117 {strides = array<i32>} : memref<256x10xi32, #tpu.memory_space<vmem>>, vector<256x1xi32>,
    %slice3A_1121 = vector.extract_strided_slice %convert_element_type3A {offsets = [0, 640], sizes = [256, 128], strides = [1, 1]} : vector<256x1280xbf16> to vector<256x128xbf16>
    %dot_general3A_1122 = arith.constant dense<0.000000e+00> : vector<256x4096xf32>
    %dot_general3A_1123 = tpu.matmul %slice3A_1121, %get3A_27, %dot_general3A_1122 {dimension_numbers = #tpu.dot_dimension_numbers<[1], [0], [0], [1], [0, 0, 1, 1], [], []>, transpose_lhs_hint = false} : vector<256x128xbf16>, vector<128x4096xbf16>, vector<256x4096xf32> -> vector<256x4096xf32>
    %broadcast_in_dim3A_1124 = arith.constant 0xFF800000 : f32
    %broadcast_in_dim3A_1125 = vector.broadcast %broadcast_in_dim3A_1124 : f32 to vector<256x128xf32>
    %broadcast_in_dim3A_1126 = arith.constant 0 : i32
    %broadcast_in_dim3A_1127 = vector.broadcast %broadcast_in_dim3A_1126 : i32 to vector<256x128xi32>
    %slice3A_1128 = vector.extract_strided_slice %dot_general3A_1123 {offsets = [0, 0], sizes = [256, 128], strides = [1, 1]} : vector<256x4096xf32> to vector<256x128xf32>
    %gt3A_1129 = arith.cmpf ogt, %slice3A_1128, %broadcast_in_dim3A_1125 : vector<256x128xf32>
    %select_n3A_1130 = arith.select %gt3A_1129, %slice3A_1128, %broadcast_in_dim3A_1125 : vector<256x128xi1>, vector<256x128xf32>
    %jit3A_1131 = arith.constant 0 : i32
    %broadcast_in_dim3A_1132 = vector.broadcast %jit3A_1131 : i32 to vector<256x128xi32>
    %select_n3A_1133 = arith.select %gt3A_1129, %broadcast_in_dim3A_1132, %broadcast_in_dim3A_1127 : vector<256x128xi1>, vector<256x128xi32>
    %slice3A_1134 = vector.extract_strided_slice %dot_general3A_1123 {offsets = [0, 128], sizes = [256, 128], strides = [1, 1]} : vector<256x4096xf32> to vector<256x128xf32>
    %gt3A_1135 = arith.cmpf ogt, %slice3A_1134, %select_n3A_1130 : vector<256x128xf32>
    %select_n3A_1136 = arith.select %gt3A_1135, %slice3A_1134, %select_n3A_1130 : vector<256x128xi1>, vector<256x128xf32>
    %jit3A_1137 = arith.constant 1 : i32
    %broadcast_in_dim3A_1138 = vector.broadcast %jit3A_1137 : i32 to vector<256x128xi32>
    %select_n3A_1139 = arith.select %gt3A_1135, %broadcast_in_dim3A_1138, %select_n3A_1133 : vector<256x128xi1>, vector<256x128xi32>
    %slice3A_1140 = vector.extract_strided_slice %dot_general3A_1123 {offsets = [0, 256], sizes = [256, 128], strides = [1, 1]} : vector<256x4096xf32> to vector<256x128xf32>
    %gt3A_1141 = arith.cmpf ogt, %slice3A_1140, %select_n3A_1136 : vector<256x128xf32>
    %select_n3A_1142 = arith.select %gt3A_1141, %slice3A_1140, %select_n3A_1136 : vector<256x128xi1>, vector<256x128xf32>
    %jit3A_1143 = arith.constant 2 : i32
    %broadcast_in_dim3A_1144 = vector.broadcast %jit3A_1143 : i32 to vector<256x128xi32>
    %select_n3A_1145 = arith.select %gt3A_1141, %broadcast_in_dim3A_1144, %select_n3A_1139 : vector<256x128xi1>, vector<256x128xi32>
    %slice3A_1146 = vector.extract_strided_slice %dot_general3A_1123 {offsets = [0, 384], sizes = [256, 128], strides = [1, 1]} : vector<256x4096xf32> to vector<256x128xf32>
    %gt3A_1147 = arith.cmpf ogt, %slice3A_1146, %select_n3A_1142 : vector<256x128xf32>
    %select_n3A_1148 = arith.select %gt3A_1147, %slice3A_1146, %select_n3A_1142 : vector<256x128xi1>, vector<256x128xf32>
    %jit3A_1149 = arith.constant 3 : i32
    %broadcast_in_dim3A_1150 = vector.broadcast %jit3A_1149 : i32 to vector<256x128xi32>
    %select_n3A_1151 = arith.select %gt3A_1147, %broadcast_in_dim3A_1150, %select_n3A_1145 : vector<256x128xi1>, vector<256x128xi32>
    %slice3A_1152 = vector.extract_strided_slice %dot_general3A_1123 {offsets = [0, 512], sizes = [256, 128], strides = [1, 1]} : vector<256x4096xf32> to vector<256x128xf32>
    %gt3A_1153 = arith.cmpf ogt, %slice3A_1152, %select_n3A_1148 : vector<256x128xf32>
    %select_n3A_1154 = arith.select %gt3A_1153, %slice3A_1152, %select_n3A_1148 : vector<256x128xi1>, vector<256x128xf32>
    %jit3A_1155 = arith.constant 4 : i32
    %broadcast_in_dim3A_1156 = vector.broadcast %jit3A_1155 : i32 to vector<256x128xi32>
    %select_n3A_1157 = arith.select %gt3A_1153, %broadcast_in_dim3A_1156, %select_n3A_1151 : vector<256x128xi1>, vector<256x128xi32>
    %slice3A_1158 = vector.extract_strided_slice %dot_general3A_1123 {offsets = [0, 640], sizes = [256, 128], strides = [1, 1]} : vector<256x4096xf32> to vector<256x128xf32>
    %gt3A_1159 = arith.cmpf ogt, %slice3A_1158, %select_n3A_1154 : vector<256x128xf32>
    %select_n3A_1160 = arith.select %gt3A_1159, %slice3A_1158, %select_n3A_1154 : vector<256x128xi1>, vector<256x128xf32>
    %jit3A_1161 = arith.constant 5 : i32
    %broadcast_in_dim3A_1162 = vector.broadcast %jit3A_1161 : i32 to vector<256x128xi32>
    %select_n3A_1163 = arith.select %gt3A_1159, %broadcast_in_dim3A_1162, %select_n3A_1157 : vector<256x128xi1>, vector<256x128xi32>
    %slice3A_1164 = vector.extract_strided_slice %dot_general3A_1123 {offsets = [0, 768], sizes = [256, 128], strides = [1, 1]} : vector<256x4096xf32> to vector<256x128xf32>
    %gt3A_1165 = arith.cmpf ogt, %slice3A_1164, %select_n3A_1160 : vector<256x128xf32>
    %select_n3A_1166 = arith.select %gt3A_1165, %slice3A_1164, %select_n3A_1160 : vector<256x128xi1>, vector<256x128xf32>
    %jit3A_1167 = arith.constant 6 : i32
    %broadcast_in_dim3A_1168 = vector.broadcast %jit3A_1167 : i32 to vector<256x128xi32>
    %select_n3A_1169 = arith.select %gt3A_1165, %broadcast_in_dim3A_1168, %select_n3A_1163 : vector<256x128xi1>, vector<256x128xi32>
    %slice3A_1170 = vector.extract_strided_slice %dot_general3A_1123 {offsets = [0, 896], sizes = [256, 128], strides = [1, 1]} : vector<256x4096xf32> to vector<256x128xf32>
    %gt3A_1171 = arith.cmpf ogt, %slice3A_1170, %select_n3A_1166 : vector<256x128xf32>
    %select_n3A_1172 = arith.select %gt3A_1171, %slice3A_1170, %select_n3A_1166 : vector<256x128xi1>, vector<256x128xf32>
    %jit3A_1173 = arith.constant 7 : i32
    %broadcast_in_dim3A_1174 = vector.broadcast %jit3A_1173 : i32 to vector<256x128xi32>
    %select_n3A_1175 = arith.select %gt3A_1171, %broadcast_in_dim3A_1174, %select_n3A_1169 : vector<256x128xi1>, vector<256x128xi32>
    %slice3A_1176 = vector.extract_strided_slice %dot_general3A_1123 {offsets = [0, 1024], sizes = [256, 128], strides = [1, 1]} : vector<256x4096xf32> to vector<256x128xf32>
    %gt3A_1177 = arith.cmpf ogt, %slice3A_1176, %select_n3A_1172 : vector<256x128xf32>
    %select_n3A_1178 = arith.select %gt3A_1177, %slice3A_1176, %select_n3A_1172 : vector<256x128xi1>, vector<256x128xf32>
    %jit3A_1179 = arith.constant 8 : i32
    %broadcast_in_dim3A_1180 = vector.broadcast %jit3A_1179 : i32 to vector<256x128xi32>
    %select_n3A_1181 = arith.select %gt3A_1177, %broadcast_in_dim3A_1180, %select_n3A_1175 : vector<256x128xi1>, vector<256x128xi32>
    %slice3A_1182 = vector.extract_strided_slice %dot_general3A_1123 {offsets = [0, 1152], sizes = [256, 128], strides = [1, 1]} : vector<256x4096xf32> to vector<256x128xf32>
    %gt3A_1183 = arith.cmpf ogt, %slice3A_1182, %select_n3A_1178 : vector<256x128xf32>
    %select_n3A_1184 = arith.select %gt3A_1183, %slice3A_1182, %select_n3A_1178 : vector<256x128xi1>, vector<256x128xf32>
    %jit3A_1185 = arith.constant 9 : i32
    %broadcast_in_dim3A_1186 = vector.broadcast %jit3A_1185 : i32 to vector<256x128xi32>
    %select_n3A_1187 = arith.select %gt3A_1183, %broadcast_in_dim3A_1186, %select_n3A_1181 : vector<256x128xi1>, vector<256x128xi32>
    %slice3A_1188 = vector.extract_strided_slice %dot_general3A_1123 {offsets = [0, 1280], sizes = [256, 128], strides = [1, 1]} : vector<256x4096xf32> to vector<256x128xf32>
    %gt3A_1189 = arith.cmpf ogt, %slice3A_1188, %select_n3A_1184 : vector<256x128xf32>
    %select_n3A_1190 = arith.select %gt3A_1189, %slice3A_1188, %select_n3A_1184 : vector<256x128xi1>, vector<256x128xf32>
    %jit3A_1191 = arith.constant 10 : i32
    %broadcast_in_dim3A_1192 = vector.broadcast %jit3A_1191 : i32 to vector<256x128xi32>
    %select_n3A_1193 = arith.select %gt3A_1189, %broadcast_in_dim3A_1192, %select_n3A_1187 : vector<256x128xi1>, vector<256x128xi32>
    %slice3A_1194 = vector.extract_strided_slice %dot_general3A_1123 {offsets = [0, 1408], sizes = [256, 128], strides = [1, 1]} : vector<256x4096xf32> to vector<256x128xf32>
    %gt3A_1195 = arith.cmpf ogt, %slice3A_1194, %select_n3A_1190 : vector<256x128xf32>
    %select_n3A_1196 = arith.select %gt3A_1195, %slice3A_1194, %select_n3A_1190 : vector<256x128xi1>, vector<256x128xf32>
    %jit3A_1197 = arith.constant 11 : i32
    %broadcast_in_dim3A_1198 = vector.broadcast %jit3A_1197 : i32 to vector<256x128xi32>
    %select_n3A_1199 = arith.select %gt3A_1195, %broadcast_in_dim3A_1198, %select_n3A_1193 : vector<256x128xi1>, vector<256x128xi32>
    %slice3A_1200 = vector.extract_strided_slice %dot_general3A_1123 {offsets = [0, 1536], sizes = [256, 128], strides = [1, 1]} : vector<256x4096xf32> to vector<256x128xf32>
    %gt3A_1201 = arith.cmpf ogt, %slice3A_1200, %select_n3A_1196 : vector<256x128xf32>
    %select_n3A_1202 = arith.select %gt3A_1201, %slice3A_1200, %select_n3A_1196 : vector<256x128xi1>, vector<256x128xf32>
    %jit3A_1203 = arith.constant 12 : i32
    %broadcast_in_dim3A_1204 = vector.broadcast %jit3A_1203 : i32 to vector<256x128xi32>
    %select_n3A_1205 = arith.select %gt3A_1201, %broadcast_in_dim3A_1204, %select_n3A_1199 : vector<256x128xi1>, vector<256x128xi32>
    %slice3A_1206 = vector.extract_strided_slice %dot_general3A_1123 {offsets = [0, 1664], sizes = [256, 128], strides = [1, 1]} : vector<256x4096xf32> to vector<256x128xf32>
    %gt3A_1207 = arith.cmpf ogt, %slice3A_1206, %select_n3A_1202 : vector<256x128xf32>
    %select_n3A_1208 = arith.select %gt3A_1207, %slice3A_1206, %select_n3A_1202 : vector<256x128xi1>, vector<256x128xf32>
    %jit3A_1209 = arith.constant 13 : i32
    %broadcast_in_dim3A_1210 = vector.broadcast %jit3A_1209 : i32 to vector<256x128xi32>
    %select_n3A_1211 = arith.select %gt3A_1207, %broadcast_in_dim3A_1210, %select_n3A_1205 : vector<256x128xi1>, vector<256x128xi32>
    %slice3A_1212 = vector.extract_strided_slice %dot_general3A_1123 {offsets = [0, 1792], sizes = [256, 128], strides = [1, 1]} : vector<256x4096xf32> to vector<256x128xf32>
    %gt3A_1213 = arith.cmpf ogt, %slice3A_1212, %select_n3A_1208 : vector<256x128xf32>
    %select_n3A_1214 = arith.select %gt3A_1213, %slice3A_1212, %select_n3A_1208 : vector<256x128xi1>, vector<256x128xf32>
    %jit3A_1215 = arith.constant 14 : i32
    %broadcast_in_dim3A_1216 = vector.broadcast %jit3A_1215 : i32 to vector<256x128xi32>
    %select_n3A_1217 = arith.select %gt3A_1213, %broadcast_in_dim3A_1216, %select_n3A_1211 : vector<256x128xi1>, vector<256x128xi32>
    %slice3A_1218 = vector.extract_strided_slice %dot_general3A_1123 {offsets = [0, 1920], sizes = [256, 128], strides = [1, 1]} : vector<256x4096xf32> to vector<256x128xf32>
    %gt3A_1219 = arith.cmpf ogt, %slice3A_1218, %select_n3A_1214 : vector<256x128xf32>
    %select_n3A_1220 = arith.select %gt3A_1219, %slice3A_1218, %select_n3A_1214 : vector<256x128xi1>, vector<256x128xf32>
    %jit3A_1221 = arith.constant 15 : i32
    %broadcast_in_dim3A_1222 = vector.broadcast %jit3A_1221 : i32 to vector<256x128xi32>
    %select_n3A_1223 = arith.select %gt3A_1219, %broadcast_in_dim3A_1222, %select_n3A_1217 : vector<256x128xi1>, vector<256x128xi32>
    %slice3A_1224 = vector.extract_strided_slice %dot_general3A_1123 {offsets = [0, 2048], sizes = [256, 128], strides = [1, 1]} : vector<256x4096xf32> to vector<256x128xf32>
    %gt3A_1225 = arith.cmpf ogt, %slice3A_1224, %select_n3A_1220 : vector<256x128xf32>
    %select_n3A_1226 = arith.select %gt3A_1225, %slice3A_1224, %select_n3A_1220 : vector<256x128xi1>, vector<256x128xf32>
    %jit3A_1227 = arith.constant 16 : i32
    %broadcast_in_dim3A_1228 = vector.broadcast %jit3A_1227 : i32 to vector<256x128xi32>
    %select_n3A_1229 = arith.select %gt3A_1225, %broadcast_in_dim3A_1228, %select_n3A_1223 : vector<256x128xi1>, vector<256x128xi32>
    %slice3A_1230 = vector.extract_strided_slice %dot_general3A_1123 {offsets = [0, 2176], sizes = [256, 128], strides = [1, 1]} : vector<256x4096xf32> to vector<256x128xf32>
    %gt3A_1231 = arith.cmpf ogt, %slice3A_1230, %select_n3A_1226 : vector<256x128xf32>
    %select_n3A_1232 = arith.select %gt3A_1231, %slice3A_1230, %select_n3A_1226 : vector<256x128xi1>, vector<256x128xf32>
    %jit3A_1233 = arith.constant 17 : i32
    %broadcast_in_dim3A_1234 = vector.broadcast %jit3A_1233 : i32 to vector<256x128xi32>
    %select_n3A_1235 = arith.select %gt3A_1231, %broadcast_in_dim3A_1234, %select_n3A_1229 : vector<256x128xi1>, vector<256x128xi32>
    %slice3A_1236 = vector.extract_strided_slice %dot_general3A_1123 {offsets = [0, 2304], sizes = [256, 128], strides = [1, 1]} : vector<256x4096xf32> to vector<256x128xf32>
    %gt3A_1237 = arith.cmpf ogt, %slice3A_1236, %select_n3A_1232 : vector<256x128xf32>
    %select_n3A_1238 = arith.select %gt3A_1237, %slice3A_1236, %select_n3A_1232 : vector<256x128xi1>, vector<256x128xf32>
    %jit3A_1239 = arith.constant 18 : i32
    %broadcast_in_dim3A_1240 = vector.broadcast %jit3A_1239 : i32 to vector<256x128xi32>
    %select_n3A_1241 = arith.select %gt3A_1237, %broadcast_in_dim3A_1240, %select_n3A_1235 : vector<256x128xi1>, vector<256x128xi32>
    %slice3A_1242 = vector.extract_strided_slice %dot_general3A_1123 {offsets = [0, 2432], sizes = [256, 128], strides = [1, 1]} : vector<256x4096xf32> to vector<256x128xf32>
    %gt3A_1243 = arith.cmpf ogt, %slice3A_1242, %select_n3A_1238 : vector<256x128xf32>
    %select_n3A_1244 = arith.select %gt3A_1243, %slice3A_1242, %select_n3A_1238 : vector<256x128xi1>, vector<256x128xf32>
    %jit3A_1245 = arith.constant 19 : i32
    %broadcast_in_dim3A_1246 = vector.broadcast %jit3A_1245 : i32 to vector<256x128xi32>
    %select_n3A_1247 = arith.select %gt3A_1243, %broadcast_in_dim3A_1246, %select_n3A_1241 : vector<256x128xi1>, vector<256x128xi32>
    %slice3A_1248 = vector.extract_strided_slice %dot_general3A_1123 {offsets = [0, 2560], sizes = [256, 128], strides = [1, 1]} : vector<256x4096xf32> to vector<256x128xf32>
    %gt3A_1249 = arith.cmpf ogt, %slice3A_1248, %select_n3A_1244 : vector<256x128xf32>
    %select_n3A_1250 = arith.select %gt3A_1249, %slice3A_1248, %select_n3A_1244 : vector<256x128xi1>, vector<256x128xf32>
    %jit3A_1251 = arith.constant 20 : i32
    %broadcast_in_dim3A_1252 = vector.broadcast %jit3A_1251 : i32 to vector<256x128xi32>
    %select_n3A_1253 = arith.select %gt3A_1249, %broadcast_in_dim3A_1252, %select_n3A_1247 : vector<256x128xi1>, vector<256x128xi32>
    %slice3A_1254 = vector.extract_strided_slice %dot_general3A_1123 {offsets = [0, 2688], sizes = [256, 128], strides = [1, 1]} : vector<256x4096xf32> to vector<256x128xf32>
    %gt3A_1255 = arith.cmpf ogt, %slice3A_1254, %select_n3A_1250 : vector<256x128xf32>
    %select_n3A_1256 = arith.select %gt3A_1255, %slice3A_1254, %select_n3A_1250 : vector<256x128xi1>, vector<256x128xf32>
    %jit3A_1257 = arith.constant 21 : i32
    %broadcast_in_dim3A_1258 = vector.broadcast %jit3A_1257 : i32 to vector<256x128xi32>
    %select_n3A_1259 = arith.select %gt3A_1255, %broadcast_in_dim3A_1258, %select_n3A_1253 : vector<256x128xi1>, vector<256x128xi32>
    %slice3A_1260 = vector.extract_strided_slice %dot_general3A_1123 {offsets = [0, 2816], sizes = [256, 128], strides = [1, 1]} : vector<256x4096xf32> to vector<256x128xf32>
    %gt3A_1261 = arith.cmpf ogt, %slice3A_1260, %select_n3A_1256 : vector<256x128xf32>
    %select_n3A_1262 = arith.select %gt3A_1261, %slice3A_1260, %select_n3A_1256 : vector<256x128xi1>, vector<256x128xf32>
    %jit3A_1263 = arith.constant 22 : i32
    %broadcast_in_dim3A_1264 = vector.broadcast %jit3A_1263 : i32 to vector<256x128xi32>
    %select_n3A_1265 = arith.select %gt3A_1261, %broadcast_in_dim3A_1264, %select_n3A_1259 : vector<256x128xi1>, vector<256x128xi32>
    %slice3A_1266 = vector.extract_strided_slice %dot_general3A_1123 {offsets = [0, 2944], sizes = [256, 128], strides = [1, 1]} : vector<256x4096xf32> to vector<256x128xf32>
    %gt3A_1267 = arith.cmpf ogt, %slice3A_1266, %select_n3A_1262 : vector<256x128xf32>
    %select_n3A_1268 = arith.select %gt3A_1267, %slice3A_1266, %select_n3A_1262 : vector<256x128xi1>, vector<256x128xf32>
    %jit3A_1269 = arith.constant 23 : i32
    %broadcast_in_dim3A_1270 = vector.broadcast %jit3A_1269 : i32 to vector<256x128xi32>
    %select_n3A_1271 = arith.select %gt3A_1267, %broadcast_in_dim3A_1270, %select_n3A_1265 : vector<256x128xi1>, vector<256x128xi32>
    %slice3A_1272 = vector.extract_strided_slice %dot_general3A_1123 {offsets = [0, 3072], sizes = [256, 128], strides = [1, 1]} : vector<256x4096xf32> to vector<256x128xf32>
    %gt3A_1273 = arith.cmpf ogt, %slice3A_1272, %select_n3A_1268 : vector<256x128xf32>
    %select_n3A_1274 = arith.select %gt3A_1273, %slice3A_1272, %select_n3A_1268 : vector<256x128xi1>, vector<256x128xf32>
    %jit3A_1275 = arith.constant 24 : i32
    %broadcast_in_dim3A_1276 = vector.broadcast %jit3A_1275 : i32 to vector<256x128xi32>
    %select_n3A_1277 = arith.select %gt3A_1273, %broadcast_in_dim3A_1276, %select_n3A_1271 : vector<256x128xi1>, vector<256x128xi32>
    %slice3A_1278 = vector.extract_strided_slice %dot_general3A_1123 {offsets = [0, 3200], sizes = [256, 128], strides = [1, 1]} : vector<256x4096xf32> to vector<256x128xf32>
    %gt3A_1279 = arith.cmpf ogt, %slice3A_1278, %select_n3A_1274 : vector<256x128xf32>
    %select_n3A_1280 = arith.select %gt3A_1279, %slice3A_1278, %select_n3A_1274 : vector<256x128xi1>, vector<256x128xf32>
    %jit3A_1281 = arith.constant 25 : i32
    %broadcast_in_dim3A_1282 = vector.broadcast %jit3A_1281 : i32 to vector<256x128xi32>
    %select_n3A_1283 = arith.select %gt3A_1279, %broadcast_in_dim3A_1282, %select_n3A_1277 : vector<256x128xi1>, vector<256x128xi32>
    %slice3A_1284 = vector.extract_strided_slice %dot_general3A_1123 {offsets = [0, 3328], sizes = [256, 128], strides = [1, 1]} : vector<256x4096xf32> to vector<256x128xf32>
    %gt3A_1285 = arith.cmpf ogt, %slice3A_1284, %select_n3A_1280 : vector<256x128xf32>
    %select_n3A_1286 = arith.select %gt3A_1285, %slice3A_1284, %select_n3A_1280 : vector<256x128xi1>, vector<256x128xf32>
    %jit3A_1287 = arith.constant 26 : i32
    %broadcast_in_dim3A_1288 = vector.broadcast %jit3A_1287 : i32 to vector<256x128xi32>
    %select_n3A_1289 = arith.select %gt3A_1285, %broadcast_in_dim3A_1288, %select_n3A_1283 : vector<256x128xi1>, vector<256x128xi32>
    %slice3A_1290 = vector.extract_strided_slice %dot_general3A_1123 {offsets = [0, 3456], sizes = [256, 128], strides = [1, 1]} : vector<256x4096xf32> to vector<256x128xf32>
    %gt3A_1291 = arith.cmpf ogt, %slice3A_1290, %select_n3A_1286 : vector<256x128xf32>
    %select_n3A_1292 = arith.select %gt3A_1291, %slice3A_1290, %select_n3A_1286 : vector<256x128xi1>, vector<256x128xf32>
    %jit3A_1293 = arith.constant 27 : i32
    %broadcast_in_dim3A_1294 = vector.broadcast %jit3A_1293 : i32 to vector<256x128xi32>
    %select_n3A_1295 = arith.select %gt3A_1291, %broadcast_in_dim3A_1294, %select_n3A_1289 : vector<256x128xi1>, vector<256x128xi32>
    %slice3A_1296 = vector.extract_strided_slice %dot_general3A_1123 {offsets = [0, 3584], sizes = [256, 128], strides = [1, 1]} : vector<256x4096xf32> to vector<256x128xf32>
    %gt3A_1297 = arith.cmpf ogt, %slice3A_1296, %select_n3A_1292 : vector<256x128xf32>
    %select_n3A_1298 = arith.select %gt3A_1297, %slice3A_1296, %select_n3A_1292 : vector<256x128xi1>, vector<256x128xf32>
    %jit3A_1299 = arith.constant 28 : i32
    %broadcast_in_dim3A_1300 = vector.broadcast %jit3A_1299 : i32 to vector<256x128xi32>
    %select_n3A_1301 = arith.select %gt3A_1297, %broadcast_in_dim3A_1300, %select_n3A_1295 : vector<256x128xi1>, vector<256x128xi32>
    %slice3A_1302 = vector.extract_strided_slice %dot_general3A_1123 {offsets = [0, 3712], sizes = [256, 128], strides = [1, 1]} : vector<256x4096xf32> to vector<256x128xf32>
    %gt3A_1303 = arith.cmpf ogt, %slice3A_1302, %select_n3A_1298 : vector<256x128xf32>
    %select_n3A_1304 = arith.select %gt3A_1303, %slice3A_1302, %select_n3A_1298 : vector<256x128xi1>, vector<256x128xf32>
    %jit3A_1305 = arith.constant 29 : i32
    %broadcast_in_dim3A_1306 = vector.broadcast %jit3A_1305 : i32 to vector<256x128xi32>
    %select_n3A_1307 = arith.select %gt3A_1303, %broadcast_in_dim3A_1306, %select_n3A_1301 : vector<256x128xi1>, vector<256x128xi32>
    %slice3A_1308 = vector.extract_strided_slice %dot_general3A_1123 {offsets = [0, 3840], sizes = [256, 128], strides = [1, 1]} : vector<256x4096xf32> to vector<256x128xf32>
    %gt3A_1309 = arith.cmpf ogt, %slice3A_1308, %select_n3A_1304 : vector<256x128xf32>
    %select_n3A_1310 = arith.select %gt3A_1309, %slice3A_1308, %select_n3A_1304 : vector<256x128xi1>, vector<256x128xf32>
    %jit3A_1311 = arith.constant 30 : i32
    %broadcast_in_dim3A_1312 = vector.broadcast %jit3A_1311 : i32 to vector<256x128xi32>
    %select_n3A_1313 = arith.select %gt3A_1309, %broadcast_in_dim3A_1312, %select_n3A_1307 : vector<256x128xi1>, vector<256x128xi32>
    %slice3A_1314 = vector.extract_strided_slice %dot_general3A_1123 {offsets = [0, 3968], sizes = [256, 128], strides = [1, 1]} : vector<256x4096xf32> to vector<256x128xf32>
    %gt3A_1315 = arith.cmpf ogt, %slice3A_1314, %select_n3A_1310 : vector<256x128xf32>
    %select_n3A_1316 = arith.select %gt3A_1315, %slice3A_1314, %select_n3A_1310 : vector<256x128xi1>, vector<256x128xf32>
    %jit3A_1317 = arith.constant 31 : i32
    %broadcast_in_dim3A_1318 = vector.broadcast %jit3A_1317 : i32 to vector<256x128xi32>
    %select_n3A_1319 = arith.select %gt3A_1315, %broadcast_in_dim3A_1318, %select_n3A_1313 : vector<256x128xi1>, vector<256x128xi32>
    %reduce_max3A_1320 = arith.constant dense<0xFF800000> : vector<256xf32>
    %reduce_max3A_1321 = vector.multi_reduction <maximumf>, %select_n3A_1316, %reduce_max3A_1320 [1] : vector<256x128xf32> to vector<256xf32>
    %broadcast_in_dim3A_1322 = vector.shape_cast %reduce_max3A_1321 : vector<256xf32> to vector<256x1xf32>
    %iota3A_1323 = tpu.iota {dimensions = array<i32: 1>} : vector<256x128xi32>
    %mul3A_1324 = arith.constant 128 : i32
    %mul3A_1325 = vector.broadcast %mul3A_1324 : i32 to vector<256x128xi32>
    %mul3A_1326 = arith.muli %select_n3A_1319, %mul3A_1325 : vector<256x128xi32>
    %add3A_1327 = arith.addi %mul3A_1326, %iota3A_1323 : vector<256x128xi32>
    %eq3A_1328 = vector.broadcast %broadcast_in_dim3A_1322 : vector<256x1xf32> to vector<256x128xf32>
    %eq3A_1329 = arith.cmpf oeq, %select_n3A_1316, %eq3A_1328 : vector<256x128xf32>
    %jit3A_1330 = arith.constant 4096 : i32
    %broadcast_in_dim3A_1331 = vector.broadcast %jit3A_1330 : i32 to vector<256x128xi32>
    %select_n3A_1332 = arith.select %eq3A_1329, %add3A_1327, %broadcast_in_dim3A_1331 : vector<256x128xi1>, vector<256x128xi32>
    %reduce_min3A_1333 = arith.constant dense<2147483647> : vector<256xi32>
    %reduce_min3A_1334 = vector.multi_reduction <minsi>, %select_n3A_1332, %reduce_min3A_1333 [1] : vector<256x128xi32> to vector<256xi32>
    %broadcast_in_dim3A_1335 = vector.shape_cast %reduce_min3A_1334 : vector<256xi32> to vector<256x1xi32>
    %add3A_1336 = arith.constant 20480 : i32
    %add3A_1337 = vector.broadcast %add3A_1336 : i32 to vector<256x1xi32>
    %add3A_1338 = arith.addi %broadcast_in_dim3A_1335, %add3A_1337 : vector<256x1xi32>
    %swap3A_1339 = arith.constant 0 : index
    %swap3A_1340 = arith.constant 5 : index
    %swap3A_1341 = vector.load %arg5[%swap3A_1339, %swap3A_1340] : memref<256x10xi32, #tpu.memory_space<vmem>>, vector<256x1xi32>
    tpu.vector_store %arg5[%swap3A_1339, %swap3A_1340], %add3A_1338 {strides = array<i32>} : memref<256x10xi32, #tpu.memory_space<vmem>>, vector<256x1xi32>,
    %slice3A_1342 = vector.extract_strided_slice %convert_element_type3A {offsets = [0, 768], sizes = [256, 128], strides = [1, 1]} : vector<256x1280xbf16> to vector<256x128xbf16>
    %dot_general3A_1343 = arith.constant dense<0.000000e+00> : vector<256x4096xf32>
    %dot_general3A_1344 = tpu.matmul %slice3A_1342, %get3A_27, %dot_general3A_1343 {dimension_numbers = #tpu.dot_dimension_numbers<[1], [0], [0], [1], [0, 0, 1, 1], [], []>, transpose_lhs_hint = false} : vector<256x128xbf16>, vector<128x4096xbf16>, vector<256x4096xf32> -> vector<256x4096xf32>
    %broadcast_in_dim3A_1345 = arith.constant 0xFF800000 : f32
    %broadcast_in_dim3A_1346 = vector.broadcast %broadcast_in_dim3A_1345 : f32 to vector<256x128xf32>
    %broadcast_in_dim3A_1347 = arith.constant 0 : i32
    %broadcast_in_dim3A_1348 = vector.broadcast %broadcast_in_dim3A_1347 : i32 to vector<256x128xi32>
    %slice3A_1349 = vector.extract_strided_slice %dot_general3A_1344 {offsets = [0, 0], sizes = [256, 128], strides = [1, 1]} : vector<256x4096xf32> to vector<256x128xf32>
    %gt3A_1350 = arith.cmpf ogt, %slice3A_1349, %broadcast_in_dim3A_1346 : vector<256x128xf32>
    %select_n3A_1351 = arith.select %gt3A_1350, %slice3A_1349, %broadcast_in_dim3A_1346 : vector<256x128xi1>, vector<256x128xf32>
    %jit3A_1352 = arith.constant 0 : i32
    %broadcast_in_dim3A_1353 = vector.broadcast %jit3A_1352 : i32 to vector<256x128xi32>
    %select_n3A_1354 = arith.select %gt3A_1350, %broadcast_in_dim3A_1353, %broadcast_in_dim3A_1348 : vector<256x128xi1>, vector<256x128xi32>
    %slice3A_1355 = vector.extract_strided_slice %dot_general3A_1344 {offsets = [0, 128], sizes = [256, 128], strides = [1, 1]} : vector<256x4096xf32> to vector<256x128xf32>
    %gt3A_1356 = arith.cmpf ogt, %slice3A_1355, %select_n3A_1351 : vector<256x128xf32>
    %select_n3A_1357 = arith.select %gt3A_1356, %slice3A_1355, %select_n3A_1351 : vector<256x128xi1>, vector<256x128xf32>
    %jit3A_1358 = arith.constant 1 : i32
    %broadcast_in_dim3A_1359 = vector.broadcast %jit3A_1358 : i32 to vector<256x128xi32>
    %select_n3A_1360 = arith.select %gt3A_1356, %broadcast_in_dim3A_1359, %select_n3A_1354 : vector<256x128xi1>, vector<256x128xi32>
    %slice3A_1361 = vector.extract_strided_slice %dot_general3A_1344 {offsets = [0, 256], sizes = [256, 128], strides = [1, 1]} : vector<256x4096xf32> to vector<256x128xf32>
    %gt3A_1362 = arith.cmpf ogt, %slice3A_1361, %select_n3A_1357 : vector<256x128xf32>
    %select_n3A_1363 = arith.select %gt3A_1362, %slice3A_1361, %select_n3A_1357 : vector<256x128xi1>, vector<256x128xf32>
    %jit3A_1364 = arith.constant 2 : i32
    %broadcast_in_dim3A_1365 = vector.broadcast %jit3A_1364 : i32 to vector<256x128xi32>
    %select_n3A_1366 = arith.select %gt3A_1362, %broadcast_in_dim3A_1365, %select_n3A_1360 : vector<256x128xi1>, vector<256x128xi32>
    %slice3A_1367 = vector.extract_strided_slice %dot_general3A_1344 {offsets = [0, 384], sizes = [256, 128], strides = [1, 1]} : vector<256x4096xf32> to vector<256x128xf32>
    %gt3A_1368 = arith.cmpf ogt, %slice3A_1367, %select_n3A_1363 : vector<256x128xf32>
    %select_n3A_1369 = arith.select %gt3A_1368, %slice3A_1367, %select_n3A_1363 : vector<256x128xi1>, vector<256x128xf32>
    %jit3A_1370 = arith.constant 3 : i32
    %broadcast_in_dim3A_1371 = vector.broadcast %jit3A_1370 : i32 to vector<256x128xi32>
    %select_n3A_1372 = arith.select %gt3A_1368, %broadcast_in_dim3A_1371, %select_n3A_1366 : vector<256x128xi1>, vector<256x128xi32>
    %slice3A_1373 = vector.extract_strided_slice %dot_general3A_1344 {offsets = [0, 512], sizes = [256, 128], strides = [1, 1]} : vector<256x4096xf32> to vector<256x128xf32>
    %gt3A_1374 = arith.cmpf ogt, %slice3A_1373, %select_n3A_1369 : vector<256x128xf32>
    %select_n3A_1375 = arith.select %gt3A_1374, %slice3A_1373, %select_n3A_1369 : vector<256x128xi1>, vector<256x128xf32>
    %jit3A_1376 = arith.constant 4 : i32
    %broadcast_in_dim3A_1377 = vector.broadcast %jit3A_1376 : i32 to vector<256x128xi32>
    %select_n3A_1378 = arith.select %gt3A_1374, %broadcast_in_dim3A_1377, %select_n3A_1372 : vector<256x128xi1>, vector<256x128xi32>
    %slice3A_1379 = vector.extract_strided_slice %dot_general3A_1344 {offsets = [0, 640], sizes = [256, 128], strides = [1, 1]} : vector<256x4096xf32> to vector<256x128xf32>
    %gt3A_1380 = arith.cmpf ogt, %slice3A_1379, %select_n3A_1375 : vector<256x128xf32>
    %select_n3A_1381 = arith.select %gt3A_1380, %slice3A_1379, %select_n3A_1375 : vector<256x128xi1>, vector<256x128xf32>
    %jit3A_1382 = arith.constant 5 : i32
    %broadcast_in_dim3A_1383 = vector.broadcast %jit3A_1382 : i32 to vector<256x128xi32>
    %select_n3A_1384 = arith.select %gt3A_1380, %broadcast_in_dim3A_1383, %select_n3A_1378 : vector<256x128xi1>, vector<256x128xi32>
    %slice3A_1385 = vector.extract_strided_slice %dot_general3A_1344 {offsets = [0, 768], sizes = [256, 128], strides = [1, 1]} : vector<256x4096xf32> to vector<256x128xf32>
    %gt3A_1386 = arith.cmpf ogt, %slice3A_1385, %select_n3A_1381 : vector<256x128xf32>
    %select_n3A_1387 = arith.select %gt3A_1386, %slice3A_1385, %select_n3A_1381 : vector<256x128xi1>, vector<256x128xf32>
    %jit3A_1388 = arith.constant 6 : i32
    %broadcast_in_dim3A_1389 = vector.broadcast %jit3A_1388 : i32 to vector<256x128xi32>
    %select_n3A_1390 = arith.select %gt3A_1386, %broadcast_in_dim3A_1389, %select_n3A_1384 : vector<256x128xi1>, vector<256x128xi32>
    %slice3A_1391 = vector.extract_strided_slice %dot_general3A_1344 {offsets = [0, 896], sizes = [256, 128], strides = [1, 1]} : vector<256x4096xf32> to vector<256x128xf32>
    %gt3A_1392 = arith.cmpf ogt, %slice3A_1391, %select_n3A_1387 : vector<256x128xf32>
    %select_n3A_1393 = arith.select %gt3A_1392, %slice3A_1391, %select_n3A_1387 : vector<256x128xi1>, vector<256x128xf32>
    %jit3A_1394 = arith.constant 7 : i32
    %broadcast_in_dim3A_1395 = vector.broadcast %jit3A_1394 : i32 to vector<256x128xi32>
    %select_n3A_1396 = arith.select %gt3A_1392, %broadcast_in_dim3A_1395, %select_n3A_1390 : vector<256x128xi1>, vector<256x128xi32>
    %slice3A_1397 = vector.extract_strided_slice %dot_general3A_1344 {offsets = [0, 1024], sizes = [256, 128], strides = [1, 1]} : vector<256x4096xf32> to vector<256x128xf32>
    %gt3A_1398 = arith.cmpf ogt, %slice3A_1397, %select_n3A_1393 : vector<256x128xf32>
    %select_n3A_1399 = arith.select %gt3A_1398, %slice3A_1397, %select_n3A_1393 : vector<256x128xi1>, vector<256x128xf32>
    %jit3A_1400 = arith.constant 8 : i32
    %broadcast_in_dim3A_1401 = vector.broadcast %jit3A_1400 : i32 to vector<256x128xi32>
    %select_n3A_1402 = arith.select %gt3A_1398, %broadcast_in_dim3A_1401, %select_n3A_1396 : vector<256x128xi1>, vector<256x128xi32>
    %slice3A_1403 = vector.extract_strided_slice %dot_general3A_1344 {offsets = [0, 1152], sizes = [256, 128], strides = [1, 1]} : vector<256x4096xf32> to vector<256x128xf32>
    %gt3A_1404 = arith.cmpf ogt, %slice3A_1403, %select_n3A_1399 : vector<256x128xf32>
    %select_n3A_1405 = arith.select %gt3A_1404, %slice3A_1403, %select_n3A_1399 : vector<256x128xi1>, vector<256x128xf32>
    %jit3A_1406 = arith.constant 9 : i32
    %broadcast_in_dim3A_1407 = vector.broadcast %jit3A_1406 : i32 to vector<256x128xi32>
    %select_n3A_1408 = arith.select %gt3A_1404, %broadcast_in_dim3A_1407, %select_n3A_1402 : vector<256x128xi1>, vector<256x128xi32>
    %slice3A_1409 = vector.extract_strided_slice %dot_general3A_1344 {offsets = [0, 1280], sizes = [256, 128], strides = [1, 1]} : vector<256x4096xf32> to vector<256x128xf32>
    %gt3A_1410 = arith.cmpf ogt, %slice3A_1409, %select_n3A_1405 : vector<256x128xf32>
    %select_n3A_1411 = arith.select %gt3A_1410, %slice3A_1409, %select_n3A_1405 : vector<256x128xi1>, vector<256x128xf32>
    %jit3A_1412 = arith.constant 10 : i32
    %broadcast_in_dim3A_1413 = vector.broadcast %jit3A_1412 : i32 to vector<256x128xi32>
    %select_n3A_1414 = arith.select %gt3A_1410, %broadcast_in_dim3A_1413, %select_n3A_1408 : vector<256x128xi1>, vector<256x128xi32>
    %slice3A_1415 = vector.extract_strided_slice %dot_general3A_1344 {offsets = [0, 1408], sizes = [256, 128], strides = [1, 1]} : vector<256x4096xf32> to vector<256x128xf32>
    %gt3A_1416 = arith.cmpf ogt, %slice3A_1415, %select_n3A_1411 : vector<256x128xf32>
    %select_n3A_1417 = arith.select %gt3A_1416, %slice3A_1415, %select_n3A_1411 : vector<256x128xi1>, vector<256x128xf32>
    %jit3A_1418 = arith.constant 11 : i32
    %broadcast_in_dim3A_1419 = vector.broadcast %jit3A_1418 : i32 to vector<256x128xi32>
    %select_n3A_1420 = arith.select %gt3A_1416, %broadcast_in_dim3A_1419, %select_n3A_1414 : vector<256x128xi1>, vector<256x128xi32>
    %slice3A_1421 = vector.extract_strided_slice %dot_general3A_1344 {offsets = [0, 1536], sizes = [256, 128], strides = [1, 1]} : vector<256x4096xf32> to vector<256x128xf32>
    %gt3A_1422 = arith.cmpf ogt, %slice3A_1421, %select_n3A_1417 : vector<256x128xf32>
    %select_n3A_1423 = arith.select %gt3A_1422, %slice3A_1421, %select_n3A_1417 : vector<256x128xi1>, vector<256x128xf32>
    %jit3A_1424 = arith.constant 12 : i32
    %broadcast_in_dim3A_1425 = vector.broadcast %jit3A_1424 : i32 to vector<256x128xi32>
    %select_n3A_1426 = arith.select %gt3A_1422, %broadcast_in_dim3A_1425, %select_n3A_1420 : vector<256x128xi1>, vector<256x128xi32>
    %slice3A_1427 = vector.extract_strided_slice %dot_general3A_1344 {offsets = [0, 1664], sizes = [256, 128], strides = [1, 1]} : vector<256x4096xf32> to vector<256x128xf32>
    %gt3A_1428 = arith.cmpf ogt, %slice3A_1427, %select_n3A_1423 : vector<256x128xf32>
    %select_n3A_1429 = arith.select %gt3A_1428, %slice3A_1427, %select_n3A_1423 : vector<256x128xi1>, vector<256x128xf32>
    %jit3A_1430 = arith.constant 13 : i32
    %broadcast_in_dim3A_1431 = vector.broadcast %jit3A_1430 : i32 to vector<256x128xi32>
    %select_n3A_1432 = arith.select %gt3A_1428, %broadcast_in_dim3A_1431, %select_n3A_1426 : vector<256x128xi1>, vector<256x128xi32>
    %slice3A_1433 = vector.extract_strided_slice %dot_general3A_1344 {offsets = [0, 1792], sizes = [256, 128], strides = [1, 1]} : vector<256x4096xf32> to vector<256x128xf32>
    %gt3A_1434 = arith.cmpf ogt, %slice3A_1433, %select_n3A_1429 : vector<256x128xf32>
    %select_n3A_1435 = arith.select %gt3A_1434, %slice3A_1433, %select_n3A_1429 : vector<256x128xi1>, vector<256x128xf32>
    %jit3A_1436 = arith.constant 14 : i32
    %broadcast_in_dim3A_1437 = vector.broadcast %jit3A_1436 : i32 to vector<256x128xi32>
    %select_n3A_1438 = arith.select %gt3A_1434, %broadcast_in_dim3A_1437, %select_n3A_1432 : vector<256x128xi1>, vector<256x128xi32>
    %slice3A_1439 = vector.extract_strided_slice %dot_general3A_1344 {offsets = [0, 1920], sizes = [256, 128], strides = [1, 1]} : vector<256x4096xf32> to vector<256x128xf32>
    %gt3A_1440 = arith.cmpf ogt, %slice3A_1439, %select_n3A_1435 : vector<256x128xf32>
    %select_n3A_1441 = arith.select %gt3A_1440, %slice3A_1439, %select_n3A_1435 : vector<256x128xi1>, vector<256x128xf32>
    %jit3A_1442 = arith.constant 15 : i32
    %broadcast_in_dim3A_1443 = vector.broadcast %jit3A_1442 : i32 to vector<256x128xi32>
    %select_n3A_1444 = arith.select %gt3A_1440, %broadcast_in_dim3A_1443, %select_n3A_1438 : vector<256x128xi1>, vector<256x128xi32>
    %slice3A_1445 = vector.extract_strided_slice %dot_general3A_1344 {offsets = [0, 2048], sizes = [256, 128], strides = [1, 1]} : vector<256x4096xf32> to vector<256x128xf32>
    %gt3A_1446 = arith.cmpf ogt, %slice3A_1445, %select_n3A_1441 : vector<256x128xf32>
    %select_n3A_1447 = arith.select %gt3A_1446, %slice3A_1445, %select_n3A_1441 : vector<256x128xi1>, vector<256x128xf32>
    %jit3A_1448 = arith.constant 16 : i32
    %broadcast_in_dim3A_1449 = vector.broadcast %jit3A_1448 : i32 to vector<256x128xi32>
    %select_n3A_1450 = arith.select %gt3A_1446, %broadcast_in_dim3A_1449, %select_n3A_1444 : vector<256x128xi1>, vector<256x128xi32>
    %slice3A_1451 = vector.extract_strided_slice %dot_general3A_1344 {offsets = [0, 2176], sizes = [256, 128], strides = [1, 1]} : vector<256x4096xf32> to vector<256x128xf32>
    %gt3A_1452 = arith.cmpf ogt, %slice3A_1451, %select_n3A_1447 : vector<256x128xf32>
    %select_n3A_1453 = arith.select %gt3A_1452, %slice3A_1451, %select_n3A_1447 : vector<256x128xi1>, vector<256x128xf32>
    %jit3A_1454 = arith.constant 17 : i32
    %broadcast_in_dim3A_1455 = vector.broadcast %jit3A_1454 : i32 to vector<256x128xi32>
    %select_n3A_1456 = arith.select %gt3A_1452, %broadcast_in_dim3A_1455, %select_n3A_1450 : vector<256x128xi1>, vector<256x128xi32>
    %slice3A_1457 = vector.extract_strided_slice %dot_general3A_1344 {offsets = [0, 2304], sizes = [256, 128], strides = [1, 1]} : vector<256x4096xf32> to vector<256x128xf32>
    %gt3A_1458 = arith.cmpf ogt, %slice3A_1457, %select_n3A_1453 : vector<256x128xf32>
    %select_n3A_1459 = arith.select %gt3A_1458, %slice3A_1457, %select_n3A_1453 : vector<256x128xi1>, vector<256x128xf32>
    %jit3A_1460 = arith.constant 18 : i32
    %broadcast_in_dim3A_1461 = vector.broadcast %jit3A_1460 : i32 to vector<256x128xi32>
    %select_n3A_1462 = arith.select %gt3A_1458, %broadcast_in_dim3A_1461, %select_n3A_1456 : vector<256x128xi1>, vector<256x128xi32>
    %slice3A_1463 = vector.extract_strided_slice %dot_general3A_1344 {offsets = [0, 2432], sizes = [256, 128], strides = [1, 1]} : vector<256x4096xf32> to vector<256x128xf32>
    %gt3A_1464 = arith.cmpf ogt, %slice3A_1463, %select_n3A_1459 : vector<256x128xf32>
    %select_n3A_1465 = arith.select %gt3A_1464, %slice3A_1463, %select_n3A_1459 : vector<256x128xi1>, vector<256x128xf32>
    %jit3A_1466 = arith.constant 19 : i32
    %broadcast_in_dim3A_1467 = vector.broadcast %jit3A_1466 : i32 to vector<256x128xi32>
    %select_n3A_1468 = arith.select %gt3A_1464, %broadcast_in_dim3A_1467, %select_n3A_1462 : vector<256x128xi1>, vector<256x128xi32>
    %slice3A_1469 = vector.extract_strided_slice %dot_general3A_1344 {offsets = [0, 2560], sizes = [256, 128], strides = [1, 1]} : vector<256x4096xf32> to vector<256x128xf32>
    %gt3A_1470 = arith.cmpf ogt, %slice3A_1469, %select_n3A_1465 : vector<256x128xf32>
    %select_n3A_1471 = arith.select %gt3A_1470, %slice3A_1469, %select_n3A_1465 : vector<256x128xi1>, vector<256x128xf32>
    %jit3A_1472 = arith.constant 20 : i32
    %broadcast_in_dim3A_1473 = vector.broadcast %jit3A_1472 : i32 to vector<256x128xi32>
    %select_n3A_1474 = arith.select %gt3A_1470, %broadcast_in_dim3A_1473, %select_n3A_1468 : vector<256x128xi1>, vector<256x128xi32>
    %slice3A_1475 = vector.extract_strided_slice %dot_general3A_1344 {offsets = [0, 2688], sizes = [256, 128], strides = [1, 1]} : vector<256x4096xf32> to vector<256x128xf32>
    %gt3A_1476 = arith.cmpf ogt, %slice3A_1475, %select_n3A_1471 : vector<256x128xf32>
    %select_n3A_1477 = arith.select %gt3A_1476, %slice3A_1475, %select_n3A_1471 : vector<256x128xi1>, vector<256x128xf32>
    %jit3A_1478 = arith.constant 21 : i32
    %broadcast_in_dim3A_1479 = vector.broadcast %jit3A_1478 : i32 to vector<256x128xi32>
    %select_n3A_1480 = arith.select %gt3A_1476, %broadcast_in_dim3A_1479, %select_n3A_1474 : vector<256x128xi1>, vector<256x128xi32>
    %slice3A_1481 = vector.extract_strided_slice %dot_general3A_1344 {offsets = [0, 2816], sizes = [256, 128], strides = [1, 1]} : vector<256x4096xf32> to vector<256x128xf32>
    %gt3A_1482 = arith.cmpf ogt, %slice3A_1481, %select_n3A_1477 : vector<256x128xf32>
    %select_n3A_1483 = arith.select %gt3A_1482, %slice3A_1481, %select_n3A_1477 : vector<256x128xi1>, vector<256x128xf32>
    %jit3A_1484 = arith.constant 22 : i32
    %broadcast_in_dim3A_1485 = vector.broadcast %jit3A_1484 : i32 to vector<256x128xi32>
    %select_n3A_1486 = arith.select %gt3A_1482, %broadcast_in_dim3A_1485, %select_n3A_1480 : vector<256x128xi1>, vector<256x128xi32>
    %slice3A_1487 = vector.extract_strided_slice %dot_general3A_1344 {offsets = [0, 2944], sizes = [256, 128], strides = [1, 1]} : vector<256x4096xf32> to vector<256x128xf32>
    %gt3A_1488 = arith.cmpf ogt, %slice3A_1487, %select_n3A_1483 : vector<256x128xf32>
    %select_n3A_1489 = arith.select %gt3A_1488, %slice3A_1487, %select_n3A_1483 : vector<256x128xi1>, vector<256x128xf32>
    %jit3A_1490 = arith.constant 23 : i32
    %broadcast_in_dim3A_1491 = vector.broadcast %jit3A_1490 : i32 to vector<256x128xi32>
    %select_n3A_1492 = arith.select %gt3A_1488, %broadcast_in_dim3A_1491, %select_n3A_1486 : vector<256x128xi1>, vector<256x128xi32>
    %slice3A_1493 = vector.extract_strided_slice %dot_general3A_1344 {offsets = [0, 3072], sizes = [256, 128], strides = [1, 1]} : vector<256x4096xf32> to vector<256x128xf32>
    %gt3A_1494 = arith.cmpf ogt, %slice3A_1493, %select_n3A_1489 : vector<256x128xf32>
    %select_n3A_1495 = arith.select %gt3A_1494, %slice3A_1493, %select_n3A_1489 : vector<256x128xi1>, vector<256x128xf32>
    %jit3A_1496 = arith.constant 24 : i32
    %broadcast_in_dim3A_1497 = vector.broadcast %jit3A_1496 : i32 to vector<256x128xi32>
    %select_n3A_1498 = arith.select %gt3A_1494, %broadcast_in_dim3A_1497, %select_n3A_1492 : vector<256x128xi1>, vector<256x128xi32>
    %slice3A_1499 = vector.extract_strided_slice %dot_general3A_1344 {offsets = [0, 3200], sizes = [256, 128], strides = [1, 1]} : vector<256x4096xf32> to vector<256x128xf32>
    %gt3A_1500 = arith.cmpf ogt, %slice3A_1499, %select_n3A_1495 : vector<256x128xf32>
    %select_n3A_1501 = arith.select %gt3A_1500, %slice3A_1499, %select_n3A_1495 : vector<256x128xi1>, vector<256x128xf32>
    %jit3A_1502 = arith.constant 25 : i32
    %broadcast_in_dim3A_1503 = vector.broadcast %jit3A_1502 : i32 to vector<256x128xi32>
    %select_n3A_1504 = arith.select %gt3A_1500, %broadcast_in_dim3A_1503, %select_n3A_1498 : vector<256x128xi1>, vector<256x128xi32>
    %slice3A_1505 = vector.extract_strided_slice %dot_general3A_1344 {offsets = [0, 3328], sizes = [256, 128], strides = [1, 1]} : vector<256x4096xf32> to vector<256x128xf32>
    %gt3A_1506 = arith.cmpf ogt, %slice3A_1505, %select_n3A_1501 : vector<256x128xf32>
    %select_n3A_1507 = arith.select %gt3A_1506, %slice3A_1505, %select_n3A_1501 : vector<256x128xi1>, vector<256x128xf32>
    %jit3A_1508 = arith.constant 26 : i32
    %broadcast_in_dim3A_1509 = vector.broadcast %jit3A_1508 : i32 to vector<256x128xi32>
    %select_n3A_1510 = arith.select %gt3A_1506, %broadcast_in_dim3A_1509, %select_n3A_1504 : vector<256x128xi1>, vector<256x128xi32>
    %slice3A_1511 = vector.extract_strided_slice %dot_general3A_1344 {offsets = [0, 3456], sizes = [256, 128], strides = [1, 1]} : vector<256x4096xf32> to vector<256x128xf32>
    %gt3A_1512 = arith.cmpf ogt, %slice3A_1511, %select_n3A_1507 : vector<256x128xf32>
    %select_n3A_1513 = arith.select %gt3A_1512, %slice3A_1511, %select_n3A_1507 : vector<256x128xi1>, vector<256x128xf32>
    %jit3A_1514 = arith.constant 27 : i32
    %broadcast_in_dim3A_1515 = vector.broadcast %jit3A_1514 : i32 to vector<256x128xi32>
    %select_n3A_1516 = arith.select %gt3A_1512, %broadcast_in_dim3A_1515, %select_n3A_1510 : vector<256x128xi1>, vector<256x128xi32>
    %slice3A_1517 = vector.extract_strided_slice %dot_general3A_1344 {offsets = [0, 3584], sizes = [256, 128], strides = [1, 1]} : vector<256x4096xf32> to vector<256x128xf32>
    %gt3A_1518 = arith.cmpf ogt, %slice3A_1517, %select_n3A_1513 : vector<256x128xf32>
    %select_n3A_1519 = arith.select %gt3A_1518, %slice3A_1517, %select_n3A_1513 : vector<256x128xi1>, vector<256x128xf32>
    %jit3A_1520 = arith.constant 28 : i32
    %broadcast_in_dim3A_1521 = vector.broadcast %jit3A_1520 : i32 to vector<256x128xi32>
    %select_n3A_1522 = arith.select %gt3A_1518, %broadcast_in_dim3A_1521, %select_n3A_1516 : vector<256x128xi1>, vector<256x128xi32>
    %slice3A_1523 = vector.extract_strided_slice %dot_general3A_1344 {offsets = [0, 3712], sizes = [256, 128], strides = [1, 1]} : vector<256x4096xf32> to vector<256x128xf32>
    %gt3A_1524 = arith.cmpf ogt, %slice3A_1523, %select_n3A_1519 : vector<256x128xf32>
    %select_n3A_1525 = arith.select %gt3A_1524, %slice3A_1523, %select_n3A_1519 : vector<256x128xi1>, vector<256x128xf32>
    %jit3A_1526 = arith.constant 29 : i32
    %broadcast_in_dim3A_1527 = vector.broadcast %jit3A_1526 : i32 to vector<256x128xi32>
    %select_n3A_1528 = arith.select %gt3A_1524, %broadcast_in_dim3A_1527, %select_n3A_1522 : vector<256x128xi1>, vector<256x128xi32>
    %slice3A_1529 = vector.extract_strided_slice %dot_general3A_1344 {offsets = [0, 3840], sizes = [256, 128], strides = [1, 1]} : vector<256x4096xf32> to vector<256x128xf32>
    %gt3A_1530 = arith.cmpf ogt, %slice3A_1529, %select_n3A_1525 : vector<256x128xf32>
    %select_n3A_1531 = arith.select %gt3A_1530, %slice3A_1529, %select_n3A_1525 : vector<256x128xi1>, vector<256x128xf32>
    %jit3A_1532 = arith.constant 30 : i32
    %broadcast_in_dim3A_1533 = vector.broadcast %jit3A_1532 : i32 to vector<256x128xi32>
    %select_n3A_1534 = arith.select %gt3A_1530, %broadcast_in_dim3A_1533, %select_n3A_1528 : vector<256x128xi1>, vector<256x128xi32>
    %slice3A_1535 = vector.extract_strided_slice %dot_general3A_1344 {offsets = [0, 3968], sizes = [256, 128], strides = [1, 1]} : vector<256x4096xf32> to vector<256x128xf32>
    %gt3A_1536 = arith.cmpf ogt, %slice3A_1535, %select_n3A_1531 : vector<256x128xf32>
    %select_n3A_1537 = arith.select %gt3A_1536, %slice3A_1535, %select_n3A_1531 : vector<256x128xi1>, vector<256x128xf32>
    %jit3A_1538 = arith.constant 31 : i32
    %broadcast_in_dim3A_1539 = vector.broadcast %jit3A_1538 : i32 to vector<256x128xi32>
    %select_n3A_1540 = arith.select %gt3A_1536, %broadcast_in_dim3A_1539, %select_n3A_1534 : vector<256x128xi1>, vector<256x128xi32>
    %reduce_max3A_1541 = arith.constant dense<0xFF800000> : vector<256xf32>
    %reduce_max3A_1542 = vector.multi_reduction <maximumf>, %select_n3A_1537, %reduce_max3A_1541 [1] : vector<256x128xf32> to vector<256xf32>
    %broadcast_in_dim3A_1543 = vector.shape_cast %reduce_max3A_1542 : vector<256xf32> to vector<256x1xf32>
    %iota3A_1544 = tpu.iota {dimensions = array<i32: 1>} : vector<256x128xi32>
    %mul3A_1545 = arith.constant 128 : i32
    %mul3A_1546 = vector.broadcast %mul3A_1545 : i32 to vector<256x128xi32>
    %mul3A_1547 = arith.muli %select_n3A_1540, %mul3A_1546 : vector<256x128xi32>
    %add3A_1548 = arith.addi %mul3A_1547, %iota3A_1544 : vector<256x128xi32>
    %eq3A_1549 = vector.broadcast %broadcast_in_dim3A_1543 : vector<256x1xf32> to vector<256x128xf32>
    %eq3A_1550 = arith.cmpf oeq, %select_n3A_1537, %eq3A_1549 : vector<256x128xf32>
    %jit3A_1551 = arith.constant 4096 : i32
    %broadcast_in_dim3A_1552 = vector.broadcast %jit3A_1551 : i32 to vector<256x128xi32>
    %select_n3A_1553 = arith.select %eq3A_1550, %add3A_1548, %broadcast_in_dim3A_1552 : vector<256x128xi1>, vector<256x128xi32>
    %reduce_min3A_1554 = arith.constant dense<2147483647> : vector<256xi32>
    %reduce_min3A_1555 = vector.multi_reduction <minsi>, %select_n3A_1553, %reduce_min3A_1554 [1] : vector<256x128xi32> to vector<256xi32>
    %broadcast_in_dim3A_1556 = vector.shape_cast %reduce_min3A_1555 : vector<256xi32> to vector<256x1xi32>
    %add3A_1557 = arith.constant 24576 : i32
    %add3A_1558 = vector.broadcast %add3A_1557 : i32 to vector<256x1xi32>
    %add3A_1559 = arith.addi %broadcast_in_dim3A_1556, %add3A_1558 : vector<256x1xi32>
    %swap3A_1560 = arith.constant 0 : index
    %swap3A_1561 = arith.constant 6 : index
    %swap3A_1562 = vector.load %arg5[%swap3A_1560, %swap3A_1561] : memref<256x10xi32, #tpu.memory_space<vmem>>, vector<256x1xi32>
    tpu.vector_store %arg5[%swap3A_1560, %swap3A_1561], %add3A_1559 {strides = array<i32>} : memref<256x10xi32, #tpu.memory_space<vmem>>, vector<256x1xi32>,
    %slice3A_1563 = vector.extract_strided_slice %convert_element_type3A {offsets = [0, 896], sizes = [256, 128], strides = [1, 1]} : vector<256x1280xbf16> to vector<256x128xbf16>
    %dot_general3A_1564 = arith.constant dense<0.000000e+00> : vector<256x4096xf32>
    %dot_general3A_1565 = tpu.matmul %slice3A_1563, %get3A_27, %dot_general3A_1564 {dimension_numbers = #tpu.dot_dimension_numbers<[1], [0], [0], [1], [0, 0, 1, 1], [], []>, transpose_lhs_hint = false} : vector<256x128xbf16>, vector<128x4096xbf16>, vector<256x4096xf32> -> vector<256x4096xf32>
    %broadcast_in_dim3A_1566 = arith.constant 0xFF800000 : f32
    %broadcast_in_dim3A_1567 = vector.broadcast %broadcast_in_dim3A_1566 : f32 to vector<256x128xf32>
    %broadcast_in_dim3A_1568 = arith.constant 0 : i32
    %broadcast_in_dim3A_1569 = vector.broadcast %broadcast_in_dim3A_1568 : i32 to vector<256x128xi32>
    %slice3A_1570 = vector.extract_strided_slice %dot_general3A_1565 {offsets = [0, 0], sizes = [256, 128], strides = [1, 1]} : vector<256x4096xf32> to vector<256x128xf32>
    %gt3A_1571 = arith.cmpf ogt, %slice3A_1570, %broadcast_in_dim3A_1567 : vector<256x128xf32>
    %select_n3A_1572 = arith.select %gt3A_1571, %slice3A_1570, %broadcast_in_dim3A_1567 : vector<256x128xi1>, vector<256x128xf32>
    %jit3A_1573 = arith.constant 0 : i32
    %broadcast_in_dim3A_1574 = vector.broadcast %jit3A_1573 : i32 to vector<256x128xi32>
    %select_n3A_1575 = arith.select %gt3A_1571, %broadcast_in_dim3A_1574, %broadcast_in_dim3A_1569 : vector<256x128xi1>, vector<256x128xi32>
    %slice3A_1576 = vector.extract_strided_slice %dot_general3A_1565 {offsets = [0, 128], sizes = [256, 128], strides = [1, 1]} : vector<256x4096xf32> to vector<256x128xf32>
    %gt3A_1577 = arith.cmpf ogt, %slice3A_1576, %select_n3A_1572 : vector<256x128xf32>
    %select_n3A_1578 = arith.select %gt3A_1577, %slice3A_1576, %select_n3A_1572 : vector<256x128xi1>, vector<256x128xf32>
    %jit3A_1579 = arith.constant 1 : i32
    %broadcast_in_dim3A_1580 = vector.broadcast %jit3A_1579 : i32 to vector<256x128xi32>
    %select_n3A_1581 = arith.select %gt3A_1577, %broadcast_in_dim3A_1580, %select_n3A_1575 : vector<256x128xi1>, vector<256x128xi32>
    %slice3A_1582 = vector.extract_strided_slice %dot_general3A_1565 {offsets = [0, 256], sizes = [256, 128], strides = [1, 1]} : vector<256x4096xf32> to vector<256x128xf32>
    %gt3A_1583 = arith.cmpf ogt, %slice3A_1582, %select_n3A_1578 : vector<256x128xf32>
    %select_n3A_1584 = arith.select %gt3A_1583, %slice3A_1582, %select_n3A_1578 : vector<256x128xi1>, vector<256x128xf32>
    %jit3A_1585 = arith.constant 2 : i32
    %broadcast_in_dim3A_1586 = vector.broadcast %jit3A_1585 : i32 to vector<256x128xi32>
    %select_n3A_1587 = arith.select %gt3A_1583, %broadcast_in_dim3A_1586, %select_n3A_1581 : vector<256x128xi1>, vector<256x128xi32>
    %slice3A_1588 = vector.extract_strided_slice %dot_general3A_1565 {offsets = [0, 384], sizes = [256, 128], strides = [1, 1]} : vector<256x4096xf32> to vector<256x128xf32>
    %gt3A_1589 = arith.cmpf ogt, %slice3A_1588, %select_n3A_1584 : vector<256x128xf32>
    %select_n3A_1590 = arith.select %gt3A_1589, %slice3A_1588, %select_n3A_1584 : vector<256x128xi1>, vector<256x128xf32>
    %jit3A_1591 = arith.constant 3 : i32
    %broadcast_in_dim3A_1592 = vector.broadcast %jit3A_1591 : i32 to vector<256x128xi32>
    %select_n3A_1593 = arith.select %gt3A_1589, %broadcast_in_dim3A_1592, %select_n3A_1587 : vector<256x128xi1>, vector<256x128xi32>
    %slice3A_1594 = vector.extract_strided_slice %dot_general3A_1565 {offsets = [0, 512], sizes = [256, 128], strides = [1, 1]} : vector<256x4096xf32> to vector<256x128xf32>
    %gt3A_1595 = arith.cmpf ogt, %slice3A_1594, %select_n3A_1590 : vector<256x128xf32>
    %select_n3A_1596 = arith.select %gt3A_1595, %slice3A_1594, %select_n3A_1590 : vector<256x128xi1>, vector<256x128xf32>
    %jit3A_1597 = arith.constant 4 : i32
    %broadcast_in_dim3A_1598 = vector.broadcast %jit3A_1597 : i32 to vector<256x128xi32>
    %select_n3A_1599 = arith.select %gt3A_1595, %broadcast_in_dim3A_1598, %select_n3A_1593 : vector<256x128xi1>, vector<256x128xi32>
    %slice3A_1600 = vector.extract_strided_slice %dot_general3A_1565 {offsets = [0, 640], sizes = [256, 128], strides = [1, 1]} : vector<256x4096xf32> to vector<256x128xf32>
    %gt3A_1601 = arith.cmpf ogt, %slice3A_1600, %select_n3A_1596 : vector<256x128xf32>
    %select_n3A_1602 = arith.select %gt3A_1601, %slice3A_1600, %select_n3A_1596 : vector<256x128xi1>, vector<256x128xf32>
    %jit3A_1603 = arith.constant 5 : i32
    %broadcast_in_dim3A_1604 = vector.broadcast %jit3A_1603 : i32 to vector<256x128xi32>
    %select_n3A_1605 = arith.select %gt3A_1601, %broadcast_in_dim3A_1604, %select_n3A_1599 : vector<256x128xi1>, vector<256x128xi32>
    %slice3A_1606 = vector.extract_strided_slice %dot_general3A_1565 {offsets = [0, 768], sizes = [256, 128], strides = [1, 1]} : vector<256x4096xf32> to vector<256x128xf32>
    %gt3A_1607 = arith.cmpf ogt, %slice3A_1606, %select_n3A_1602 : vector<256x128xf32>
    %select_n3A_1608 = arith.select %gt3A_1607, %slice3A_1606, %select_n3A_1602 : vector<256x128xi1>, vector<256x128xf32>
    %jit3A_1609 = arith.constant 6 : i32
    %broadcast_in_dim3A_1610 = vector.broadcast %jit3A_1609 : i32 to vector<256x128xi32>
    %select_n3A_1611 = arith.select %gt3A_1607, %broadcast_in_dim3A_1610, %select_n3A_1605 : vector<256x128xi1>, vector<256x128xi32>
    %slice3A_1612 = vector.extract_strided_slice %dot_general3A_1565 {offsets = [0, 896], sizes = [256, 128], strides = [1, 1]} : vector<256x4096xf32> to vector<256x128xf32>
    %gt3A_1613 = arith.cmpf ogt, %slice3A_1612, %select_n3A_1608 : vector<256x128xf32>
    %select_n3A_1614 = arith.select %gt3A_1613, %slice3A_1612, %select_n3A_1608 : vector<256x128xi1>, vector<256x128xf32>
    %jit3A_1615 = arith.constant 7 : i32
    %broadcast_in_dim3A_1616 = vector.broadcast %jit3A_1615 : i32 to vector<256x128xi32>
    %select_n3A_1617 = arith.select %gt3A_1613, %broadcast_in_dim3A_1616, %select_n3A_1611 : vector<256x128xi1>, vector<256x128xi32>
    %slice3A_1618 = vector.extract_strided_slice %dot_general3A_1565 {offsets = [0, 1024], sizes = [256, 128], strides = [1, 1]} : vector<256x4096xf32> to vector<256x128xf32>
    %gt3A_1619 = arith.cmpf ogt, %slice3A_1618, %select_n3A_1614 : vector<256x128xf32>
    %select_n3A_1620 = arith.select %gt3A_1619, %slice3A_1618, %select_n3A_1614 : vector<256x128xi1>, vector<256x128xf32>
    %jit3A_1621 = arith.constant 8 : i32
    %broadcast_in_dim3A_1622 = vector.broadcast %jit3A_1621 : i32 to vector<256x128xi32>
    %select_n3A_1623 = arith.select %gt3A_1619, %broadcast_in_dim3A_1622, %select_n3A_1617 : vector<256x128xi1>, vector<256x128xi32>
    %slice3A_1624 = vector.extract_strided_slice %dot_general3A_1565 {offsets = [0, 1152], sizes = [256, 128], strides = [1, 1]} : vector<256x4096xf32> to vector<256x128xf32>
    %gt3A_1625 = arith.cmpf ogt, %slice3A_1624, %select_n3A_1620 : vector<256x128xf32>
    %select_n3A_1626 = arith.select %gt3A_1625, %slice3A_1624, %select_n3A_1620 : vector<256x128xi1>, vector<256x128xf32>
    %jit3A_1627 = arith.constant 9 : i32
    %broadcast_in_dim3A_1628 = vector.broadcast %jit3A_1627 : i32 to vector<256x128xi32>
    %select_n3A_1629 = arith.select %gt3A_1625, %broadcast_in_dim3A_1628, %select_n3A_1623 : vector<256x128xi1>, vector<256x128xi32>
    %slice3A_1630 = vector.extract_strided_slice %dot_general3A_1565 {offsets = [0, 1280], sizes = [256, 128], strides = [1, 1]} : vector<256x4096xf32> to vector<256x128xf32>
    %gt3A_1631 = arith.cmpf ogt, %slice3A_1630, %select_n3A_1626 : vector<256x128xf32>
    %select_n3A_1632 = arith.select %gt3A_1631, %slice3A_1630, %select_n3A_1626 : vector<256x128xi1>, vector<256x128xf32>
    %jit3A_1633 = arith.constant 10 : i32
    %broadcast_in_dim3A_1634 = vector.broadcast %jit3A_1633 : i32 to vector<256x128xi32>
    %select_n3A_1635 = arith.select %gt3A_1631, %broadcast_in_dim3A_1634, %select_n3A_1629 : vector<256x128xi1>, vector<256x128xi32>
    %slice3A_1636 = vector.extract_strided_slice %dot_general3A_1565 {offsets = [0, 1408], sizes = [256, 128], strides = [1, 1]} : vector<256x4096xf32> to vector<256x128xf32>
    %gt3A_1637 = arith.cmpf ogt, %slice3A_1636, %select_n3A_1632 : vector<256x128xf32>
    %select_n3A_1638 = arith.select %gt3A_1637, %slice3A_1636, %select_n3A_1632 : vector<256x128xi1>, vector<256x128xf32>
    %jit3A_1639 = arith.constant 11 : i32
    %broadcast_in_dim3A_1640 = vector.broadcast %jit3A_1639 : i32 to vector<256x128xi32>
    %select_n3A_1641 = arith.select %gt3A_1637, %broadcast_in_dim3A_1640, %select_n3A_1635 : vector<256x128xi1>, vector<256x128xi32>
    %slice3A_1642 = vector.extract_strided_slice %dot_general3A_1565 {offsets = [0, 1536], sizes = [256, 128], strides = [1, 1]} : vector<256x4096xf32> to vector<256x128xf32>
    %gt3A_1643 = arith.cmpf ogt, %slice3A_1642, %select_n3A_1638 : vector<256x128xf32>
    %select_n3A_1644 = arith.select %gt3A_1643, %slice3A_1642, %select_n3A_1638 : vector<256x128xi1>, vector<256x128xf32>
    %jit3A_1645 = arith.constant 12 : i32
    %broadcast_in_dim3A_1646 = vector.broadcast %jit3A_1645 : i32 to vector<256x128xi32>
    %select_n3A_1647 = arith.select %gt3A_1643, %broadcast_in_dim3A_1646, %select_n3A_1641 : vector<256x128xi1>, vector<256x128xi32>
    %slice3A_1648 = vector.extract_strided_slice %dot_general3A_1565 {offsets = [0, 1664], sizes = [256, 128], strides = [1, 1]} : vector<256x4096xf32> to vector<256x128xf32>
    %gt3A_1649 = arith.cmpf ogt, %slice3A_1648, %select_n3A_1644 : vector<256x128xf32>
    %select_n3A_1650 = arith.select %gt3A_1649, %slice3A_1648, %select_n3A_1644 : vector<256x128xi1>, vector<256x128xf32>
    %jit3A_1651 = arith.constant 13 : i32
    %broadcast_in_dim3A_1652 = vector.broadcast %jit3A_1651 : i32 to vector<256x128xi32>
    %select_n3A_1653 = arith.select %gt3A_1649, %broadcast_in_dim3A_1652, %select_n3A_1647 : vector<256x128xi1>, vector<256x128xi32>
    %slice3A_1654 = vector.extract_strided_slice %dot_general3A_1565 {offsets = [0, 1792], sizes = [256, 128], strides = [1, 1]} : vector<256x4096xf32> to vector<256x128xf32>
    %gt3A_1655 = arith.cmpf ogt, %slice3A_1654, %select_n3A_1650 : vector<256x128xf32>
    %select_n3A_1656 = arith.select %gt3A_1655, %slice3A_1654, %select_n3A_1650 : vector<256x128xi1>, vector<256x128xf32>
    %jit3A_1657 = arith.constant 14 : i32
    %broadcast_in_dim3A_1658 = vector.broadcast %jit3A_1657 : i32 to vector<256x128xi32>
    %select_n3A_1659 = arith.select %gt3A_1655, %broadcast_in_dim3A_1658, %select_n3A_1653 : vector<256x128xi1>, vector<256x128xi32>
    %slice3A_1660 = vector.extract_strided_slice %dot_general3A_1565 {offsets = [0, 1920], sizes = [256, 128], strides = [1, 1]} : vector<256x4096xf32> to vector<256x128xf32>
    %gt3A_1661 = arith.cmpf ogt, %slice3A_1660, %select_n3A_1656 : vector<256x128xf32>
    %select_n3A_1662 = arith.select %gt3A_1661, %slice3A_1660, %select_n3A_1656 : vector<256x128xi1>, vector<256x128xf32>
    %jit3A_1663 = arith.constant 15 : i32
    %broadcast_in_dim3A_1664 = vector.broadcast %jit3A_1663 : i32 to vector<256x128xi32>
    %select_n3A_1665 = arith.select %gt3A_1661, %broadcast_in_dim3A_1664, %select_n3A_1659 : vector<256x128xi1>, vector<256x128xi32>
    %slice3A_1666 = vector.extract_strided_slice %dot_general3A_1565 {offsets = [0, 2048], sizes = [256, 128], strides = [1, 1]} : vector<256x4096xf32> to vector<256x128xf32>
    %gt3A_1667 = arith.cmpf ogt, %slice3A_1666, %select_n3A_1662 : vector<256x128xf32>
    %select_n3A_1668 = arith.select %gt3A_1667, %slice3A_1666, %select_n3A_1662 : vector<256x128xi1>, vector<256x128xf32>
    %jit3A_1669 = arith.constant 16 : i32
    %broadcast_in_dim3A_1670 = vector.broadcast %jit3A_1669 : i32 to vector<256x128xi32>
    %select_n3A_1671 = arith.select %gt3A_1667, %broadcast_in_dim3A_1670, %select_n3A_1665 : vector<256x128xi1>, vector<256x128xi32>
    %slice3A_1672 = vector.extract_strided_slice %dot_general3A_1565 {offsets = [0, 2176], sizes = [256, 128], strides = [1, 1]} : vector<256x4096xf32> to vector<256x128xf32>
    %gt3A_1673 = arith.cmpf ogt, %slice3A_1672, %select_n3A_1668 : vector<256x128xf32>
    %select_n3A_1674 = arith.select %gt3A_1673, %slice3A_1672, %select_n3A_1668 : vector<256x128xi1>, vector<256x128xf32>
    %jit3A_1675 = arith.constant 17 : i32
    %broadcast_in_dim3A_1676 = vector.broadcast %jit3A_1675 : i32 to vector<256x128xi32>
    %select_n3A_1677 = arith.select %gt3A_1673, %broadcast_in_dim3A_1676, %select_n3A_1671 : vector<256x128xi1>, vector<256x128xi32>
    %slice3A_1678 = vector.extract_strided_slice %dot_general3A_1565 {offsets = [0, 2304], sizes = [256, 128], strides = [1, 1]} : vector<256x4096xf32> to vector<256x128xf32>
    %gt3A_1679 = arith.cmpf ogt, %slice3A_1678, %select_n3A_1674 : vector<256x128xf32>
    %select_n3A_1680 = arith.select %gt3A_1679, %slice3A_1678, %select_n3A_1674 : vector<256x128xi1>, vector<256x128xf32>
    %jit3A_1681 = arith.constant 18 : i32
    %broadcast_in_dim3A_1682 = vector.broadcast %jit3A_1681 : i32 to vector<256x128xi32>
    %select_n3A_1683 = arith.select %gt3A_1679, %broadcast_in_dim3A_1682, %select_n3A_1677 : vector<256x128xi1>, vector<256x128xi32>
    %slice3A_1684 = vector.extract_strided_slice %dot_general3A_1565 {offsets = [0, 2432], sizes = [256, 128], strides = [1, 1]} : vector<256x4096xf32> to vector<256x128xf32>
    %gt3A_1685 = arith.cmpf ogt, %slice3A_1684, %select_n3A_1680 : vector<256x128xf32>
    %select_n3A_1686 = arith.select %gt3A_1685, %slice3A_1684, %select_n3A_1680 : vector<256x128xi1>, vector<256x128xf32>
    %jit3A_1687 = arith.constant 19 : i32
    %broadcast_in_dim3A_1688 = vector.broadcast %jit3A_1687 : i32 to vector<256x128xi32>
    %select_n3A_1689 = arith.select %gt3A_1685, %broadcast_in_dim3A_1688, %select_n3A_1683 : vector<256x128xi1>, vector<256x128xi32>
    %slice3A_1690 = vector.extract_strided_slice %dot_general3A_1565 {offsets = [0, 2560], sizes = [256, 128], strides = [1, 1]} : vector<256x4096xf32> to vector<256x128xf32>
    %gt3A_1691 = arith.cmpf ogt, %slice3A_1690, %select_n3A_1686 : vector<256x128xf32>
    %select_n3A_1692 = arith.select %gt3A_1691, %slice3A_1690, %select_n3A_1686 : vector<256x128xi1>, vector<256x128xf32>
    %jit3A_1693 = arith.constant 20 : i32
    %broadcast_in_dim3A_1694 = vector.broadcast %jit3A_1693 : i32 to vector<256x128xi32>
    %select_n3A_1695 = arith.select %gt3A_1691, %broadcast_in_dim3A_1694, %select_n3A_1689 : vector<256x128xi1>, vector<256x128xi32>
    %slice3A_1696 = vector.extract_strided_slice %dot_general3A_1565 {offsets = [0, 2688], sizes = [256, 128], strides = [1, 1]} : vector<256x4096xf32> to vector<256x128xf32>
    %gt3A_1697 = arith.cmpf ogt, %slice3A_1696, %select_n3A_1692 : vector<256x128xf32>
    %select_n3A_1698 = arith.select %gt3A_1697, %slice3A_1696, %select_n3A_1692 : vector<256x128xi1>, vector<256x128xf32>
    %jit3A_1699 = arith.constant 21 : i32
    %broadcast_in_dim3A_1700 = vector.broadcast %jit3A_1699 : i32 to vector<256x128xi32>
    %select_n3A_1701 = arith.select %gt3A_1697, %broadcast_in_dim3A_1700, %select_n3A_1695 : vector<256x128xi1>, vector<256x128xi32>
    %slice3A_1702 = vector.extract_strided_slice %dot_general3A_1565 {offsets = [0, 2816], sizes = [256, 128], strides = [1, 1]} : vector<256x4096xf32> to vector<256x128xf32>
    %gt3A_1703 = arith.cmpf ogt, %slice3A_1702, %select_n3A_1698 : vector<256x128xf32>
    %select_n3A_1704 = arith.select %gt3A_1703, %slice3A_1702, %select_n3A_1698 : vector<256x128xi1>, vector<256x128xf32>
    %jit3A_1705 = arith.constant 22 : i32
    %broadcast_in_dim3A_1706 = vector.broadcast %jit3A_1705 : i32 to vector<256x128xi32>
    %select_n3A_1707 = arith.select %gt3A_1703, %broadcast_in_dim3A_1706, %select_n3A_1701 : vector<256x128xi1>, vector<256x128xi32>
    %slice3A_1708 = vector.extract_strided_slice %dot_general3A_1565 {offsets = [0, 2944], sizes = [256, 128], strides = [1, 1]} : vector<256x4096xf32> to vector<256x128xf32>
    %gt3A_1709 = arith.cmpf ogt, %slice3A_1708, %select_n3A_1704 : vector<256x128xf32>
    %select_n3A_1710 = arith.select %gt3A_1709, %slice3A_1708, %select_n3A_1704 : vector<256x128xi1>, vector<256x128xf32>
    %jit3A_1711 = arith.constant 23 : i32
    %broadcast_in_dim3A_1712 = vector.broadcast %jit3A_1711 : i32 to vector<256x128xi32>
    %select_n3A_1713 = arith.select %gt3A_1709, %broadcast_in_dim3A_1712, %select_n3A_1707 : vector<256x128xi1>, vector<256x128xi32>
    %slice3A_1714 = vector.extract_strided_slice %dot_general3A_1565 {offsets = [0, 3072], sizes = [256, 128], strides = [1, 1]} : vector<256x4096xf32> to vector<256x128xf32>
    %gt3A_1715 = arith.cmpf ogt, %slice3A_1714, %select_n3A_1710 : vector<256x128xf32>
    %select_n3A_1716 = arith.select %gt3A_1715, %slice3A_1714, %select_n3A_1710 : vector<256x128xi1>, vector<256x128xf32>
    %jit3A_1717 = arith.constant 24 : i32
    %broadcast_in_dim3A_1718 = vector.broadcast %jit3A_1717 : i32 to vector<256x128xi32>
    %select_n3A_1719 = arith.select %gt3A_1715, %broadcast_in_dim3A_1718, %select_n3A_1713 : vector<256x128xi1>, vector<256x128xi32>
    %slice3A_1720 = vector.extract_strided_slice %dot_general3A_1565 {offsets = [0, 3200], sizes = [256, 128], strides = [1, 1]} : vector<256x4096xf32> to vector<256x128xf32>
    %gt3A_1721 = arith.cmpf ogt, %slice3A_1720, %select_n3A_1716 : vector<256x128xf32>
    %select_n3A_1722 = arith.select %gt3A_1721, %slice3A_1720, %select_n3A_1716 : vector<256x128xi1>, vector<256x128xf32>
    %jit3A_1723 = arith.constant 25 : i32
    %broadcast_in_dim3A_1724 = vector.broadcast %jit3A_1723 : i32 to vector<256x128xi32>
    %select_n3A_1725 = arith.select %gt3A_1721, %broadcast_in_dim3A_1724, %select_n3A_1719 : vector<256x128xi1>, vector<256x128xi32>
    %slice3A_1726 = vector.extract_strided_slice %dot_general3A_1565 {offsets = [0, 3328], sizes = [256, 128], strides = [1, 1]} : vector<256x4096xf32> to vector<256x128xf32>
    %gt3A_1727 = arith.cmpf ogt, %slice3A_1726, %select_n3A_1722 : vector<256x128xf32>
    %select_n3A_1728 = arith.select %gt3A_1727, %slice3A_1726, %select_n3A_1722 : vector<256x128xi1>, vector<256x128xf32>
    %jit3A_1729 = arith.constant 26 : i32
    %broadcast_in_dim3A_1730 = vector.broadcast %jit3A_1729 : i32 to vector<256x128xi32>
    %select_n3A_1731 = arith.select %gt3A_1727, %broadcast_in_dim3A_1730, %select_n3A_1725 : vector<256x128xi1>, vector<256x128xi32>
    %slice3A_1732 = vector.extract_strided_slice %dot_general3A_1565 {offsets = [0, 3456], sizes = [256, 128], strides = [1, 1]} : vector<256x4096xf32> to vector<256x128xf32>
    %gt3A_1733 = arith.cmpf ogt, %slice3A_1732, %select_n3A_1728 : vector<256x128xf32>
    %select_n3A_1734 = arith.select %gt3A_1733, %slice3A_1732, %select_n3A_1728 : vector<256x128xi1>, vector<256x128xf32>
    %jit3A_1735 = arith.constant 27 : i32
    %broadcast_in_dim3A_1736 = vector.broadcast %jit3A_1735 : i32 to vector<256x128xi32>
    %select_n3A_1737 = arith.select %gt3A_1733, %broadcast_in_dim3A_1736, %select_n3A_1731 : vector<256x128xi1>, vector<256x128xi32>
    %slice3A_1738 = vector.extract_strided_slice %dot_general3A_1565 {offsets = [0, 3584], sizes = [256, 128], strides = [1, 1]} : vector<256x4096xf32> to vector<256x128xf32>
    %gt3A_1739 = arith.cmpf ogt, %slice3A_1738, %select_n3A_1734 : vector<256x128xf32>
    %select_n3A_1740 = arith.select %gt3A_1739, %slice3A_1738, %select_n3A_1734 : vector<256x128xi1>, vector<256x128xf32>
    %jit3A_1741 = arith.constant 28 : i32
    %broadcast_in_dim3A_1742 = vector.broadcast %jit3A_1741 : i32 to vector<256x128xi32>
    %select_n3A_1743 = arith.select %gt3A_1739, %broadcast_in_dim3A_1742, %select_n3A_1737 : vector<256x128xi1>, vector<256x128xi32>
    %slice3A_1744 = vector.extract_strided_slice %dot_general3A_1565 {offsets = [0, 3712], sizes = [256, 128], strides = [1, 1]} : vector<256x4096xf32> to vector<256x128xf32>
    %gt3A_1745 = arith.cmpf ogt, %slice3A_1744, %select_n3A_1740 : vector<256x128xf32>
    %select_n3A_1746 = arith.select %gt3A_1745, %slice3A_1744, %select_n3A_1740 : vector<256x128xi1>, vector<256x128xf32>
    %jit3A_1747 = arith.constant 29 : i32
    %broadcast_in_dim3A_1748 = vector.broadcast %jit3A_1747 : i32 to vector<256x128xi32>
    %select_n3A_1749 = arith.select %gt3A_1745, %broadcast_in_dim3A_1748, %select_n3A_1743 : vector<256x128xi1>, vector<256x128xi32>
    %slice3A_1750 = vector.extract_strided_slice %dot_general3A_1565 {offsets = [0, 3840], sizes = [256, 128], strides = [1, 1]} : vector<256x4096xf32> to vector<256x128xf32>
    %gt3A_1751 = arith.cmpf ogt, %slice3A_1750, %select_n3A_1746 : vector<256x128xf32>
    %select_n3A_1752 = arith.select %gt3A_1751, %slice3A_1750, %select_n3A_1746 : vector<256x128xi1>, vector<256x128xf32>
    %jit3A_1753 = arith.constant 30 : i32
    %broadcast_in_dim3A_1754 = vector.broadcast %jit3A_1753 : i32 to vector<256x128xi32>
    %select_n3A_1755 = arith.select %gt3A_1751, %broadcast_in_dim3A_1754, %select_n3A_1749 : vector<256x128xi1>, vector<256x128xi32>
    %slice3A_1756 = vector.extract_strided_slice %dot_general3A_1565 {offsets = [0, 3968], sizes = [256, 128], strides = [1, 1]} : vector<256x4096xf32> to vector<256x128xf32>
    %gt3A_1757 = arith.cmpf ogt, %slice3A_1756, %select_n3A_1752 : vector<256x128xf32>
    %select_n3A_1758 = arith.select %gt3A_1757, %slice3A_1756, %select_n3A_1752 : vector<256x128xi1>, vector<256x128xf32>
    %jit3A_1759 = arith.constant 31 : i32
    %broadcast_in_dim3A_1760 = vector.broadcast %jit3A_1759 : i32 to vector<256x128xi32>
    %select_n3A_1761 = arith.select %gt3A_1757, %broadcast_in_dim3A_1760, %select_n3A_1755 : vector<256x128xi1>, vector<256x128xi32>
    %reduce_max3A_1762 = arith.constant dense<0xFF800000> : vector<256xf32>
    %reduce_max3A_1763 = vector.multi_reduction <maximumf>, %select_n3A_1758, %reduce_max3A_1762 [1] : vector<256x128xf32> to vector<256xf32>
    %broadcast_in_dim3A_1764 = vector.shape_cast %reduce_max3A_1763 : vector<256xf32> to vector<256x1xf32>
    %iota3A_1765 = tpu.iota {dimensions = array<i32: 1>} : vector<256x128xi32>
    %mul3A_1766 = arith.constant 128 : i32
    %mul3A_1767 = vector.broadcast %mul3A_1766 : i32 to vector<256x128xi32>
    %mul3A_1768 = arith.muli %select_n3A_1761, %mul3A_1767 : vector<256x128xi32>
    %add3A_1769 = arith.addi %mul3A_1768, %iota3A_1765 : vector<256x128xi32>
    %eq3A_1770 = vector.broadcast %broadcast_in_dim3A_1764 : vector<256x1xf32> to vector<256x128xf32>
    %eq3A_1771 = arith.cmpf oeq, %select_n3A_1758, %eq3A_1770 : vector<256x128xf32>
    %jit3A_1772 = arith.constant 4096 : i32
    %broadcast_in_dim3A_1773 = vector.broadcast %jit3A_1772 : i32 to vector<256x128xi32>
    %select_n3A_1774 = arith.select %eq3A_1771, %add3A_1769, %broadcast_in_dim3A_1773 : vector<256x128xi1>, vector<256x128xi32>
    %reduce_min3A_1775 = arith.constant dense<2147483647> : vector<256xi32>
    %reduce_min3A_1776 = vector.multi_reduction <minsi>, %select_n3A_1774, %reduce_min3A_1775 [1] : vector<256x128xi32> to vector<256xi32>
    %broadcast_in_dim3A_1777 = vector.shape_cast %reduce_min3A_1776 : vector<256xi32> to vector<256x1xi32>
    %add3A_1778 = arith.constant 28672 : i32
    %add3A_1779 = vector.broadcast %add3A_1778 : i32 to vector<256x1xi32>
    %add3A_1780 = arith.addi %broadcast_in_dim3A_1777, %add3A_1779 : vector<256x1xi32>
    %swap3A_1781 = arith.constant 0 : index
    %swap3A_1782 = arith.constant 7 : index
    %swap3A_1783 = vector.load %arg5[%swap3A_1781, %swap3A_1782] : memref<256x10xi32, #tpu.memory_space<vmem>>, vector<256x1xi32>
    tpu.vector_store %arg5[%swap3A_1781, %swap3A_1782], %add3A_1780 {strides = array<i32>} : memref<256x10xi32, #tpu.memory_space<vmem>>, vector<256x1xi32>,
    %slice3A_1784 = vector.extract_strided_slice %convert_element_type3A {offsets = [0, 1024], sizes = [256, 128], strides = [1, 1]} : vector<256x1280xbf16> to vector<256x128xbf16>
    %dot_general3A_1785 = arith.constant dense<0.000000e+00> : vector<256x4096xf32>
    %dot_general3A_1786 = tpu.matmul %slice3A_1784, %get3A_27, %dot_general3A_1785 {dimension_numbers = #tpu.dot_dimension_numbers<[1], [0], [0], [1], [0, 0, 1, 1], [], []>, transpose_lhs_hint = false} : vector<256x128xbf16>, vector<128x4096xbf16>, vector<256x4096xf32> -> vector<256x4096xf32>
    %broadcast_in_dim3A_1787 = arith.constant 0xFF800000 : f32
    %broadcast_in_dim3A_1788 = vector.broadcast %broadcast_in_dim3A_1787 : f32 to vector<256x128xf32>
    %broadcast_in_dim3A_1789 = arith.constant 0 : i32
    %broadcast_in_dim3A_1790 = vector.broadcast %broadcast_in_dim3A_1789 : i32 to vector<256x128xi32>
    %slice3A_1791 = vector.extract_strided_slice %dot_general3A_1786 {offsets = [0, 0], sizes = [256, 128], strides = [1, 1]} : vector<256x4096xf32> to vector<256x128xf32>
    %gt3A_1792 = arith.cmpf ogt, %slice3A_1791, %broadcast_in_dim3A_1788 : vector<256x128xf32>
    %select_n3A_1793 = arith.select %gt3A_1792, %slice3A_1791, %broadcast_in_dim3A_1788 : vector<256x128xi1>, vector<256x128xf32>
    %jit3A_1794 = arith.constant 0 : i32
    %broadcast_in_dim3A_1795 = vector.broadcast %jit3A_1794 : i32 to vector<256x128xi32>
    %select_n3A_1796 = arith.select %gt3A_1792, %broadcast_in_dim3A_1795, %broadcast_in_dim3A_1790 : vector<256x128xi1>, vector<256x128xi32>
    %slice3A_1797 = vector.extract_strided_slice %dot_general3A_1786 {offsets = [0, 128], sizes = [256, 128], strides = [1, 1]} : vector<256x4096xf32> to vector<256x128xf32>
    %gt3A_1798 = arith.cmpf ogt, %slice3A_1797, %select_n3A_1793 : vector<256x128xf32>
    %select_n3A_1799 = arith.select %gt3A_1798, %slice3A_1797, %select_n3A_1793 : vector<256x128xi1>, vector<256x128xf32>
    %jit3A_1800 = arith.constant 1 : i32
    %broadcast_in_dim3A_1801 = vector.broadcast %jit3A_1800 : i32 to vector<256x128xi32>
    %select_n3A_1802 = arith.select %gt3A_1798, %broadcast_in_dim3A_1801, %select_n3A_1796 : vector<256x128xi1>, vector<256x128xi32>
    %slice3A_1803 = vector.extract_strided_slice %dot_general3A_1786 {offsets = [0, 256], sizes = [256, 128], strides = [1, 1]} : vector<256x4096xf32> to vector<256x128xf32>
    %gt3A_1804 = arith.cmpf ogt, %slice3A_1803, %select_n3A_1799 : vector<256x128xf32>
    %select_n3A_1805 = arith.select %gt3A_1804, %slice3A_1803, %select_n3A_1799 : vector<256x128xi1>, vector<256x128xf32>
    %jit3A_1806 = arith.constant 2 : i32
    %broadcast_in_dim3A_1807 = vector.broadcast %jit3A_1806 : i32 to vector<256x128xi32>
    %select_n3A_1808 = arith.select %gt3A_1804, %broadcast_in_dim3A_1807, %select_n3A_1802 : vector<256x128xi1>, vector<256x128xi32>
    %slice3A_1809 = vector.extract_strided_slice %dot_general3A_1786 {offsets = [0, 384], sizes = [256, 128], strides = [1, 1]} : vector<256x4096xf32> to vector<256x128xf32>
    %gt3A_1810 = arith.cmpf ogt, %slice3A_1809, %select_n3A_1805 : vector<256x128xf32>
    %select_n3A_1811 = arith.select %gt3A_1810, %slice3A_1809, %select_n3A_1805 : vector<256x128xi1>, vector<256x128xf32>
    %jit3A_1812 = arith.constant 3 : i32
    %broadcast_in_dim3A_1813 = vector.broadcast %jit3A_1812 : i32 to vector<256x128xi32>
    %select_n3A_1814 = arith.select %gt3A_1810, %broadcast_in_dim3A_1813, %select_n3A_1808 : vector<256x128xi1>, vector<256x128xi32>
    %slice3A_1815 = vector.extract_strided_slice %dot_general3A_1786 {offsets = [0, 512], sizes = [256, 128], strides = [1, 1]} : vector<256x4096xf32> to vector<256x128xf32>
    %gt3A_1816 = arith.cmpf ogt, %slice3A_1815, %select_n3A_1811 : vector<256x128xf32>
    %select_n3A_1817 = arith.select %gt3A_1816, %slice3A_1815, %select_n3A_1811 : vector<256x128xi1>, vector<256x128xf32>
    %jit3A_1818 = arith.constant 4 : i32
    %broadcast_in_dim3A_1819 = vector.broadcast %jit3A_1818 : i32 to vector<256x128xi32>
    %select_n3A_1820 = arith.select %gt3A_1816, %broadcast_in_dim3A_1819, %select_n3A_1814 : vector<256x128xi1>, vector<256x128xi32>
    %slice3A_1821 = vector.extract_strided_slice %dot_general3A_1786 {offsets = [0, 640], sizes = [256, 128], strides = [1, 1]} : vector<256x4096xf32> to vector<256x128xf32>
    %gt3A_1822 = arith.cmpf ogt, %slice3A_1821, %select_n3A_1817 : vector<256x128xf32>
    %select_n3A_1823 = arith.select %gt3A_1822, %slice3A_1821, %select_n3A_1817 : vector<256x128xi1>, vector<256x128xf32>
    %jit3A_1824 = arith.constant 5 : i32
    %broadcast_in_dim3A_1825 = vector.broadcast %jit3A_1824 : i32 to vector<256x128xi32>
    %select_n3A_1826 = arith.select %gt3A_1822, %broadcast_in_dim3A_1825, %select_n3A_1820 : vector<256x128xi1>, vector<256x128xi32>
    %slice3A_1827 = vector.extract_strided_slice %dot_general3A_1786 {offsets = [0, 768], sizes = [256, 128], strides = [1, 1]} : vector<256x4096xf32> to vector<256x128xf32>
    %gt3A_1828 = arith.cmpf ogt, %slice3A_1827, %select_n3A_1823 : vector<256x128xf32>
    %select_n3A_1829 = arith.select %gt3A_1828, %slice3A_1827, %select_n3A_1823 : vector<256x128xi1>, vector<256x128xf32>
    %jit3A_1830 = arith.constant 6 : i32
    %broadcast_in_dim3A_1831 = vector.broadcast %jit3A_1830 : i32 to vector<256x128xi32>
    %select_n3A_1832 = arith.select %gt3A_1828, %broadcast_in_dim3A_1831, %select_n3A_1826 : vector<256x128xi1>, vector<256x128xi32>
    %slice3A_1833 = vector.extract_strided_slice %dot_general3A_1786 {offsets = [0, 896], sizes = [256, 128], strides = [1, 1]} : vector<256x4096xf32> to vector<256x128xf32>
    %gt3A_1834 = arith.cmpf ogt, %slice3A_1833, %select_n3A_1829 : vector<256x128xf32>
    %select_n3A_1835 = arith.select %gt3A_1834, %slice3A_1833, %select_n3A_1829 : vector<256x128xi1>, vector<256x128xf32>
    %jit3A_1836 = arith.constant 7 : i32
    %broadcast_in_dim3A_1837 = vector.broadcast %jit3A_1836 : i32 to vector<256x128xi32>
    %select_n3A_1838 = arith.select %gt3A_1834, %broadcast_in_dim3A_1837, %select_n3A_1832 : vector<256x128xi1>, vector<256x128xi32>
    %slice3A_1839 = vector.extract_strided_slice %dot_general3A_1786 {offsets = [0, 1024], sizes = [256, 128], strides = [1, 1]} : vector<256x4096xf32> to vector<256x128xf32>
    %gt3A_1840 = arith.cmpf ogt, %slice3A_1839, %select_n3A_1835 : vector<256x128xf32>
    %select_n3A_1841 = arith.select %gt3A_1840, %slice3A_1839, %select_n3A_1835 : vector<256x128xi1>, vector<256x128xf32>
    %jit3A_1842 = arith.constant 8 : i32
    %broadcast_in_dim3A_1843 = vector.broadcast %jit3A_1842 : i32 to vector<256x128xi32>
    %select_n3A_1844 = arith.select %gt3A_1840, %broadcast_in_dim3A_1843, %select_n3A_1838 : vector<256x128xi1>, vector<256x128xi32>
    %slice3A_1845 = vector.extract_strided_slice %dot_general3A_1786 {offsets = [0, 1152], sizes = [256, 128], strides = [1, 1]} : vector<256x4096xf32> to vector<256x128xf32>
    %gt3A_1846 = arith.cmpf ogt, %slice3A_1845, %select_n3A_1841 : vector<256x128xf32>
    %select_n3A_1847 = arith.select %gt3A_1846, %slice3A_1845, %select_n3A_1841 : vector<256x128xi1>, vector<256x128xf32>
    %jit3A_1848 = arith.constant 9 : i32
    %broadcast_in_dim3A_1849 = vector.broadcast %jit3A_1848 : i32 to vector<256x128xi32>
    %select_n3A_1850 = arith.select %gt3A_1846, %broadcast_in_dim3A_1849, %select_n3A_1844 : vector<256x128xi1>, vector<256x128xi32>
    %slice3A_1851 = vector.extract_strided_slice %dot_general3A_1786 {offsets = [0, 1280], sizes = [256, 128], strides = [1, 1]} : vector<256x4096xf32> to vector<256x128xf32>
    %gt3A_1852 = arith.cmpf ogt, %slice3A_1851, %select_n3A_1847 : vector<256x128xf32>
    %select_n3A_1853 = arith.select %gt3A_1852, %slice3A_1851, %select_n3A_1847 : vector<256x128xi1>, vector<256x128xf32>
    %jit3A_1854 = arith.constant 10 : i32
    %broadcast_in_dim3A_1855 = vector.broadcast %jit3A_1854 : i32 to vector<256x128xi32>
    %select_n3A_1856 = arith.select %gt3A_1852, %broadcast_in_dim3A_1855, %select_n3A_1850 : vector<256x128xi1>, vector<256x128xi32>
    %slice3A_1857 = vector.extract_strided_slice %dot_general3A_1786 {offsets = [0, 1408], sizes = [256, 128], strides = [1, 1]} : vector<256x4096xf32> to vector<256x128xf32>
    %gt3A_1858 = arith.cmpf ogt, %slice3A_1857, %select_n3A_1853 : vector<256x128xf32>
    %select_n3A_1859 = arith.select %gt3A_1858, %slice3A_1857, %select_n3A_1853 : vector<256x128xi1>, vector<256x128xf32>
    %jit3A_1860 = arith.constant 11 : i32
    %broadcast_in_dim3A_1861 = vector.broadcast %jit3A_1860 : i32 to vector<256x128xi32>
    %select_n3A_1862 = arith.select %gt3A_1858, %broadcast_in_dim3A_1861, %select_n3A_1856 : vector<256x128xi1>, vector<256x128xi32>
    %slice3A_1863 = vector.extract_strided_slice %dot_general3A_1786 {offsets = [0, 1536], sizes = [256, 128], strides = [1, 1]} : vector<256x4096xf32> to vector<256x128xf32>
    %gt3A_1864 = arith.cmpf ogt, %slice3A_1863, %select_n3A_1859 : vector<256x128xf32>
    %select_n3A_1865 = arith.select %gt3A_1864, %slice3A_1863, %select_n3A_1859 : vector<256x128xi1>, vector<256x128xf32>
    %jit3A_1866 = arith.constant 12 : i32
    %broadcast_in_dim3A_1867 = vector.broadcast %jit3A_1866 : i32 to vector<256x128xi32>
    %select_n3A_1868 = arith.select %gt3A_1864, %broadcast_in_dim3A_1867, %select_n3A_1862 : vector<256x128xi1>, vector<256x128xi32>
    %slice3A_1869 = vector.extract_strided_slice %dot_general3A_1786 {offsets = [0, 1664], sizes = [256, 128], strides = [1, 1]} : vector<256x4096xf32> to vector<256x128xf32>
    %gt3A_1870 = arith.cmpf ogt, %slice3A_1869, %select_n3A_1865 : vector<256x128xf32>
    %select_n3A_1871 = arith.select %gt3A_1870, %slice3A_1869, %select_n3A_1865 : vector<256x128xi1>, vector<256x128xf32>
    %jit3A_1872 = arith.constant 13 : i32
    %broadcast_in_dim3A_1873 = vector.broadcast %jit3A_1872 : i32 to vector<256x128xi32>
    %select_n3A_1874 = arith.select %gt3A_1870, %broadcast_in_dim3A_1873, %select_n3A_1868 : vector<256x128xi1>, vector<256x128xi32>
    %slice3A_1875 = vector.extract_strided_slice %dot_general3A_1786 {offsets = [0, 1792], sizes = [256, 128], strides = [1, 1]} : vector<256x4096xf32> to vector<256x128xf32>
    %gt3A_1876 = arith.cmpf ogt, %slice3A_1875, %select_n3A_1871 : vector<256x128xf32>
    %select_n3A_1877 = arith.select %gt3A_1876, %slice3A_1875, %select_n3A_1871 : vector<256x128xi1>, vector<256x128xf32>
    %jit3A_1878 = arith.constant 14 : i32
    %broadcast_in_dim3A_1879 = vector.broadcast %jit3A_1878 : i32 to vector<256x128xi32>
    %select_n3A_1880 = arith.select %gt3A_1876, %broadcast_in_dim3A_1879, %select_n3A_1874 : vector<256x128xi1>, vector<256x128xi32>
    %slice3A_1881 = vector.extract_strided_slice %dot_general3A_1786 {offsets = [0, 1920], sizes = [256, 128], strides = [1, 1]} : vector<256x4096xf32> to vector<256x128xf32>
    %gt3A_1882 = arith.cmpf ogt, %slice3A_1881, %select_n3A_1877 : vector<256x128xf32>
    %select_n3A_1883 = arith.select %gt3A_1882, %slice3A_1881, %select_n3A_1877 : vector<256x128xi1>, vector<256x128xf32>
    %jit3A_1884 = arith.constant 15 : i32
    %broadcast_in_dim3A_1885 = vector.broadcast %jit3A_1884 : i32 to vector<256x128xi32>
    %select_n3A_1886 = arith.select %gt3A_1882, %broadcast_in_dim3A_1885, %select_n3A_1880 : vector<256x128xi1>, vector<256x128xi32>
    %slice3A_1887 = vector.extract_strided_slice %dot_general3A_1786 {offsets = [0, 2048], sizes = [256, 128], strides = [1, 1]} : vector<256x4096xf32> to vector<256x128xf32>
    %gt3A_1888 = arith.cmpf ogt, %slice3A_1887, %select_n3A_1883 : vector<256x128xf32>
    %select_n3A_1889 = arith.select %gt3A_1888, %slice3A_1887, %select_n3A_1883 : vector<256x128xi1>, vector<256x128xf32>
    %jit3A_1890 = arith.constant 16 : i32
    %broadcast_in_dim3A_1891 = vector.broadcast %jit3A_1890 : i32 to vector<256x128xi32>
    %select_n3A_1892 = arith.select %gt3A_1888, %broadcast_in_dim3A_1891, %select_n3A_1886 : vector<256x128xi1>, vector<256x128xi32>
    %slice3A_1893 = vector.extract_strided_slice %dot_general3A_1786 {offsets = [0, 2176], sizes = [256, 128], strides = [1, 1]} : vector<256x4096xf32> to vector<256x128xf32>
    %gt3A_1894 = arith.cmpf ogt, %slice3A_1893, %select_n3A_1889 : vector<256x128xf32>
    %select_n3A_1895 = arith.select %gt3A_1894, %slice3A_1893, %select_n3A_1889 : vector<256x128xi1>, vector<256x128xf32>
    %jit3A_1896 = arith.constant 17 : i32
    %broadcast_in_dim3A_1897 = vector.broadcast %jit3A_1896 : i32 to vector<256x128xi32>
    %select_n3A_1898 = arith.select %gt3A_1894, %broadcast_in_dim3A_1897, %select_n3A_1892 : vector<256x128xi1>, vector<256x128xi32>
    %slice3A_1899 = vector.extract_strided_slice %dot_general3A_1786 {offsets = [0, 2304], sizes = [256, 128], strides = [1, 1]} : vector<256x4096xf32> to vector<256x128xf32>
    %gt3A_1900 = arith.cmpf ogt, %slice3A_1899, %select_n3A_1895 : vector<256x128xf32>
    %select_n3A_1901 = arith.select %gt3A_1900, %slice3A_1899, %select_n3A_1895 : vector<256x128xi1>, vector<256x128xf32>
    %jit3A_1902 = arith.constant 18 : i32
    %broadcast_in_dim3A_1903 = vector.broadcast %jit3A_1902 : i32 to vector<256x128xi32>
    %select_n3A_1904 = arith.select %gt3A_1900, %broadcast_in_dim3A_1903, %select_n3A_1898 : vector<256x128xi1>, vector<256x128xi32>
    %slice3A_1905 = vector.extract_strided_slice %dot_general3A_1786 {offsets = [0, 2432], sizes = [256, 128], strides = [1, 1]} : vector<256x4096xf32> to vector<256x128xf32>
    %gt3A_1906 = arith.cmpf ogt, %slice3A_1905, %select_n3A_1901 : vector<256x128xf32>
    %select_n3A_1907 = arith.select %gt3A_1906, %slice3A_1905, %select_n3A_1901 : vector<256x128xi1>, vector<256x128xf32>
    %jit3A_1908 = arith.constant 19 : i32
    %broadcast_in_dim3A_1909 = vector.broadcast %jit3A_1908 : i32 to vector<256x128xi32>
    %select_n3A_1910 = arith.select %gt3A_1906, %broadcast_in_dim3A_1909, %select_n3A_1904 : vector<256x128xi1>, vector<256x128xi32>
    %slice3A_1911 = vector.extract_strided_slice %dot_general3A_1786 {offsets = [0, 2560], sizes = [256, 128], strides = [1, 1]} : vector<256x4096xf32> to vector<256x128xf32>
    %gt3A_1912 = arith.cmpf ogt, %slice3A_1911, %select_n3A_1907 : vector<256x128xf32>
    %select_n3A_1913 = arith.select %gt3A_1912, %slice3A_1911, %select_n3A_1907 : vector<256x128xi1>, vector<256x128xf32>
    %jit3A_1914 = arith.constant 20 : i32
    %broadcast_in_dim3A_1915 = vector.broadcast %jit3A_1914 : i32 to vector<256x128xi32>
    %select_n3A_1916 = arith.select %gt3A_1912, %broadcast_in_dim3A_1915, %select_n3A_1910 : vector<256x128xi1>, vector<256x128xi32>
    %slice3A_1917 = vector.extract_strided_slice %dot_general3A_1786 {offsets = [0, 2688], sizes = [256, 128], strides = [1, 1]} : vector<256x4096xf32> to vector<256x128xf32>
    %gt3A_1918 = arith.cmpf ogt, %slice3A_1917, %select_n3A_1913 : vector<256x128xf32>
    %select_n3A_1919 = arith.select %gt3A_1918, %slice3A_1917, %select_n3A_1913 : vector<256x128xi1>, vector<256x128xf32>
    %jit3A_1920 = arith.constant 21 : i32
    %broadcast_in_dim3A_1921 = vector.broadcast %jit3A_1920 : i32 to vector<256x128xi32>
    %select_n3A_1922 = arith.select %gt3A_1918, %broadcast_in_dim3A_1921, %select_n3A_1916 : vector<256x128xi1>, vector<256x128xi32>
    %slice3A_1923 = vector.extract_strided_slice %dot_general3A_1786 {offsets = [0, 2816], sizes = [256, 128], strides = [1, 1]} : vector<256x4096xf32> to vector<256x128xf32>
    %gt3A_1924 = arith.cmpf ogt, %slice3A_1923, %select_n3A_1919 : vector<256x128xf32>
    %select_n3A_1925 = arith.select %gt3A_1924, %slice3A_1923, %select_n3A_1919 : vector<256x128xi1>, vector<256x128xf32>
    %jit3A_1926 = arith.constant 22 : i32
    %broadcast_in_dim3A_1927 = vector.broadcast %jit3A_1926 : i32 to vector<256x128xi32>
    %select_n3A_1928 = arith.select %gt3A_1924, %broadcast_in_dim3A_1927, %select_n3A_1922 : vector<256x128xi1>, vector<256x128xi32>
    %slice3A_1929 = vector.extract_strided_slice %dot_general3A_1786 {offsets = [0, 2944], sizes = [256, 128], strides = [1, 1]} : vector<256x4096xf32> to vector<256x128xf32>
    %gt3A_1930 = arith.cmpf ogt, %slice3A_1929, %select_n3A_1925 : vector<256x128xf32>
    %select_n3A_1931 = arith.select %gt3A_1930, %slice3A_1929, %select_n3A_1925 : vector<256x128xi1>, vector<256x128xf32>
    %jit3A_1932 = arith.constant 23 : i32
    %broadcast_in_dim3A_1933 = vector.broadcast %jit3A_1932 : i32 to vector<256x128xi32>
    %select_n3A_1934 = arith.select %gt3A_1930, %broadcast_in_dim3A_1933, %select_n3A_1928 : vector<256x128xi1>, vector<256x128xi32>
    %slice3A_1935 = vector.extract_strided_slice %dot_general3A_1786 {offsets = [0, 3072], sizes = [256, 128], strides = [1, 1]} : vector<256x4096xf32> to vector<256x128xf32>
    %gt3A_1936 = arith.cmpf ogt, %slice3A_1935, %select_n3A_1931 : vector<256x128xf32>
    %select_n3A_1937 = arith.select %gt3A_1936, %slice3A_1935, %select_n3A_1931 : vector<256x128xi1>, vector<256x128xf32>
    %jit3A_1938 = arith.constant 24 : i32
    %broadcast_in_dim3A_1939 = vector.broadcast %jit3A_1938 : i32 to vector<256x128xi32>
    %select_n3A_1940 = arith.select %gt3A_1936, %broadcast_in_dim3A_1939, %select_n3A_1934 : vector<256x128xi1>, vector<256x128xi32>
    %slice3A_1941 = vector.extract_strided_slice %dot_general3A_1786 {offsets = [0, 3200], sizes = [256, 128], strides = [1, 1]} : vector<256x4096xf32> to vector<256x128xf32>
    %gt3A_1942 = arith.cmpf ogt, %slice3A_1941, %select_n3A_1937 : vector<256x128xf32>
    %select_n3A_1943 = arith.select %gt3A_1942, %slice3A_1941, %select_n3A_1937 : vector<256x128xi1>, vector<256x128xf32>
    %jit3A_1944 = arith.constant 25 : i32
    %broadcast_in_dim3A_1945 = vector.broadcast %jit3A_1944 : i32 to vector<256x128xi32>
    %select_n3A_1946 = arith.select %gt3A_1942, %broadcast_in_dim3A_1945, %select_n3A_1940 : vector<256x128xi1>, vector<256x128xi32>
    %slice3A_1947 = vector.extract_strided_slice %dot_general3A_1786 {offsets = [0, 3328], sizes = [256, 128], strides = [1, 1]} : vector<256x4096xf32> to vector<256x128xf32>
    %gt3A_1948 = arith.cmpf ogt, %slice3A_1947, %select_n3A_1943 : vector<256x128xf32>
    %select_n3A_1949 = arith.select %gt3A_1948, %slice3A_1947, %select_n3A_1943 : vector<256x128xi1>, vector<256x128xf32>
    %jit3A_1950 = arith.constant 26 : i32
    %broadcast_in_dim3A_1951 = vector.broadcast %jit3A_1950 : i32 to vector<256x128xi32>
    %select_n3A_1952 = arith.select %gt3A_1948, %broadcast_in_dim3A_1951, %select_n3A_1946 : vector<256x128xi1>, vector<256x128xi32>
    %slice3A_1953 = vector.extract_strided_slice %dot_general3A_1786 {offsets = [0, 3456], sizes = [256, 128], strides = [1, 1]} : vector<256x4096xf32> to vector<256x128xf32>
    %gt3A_1954 = arith.cmpf ogt, %slice3A_1953, %select_n3A_1949 : vector<256x128xf32>
    %select_n3A_1955 = arith.select %gt3A_1954, %slice3A_1953, %select_n3A_1949 : vector<256x128xi1>, vector<256x128xf32>
    %jit3A_1956 = arith.constant 27 : i32
    %broadcast_in_dim3A_1957 = vector.broadcast %jit3A_1956 : i32 to vector<256x128xi32>
    %select_n3A_1958 = arith.select %gt3A_1954, %broadcast_in_dim3A_1957, %select_n3A_1952 : vector<256x128xi1>, vector<256x128xi32>
    %slice3A_1959 = vector.extract_strided_slice %dot_general3A_1786 {offsets = [0, 3584], sizes = [256, 128], strides = [1, 1]} : vector<256x4096xf32> to vector<256x128xf32>
    %gt3A_1960 = arith.cmpf ogt, %slice3A_1959, %select_n3A_1955 : vector<256x128xf32>
    %select_n3A_1961 = arith.select %gt3A_1960, %slice3A_1959, %select_n3A_1955 : vector<256x128xi1>, vector<256x128xf32>
    %jit3A_1962 = arith.constant 28 : i32
    %broadcast_in_dim3A_1963 = vector.broadcast %jit3A_1962 : i32 to vector<256x128xi32>
    %select_n3A_1964 = arith.select %gt3A_1960, %broadcast_in_dim3A_1963, %select_n3A_1958 : vector<256x128xi1>, vector<256x128xi32>
    %slice3A_1965 = vector.extract_strided_slice %dot_general3A_1786 {offsets = [0, 3712], sizes = [256, 128], strides = [1, 1]} : vector<256x4096xf32> to vector<256x128xf32>
    %gt3A_1966 = arith.cmpf ogt, %slice3A_1965, %select_n3A_1961 : vector<256x128xf32>
    %select_n3A_1967 = arith.select %gt3A_1966, %slice3A_1965, %select_n3A_1961 : vector<256x128xi1>, vector<256x128xf32>
    %jit3A_1968 = arith.constant 29 : i32
    %broadcast_in_dim3A_1969 = vector.broadcast %jit3A_1968 : i32 to vector<256x128xi32>
    %select_n3A_1970 = arith.select %gt3A_1966, %broadcast_in_dim3A_1969, %select_n3A_1964 : vector<256x128xi1>, vector<256x128xi32>
    %slice3A_1971 = vector.extract_strided_slice %dot_general3A_1786 {offsets = [0, 3840], sizes = [256, 128], strides = [1, 1]} : vector<256x4096xf32> to vector<256x128xf32>
    %gt3A_1972 = arith.cmpf ogt, %slice3A_1971, %select_n3A_1967 : vector<256x128xf32>
    %select_n3A_1973 = arith.select %gt3A_1972, %slice3A_1971, %select_n3A_1967 : vector<256x128xi1>, vector<256x128xf32>
    %jit3A_1974 = arith.constant 30 : i32
    %broadcast_in_dim3A_1975 = vector.broadcast %jit3A_1974 : i32 to vector<256x128xi32>
    %select_n3A_1976 = arith.select %gt3A_1972, %broadcast_in_dim3A_1975, %select_n3A_1970 : vector<256x128xi1>, vector<256x128xi32>
    %slice3A_1977 = vector.extract_strided_slice %dot_general3A_1786 {offsets = [0, 3968], sizes = [256, 128], strides = [1, 1]} : vector<256x4096xf32> to vector<256x128xf32>
    %gt3A_1978 = arith.cmpf ogt, %slice3A_1977, %select_n3A_1973 : vector<256x128xf32>
    %select_n3A_1979 = arith.select %gt3A_1978, %slice3A_1977, %select_n3A_1973 : vector<256x128xi1>, vector<256x128xf32>
    %jit3A_1980 = arith.constant 31 : i32
    %broadcast_in_dim3A_1981 = vector.broadcast %jit3A_1980 : i32 to vector<256x128xi32>
    %select_n3A_1982 = arith.select %gt3A_1978, %broadcast_in_dim3A_1981, %select_n3A_1976 : vector<256x128xi1>, vector<256x128xi32>
    %reduce_max3A_1983 = arith.constant dense<0xFF800000> : vector<256xf32>
    %reduce_max3A_1984 = vector.multi_reduction <maximumf>, %select_n3A_1979, %reduce_max3A_1983 [1] : vector<256x128xf32> to vector<256xf32>
    %broadcast_in_dim3A_1985 = vector.shape_cast %reduce_max3A_1984 : vector<256xf32> to vector<256x1xf32>
    %iota3A_1986 = tpu.iota {dimensions = array<i32: 1>} : vector<256x128xi32>
    %mul3A_1987 = arith.constant 128 : i32
    %mul3A_1988 = vector.broadcast %mul3A_1987 : i32 to vector<256x128xi32>
    %mul3A_1989 = arith.muli %select_n3A_1982, %mul3A_1988 : vector<256x128xi32>
    %add3A_1990 = arith.addi %mul3A_1989, %iota3A_1986 : vector<256x128xi32>
    %eq3A_1991 = vector.broadcast %broadcast_in_dim3A_1985 : vector<256x1xf32> to vector<256x128xf32>
    %eq3A_1992 = arith.cmpf oeq, %select_n3A_1979, %eq3A_1991 : vector<256x128xf32>
    %jit3A_1993 = arith.constant 4096 : i32
    %broadcast_in_dim3A_1994 = vector.broadcast %jit3A_1993 : i32 to vector<256x128xi32>
    %select_n3A_1995 = arith.select %eq3A_1992, %add3A_1990, %broadcast_in_dim3A_1994 : vector<256x128xi1>, vector<256x128xi32>
    %reduce_min3A_1996 = arith.constant dense<2147483647> : vector<256xi32>
    %reduce_min3A_1997 = vector.multi_reduction <minsi>, %select_n3A_1995, %reduce_min3A_1996 [1] : vector<256x128xi32> to vector<256xi32>
    %broadcast_in_dim3A_1998 = vector.shape_cast %reduce_min3A_1997 : vector<256xi32> to vector<256x1xi32>
    %add3A_1999 = arith.constant 32768 : i32
    %add3A_2000 = vector.broadcast %add3A_1999 : i32 to vector<256x1xi32>
    %add3A_2001 = arith.addi %broadcast_in_dim3A_1998, %add3A_2000 : vector<256x1xi32>
    %swap3A_2002 = arith.constant 0 : index
    %swap3A_2003 = arith.constant 8 : index
    %swap3A_2004 = vector.load %arg5[%swap3A_2002, %swap3A_2003] : memref<256x10xi32, #tpu.memory_space<vmem>>, vector<256x1xi32>
    tpu.vector_store %arg5[%swap3A_2002, %swap3A_2003], %add3A_2001 {strides = array<i32>} : memref<256x10xi32, #tpu.memory_space<vmem>>, vector<256x1xi32>,
    %slice3A_2005 = vector.extract_strided_slice %convert_element_type3A {offsets = [0, 1152], sizes = [256, 128], strides = [1, 1]} : vector<256x1280xbf16> to vector<256x128xbf16>
    %dot_general3A_2006 = arith.constant dense<0.000000e+00> : vector<256x4096xf32>
    %dot_general3A_2007 = tpu.matmul %slice3A_2005, %get3A_27, %dot_general3A_2006 {dimension_numbers = #tpu.dot_dimension_numbers<[1], [0], [0], [1], [0, 0, 1, 1], [], []>, transpose_lhs_hint = false} : vector<256x128xbf16>, vector<128x4096xbf16>, vector<256x4096xf32> -> vector<256x4096xf32>
    %broadcast_in_dim3A_2008 = arith.constant 0xFF800000 : f32
    %broadcast_in_dim3A_2009 = vector.broadcast %broadcast_in_dim3A_2008 : f32 to vector<256x128xf32>
    %broadcast_in_dim3A_2010 = arith.constant 0 : i32
    %broadcast_in_dim3A_2011 = vector.broadcast %broadcast_in_dim3A_2010 : i32 to vector<256x128xi32>
    %slice3A_2012 = vector.extract_strided_slice %dot_general3A_2007 {offsets = [0, 0], sizes = [256, 128], strides = [1, 1]} : vector<256x4096xf32> to vector<256x128xf32>
    %gt3A_2013 = arith.cmpf ogt, %slice3A_2012, %broadcast_in_dim3A_2009 : vector<256x128xf32>
    %select_n3A_2014 = arith.select %gt3A_2013, %slice3A_2012, %broadcast_in_dim3A_2009 : vector<256x128xi1>, vector<256x128xf32>
    %jit3A_2015 = arith.constant 0 : i32
    %broadcast_in_dim3A_2016 = vector.broadcast %jit3A_2015 : i32 to vector<256x128xi32>
    %select_n3A_2017 = arith.select %gt3A_2013, %broadcast_in_dim3A_2016, %broadcast_in_dim3A_2011 : vector<256x128xi1>, vector<256x128xi32>
    %slice3A_2018 = vector.extract_strided_slice %dot_general3A_2007 {offsets = [0, 128], sizes = [256, 128], strides = [1, 1]} : vector<256x4096xf32> to vector<256x128xf32>
    %gt3A_2019 = arith.cmpf ogt, %slice3A_2018, %select_n3A_2014 : vector<256x128xf32>
    %select_n3A_2020 = arith.select %gt3A_2019, %slice3A_2018, %select_n3A_2014 : vector<256x128xi1>, vector<256x128xf32>
    %jit3A_2021 = arith.constant 1 : i32
    %broadcast_in_dim3A_2022 = vector.broadcast %jit3A_2021 : i32 to vector<256x128xi32>
    %select_n3A_2023 = arith.select %gt3A_2019, %broadcast_in_dim3A_2022, %select_n3A_2017 : vector<256x128xi1>, vector<256x128xi32>
    %slice3A_2024 = vector.extract_strided_slice %dot_general3A_2007 {offsets = [0, 256], sizes = [256, 128], strides = [1, 1]} : vector<256x4096xf32> to vector<256x128xf32>
    %gt3A_2025 = arith.cmpf ogt, %slice3A_2024, %select_n3A_2020 : vector<256x128xf32>
    %select_n3A_2026 = arith.select %gt3A_2025, %slice3A_2024, %select_n3A_2020 : vector<256x128xi1>, vector<256x128xf32>
    %jit3A_2027 = arith.constant 2 : i32
    %broadcast_in_dim3A_2028 = vector.broadcast %jit3A_2027 : i32 to vector<256x128xi32>
    %select_n3A_2029 = arith.select %gt3A_2025, %broadcast_in_dim3A_2028, %select_n3A_2023 : vector<256x128xi1>, vector<256x128xi32>
    %slice3A_2030 = vector.extract_strided_slice %dot_general3A_2007 {offsets = [0, 384], sizes = [256, 128], strides = [1, 1]} : vector<256x4096xf32> to vector<256x128xf32>
    %gt3A_2031 = arith.cmpf ogt, %slice3A_2030, %select_n3A_2026 : vector<256x128xf32>
    %select_n3A_2032 = arith.select %gt3A_2031, %slice3A_2030, %select_n3A_2026 : vector<256x128xi1>, vector<256x128xf32>
    %jit3A_2033 = arith.constant 3 : i32
    %broadcast_in_dim3A_2034 = vector.broadcast %jit3A_2033 : i32 to vector<256x128xi32>
    %select_n3A_2035 = arith.select %gt3A_2031, %broadcast_in_dim3A_2034, %select_n3A_2029 : vector<256x128xi1>, vector<256x128xi32>
    %slice3A_2036 = vector.extract_strided_slice %dot_general3A_2007 {offsets = [0, 512], sizes = [256, 128], strides = [1, 1]} : vector<256x4096xf32> to vector<256x128xf32>
    %gt3A_2037 = arith.cmpf ogt, %slice3A_2036, %select_n3A_2032 : vector<256x128xf32>
    %select_n3A_2038 = arith.select %gt3A_2037, %slice3A_2036, %select_n3A_2032 : vector<256x128xi1>, vector<256x128xf32>
    %jit3A_2039 = arith.constant 4 : i32
    %broadcast_in_dim3A_2040 = vector.broadcast %jit3A_2039 : i32 to vector<256x128xi32>
    %select_n3A_2041 = arith.select %gt3A_2037, %broadcast_in_dim3A_2040, %select_n3A_2035 : vector<256x128xi1>, vector<256x128xi32>
    %slice3A_2042 = vector.extract_strided_slice %dot_general3A_2007 {offsets = [0, 640], sizes = [256, 128], strides = [1, 1]} : vector<256x4096xf32> to vector<256x128xf32>
    %gt3A_2043 = arith.cmpf ogt, %slice3A_2042, %select_n3A_2038 : vector<256x128xf32>
    %select_n3A_2044 = arith.select %gt3A_2043, %slice3A_2042, %select_n3A_2038 : vector<256x128xi1>, vector<256x128xf32>
    %jit3A_2045 = arith.constant 5 : i32
    %broadcast_in_dim3A_2046 = vector.broadcast %jit3A_2045 : i32 to vector<256x128xi32>
    %select_n3A_2047 = arith.select %gt3A_2043, %broadcast_in_dim3A_2046, %select_n3A_2041 : vector<256x128xi1>, vector<256x128xi32>
    %slice3A_2048 = vector.extract_strided_slice %dot_general3A_2007 {offsets = [0, 768], sizes = [256, 128], strides = [1, 1]} : vector<256x4096xf32> to vector<256x128xf32>
    %gt3A_2049 = arith.cmpf ogt, %slice3A_2048, %select_n3A_2044 : vector<256x128xf32>
    %select_n3A_2050 = arith.select %gt3A_2049, %slice3A_2048, %select_n3A_2044 : vector<256x128xi1>, vector<256x128xf32>
    %jit3A_2051 = arith.constant 6 : i32
    %broadcast_in_dim3A_2052 = vector.broadcast %jit3A_2051 : i32 to vector<256x128xi32>
    %select_n3A_2053 = arith.select %gt3A_2049, %broadcast_in_dim3A_2052, %select_n3A_2047 : vector<256x128xi1>, vector<256x128xi32>
    %slice3A_2054 = vector.extract_strided_slice %dot_general3A_2007 {offsets = [0, 896], sizes = [256, 128], strides = [1, 1]} : vector<256x4096xf32> to vector<256x128xf32>
    %gt3A_2055 = arith.cmpf ogt, %slice3A_2054, %select_n3A_2050 : vector<256x128xf32>
    %select_n3A_2056 = arith.select %gt3A_2055, %slice3A_2054, %select_n3A_2050 : vector<256x128xi1>, vector<256x128xf32>
    %jit3A_2057 = arith.constant 7 : i32
    %broadcast_in_dim3A_2058 = vector.broadcast %jit3A_2057 : i32 to vector<256x128xi32>
    %select_n3A_2059 = arith.select %gt3A_2055, %broadcast_in_dim3A_2058, %select_n3A_2053 : vector<256x128xi1>, vector<256x128xi32>
    %slice3A_2060 = vector.extract_strided_slice %dot_general3A_2007 {offsets = [0, 1024], sizes = [256, 128], strides = [1, 1]} : vector<256x4096xf32> to vector<256x128xf32>
    %gt3A_2061 = arith.cmpf ogt, %slice3A_2060, %select_n3A_2056 : vector<256x128xf32>
    %select_n3A_2062 = arith.select %gt3A_2061, %slice3A_2060, %select_n3A_2056 : vector<256x128xi1>, vector<256x128xf32>
    %jit3A_2063 = arith.constant 8 : i32
    %broadcast_in_dim3A_2064 = vector.broadcast %jit3A_2063 : i32 to vector<256x128xi32>
    %select_n3A_2065 = arith.select %gt3A_2061, %broadcast_in_dim3A_2064, %select_n3A_2059 : vector<256x128xi1>, vector<256x128xi32>
    %slice3A_2066 = vector.extract_strided_slice %dot_general3A_2007 {offsets = [0, 1152], sizes = [256, 128], strides = [1, 1]} : vector<256x4096xf32> to vector<256x128xf32>
    %gt3A_2067 = arith.cmpf ogt, %slice3A_2066, %select_n3A_2062 : vector<256x128xf32>
    %select_n3A_2068 = arith.select %gt3A_2067, %slice3A_2066, %select_n3A_2062 : vector<256x128xi1>, vector<256x128xf32>
    %jit3A_2069 = arith.constant 9 : i32
    %broadcast_in_dim3A_2070 = vector.broadcast %jit3A_2069 : i32 to vector<256x128xi32>
    %select_n3A_2071 = arith.select %gt3A_2067, %broadcast_in_dim3A_2070, %select_n3A_2065 : vector<256x128xi1>, vector<256x128xi32>
    %slice3A_2072 = vector.extract_strided_slice %dot_general3A_2007 {offsets = [0, 1280], sizes = [256, 128], strides = [1, 1]} : vector<256x4096xf32> to vector<256x128xf32>
    %gt3A_2073 = arith.cmpf ogt, %slice3A_2072, %select_n3A_2068 : vector<256x128xf32>
    %select_n3A_2074 = arith.select %gt3A_2073, %slice3A_2072, %select_n3A_2068 : vector<256x128xi1>, vector<256x128xf32>
    %jit3A_2075 = arith.constant 10 : i32
    %broadcast_in_dim3A_2076 = vector.broadcast %jit3A_2075 : i32 to vector<256x128xi32>
    %select_n3A_2077 = arith.select %gt3A_2073, %broadcast_in_dim3A_2076, %select_n3A_2071 : vector<256x128xi1>, vector<256x128xi32>
    %slice3A_2078 = vector.extract_strided_slice %dot_general3A_2007 {offsets = [0, 1408], sizes = [256, 128], strides = [1, 1]} : vector<256x4096xf32> to vector<256x128xf32>
    %gt3A_2079 = arith.cmpf ogt, %slice3A_2078, %select_n3A_2074 : vector<256x128xf32>
    %select_n3A_2080 = arith.select %gt3A_2079, %slice3A_2078, %select_n3A_2074 : vector<256x128xi1>, vector<256x128xf32>
    %jit3A_2081 = arith.constant 11 : i32
    %broadcast_in_dim3A_2082 = vector.broadcast %jit3A_2081 : i32 to vector<256x128xi32>
    %select_n3A_2083 = arith.select %gt3A_2079, %broadcast_in_dim3A_2082, %select_n3A_2077 : vector<256x128xi1>, vector<256x128xi32>
    %slice3A_2084 = vector.extract_strided_slice %dot_general3A_2007 {offsets = [0, 1536], sizes = [256, 128], strides = [1, 1]} : vector<256x4096xf32> to vector<256x128xf32>
    %gt3A_2085 = arith.cmpf ogt, %slice3A_2084, %select_n3A_2080 : vector<256x128xf32>
    %select_n3A_2086 = arith.select %gt3A_2085, %slice3A_2084, %select_n3A_2080 : vector<256x128xi1>, vector<256x128xf32>
    %jit3A_2087 = arith.constant 12 : i32
    %broadcast_in_dim3A_2088 = vector.broadcast %jit3A_2087 : i32 to vector<256x128xi32>
    %select_n3A_2089 = arith.select %gt3A_2085, %broadcast_in_dim3A_2088, %select_n3A_2083 : vector<256x128xi1>, vector<256x128xi32>
    %slice3A_2090 = vector.extract_strided_slice %dot_general3A_2007 {offsets = [0, 1664], sizes = [256, 128], strides = [1, 1]} : vector<256x4096xf32> to vector<256x128xf32>
    %gt3A_2091 = arith.cmpf ogt, %slice3A_2090, %select_n3A_2086 : vector<256x128xf32>
    %select_n3A_2092 = arith.select %gt3A_2091, %slice3A_2090, %select_n3A_2086 : vector<256x128xi1>, vector<256x128xf32>
    %jit3A_2093 = arith.constant 13 : i32
    %broadcast_in_dim3A_2094 = vector.broadcast %jit3A_2093 : i32 to vector<256x128xi32>
    %select_n3A_2095 = arith.select %gt3A_2091, %broadcast_in_dim3A_2094, %select_n3A_2089 : vector<256x128xi1>, vector<256x128xi32>
    %slice3A_2096 = vector.extract_strided_slice %dot_general3A_2007 {offsets = [0, 1792], sizes = [256, 128], strides = [1, 1]} : vector<256x4096xf32> to vector<256x128xf32>
    %gt3A_2097 = arith.cmpf ogt, %slice3A_2096, %select_n3A_2092 : vector<256x128xf32>
    %select_n3A_2098 = arith.select %gt3A_2097, %slice3A_2096, %select_n3A_2092 : vector<256x128xi1>, vector<256x128xf32>
    %jit3A_2099 = arith.constant 14 : i32
    %broadcast_in_dim3A_2100 = vector.broadcast %jit3A_2099 : i32 to vector<256x128xi32>
    %select_n3A_2101 = arith.select %gt3A_2097, %broadcast_in_dim3A_2100, %select_n3A_2095 : vector<256x128xi1>, vector<256x128xi32>
    %slice3A_2102 = vector.extract_strided_slice %dot_general3A_2007 {offsets = [0, 1920], sizes = [256, 128], strides = [1, 1]} : vector<256x4096xf32> to vector<256x128xf32>
    %gt3A_2103 = arith.cmpf ogt, %slice3A_2102, %select_n3A_2098 : vector<256x128xf32>
    %select_n3A_2104 = arith.select %gt3A_2103, %slice3A_2102, %select_n3A_2098 : vector<256x128xi1>, vector<256x128xf32>
    %jit3A_2105 = arith.constant 15 : i32
    %broadcast_in_dim3A_2106 = vector.broadcast %jit3A_2105 : i32 to vector<256x128xi32>
    %select_n3A_2107 = arith.select %gt3A_2103, %broadcast_in_dim3A_2106, %select_n3A_2101 : vector<256x128xi1>, vector<256x128xi32>
    %slice3A_2108 = vector.extract_strided_slice %dot_general3A_2007 {offsets = [0, 2048], sizes = [256, 128], strides = [1, 1]} : vector<256x4096xf32> to vector<256x128xf32>
    %gt3A_2109 = arith.cmpf ogt, %slice3A_2108, %select_n3A_2104 : vector<256x128xf32>
    %select_n3A_2110 = arith.select %gt3A_2109, %slice3A_2108, %select_n3A_2104 : vector<256x128xi1>, vector<256x128xf32>
    %jit3A_2111 = arith.constant 16 : i32
    %broadcast_in_dim3A_2112 = vector.broadcast %jit3A_2111 : i32 to vector<256x128xi32>
    %select_n3A_2113 = arith.select %gt3A_2109, %broadcast_in_dim3A_2112, %select_n3A_2107 : vector<256x128xi1>, vector<256x128xi32>
    %slice3A_2114 = vector.extract_strided_slice %dot_general3A_2007 {offsets = [0, 2176], sizes = [256, 128], strides = [1, 1]} : vector<256x4096xf32> to vector<256x128xf32>
    %gt3A_2115 = arith.cmpf ogt, %slice3A_2114, %select_n3A_2110 : vector<256x128xf32>
    %select_n3A_2116 = arith.select %gt3A_2115, %slice3A_2114, %select_n3A_2110 : vector<256x128xi1>, vector<256x128xf32>
    %jit3A_2117 = arith.constant 17 : i32
    %broadcast_in_dim3A_2118 = vector.broadcast %jit3A_2117 : i32 to vector<256x128xi32>
    %select_n3A_2119 = arith.select %gt3A_2115, %broadcast_in_dim3A_2118, %select_n3A_2113 : vector<256x128xi1>, vector<256x128xi32>
    %slice3A_2120 = vector.extract_strided_slice %dot_general3A_2007 {offsets = [0, 2304], sizes = [256, 128], strides = [1, 1]} : vector<256x4096xf32> to vector<256x128xf32>
    %gt3A_2121 = arith.cmpf ogt, %slice3A_2120, %select_n3A_2116 : vector<256x128xf32>
    %select_n3A_2122 = arith.select %gt3A_2121, %slice3A_2120, %select_n3A_2116 : vector<256x128xi1>, vector<256x128xf32>
    %jit3A_2123 = arith.constant 18 : i32
    %broadcast_in_dim3A_2124 = vector.broadcast %jit3A_2123 : i32 to vector<256x128xi32>
    %select_n3A_2125 = arith.select %gt3A_2121, %broadcast_in_dim3A_2124, %select_n3A_2119 : vector<256x128xi1>, vector<256x128xi32>
    %slice3A_2126 = vector.extract_strided_slice %dot_general3A_2007 {offsets = [0, 2432], sizes = [256, 128], strides = [1, 1]} : vector<256x4096xf32> to vector<256x128xf32>
    %gt3A_2127 = arith.cmpf ogt, %slice3A_2126, %select_n3A_2122 : vector<256x128xf32>
    %select_n3A_2128 = arith.select %gt3A_2127, %slice3A_2126, %select_n3A_2122 : vector<256x128xi1>, vector<256x128xf32>
    %jit3A_2129 = arith.constant 19 : i32
    %broadcast_in_dim3A_2130 = vector.broadcast %jit3A_2129 : i32 to vector<256x128xi32>
    %select_n3A_2131 = arith.select %gt3A_2127, %broadcast_in_dim3A_2130, %select_n3A_2125 : vector<256x128xi1>, vector<256x128xi32>
    %slice3A_2132 = vector.extract_strided_slice %dot_general3A_2007 {offsets = [0, 2560], sizes = [256, 128], strides = [1, 1]} : vector<256x4096xf32> to vector<256x128xf32>
    %gt3A_2133 = arith.cmpf ogt, %slice3A_2132, %select_n3A_2128 : vector<256x128xf32>
    %select_n3A_2134 = arith.select %gt3A_2133, %slice3A_2132, %select_n3A_2128 : vector<256x128xi1>, vector<256x128xf32>
    %jit3A_2135 = arith.constant 20 : i32
    %broadcast_in_dim3A_2136 = vector.broadcast %jit3A_2135 : i32 to vector<256x128xi32>
    %select_n3A_2137 = arith.select %gt3A_2133, %broadcast_in_dim3A_2136, %select_n3A_2131 : vector<256x128xi1>, vector<256x128xi32>
    %slice3A_2138 = vector.extract_strided_slice %dot_general3A_2007 {offsets = [0, 2688], sizes = [256, 128], strides = [1, 1]} : vector<256x4096xf32> to vector<256x128xf32>
    %gt3A_2139 = arith.cmpf ogt, %slice3A_2138, %select_n3A_2134 : vector<256x128xf32>
    %select_n3A_2140 = arith.select %gt3A_2139, %slice3A_2138, %select_n3A_2134 : vector<256x128xi1>, vector<256x128xf32>
    %jit3A_2141 = arith.constant 21 : i32
    %broadcast_in_dim3A_2142 = vector.broadcast %jit3A_2141 : i32 to vector<256x128xi32>
    %select_n3A_2143 = arith.select %gt3A_2139, %broadcast_in_dim3A_2142, %select_n3A_2137 : vector<256x128xi1>, vector<256x128xi32>
    %slice3A_2144 = vector.extract_strided_slice %dot_general3A_2007 {offsets = [0, 2816], sizes = [256, 128], strides = [1, 1]} : vector<256x4096xf32> to vector<256x128xf32>
    %gt3A_2145 = arith.cmpf ogt, %slice3A_2144, %select_n3A_2140 : vector<256x128xf32>
    %select_n3A_2146 = arith.select %gt3A_2145, %slice3A_2144, %select_n3A_2140 : vector<256x128xi1>, vector<256x128xf32>
    %jit3A_2147 = arith.constant 22 : i32
    %broadcast_in_dim3A_2148 = vector.broadcast %jit3A_2147 : i32 to vector<256x128xi32>
    %select_n3A_2149 = arith.select %gt3A_2145, %broadcast_in_dim3A_2148, %select_n3A_2143 : vector<256x128xi1>, vector<256x128xi32>
    %slice3A_2150 = vector.extract_strided_slice %dot_general3A_2007 {offsets = [0, 2944], sizes = [256, 128], strides = [1, 1]} : vector<256x4096xf32> to vector<256x128xf32>
    %gt3A_2151 = arith.cmpf ogt, %slice3A_2150, %select_n3A_2146 : vector<256x128xf32>
    %select_n3A_2152 = arith.select %gt3A_2151, %slice3A_2150, %select_n3A_2146 : vector<256x128xi1>, vector<256x128xf32>
    %jit3A_2153 = arith.constant 23 : i32
    %broadcast_in_dim3A_2154 = vector.broadcast %jit3A_2153 : i32 to vector<256x128xi32>
    %select_n3A_2155 = arith.select %gt3A_2151, %broadcast_in_dim3A_2154, %select_n3A_2149 : vector<256x128xi1>, vector<256x128xi32>
    %slice3A_2156 = vector.extract_strided_slice %dot_general3A_2007 {offsets = [0, 3072], sizes = [256, 128], strides = [1, 1]} : vector<256x4096xf32> to vector<256x128xf32>
    %gt3A_2157 = arith.cmpf ogt, %slice3A_2156, %select_n3A_2152 : vector<256x128xf32>
    %select_n3A_2158 = arith.select %gt3A_2157, %slice3A_2156, %select_n3A_2152 : vector<256x128xi1>, vector<256x128xf32>
    %jit3A_2159 = arith.constant 24 : i32
    %broadcast_in_dim3A_2160 = vector.broadcast %jit3A_2159 : i32 to vector<256x128xi32>
    %select_n3A_2161 = arith.select %gt3A_2157, %broadcast_in_dim3A_2160, %select_n3A_2155 : vector<256x128xi1>, vector<256x128xi32>
    %slice3A_2162 = vector.extract_strided_slice %dot_general3A_2007 {offsets = [0, 3200], sizes = [256, 128], strides = [1, 1]} : vector<256x4096xf32> to vector<256x128xf32>
    %gt3A_2163 = arith.cmpf ogt, %slice3A_2162, %select_n3A_2158 : vector<256x128xf32>
    %select_n3A_2164 = arith.select %gt3A_2163, %slice3A_2162, %select_n3A_2158 : vector<256x128xi1>, vector<256x128xf32>
    %jit3A_2165 = arith.constant 25 : i32
    %broadcast_in_dim3A_2166 = vector.broadcast %jit3A_2165 : i32 to vector<256x128xi32>
    %select_n3A_2167 = arith.select %gt3A_2163, %broadcast_in_dim3A_2166, %select_n3A_2161 : vector<256x128xi1>, vector<256x128xi32>
    %slice3A_2168 = vector.extract_strided_slice %dot_general3A_2007 {offsets = [0, 3328], sizes = [256, 128], strides = [1, 1]} : vector<256x4096xf32> to vector<256x128xf32>
    %gt3A_2169 = arith.cmpf ogt, %slice3A_2168, %select_n3A_2164 : vector<256x128xf32>
    %select_n3A_2170 = arith.select %gt3A_2169, %slice3A_2168, %select_n3A_2164 : vector<256x128xi1>, vector<256x128xf32>
    %jit3A_2171 = arith.constant 26 : i32
    %broadcast_in_dim3A_2172 = vector.broadcast %jit3A_2171 : i32 to vector<256x128xi32>
    %select_n3A_2173 = arith.select %gt3A_2169, %broadcast_in_dim3A_2172, %select_n3A_2167 : vector<256x128xi1>, vector<256x128xi32>
    %slice3A_2174 = vector.extract_strided_slice %dot_general3A_2007 {offsets = [0, 3456], sizes = [256, 128], strides = [1, 1]} : vector<256x4096xf32> to vector<256x128xf32>
    %gt3A_2175 = arith.cmpf ogt, %slice3A_2174, %select_n3A_2170 : vector<256x128xf32>
    %select_n3A_2176 = arith.select %gt3A_2175, %slice3A_2174, %select_n3A_2170 : vector<256x128xi1>, vector<256x128xf32>
    %jit3A_2177 = arith.constant 27 : i32
    %broadcast_in_dim3A_2178 = vector.broadcast %jit3A_2177 : i32 to vector<256x128xi32>
    %select_n3A_2179 = arith.select %gt3A_2175, %broadcast_in_dim3A_2178, %select_n3A_2173 : vector<256x128xi1>, vector<256x128xi32>
    %slice3A_2180 = vector.extract_strided_slice %dot_general3A_2007 {offsets = [0, 3584], sizes = [256, 128], strides = [1, 1]} : vector<256x4096xf32> to vector<256x128xf32>
    %gt3A_2181 = arith.cmpf ogt, %slice3A_2180, %select_n3A_2176 : vector<256x128xf32>
    %select_n3A_2182 = arith.select %gt3A_2181, %slice3A_2180, %select_n3A_2176 : vector<256x128xi1>, vector<256x128xf32>
    %jit3A_2183 = arith.constant 28 : i32
    %broadcast_in_dim3A_2184 = vector.broadcast %jit3A_2183 : i32 to vector<256x128xi32>
    %select_n3A_2185 = arith.select %gt3A_2181, %broadcast_in_dim3A_2184, %select_n3A_2179 : vector<256x128xi1>, vector<256x128xi32>
    %slice3A_2186 = vector.extract_strided_slice %dot_general3A_2007 {offsets = [0, 3712], sizes = [256, 128], strides = [1, 1]} : vector<256x4096xf32> to vector<256x128xf32>
    %gt3A_2187 = arith.cmpf ogt, %slice3A_2186, %select_n3A_2182 : vector<256x128xf32>
    %select_n3A_2188 = arith.select %gt3A_2187, %slice3A_2186, %select_n3A_2182 : vector<256x128xi1>, vector<256x128xf32>
    %jit3A_2189 = arith.constant 29 : i32
    %broadcast_in_dim3A_2190 = vector.broadcast %jit3A_2189 : i32 to vector<256x128xi32>
    %select_n3A_2191 = arith.select %gt3A_2187, %broadcast_in_dim3A_2190, %select_n3A_2185 : vector<256x128xi1>, vector<256x128xi32>
    %slice3A_2192 = vector.extract_strided_slice %dot_general3A_2007 {offsets = [0, 3840], sizes = [256, 128], strides = [1, 1]} : vector<256x4096xf32> to vector<256x128xf32>
    %gt3A_2193 = arith.cmpf ogt, %slice3A_2192, %select_n3A_2188 : vector<256x128xf32>
    %select_n3A_2194 = arith.select %gt3A_2193, %slice3A_2192, %select_n3A_2188 : vector<256x128xi1>, vector<256x128xf32>
    %jit3A_2195 = arith.constant 30 : i32
    %broadcast_in_dim3A_2196 = vector.broadcast %jit3A_2195 : i32 to vector<256x128xi32>
    %select_n3A_2197 = arith.select %gt3A_2193, %broadcast_in_dim3A_2196, %select_n3A_2191 : vector<256x128xi1>, vector<256x128xi32>
    %slice3A_2198 = vector.extract_strided_slice %dot_general3A_2007 {offsets = [0, 3968], sizes = [256, 128], strides = [1, 1]} : vector<256x4096xf32> to vector<256x128xf32>
    %gt3A_2199 = arith.cmpf ogt, %slice3A_2198, %select_n3A_2194 : vector<256x128xf32>
    %select_n3A_2200 = arith.select %gt3A_2199, %slice3A_2198, %select_n3A_2194 : vector<256x128xi1>, vector<256x128xf32>
    %jit3A_2201 = arith.constant 31 : i32
    %broadcast_in_dim3A_2202 = vector.broadcast %jit3A_2201 : i32 to vector<256x128xi32>
    %select_n3A_2203 = arith.select %gt3A_2199, %broadcast_in_dim3A_2202, %select_n3A_2197 : vector<256x128xi1>, vector<256x128xi32>
    %reduce_max3A_2204 = arith.constant dense<0xFF800000> : vector<256xf32>
    %reduce_max3A_2205 = vector.multi_reduction <maximumf>, %select_n3A_2200, %reduce_max3A_2204 [1] : vector<256x128xf32> to vector<256xf32>
    %broadcast_in_dim3A_2206 = vector.shape_cast %reduce_max3A_2205 : vector<256xf32> to vector<256x1xf32>
    %iota3A_2207 = tpu.iota {dimensions = array<i32: 1>} : vector<256x128xi32>
    %mul3A_2208 = arith.constant 128 : i32
    %mul3A_2209 = vector.broadcast %mul3A_2208 : i32 to vector<256x128xi32>
    %mul3A_2210 = arith.muli %select_n3A_2203, %mul3A_2209 : vector<256x128xi32>
    %add3A_2211 = arith.addi %mul3A_2210, %iota3A_2207 : vector<256x128xi32>
    %eq3A_2212 = vector.broadcast %broadcast_in_dim3A_2206 : vector<256x1xf32> to vector<256x128xf32>
    %eq3A_2213 = arith.cmpf oeq, %select_n3A_2200, %eq3A_2212 : vector<256x128xf32>
    %jit3A_2214 = arith.constant 4096 : i32
    %broadcast_in_dim3A_2215 = vector.broadcast %jit3A_2214 : i32 to vector<256x128xi32>
    %select_n3A_2216 = arith.select %eq3A_2213, %add3A_2211, %broadcast_in_dim3A_2215 : vector<256x128xi1>, vector<256x128xi32>
    %reduce_min3A_2217 = arith.constant dense<2147483647> : vector<256xi32>
    %reduce_min3A_2218 = vector.multi_reduction <minsi>, %select_n3A_2216, %reduce_min3A_2217 [1] : vector<256x128xi32> to vector<256xi32>
    %broadcast_in_dim3A_2219 = vector.shape_cast %reduce_min3A_2218 : vector<256xi32> to vector<256x1xi32>
    %add3A_2220 = arith.constant 36864 : i32
    %add3A_2221 = vector.broadcast %add3A_2220 : i32 to vector<256x1xi32>
    %add3A_2222 = arith.addi %broadcast_in_dim3A_2219, %add3A_2221 : vector<256x1xi32>
    %swap3A_2223 = arith.constant 0 : index
    %swap3A_2224 = arith.constant 9 : index
    %swap3A_2225 = vector.load %arg5[%swap3A_2223, %swap3A_2224] : memref<256x10xi32, #tpu.memory_space<vmem>>, vector<256x1xi32>
    tpu.vector_store %arg5[%swap3A_2223, %swap3A_2224], %add3A_2222 {strides = array<i32>} : memref<256x10xi32, #tpu.memory_space<vmem>>, vector<256x1xi32>,
    return
  }
  func.func @transform_0(%arg0: i32) -> (i32, i32) {
    %c0_i32 = arith.constant 0 : i32
    %c0_i32_0 = arith.constant 0 : i32
    return %arg0, %c0_i32 : i32, i32
  }
  func.func @transform_1(%arg0: i32) -> (i32, i32) {
    %c0_i32 = arith.constant 0 : i32
    %c0_i32_0 = arith.constant 0 : i32
    %c0_i32_1 = arith.constant 0 : i32
    return %c0_i32, %c0_i32_0 : i32, i32
  }
  func.func @transform_2(%arg0: i32) -> (i32, i32) {
    %c0_i32 = arith.constant 0 : i32
    %c0_i32_0 = arith.constant 0 : i32
    %c0_i32_1 = arith.constant 0 : i32
    return %c0_i32, %c0_i32_0 : i32, i32
  }
  func.func @transform_3(%arg0: i32) -> (i32, i32) {
    %c0_i32 = arith.constant 0 : i32
    %c0_i32_0 = arith.constant 0 : i32
    %c0_i32_1 = arith.constant 0 : i32
    return %c0_i32, %c0_i32_0 : i32, i32
  }
  func.func @transform_4(%arg0: i32) -> (i32, i32) {
    %c0_i32 = arith.constant 0 : i32
    %c0_i32_0 = arith.constant 0 : i32
    return %arg0, %c0_i32 : i32, i32
  }
}

</mosaic_0001>

<sc_bundles>
// kernel: kernel.4.cloned.1.call-start
scs
__scs_entry_jumppad:
0x0: {  	(pc) =	sbr.rel $0x88, $3  }
0x1: {  	(tag) =	ssettag $0x0;
	lr =	simm.s32 $0x1  }
0x2: {  	[smem:$0x3F9C] =	sst lr;
	_ =	strace $0xD0000000  }
0x3: {  	_ = 	snop  }
0x4: {  	_ = 	snop  }
0x5: {  	_ = 	snop  }
0x6: {  	_ = 	snop  }
0x7: {  	_ = 	snop  }
__scs_overlays_trampoline_lowered:
0x8: {  	[smem:$0x3FAB] =	sst s0  }
0x9: {  	[smem:$0x3FAC] =	sst s1  }
0xa: {  	[smem:$0x3FAD] =	sst s2  }
0xb: {  	[smem:$0x3FAE] =	sst s3  }
0xc: {  	[smem:$0x3FAF] =	sst s4  }
0xd: {  	[smem:$0x3FB0] =	sst s5  }
0xe: {  	[smem:$0x3FB1] =	sst s6  }
0xf: {  	[smem:$0x3FB2] =	sst s7  }
0x10: {  	[smem:$0x3FB3] =	sst s8  }
0x11: {  	[smem:$0x3FB4] =	sst s9;
	s0 =	simm.s32 @!p0 $0x0  }
0x12: {  	s1 =	sld [smem:$0x3F9A];
	s0 =	simm.s32 @p0 $0x1  }
0x13: {  	[smem:$0x3FB5] =	sst s0;
	s0 =	simm.s32 @!p1 $0x0  }
0x14: {  	s2 =	sld [smem:$0x3F99];
	s0 =	simm.s32 @p1 $0x1  }
0x15: {  	[smem:$0x3FB6] =	sst s0;
	s0 =	simm.s32 @!p2 $0x0  }
0x16: {  	s3 =	sld [smem:$0x3FDB];
	s0 =	simm.s32 @p2 $0x1  }
0x17: {  	s4 =	simm.s32 $0x1BF5;
	[smem:$0x3FB8] =	sst s0  }
0x18: {  	s0 =	sld [smem:$0x3F9B];
	_ =	swait.ge [sflag:s4], $0x0  }
0x19: {  	s7 =	sld [smem:$0x3F9C]  }
0x1a: {  	s8 =	sadd.s32 $0xFFFFE003, lr  }
0x1b: {  	s9 =	sadd.s32 $0xFFFFFEF7, lr;
	s5 =	simm.s32 $0xFFFFFFFF;
	p2 =	slt.u32 s8, $0xFFFFF086  }
0x1c: {  	p1 =	slt.u32 s9, $0xF7A;
	s5 =	simm.s32 @!p2 $0x0  }
0x1d: {  	s5 =	simm.s32 @p1 $0x1;
	p0 =	seq.s32 s7, s2  }
0x1e: {  	s7 =	smul.u32 @!p0 $0xF7A, s2;
	p2 =	seq.s32 @!p0 s5, $0x0  }
0x1f: {  	s9 =	smul.u32 $0xF7A, s1;
	s8 =	simm.s32 @!p0 $0x1BF5;
	p2 =	por !p2, p0  }
0x20: {  	[sflag:s8] =	ssyncset.s32 @!p0 $0xFFFFF086;
	s6 =	sadd.s32 @!p0 s3, s7;
	s7 =	simm.s32 @!p0 $0x108  }
0x21: {  	s3 =	sadd.s32 s3, s9;
	s6 =	sadd.s32 @!p0 $0x88, s6;
	s7 =	simm.s32 @p2 $0x1082  }
0x22: {  	[simem:s7], [sflag:s8] =	dma.local @!p0 [hbm:s6], $0xF7A  }
0x23: {  	s9 =	sor.u32 $0xD0000000, s2;
	s6 =	simm.s32 $0x108;
	_ =	swait.ge @!p0 [sflag:s8], $0x0  }
0x24: {  	s3 =	sadd.s32 $0x88, s3;
	s6 =	simm.s32 @!p1 $0x1082;
	[sflag:s4] =	ssyncset.s32 $0xFFFFF086  }
0x25: {  	[simem:s6], [sflag:s4] =	dma.local [hbm:s3], $0xF7A  }
0x26: {  	[smem:$0x3F9C] =	sst s1;
	(tag) =	ssettag s2;
	_ =	strace s9  }
0x27: {  	s1 =	sld [smem:$0x3FAC]  }
0x28: {  	s2 =	sld [smem:$0x3FAD]  }
0x29: {  	s4 =	sld [smem:$0x3FAF]  }
0x2a: {  	p0 =	seq.s32 s5, $0x0;
	s5 =	sld [smem:$0x3FB0]  }
0x2b: {  	s6 =	sld [smem:$0x3FB1]  }
0x2c: {  	s7 =	sld [smem:$0x3FB2]  }
0x2d: {  	s3 =	simm.s32 $0x108;
	s8 =	sld [smem:$0x3FB3]  }
0x2e: {  	s3 =	simm.s32 @!p0 $0x1082;
	s9 =	sld [smem:$0x3FB4]  }
0x2f: {  	lr =	sadd.s32 s0, s3;
	s0 =	sld [smem:$0x3FAB]  }
0x30: {  	s3 =	sld [smem:$0x3FAE]  }
0x31: {  	[smem:$0x3FB7] =	sst s10  }
0x32: {  	s10 =	sld [smem:$0x3FB5];
	_ =	sdelay $0x3  }
0x33: {  	p0 =	seq.s32 s10, $0x1;
	s10 =	sld [smem:$0x3FB7];
	_ =	sdelay $0x3  }
0x34: {  	[smem:$0x3FB7] =	sst s10  }
0x35: {  	s10 =	sld [smem:$0x3FB6];
	_ =	sdelay $0x3  }
0x36: {  	p1 =	seq.s32 s10, $0x1;
	s10 =	sld [smem:$0x3FB7];
	_ =	sdelay $0x3  }
0x37: {  	[smem:$0x3FB7] =	sst s10  }
0x38: {  	s10 =	sld [smem:$0x3FB8]  }
0x39: {  	_ = 	snop;
	(pc) =	sbr.ind lr, $3  }
0x3a: {  	_ = 	snop  }
0x3b: {  	_ = 	snop  }
0x3c: {  	p2 =	seq.s32 s10, $0x1;
	s10 =	sld [smem:$0x3FB7]  }
0x3d: {  	_ =	shalt  }
0x3e: {  	_ =	shalt  }
0x3f: {  	_ =	shalt  }
0x40: {  	_ =	shalt  }
0x41: {  	_ =	shalt  }
0x42: {  	_ =	shalt  }
0x43: {  	_ =	shalt  }
0x44: {  	_ =	shalt  }
0x45: {  	_ =	shalt  }
0x46: {  	_ =	shalt  }
0x47: {  	_ =	shalt  }
0x48: {  	_ =	shalt  }
0x49: {  	_ =	shalt  }
0x4a: {  	_ =	shalt  }
0x4b: {  	_ =	shalt  }
0x4c: {  	_ =	shalt  }
0x4d: {  	_ =	shalt  }
0x4e: {  	_ =	shalt  }
0x4f: {  	_ =	shalt  }
0x50: {  	_ =	shalt  }
0x51: {  	_ =	shalt  }
0x52: {  	_ =	shalt  }
0x53: {  	_ =	shalt  }
0x54: {  	_ =	shalt  }
0x55: {  	_ =	shalt  }
0x56: {  	_ =	shalt  }
0x57: {  	_ =	shalt  }
0x58: {  	_ =	shalt  }
0x59: {  	_ =	shalt  }
0x5a: {  	_ =	shalt  }
0x5b: {  	_ =	shalt  }
0x5c: {  	_ =	shalt  }
0x5d: {  	_ =	shalt  }
0x5e: {  	_ =	shalt  }
0x5f: {  	_ =	shalt  }
0x60: {  	_ =	shalt  }
0x61: {  	_ =	shalt  }
0x62: {  	_ =	shalt  }
0x63: {  	_ =	shalt  }
0x64: {  	_ =	shalt  }
0x65: {  	_ =	shalt  }
0x66: {  	_ =	shalt  }
0x67: {  	_ =	shalt  }
0x68: {  	_ =	shalt  }
0x69: {  	_ =	shalt  }
0x6a: {  	_ =	shalt  }
0x6b: {  	_ =	shalt  }
0x6c: {  	_ =	shalt  }
0x6d: {  	_ =	shalt  }
0x6e: {  	_ =	shalt  }
0x6f: {  	_ =	shalt  }
0x70: {  	_ =	shalt  }
0x71: {  	_ =	shalt  }
0x72: {  	_ =	shalt  }
0x73: {  	_ =	shalt  }
0x74: {  	_ =	shalt  }
0x75: {  	_ =	shalt  }
0x76: {  	_ =	shalt  }
0x77: {  	_ =	shalt  }
0x78: {  	_ =	shalt  }
0x79: {  	_ =	shalt  }
0x7a: {  	_ =	shalt  }
0x7b: {  	_ =	shalt  }
0x7c: {  	_ =	shalt  }
0x7d: {  	_ =	shalt  }
0x7e: {  	_ =	shalt  }
0x7f: {  	_ =	shalt  }
0x80: {  	_ =	shalt  }
0x81: {  	_ =	shalt  }
0x82: {  	_ =	shalt  }
0x83: {  	_ =	shalt  }
0x84: {  	_ =	shalt  }
0x85: {  	_ =	shalt  }
0x86: {  	_ =	shalt  }
0x87: {  	_ =	shalt  }
.Lfunc_end0:
.L_simem_size_0:
called_computation_lowered:
.L_overlay_start_0:
0x88: {  	s2 =	sld [smem:$0x3FD9]  }
0x89: {  	s3 =	sld [smem:$0x3FFE];
	_ =	sdelay $0x1  }
0x8a: {  	s1 =	srdreg.scid  }
0x8b: {  	s0 =	sand.u32 $0x1, s1  }
0x8c: {  	s17 =	sshll.u32 s0, $0xA;
	s2 =	sadd.s32 s3, s2  }
0x8d: {  	s2 =	sadd.s32 s2, s17  }
0x8e: {  	[smem:$0x3FC3] =	sst s2  }
0x8f: {  	_ = 	snop  }
0x90: {  	s2 =	sld [smem:$0x3FD0];
	(tm) =	ssettm $0x1  }
0x91: {  	s18 =	sld [smem:$0x3FFB];
	_ =	sdelay $0x3  }
0x92: {  	_ =	strace s18  }
0x93: {  	s3 =	sld [smem:$0x3FFC];
	_ =	sdelay $0x3  }
0x94: {  	_ =	strace s3  }
0x95: {  	s3 =	sld [smem:$0x3FFD];
	_ =	sdelay $0x3  }
0x96: {  	_ =	strace s3  }
0x97: {  	_ =	strace $0x8FFFFFFF  }
0x98: {  	s19 =	sld [smem:$0x3FDB];
	_ =	sdelay $0x1  }
0x99: {  	s4 =	simm.s32 $_scs_section_size  }
0x9a: {  	s5 =	simm.s32 $_size__tile_overlayer_lowered;
	s6 =	simm.s32 $_tile_overlayer_lowered  }
0x9b: {  	s22 =	simm.s32 $0x1BFF;
	s21 =	sshll.u32 s6, $0x1;
	s3 =	sadd.s32 s4, s19  }
0x9c: {  	s7 =	simm.s32 $0x0;
	s20 =	sshll.u32 s5, $0x1;
	s5 =	sadd.s32 s21, s3  }
0x9d: {  	[timem:s7], [sflag:s22] =	dma.local [hbm:s5], s20  }
0x9e: {  	_ =	swait.ge [sflag:s22], s20  }
0x9f: {  	s4 =	ssub.s32 $0x0, s20;
	[sflag:s22] =	ssyncset.done $0x0  }
0xa0: {  	[sflag:s22] =	ssyncadd.s32 s4;
	_ =	sdelay $0x1  }
0xa1: {  	s23 =	simm.s32 $0x1B8B  }
0xa2: {  	_ =	swait.ge [sflag:s23], $0x1  }
0xa3: {  	[sflag:s23] =	ssyncset.done $0x0  }
0xa4: {  	s25 =	simm.s32 $0x1B8E;
	s24 =	sld [smem:$0x3FFE];
	[sflag:s23] =	ssyncadd.s32 $0xFFFFFFFF  }
0xa5: {  	s26 =	simm.s32 $execute0_lowered;
	[smem:$0x3FD2] =	sst s25  }
0xa6: {  	s5 =	sshll.u32 s26, $0x1;
	_ =	strace $0x80000046;
	[dreg:$0x1] =	wrdreg $0xFFFFFFFF  }
0xa7: {  	s28 =	simm.s32 $_size_execute0_lowered;
	s3 =	sadd.s32 s3, s5;
	[dreg:$0x0] =	wrdreg $0x0  }
0xa8: {  	s5 =	sshll.u32 s28, $0x1;
	[dreg:$0x2] =	wrdreg s3  }
0xa9: {  	[dreg:$0x3] =	wrdreg s5  }
0xaa: {  	[dreg:$0x4] =	wrdreg $0xC0  }
0xab: {  	_ =	task [dreg:s7], $0x5FFFF  }
0xac: {  	[dreg:$0x1] =	wrdreg $0xFFFFFFFF  }
0xad: {  	[dreg:$0x0] =	wrdreg $0x60  }
0xae: {  	[dreg:$0x2] =	wrdreg s24  }
0xaf: {  	[dreg:$0x3] =	wrdreg s2  }
0xb0: {  	[dreg:$0x4] =	wrdreg $0x9  }
0xb1: {  	_ =	task.clear_ibuf [dreg:s7], $0x5FFFF;
	_ =	strace $0x90000046  }
0xb2: {  	s29 =	simm.s32 $0x9;
	_ =	strace $0x80000048  }
0xb3: {  	_ =	swait.ge [sflag:s29], $0x1  }
0xb4: {  	[sflag:s29] =	ssyncadd.s32 $0xFFFFFFFF  }
0xb5: {  	_ =	strace $0x90000048  }
0xb6: {  	_ =	sfence  }
0xb7: {  	s30 =	sld [smem:$0x0];
	_ =	sdelay $0x2  }
0xb8: {  	s31 =	sshll.u32 s1, $0xD;
	s1 =	sshrl.u32 s1, $0x2  }
0xb9: {  	s3 =	sand.u32 $0x4000, s31;
	s1 =	sadd.s32 s1, s30  }
0xba: {  	s0 =	sor.u32 s3, s0;
	s1 =	sshll.u32 s1, $0x11  }
0xbb: {  	s0 =	sor.u32 s1, s0  }
0xbc: {  	s0 =	sadd.s32 $0x8F2B, s0  }
0xbd: {  	[sflag:s0] =	ssyncadd.remote.s32 $0x1  }
0xbe: {  	_ =	sfence.sel $0xFFFF  }
0xbf: {  	[dreg:$0x0] =	wrdreg $0xFFFFFFFF;
	(pc) =	sbr.abs _section_cstart, $3  }
0xc0: {  	[dreg:$0x1] =	wrdreg $0xFFFFFFFF  }
0xc1: {  	_ =	task.clear_ibuf [dreg:s7], $0x2FFFF;
	_ =	strace $0x9FFFFFFF  }
0xc2: {  	(tm) =	ssettm $0x7FFFFFFF  }
0xc3: {  	_ =	shalt  }
tec
execute0_lowered:
.L_overlay_start_1:
0x0: {  	(tag) =	ssettag $0x1  }
0x1: {  	s1 =	srdreg.scid;
	s0 =	stileid.u32  }
0x2: {  	s3 =	rddreg [dreg:$0x0];
	s4 =	sand.u32 $0x1, s1;
	s31 =	sshll.u32 s0, $0x1  }
0x3: {  	s5 =	rddreg [dreg:$0x1];
	s2 =	simm.s32 $0x0;
	s6 =	sor.u32 s4, s31  }
0x4: {  	s9 =	simm.s32 $0x14000;
	s10 =	simm.s32 $0x14280;
	s6 =	smul.u32 $0x280, s6  }
0x5: {  	s11 =	simm.s32 $0x14500;
	s1 =	rddreg [dreg:$0x2];
	s4 =	ssub.s32 $0x2, s4  }
0x6: {  	[smem:$0x7FF] =	sst s2;
	s8 =	sshrl.u32 s4, $0x1;
	s6 =	sshrl.u32 s6, $0x3  }
0x7: {  	_ =	strace $0x80000047;
	s8 =	ssub.s32 s4, s8;
	s7 =	sadd.s32 s6, s3  }
0x8: {  	s3 =	sadd.s32 $0xC00, s3;
	s5 =	sadd.s32 s5, s6;
	s4 =	sadd.s32 $0x3400, s7  }
0x9: {  	s6 =	sadd.s32 $0xA00, s5;
	s7 =	smax.u32 s8, $0x1;
	s8 =	simm.s32 $0x1  }
.LBB2_1:
0xa: {  	[tilespmem:s2], [sflag:$0x1] =	stream.linear.gather [hbm4b:s3+s2], $0x14000, $0x38;
	[tilespmem:$0x14780] =	vst v63  }
0xb: {  	_ =	swait.ge [sflag:s8], $0x14000  }
0xc: {  	[sflag:s8] =	ssyncset.done $0x0  }
0xd: {  	[sflag:s8] =	ssyncadd.s32 $0xFFFEC000  }
0xe: {  	[tilespmem:s9], [sflag:$0x1] =	stream.linear.gather [hbm4b:s4+s2], $0x280, $0x38;
	[tilespmem:$0x14780] =	vst v63  }
0xf: {  	_ =	swait.ge [sflag:s8], $0x280  }
0x10: {  	[sflag:s8] =	ssyncset.done $0x0  }
0x11: {  	[sflag:s8] =	ssyncadd.s32 $0xFFFFFD80  }
0x12: {  	v0 =	vld [tilespmem:$0x14000];
	_ =	sdelay $0x4  }
0x13: {  	v0 =	vshll.u32 v0, $0x1;
	_ =	sdelay $0x4  }
0x14: {  	v1 =	vld.idx.msk [tilespmem:v0+s2+$0x0], $0xffff  }
0x15: {  	v0 =	vor.u32 $0x1, v0  }
0x16: {  	v2 =	vld [tilespmem:$0x14010];
	_ =	sdelay $0x2  }
0x17: {  	[tilespmem:$0x14280] =	vst v1  }
0x18: {  	v0 =	vld.idx.msk [tilespmem:v0+s2+$0x0], $0xffff  }
0x19: {  	v47 =	vshll.u32 v2, $0x1;
	_ =	sdelay $0x3  }
0x1a: {  	[tilespmem:$0x14500] =	vst v0  }
0x1b: {  	v0 =	vld.idx.msk [tilespmem:v47+s2+$0x0], $0xffff  }
0x1c: {  	v1 =	vor.u32 $0x1, v47  }
0x1d: {  	v48 =	vld [tilespmem:$0x14020];
	_ =	sdelay $0x2  }
0x1e: {  	[tilespmem:$0x14290] =	vst v0  }
0x1f: {  	v0 =	vld.idx.msk [tilespmem:v1+s2+$0x0], $0xffff  }
0x20: {  	v49 =	vshll.u32 v48, $0x1;
	_ =	sdelay $0x3  }
0x21: {  	[tilespmem:$0x14510] =	vst v0  }
0x22: {  	v0 =	vld.idx.msk [tilespmem:v49+s2+$0x0], $0xffff  }
0x23: {  	v1 =	vor.u32 $0x1, v49  }
0x24: {  	v50 =	vld [tilespmem:$0x14030];
	_ =	sdelay $0x2  }
0x25: {  	[tilespmem:$0x142A0] =	vst v0  }
0x26: {  	v0 =	vld.idx.msk [tilespmem:v1+s2+$0x0], $0xffff  }
0x27: {  	v51 =	vshll.u32 v50, $0x1;
	_ =	sdelay $0x3  }
0x28: {  	[tilespmem:$0x14520] =	vst v0  }
0x29: {  	v0 =	vld.idx.msk [tilespmem:v51+s2+$0x0], $0xffff  }
0x2a: {  	v1 =	vor.u32 $0x1, v51  }
0x2b: {  	v52 =	vld [tilespmem:$0x14040];
	_ =	sdelay $0x2  }
0x2c: {  	[tilespmem:$0x142B0] =	vst v0  }
0x2d: {  	v0 =	vld.idx.msk [tilespmem:v1+s2+$0x0], $0xffff  }
0x2e: {  	v53 =	vshll.u32 v52, $0x1;
	_ =	sdelay $0x3  }
0x2f: {  	[tilespmem:$0x14530] =	vst v0  }
0x30: {  	v0 =	vld.idx.msk [tilespmem:v53+s2+$0x0], $0xffff  }
0x31: {  	v1 =	vor.u32 $0x1, v53  }
0x32: {  	v54 =	vld [tilespmem:$0x14050];
	_ =	sdelay $0x2  }
0x33: {  	[tilespmem:$0x142C0] =	vst v0  }
0x34: {  	v0 =	vld.idx.msk [tilespmem:v1+s2+$0x0], $0xffff  }
0x35: {  	v55 =	vshll.u32 v54, $0x1;
	_ =	sdelay $0x3  }
0x36: {  	[tilespmem:$0x14540] =	vst v0  }
0x37: {  	v0 =	vld.idx.msk [tilespmem:v55+s2+$0x0], $0xffff  }
0x38: {  	v1 =	vor.u32 $0x1, v55  }
0x39: {  	v56 =	vld [tilespmem:$0x14060];
	_ =	sdelay $0x2  }
0x3a: {  	[tilespmem:$0x142D0] =	vst v0  }
0x3b: {  	v0 =	vld.idx.msk [tilespmem:v1+s2+$0x0], $0xffff  }
0x3c: {  	v57 =	vshll.u32 v56, $0x1;
	_ =	sdelay $0x3  }
0x3d: {  	[tilespmem:$0x14550] =	vst v0  }
0x3e: {  	v0 =	vld.idx.msk [tilespmem:v57+s2+$0x0], $0xffff  }
0x3f: {  	v1 =	vor.u32 $0x1, v57  }
0x40: {  	v58 =	vld [tilespmem:$0x14070];
	_ =	sdelay $0x2  }
0x41: {  	[tilespmem:$0x142E0] =	vst v0  }
0x42: {  	v0 =	vld.idx.msk [tilespmem:v1+s2+$0x0], $0xffff  }
0x43: {  	v59 =	vshll.u32 v58, $0x1;
	_ =	sdelay $0x3  }
0x44: {  	[tilespmem:$0x14560] =	vst v0  }
0x45: {  	v0 =	vld.idx.msk [tilespmem:v59+s2+$0x0], $0xffff  }
0x46: {  	v1 =	vor.u32 $0x1, v59  }
0x47: {  	v60 =	vld [tilespmem:$0x14080];
	_ =	sdelay $0x2  }
0x48: {  	[tilespmem:$0x142F0] =	vst v0  }
0x49: {  	v0 =	vld.idx.msk [tilespmem:v1+s2+$0x0], $0xffff  }
0x4a: {  	v61 =	vshll.u32 v60, $0x1;
	_ =	sdelay $0x3  }
0x4b: {  	[tilespmem:$0x14570] =	vst v0  }
0x4c: {  	v0 =	vld.idx.msk [tilespmem:v61+s2+$0x0], $0xffff  }
0x4d: {  	v1 =	vor.u32 $0x1, v61  }
0x4e: {  	v62 =	vld [tilespmem:$0x14090];
	_ =	sdelay $0x2  }
0x4f: {  	[tilespmem:$0x14300] =	vst v0  }
0x50: {  	v0 =	vld.idx.msk [tilespmem:v1+s2+$0x0], $0xffff  }
0x51: {  	v63 =	vshll.u32 v62, $0x1;
	_ =	sdelay $0x3  }
0x52: {  	[tilespmem:$0x14580] =	vst v0  }
0x53: {  	v0 =	vld.idx.msk [tilespmem:v63+s2+$0x0], $0xffff  }
0x54: {  	v1 =	vor.u32 $0x1, v63  }
0x55: {  	v4 =	vld [tilespmem:$0x140A0];
	_ =	sdelay $0x2  }
0x56: {  	[tilespmem:$0x14310] =	vst v0  }
0x57: {  	v0 =	vld.idx.msk [tilespmem:v1+s2+$0x0], $0xffff  }
0x58: {  	v5 =	vshll.u32 v4, $0x1;
	_ =	sdelay $0x3  }
0x59: {  	[tilespmem:$0x14590] =	vst v0  }
0x5a: {  	v0 =	vld.idx.msk [tilespmem:v5+s2+$0x0], $0xffff  }
0x5b: {  	v1 =	vor.u32 $0x1, v5  }
0x5c: {  	v6 =	vld [tilespmem:$0x140B0];
	_ =	sdelay $0x2  }
0x5d: {  	[tilespmem:$0x14320] =	vst v0  }
0x5e: {  	v0 =	vld.idx.msk [tilespmem:v1+s2+$0x0], $0xffff  }
0x5f: {  	v7 =	vshll.u32 v6, $0x1;
	_ =	sdelay $0x3  }
0x60: {  	[tilespmem:$0x145A0] =	vst v0  }
0x61: {  	v0 =	vld.idx.msk [tilespmem:v7+s2+$0x0], $0xffff  }
0x62: {  	v1 =	vor.u32 $0x1, v7  }
0x63: {  	v8 =	vld [tilespmem:$0x140C0];
	_ =	sdelay $0x2  }
0x64: {  	[tilespmem:$0x14330] =	vst v0  }
0x65: {  	v0 =	vld.idx.msk [tilespmem:v1+s2+$0x0], $0xffff  }
0x66: {  	v9 =	vshll.u32 v8, $0x1;
	_ =	sdelay $0x3  }
0x67: {  	[tilespmem:$0x145B0] =	vst v0  }
0x68: {  	v0 =	vld.idx.msk [tilespmem:v9+s2+$0x0], $0xffff  }
0x69: {  	v1 =	vor.u32 $0x1, v9  }
0x6a: {  	v10 =	vld [tilespmem:$0x140D0];
	_ =	sdelay $0x2  }
0x6b: {  	[tilespmem:$0x14340] =	vst v0  }
0x6c: {  	v0 =	vld.idx.msk [tilespmem:v1+s2+$0x0], $0xffff  }
0x6d: {  	v11 =	vshll.u32 v10, $0x1;
	_ =	sdelay $0x3  }
0x6e: {  	[tilespmem:$0x145C0] =	vst v0  }
0x6f: {  	v0 =	vld.idx.msk [tilespmem:v11+s2+$0x0], $0xffff  }
0x70: {  	v1 =	vor.u32 $0x1, v11  }
0x71: {  	v12 =	vld [tilespmem:$0x140E0];
	_ =	sdelay $0x2  }
0x72: {  	[tilespmem:$0x14350] =	vst v0  }
0x73: {  	v0 =	vld.idx.msk [tilespmem:v1+s2+$0x0], $0xffff  }
0x74: {  	v13 =	vshll.u32 v12, $0x1;
	_ =	sdelay $0x3  }
0x75: {  	[tilespmem:$0x145D0] =	vst v0  }
0x76: {  	v0 =	vld.idx.msk [tilespmem:v13+s2+$0x0], $0xffff  }
0x77: {  	v1 =	vor.u32 $0x1, v13  }
0x78: {  	v14 =	vld [tilespmem:$0x140F0];
	_ =	sdelay $0x2  }
0x79: {  	[tilespmem:$0x14360] =	vst v0  }
0x7a: {  	v0 =	vld.idx.msk [tilespmem:v1+s2+$0x0], $0xffff  }
0x7b: {  	v15 =	vshll.u32 v14, $0x1;
	_ =	sdelay $0x3  }
0x7c: {  	[tilespmem:$0x145E0] =	vst v0  }
0x7d: {  	v0 =	vld.idx.msk [tilespmem:v15+s2+$0x0], $0xffff  }
0x7e: {  	v1 =	vor.u32 $0x1, v15  }
0x7f: {  	v16 =	vld [tilespmem:$0x14100];
	_ =	sdelay $0x2  }
0x80: {  	[tilespmem:$0x14370] =	vst v0  }
0x81: {  	v0 =	vld.idx.msk [tilespmem:v1+s2+$0x0], $0xffff  }
0x82: {  	v17 =	vshll.u32 v16, $0x1;
	_ =	sdelay $0x3  }
0x83: {  	[tilespmem:$0x145F0] =	vst v0  }
0x84: {  	v0 =	vld.idx.msk [tilespmem:v17+s2+$0x0], $0xffff  }
0x85: {  	v1 =	vor.u32 $0x1, v17  }
0x86: {  	v18 =	vld [tilespmem:$0x14110];
	_ =	sdelay $0x2  }
0x87: {  	[tilespmem:$0x14380] =	vst v0  }
0x88: {  	v0 =	vld.idx.msk [tilespmem:v1+s2+$0x0], $0xffff  }
0x89: {  	v19 =	vshll.u32 v18, $0x1;
	_ =	sdelay $0x3  }
0x8a: {  	[tilespmem:$0x14600] =	vst v0  }
0x8b: {  	v0 =	vld.idx.msk [tilespmem:v19+s2+$0x0], $0xffff  }
0x8c: {  	v1 =	vor.u32 $0x1, v19  }
0x8d: {  	v20 =	vld [tilespmem:$0x14120];
	_ =	sdelay $0x2  }
0x8e: {  	[tilespmem:$0x14390] =	vst v0  }
0x8f: {  	v0 =	vld.idx.msk [tilespmem:v1+s2+$0x0], $0xffff  }
0x90: {  	v21 =	vshll.u32 v20, $0x1;
	_ =	sdelay $0x3  }
0x91: {  	[tilespmem:$0x14610] =	vst v0  }
0x92: {  	v0 =	vld.idx.msk [tilespmem:v21+s2+$0x0], $0xffff  }
0x93: {  	v1 =	vor.u32 $0x1, v21  }
0x94: {  	v22 =	vld [tilespmem:$0x14130];
	_ =	sdelay $0x2  }
0x95: {  	[tilespmem:$0x143A0] =	vst v0  }
0x96: {  	v0 =	vld.idx.msk [tilespmem:v1+s2+$0x0], $0xffff  }
0x97: {  	v23 =	vshll.u32 v22, $0x1;
	_ =	sdelay $0x3  }
0x98: {  	[tilespmem:$0x14620] =	vst v0  }
0x99: {  	v0 =	vld.idx.msk [tilespmem:v23+s2+$0x0], $0xffff  }
0x9a: {  	v1 =	vor.u32 $0x1, v23  }
0x9b: {  	v24 =	vld [tilespmem:$0x14140];
	_ =	sdelay $0x2  }
0x9c: {  	[tilespmem:$0x143B0] =	vst v0  }
0x9d: {  	v0 =	vld.idx.msk [tilespmem:v1+s2+$0x0], $0xffff  }
0x9e: {  	v25 =	vshll.u32 v24, $0x1;
	_ =	sdelay $0x3  }
0x9f: {  	[tilespmem:$0x14630] =	vst v0  }
0xa0: {  	v0 =	vld.idx.msk [tilespmem:v25+s2+$0x0], $0xffff  }
0xa1: {  	v1 =	vor.u32 $0x1, v25  }
0xa2: {  	v26 =	vld [tilespmem:$0x14150];
	_ =	sdelay $0x2  }
0xa3: {  	[tilespmem:$0x143C0] =	vst v0  }
0xa4: {  	v0 =	vld.idx.msk [tilespmem:v1+s2+$0x0], $0xffff  }
0xa5: {  	v27 =	vshll.u32 v26, $0x1;
	_ =	sdelay $0x3  }
0xa6: {  	[tilespmem:$0x14640] =	vst v0  }
0xa7: {  	v0 =	vld.idx.msk [tilespmem:v27+s2+$0x0], $0xffff  }
0xa8: {  	v1 =	vor.u32 $0x1, v27  }
0xa9: {  	v28 =	vld [tilespmem:$0x14160];
	_ =	sdelay $0x2  }
0xaa: {  	[tilespmem:$0x143D0] =	vst v0  }
0xab: {  	v0 =	vld.idx.msk [tilespmem:v1+s2+$0x0], $0xffff  }
0xac: {  	v29 =	vshll.u32 v28, $0x1;
	_ =	sdelay $0x3  }
0xad: {  	[tilespmem:$0x14650] =	vst v0  }
0xae: {  	v0 =	vld.idx.msk [tilespmem:v29+s2+$0x0], $0xffff  }
0xaf: {  	v1 =	vor.u32 $0x1, v29  }
0xb0: {  	v30 =	vld [tilespmem:$0x14170];
	_ =	sdelay $0x2  }
0xb1: {  	[tilespmem:$0x143E0] =	vst v0  }
0xb2: {  	v0 =	vld.idx.msk [tilespmem:v1+s2+$0x0], $0xffff  }
0xb3: {  	v31 =	vshll.u32 v30, $0x1;
	_ =	sdelay $0x3  }
0xb4: {  	[tilespmem:$0x14660] =	vst v0  }
0xb5: {  	v0 =	vld.idx.msk [tilespmem:v31+s2+$0x0], $0xffff  }
0xb6: {  	v1 =	vor.u32 $0x1, v31  }
0xb7: {  	v32 =	vld [tilespmem:$0x14180];
	_ =	sdelay $0x2  }
0xb8: {  	[tilespmem:$0x143F0] =	vst v0  }
0xb9: {  	v0 =	vld.idx.msk [tilespmem:v1+s2+$0x0], $0xffff  }
0xba: {  	v33 =	vshll.u32 v32, $0x1;
	_ =	sdelay $0x3  }
0xbb: {  	[tilespmem:$0x14670] =	vst v0  }
0xbc: {  	v0 =	vld.idx.msk [tilespmem:v33+s2+$0x0], $0xffff  }
0xbd: {  	v1 =	vor.u32 $0x1, v33  }
0xbe: {  	v34 =	vld [tilespmem:$0x14190];
	_ =	sdelay $0x2  }
0xbf: {  	[tilespmem:$0x14400] =	vst v0  }
0xc0: {  	v0 =	vld.idx.msk [tilespmem:v1+s2+$0x0], $0xffff  }
0xc1: {  	v35 =	vshll.u32 v34, $0x1;
	_ =	sdelay $0x3  }
0xc2: {  	[tilespmem:$0x14680] =	vst v0  }
0xc3: {  	v0 =	vld.idx.msk [tilespmem:v35+s2+$0x0], $0xffff  }
0xc4: {  	v1 =	vor.u32 $0x1, v35  }
0xc5: {  	v36 =	vld [tilespmem:$0x141A0];
	_ =	sdelay $0x2  }
0xc6: {  	[tilespmem:$0x14410] =	vst v0  }
0xc7: {  	v0 =	vld.idx.msk [tilespmem:v1+s2+$0x0], $0xffff  }
0xc8: {  	v37 =	vshll.u32 v36, $0x1;
	_ =	sdelay $0x3  }
0xc9: {  	[tilespmem:$0x14690] =	vst v0  }
0xca: {  	v0 =	vld.idx.msk [tilespmem:v37+s2+$0x0], $0xffff  }
0xcb: {  	v1 =	vor.u32 $0x1, v37  }
0xcc: {  	v38 =	vld [tilespmem:$0x141B0];
	_ =	sdelay $0x2  }
0xcd: {  	[tilespmem:$0x14420] =	vst v0  }
0xce: {  	v0 =	vld.idx.msk [tilespmem:v1+s2+$0x0], $0xffff  }
0xcf: {  	v39 =	vshll.u32 v38, $0x1;
	_ =	sdelay $0x3  }
0xd0: {  	[tilespmem:$0x146A0] =	vst v0  }
0xd1: {  	v0 =	vld.idx.msk [tilespmem:v39+s2+$0x0], $0xffff  }
0xd2: {  	v1 =	vor.u32 $0x1, v39  }
0xd3: {  	v40 =	vld [tilespmem:$0x141C0];
	_ =	sdelay $0x2  }
0xd4: {  	[tilespmem:$0x14430] =	vst v0  }
0xd5: {  	v0 =	vld.idx.msk [tilespmem:v1+s2+$0x0], $0xffff  }
0xd6: {  	v41 =	vshll.u32 v40, $0x1;
	_ =	sdelay $0x3  }
0xd7: {  	[tilespmem:$0x146B0] =	vst v0  }
0xd8: {  	v0 =	vld.idx.msk [tilespmem:v41+s2+$0x0], $0xffff  }
0xd9: {  	v1 =	vor.u32 $0x1, v41  }
0xda: {  	v42 =	vld [tilespmem:$0x141D0];
	_ =	sdelay $0x2  }
0xdb: {  	[tilespmem:$0x14440] =	vst v0  }
0xdc: {  	v0 =	vld.idx.msk [tilespmem:v1+s2+$0x0], $0xffff  }
0xdd: {  	v43 =	vshll.u32 v42, $0x1;
	_ =	sdelay $0x3  }
0xde: {  	[tilespmem:$0x146C0] =	vst v0  }
0xdf: {  	v0 =	vld.idx.msk [tilespmem:v43+s2+$0x0], $0xffff  }
0xe0: {  	v1 =	vor.u32 $0x1, v43  }
0xe1: {  	v44 =	vld [tilespmem:$0x141E0];
	_ =	sdelay $0x2  }
0xe2: {  	[tilespmem:$0x14450] =	vst v0  }
0xe3: {  	v0 =	vld.idx.msk [tilespmem:v1+s2+$0x0], $0xffff  }
0xe4: {  	v45 =	vshll.u32 v44, $0x1;
	_ =	sdelay $0x3  }
0xe5: {  	[tilespmem:$0x146D0] =	vst v0  }
0xe6: {  	v0 =	vld.idx.msk [tilespmem:v45+s2+$0x0], $0xffff  }
0xe7: {  	v1 =	vor.u32 $0x1, v45  }
0xe8: {  	v46 =	vld [tilespmem:$0x141F0];
	_ =	sdelay $0x2  }
0xe9: {  	[tilespmem:$0x14460] =	vst v0  }
0xea: {  	v0 =	vld.idx.msk [tilespmem:v1+s2+$0x0], $0xffff  }
0xeb: {  	v47 =	vshll.u32 v46, $0x1;
	_ =	sdelay $0x3  }
0xec: {  	[tilespmem:$0x146E0] =	vst v0  }
0xed: {  	v0 =	vld.idx.msk [tilespmem:v47+s2+$0x0], $0xffff  }
0xee: {  	v1 =	vor.u32 $0x1, v47  }
0xef: {  	v48 =	vld [tilespmem:$0x14200];
	_ =	sdelay $0x2  }
0xf0: {  	[tilespmem:$0x14470] =	vst v0  }
0xf1: {  	v0 =	vld.idx.msk [tilespmem:v1+s2+$0x0], $0xffff  }
0xf2: {  	v49 =	vshll.u32 v48, $0x1;
	_ =	sdelay $0x3  }
0xf3: {  	[tilespmem:$0x146F0] =	vst v0  }
0xf4: {  	v0 =	vld.idx.msk [tilespmem:v49+s2+$0x0], $0xffff  }
0xf5: {  	v1 =	vor.u32 $0x1, v49  }
0xf6: {  	v50 =	vld [tilespmem:$0x14210];
	_ =	sdelay $0x2  }
0xf7: {  	[tilespmem:$0x14480] =	vst v0  }
0xf8: {  	v0 =	vld.idx.msk [tilespmem:v1+s2+$0x0], $0xffff  }
0xf9: {  	v51 =	vshll.u32 v50, $0x1;
	_ =	sdelay $0x3  }
0xfa: {  	[tilespmem:$0x14700] =	vst v0  }
0xfb: {  	v0 =	vld.idx.msk [tilespmem:v51+s2+$0x0], $0xffff  }
0xfc: {  	v1 =	vor.u32 $0x1, v51  }
0xfd: {  	v52 =	vld [tilespmem:$0x14220];
	_ =	sdelay $0x2  }
0xfe: {  	[tilespmem:$0x14490] =	vst v0  }
0xff: {  	v0 =	vld.idx.msk [tilespmem:v1+s2+$0x0], $0xffff  }
0x100: {  	v53 =	vshll.u32 v52, $0x1;
	_ =	sdelay $0x3  }
0x101: {  	[tilespmem:$0x14710] =	vst v0  }
0x102: {  	v0 =	vld.idx.msk [tilespmem:v53+s2+$0x0], $0xffff  }
0x103: {  	v1 =	vor.u32 $0x1, v53  }
0x104: {  	v54 =	vld [tilespmem:$0x14230];
	_ =	sdelay $0x2  }
0x105: {  	[tilespmem:$0x144A0] =	vst v0  }
0x106: {  	v0 =	vld.idx.msk [tilespmem:v1+s2+$0x0], $0xffff  }
0x107: {  	v55 =	vshll.u32 v54, $0x1;
	_ =	sdelay $0x3  }
0x108: {  	[tilespmem:$0x14720] =	vst v0  }
0x109: {  	v0 =	vld.idx.msk [tilespmem:v55+s2+$0x0], $0xffff  }
0x10a: {  	v1 =	vor.u32 $0x1, v55  }
0x10b: {  	v56 =	vld [tilespmem:$0x14240];
	_ =	sdelay $0x2  }
0x10c: {  	[tilespmem:$0x144B0] =	vst v0  }
0x10d: {  	v0 =	vld.idx.msk [tilespmem:v1+s2+$0x0], $0xffff  }
0x10e: {  	v57 =	vshll.u32 v56, $0x1;
	_ =	sdelay $0x3  }
0x10f: {  	[tilespmem:$0x14730] =	vst v0  }
0x110: {  	v0 =	vld.idx.msk [tilespmem:v57+s2+$0x0], $0xffff  }
0x111: {  	v1 =	vor.u32 $0x1, v57  }
0x112: {  	v58 =	vld [tilespmem:$0x14250];
	_ =	sdelay $0x2  }
0x113: {  	[tilespmem:$0x144C0] =	vst v0  }
0x114: {  	v0 =	vld.idx.msk [tilespmem:v1+s2+$0x0], $0xffff  }
0x115: {  	v59 =	vshll.u32 v58, $0x1;
	_ =	sdelay $0x3  }
0x116: {  	[tilespmem:$0x14740] =	vst v0  }
0x117: {  	v0 =	vld.idx.msk [tilespmem:v59+s2+$0x0], $0xffff  }
0x118: {  	v1 =	vor.u32 $0x1, v59  }
0x119: {  	v60 =	vld [tilespmem:$0x14260];
	_ =	sdelay $0x2  }
0x11a: {  	[tilespmem:$0x144D0] =	vst v0  }
0x11b: {  	v0 =	vld.idx.msk [tilespmem:v1+s2+$0x0], $0xffff  }
0x11c: {  	v61 =	vshll.u32 v60, $0x1;
	_ =	sdelay $0x3  }
0x11d: {  	[tilespmem:$0x14750] =	vst v0  }
0x11e: {  	v0 =	vld.idx.msk [tilespmem:v61+s2+$0x0], $0xffff  }
0x11f: {  	v1 =	vor.u32 $0x1, v61  }
0x120: {  	v62 =	vld [tilespmem:$0x14270];
	_ =	sdelay $0x2  }
0x121: {  	[tilespmem:$0x144E0] =	vst v0  }
0x122: {  	v0 =	vld.idx.msk [tilespmem:v1+s2+$0x0], $0xffff  }
0x123: {  	v63 =	vshll.u32 v62, $0x1;
	_ =	sdelay $0x3  }
0x124: {  	[tilespmem:$0x14760] =	vst v0  }
0x125: {  	v0 =	vld.idx.msk [tilespmem:v63+s2+$0x0], $0xffff  }
0x126: {  	v1 =	vor.u32 $0x1, v63;
	_ =	sdelay $0x3  }
0x127: {  	[tilespmem:$0x144F0] =	vst v0  }
0x128: {  	v0 =	vld.idx.msk [tilespmem:v1+s2+$0x0], $0xffff;
	_ =	sdelay $0x4  }
0x129: {  	[tilespmem:$0x14770] =	vst v0  }
0x12a: {  	[hbm4b:s5+s2] =	stream.linear.scatter [tilespmem:s10], [sflag:$0x1], $0x280, $0x38;
	[tilespmem:$0x14780] =	vst v63  }
0x12b: {  	_ =	swait.ge [sflag:s8], $0x280  }
0x12c: {  	p0 =	sne.s32 s7, $0x1;
	[sflag:s8] =	ssyncset.done $0x0  }
.Ltmp0:
0x12d: {  	[sflag:s8] =	ssyncadd.s32 $0xFFFFFD80;
	(pc) =	sbr.rel @p0 .LBB2_1-.Ltmp0, $4  }
0x12e: {  	[hbm4b:s6+s2] =	stream.linear.scatter [tilespmem:s11], [sflag:$0x1], $0x280, $0x38;
	[tilespmem:$0x14780] =	vst v63  }
0x12f: {  	_ =	swait.ge [sflag:s8], $0x280  }
0x130: {  	[sflag:s8] =	ssyncset.done $0x0  }
0x131: {  	s7 =	sadd.s32 $0xFFFFFFFF, s7;
	[sflag:s8] =	ssyncadd.s32 $0xFFFFFD80  }
0x132: {  	_ =	sfence.sel $0x180000  }
0x133: {  	[bflag:$0x0] =	sbarrier.arrive $0xFFFF  }
0x134: {  	p0 =	sne.s32 s0, $0x0;
	_ =	strace $0x90000047  }
0x135: {  	s0 =	sadd.s32 @!p0 $0x100000, s1;
	[bflag:$0x2] =	sbarrier.arrive $0xFFFF  }
0x136: {  	[sflag:s0] =	ssyncadd.tile.s32 @!p0 $0x1;
	_ =	shalt  }
.Lfunc_end2:
_tile_overlayer_lowered:
.L_overlay_start_2:
0x137: {  	(tag) =	ssettag $0x2  }
0x138: {  	s0 =	rddreg [dreg:$0x0];
	s2 =	stileid.u32  }
0x139: {  	s1 =	rddreg [dreg:$0x1];
	p0 =	sne.s32 s2, $0x0  }
0x13a: {  	s3 =	rddreg [dreg:$0x2];
	[bflag:$0x3] =	sbarrier.arrive $0xFFFF;
	s2 =	simm.s32 @!p0 $0x1C01  }
0x13b: {  	[timem:s3], [sflag:s2] =	dma.local @!p0 [hbm:s0], s1  }
0x13c: {  	s0 =	simm.s32 @!p0 $0x1  }
0x13d: {  	_ =	swait.ge @!p0 [sflag:s0], s1  }
0x13e: {  	s1 =	ssub.s32 @!p0 $0x0, s1;
	[sflag:s0] =	ssyncset.done @!p0 $0x0  }
0x13f: {  	[sflag:s0] =	ssyncadd.s32 @!p0 s1  }
0x140: {  	[bflag:$0x3] =	sbarrier.arrive $0xFFFF  }
0x141: {  	_ =	shalt  }

</sc_bundles>
